<compile_context>
chip_gen: v7x
topology: tpu7x:2x2x1
jax: 0.10.2.dev20260603
libtpu: 0.0.44.dev20260713+nightly
codegen_flags: <defaults>
</compile_context>

<pallas_src>
import functools

import jax
import jax.numpy as jnp
from jax import lax
from jax.experimental import pallas as pl
from jax.experimental.pallas import tpu as pltpu
from jax.experimental.pallas import tpu_sc as plsc

LL = 3
NN = 50000
EE = 800000
BB = 16384
HH = 64

_K = 1600
_NBLK = EE // _K
_KA = 400
_NBLKA = EE // _KA
_ZCH = 2000
_ZR = 200

_mesh = plsc.VectorSubcoreMesh(core_axis_name="c", subcore_axis_name="s")


def _take16(x, idx):
    return lax.gather(
        x, idx[:, None],
        dimension_numbers=lax.GatherDimensionNumbers(
            offset_dims=(), collapsed_slice_dims=(0,), start_index_map=(0,)),
        slice_sizes=(1,), mode=lax.GatherScatterMode.PROMISE_IN_BOUNDS)


def _prefix16(x):
    iota = lax.iota(jnp.int32, 16)
    for d in (1, 2, 4, 8):
        sh = _take16(x, jnp.maximum(iota - d, 0))
        gate = 1 - (lax.shift_right_arithmetic(iota - d, 31) & 1)
        x = x + sh * gate
    return x
_sc_params = pltpu.CompilerParams(use_tc_tiling_on_sc=False)


def _fill(ref, n, val, dtype):
    def body(i, _):
        ref[pl.ds(i * 16, 16)] = jnp.full((16,), val, dtype)
        return 0
    lax.fori_loop(0, n // 16, body, 0)


def _sc_deg_body(dst_hbm, out_hbm, idx_v, ones_v, zb_v, stage_v, a0, a1, a2):
    accs = (a0, a1, a2)
    c = lax.axis_index("c")
    s = lax.axis_index("s")
    w = c * 16 + s
    _fill(ones_v, _K, 1.0, jnp.float32)
    _fill(zb_v, _ZCH, 0.0, jnp.float32)
    for l in range(LL):
        def zbody(k, _, acc=accs[l]):
            ch = s + 16 * k
            @pl.when(ch < NN // _ZCH)
            def _():
                pltpu.sync_copy(zb_v, acc.at[pl.ds(ch * _ZCH, _ZCH)])
            return 0
        lax.fori_loop(0, 2, zbody, 0)
    plsc.subcore_barrier()
    for l in range(LL):
        def ebody(k, _, l=l, acc=accs[l]):
            b = w + 32 * k
            @pl.when(b < _NBLK)
            def _():
                pltpu.sync_copy(dst_hbm.at[pl.ds(l * EE + b * _K, _K)], idx_v)
                pltpu.sync_copy(ones_v, acc.at[idx_v], add=True)
            return 0
        lax.fori_loop(0, 16, ebody, 0)
    plsc.subcore_barrier()
    for l in range(LL):
        def obody(k, _, l=l, acc=accs[l]):
            ch = s + 16 * k
            @pl.when(ch < NN // _ZCH)
            def _():
                pltpu.sync_copy(acc.at[pl.ds(ch * _ZCH, _ZCH)], stage_v)
                pltpu.sync_copy(
                    stage_v,
                    out_hbm.at[pl.ds((c * LL + l) * NN + ch * _ZCH, _ZCH)])
            return 0
        lax.fori_loop(0, 2, obody, 0)


_sc_deg = functools.partial(
    pl.kernel, _sc_deg_body,
    compiler_params=_sc_params,
    out_type=jax.ShapeDtypeStruct((2 * LL * NN,), jnp.float32),
    mesh=_mesh,
    scratch_types=[
        pltpu.VMEM((_K,), jnp.int32),
        pltpu.VMEM((_K,), jnp.float32),
        pltpu.VMEM((_ZCH,), jnp.float32),
        pltpu.VMEM((_ZCH,), jnp.float32),
        pltpu.VMEM_SHARED((NN,), jnp.float32),
        pltpu.VMEM_SHARED((NN,), jnp.float32),
        pltpu.VMEM_SHARED((NN,), jnp.float32),
    ],
)()


_KT = 3200
_NBLKT = EE // _KT

def _sc_txsum_body(src_hbm, dst_hbm, xd_hbm, out_hbm,
                   si_v, di_v, val_v, zb_v, stage_v, xd_sh, a0, a1, a2):
    accs = (a0, a1, a2)
    c = lax.axis_index("c")
    s = lax.axis_index("s")
    w = c * 16 + s
    _fill(zb_v, _ZCH, 0.0, jnp.float32)
    for l in range(LL):
        def zbody(k, _, acc=accs[l]):
            ch = s + 16 * k
            @pl.when(ch < NN // _ZCH)
            def _():
                pltpu.sync_copy(zb_v, acc.at[pl.ds(ch * _ZCH, _ZCH)])
            return 0
        lax.fori_loop(0, 2, zbody, 0)
    for l in range(LL):
        def sbody(k, _, l=l):
            ch = s + 16 * k
            @pl.when(ch < NN // _ZCH)
            def _():
                pltpu.sync_copy(
                    xd_hbm.at[pl.ds(l * NN + ch * _ZCH, _ZCH)], stage_v)
                pltpu.sync_copy(stage_v, xd_sh.at[pl.ds(ch * _ZCH, _ZCH)])
            return 0
        lax.fori_loop(0, 2, sbody, 0)
        plsc.subcore_barrier()
        def ebody(k, _, l=l, acc=accs[l]):
            b = w + 32 * k
            @pl.when(b < _NBLKT)
            def _():
                pltpu.sync_copy(src_hbm.at[pl.ds(l * EE + b * _KT, _KT)], si_v)
                pltpu.sync_copy(dst_hbm.at[pl.ds(l * EE + b * _KT, _KT)], di_v)
                pltpu.sync_copy(xd_sh.at[si_v], val_v)
                pltpu.sync_copy(val_v, acc.at[di_v], add=True)
            return 0
        lax.fori_loop(0, 8, ebody, 0)
        plsc.subcore_barrier()
    for l in range(LL):
        def obody(k, _, l=l, acc=accs[l]):
            ch = s + 16 * k
            @pl.when(ch < NN // _ZCH)
            def _():
                pltpu.sync_copy(acc.at[pl.ds(ch * _ZCH, _ZCH)], stage_v)
                pltpu.sync_copy(
                    stage_v,
                    out_hbm.at[pl.ds((c * LL + l) * NN + ch * _ZCH, _ZCH)])
            return 0
        lax.fori_loop(0, 2, obody, 0)


_sc_txsum = functools.partial(
    pl.kernel, _sc_txsum_body,
    compiler_params=_sc_params,
    out_type=jax.ShapeDtypeStruct((2 * LL * NN,), jnp.float32),
    mesh=_mesh,
    scratch_types=[
        pltpu.VMEM((_KT,), jnp.int32),
        pltpu.VMEM((_KT,), jnp.int32),
        pltpu.VMEM((_KT,), jnp.float32),
        pltpu.VMEM((_ZCH,), jnp.float32),
        pltpu.VMEM((_ZCH,), jnp.float32),
        pltpu.VMEM_SHARED((NN,), jnp.float32),
        pltpu.VMEM_SHARED((NN,), jnp.float32),
        pltpu.VMEM_SHARED((NN,), jnp.float32),
        pltpu.VMEM_SHARED((NN,), jnp.float32),
    ],
)()


_KA = 400
_NBLKA = EE // _KA
_ZRA = 200

def _sc_agg_body(src_hbm, dst_hbm, g_hbm, out_hbm,
                 si_v, fi_v, di_v, rows_v, stage_v, acc, sem):
    c = lax.axis_index("c")
    s = lax.axis_index("s")

    def zfill():
        def zr(i, _):
            z16 = jnp.zeros((16,), jnp.float32)
            stage_v[i, pl.ds(0, 16)] = z16
            stage_v[i, pl.ds(16, 16)] = z16
            return 0
        lax.fori_loop(0, _ZRA, zr, 0)

    def zacc():
        def zbody(k, _):
            ch = s + 16 * k
            @pl.when(ch < NN // _ZRA)
            def _():
                pltpu.sync_copy(stage_v, acc.at[pl.ds(ch * _ZRA, _ZRA)])
            return 0
        lax.fori_loop(0, (NN // _ZRA + 15) // 16, zbody, 0)

    zfill()
    zacc()
    plsc.subcore_barrier()
    for l in range(LL):
        base = (2 * l) * NN + c * NN
        def ebody(k, _, l=l, base=base):
            b = s + 16 * k
            @pl.when(b < _NBLKA)
            def _():
                pltpu.sync_copy(src_hbm.at[pl.ds(l * EE + b * _KA, _KA)], si_v)
                pltpu.sync_copy(dst_hbm.at[pl.ds(l * EE + b * _KA, _KA)], di_v)
                def fbody(i, _):
                    fi_v[pl.ds(i * 16, 16)] = si_v[pl.ds(i * 16, 16)] + base
                    return 0
                lax.fori_loop(0, _KA // 16, fbody, 0)
                pltpu.async_copy(g_hbm.at[fi_v], rows_v, sem).wait()
                pltpu.sync_copy(rows_v, acc.at[di_v], add=True)
            return 0
        lax.fori_loop(0, (_NBLKA + 15) // 16, ebody, 0)
        plsc.subcore_barrier()
        def obody(k, _, l=l):
            ch = s + 16 * k
            @pl.when(ch < NN // _ZRA)
            def _():
                pltpu.sync_copy(acc.at[pl.ds(ch * _ZRA, _ZRA)], stage_v)
                pltpu.sync_copy(
                    stage_v,
                    out_hbm.at[pl.ds((2 * l + c) * NN + ch * _ZRA, _ZRA)])
            return 0
        lax.fori_loop(0, (NN // _ZRA + 15) // 16, obody, 0)
        if l != LL - 1:
            zfill()
            zacc()
        plsc.subcore_barrier()


_sc_agg = functools.partial(
    pl.kernel, _sc_agg_body,
    compiler_params=_sc_params,
    out_type=jax.ShapeDtypeStruct((2 * LL * NN, 32), jnp.float32),
    mesh=_mesh,
    scratch_types=[
        pltpu.VMEM((_KA,), jnp.int32),
        pltpu.VMEM((_KA,), jnp.int32),
        pltpu.VMEM((_KA,), jnp.int32),
        pltpu.VMEM((_KA, 32), jnp.float32),
        pltpu.VMEM((_ZRA, 32), jnp.float32),
        pltpu.VMEM_SHARED((NN, 32), jnp.float32),
        pltpu.SemaphoreType.DMA,
    ],
)()


_QC = 512

def _sc_headg_body(ql_hbm, qn_hbm, u_hbm, s_hbm, d_hbm,
                   u0_out, u1_out, sq_out, dq_out,
                   l_v, n_v, f0_v, f1_v, fs_v, r0_v, r1_v, sv_v, dv_v, sem):
    c = lax.axis_index("c")
    s = lax.axis_index("s")
    w = c * 16 + s

    def chunk(ch, _):
        base = w * (2 * _QC) + ch * _QC
        pltpu.sync_copy(ql_hbm.at[pl.ds(base, _QC)], l_v)
        pltpu.sync_copy(qn_hbm.at[pl.ds(base, _QC)], n_v)
        def fbody(i, _):
            l16 = l_v[pl.ds(i * 16, 16)]
            n16 = n_v[pl.ds(i * 16, 16)]
            fs_v[pl.ds(i * 16, 16)] = l16 * NN + n16
            f0 = l16 * (2 * NN) + n16
            f0_v[pl.ds(i * 16, 16)] = f0
            f1_v[pl.ds(i * 16, 16)] = f0 + NN
            return 0
        lax.fori_loop(0, _QC // 16, fbody, 0)
        pltpu.async_copy(u_hbm.at[f0_v], r0_v, sem).wait()
        pltpu.async_copy(u_hbm.at[f1_v], r1_v, sem).wait()
        pltpu.async_copy(s_hbm.at[fs_v], sv_v, sem).wait()
        pltpu.async_copy(d_hbm.at[fs_v], dv_v, sem).wait()
        pltpu.sync_copy(r0_v, u0_out.at[pl.ds(base, _QC)])
        pltpu.sync_copy(r1_v, u1_out.at[pl.ds(base, _QC)])
        pltpu.sync_copy(sv_v, sq_out.at[pl.ds(base, _QC)])
        pltpu.sync_copy(dv_v, dq_out.at[pl.ds(base, _QC)])
        return 0

    lax.fori_loop(0, 2, chunk, 0)


_sc_headg = functools.partial(
    pl.kernel, _sc_headg_body,
    compiler_params=_sc_params,
    out_type=[
        jax.ShapeDtypeStruct((2 * BB, 32), jnp.float32),
        jax.ShapeDtypeStruct((2 * BB, 32), jnp.float32),
        jax.ShapeDtypeStruct((2 * BB,), jnp.float32),
        jax.ShapeDtypeStruct((2 * BB,), jnp.float32),
    ],
    mesh=_mesh,
    scratch_types=[
        pltpu.VMEM((_QC,), jnp.int32),
        pltpu.VMEM((_QC,), jnp.int32),
        pltpu.VMEM((_QC,), jnp.int32),
        pltpu.VMEM((_QC,), jnp.int32),
        pltpu.VMEM((_QC,), jnp.int32),
        pltpu.VMEM((_QC, 32), jnp.float32),
        pltpu.VMEM((_QC, 32), jnp.float32),
        pltpu.VMEM((_QC,), jnp.float32),
        pltpu.VMEM((_QC,), jnp.float32),
        pltpu.SemaphoreType.DMA,
    ],
)()


def _tc_stats_body(t_ref, x_ref, dinv_ref, s_ref, st_ref):
    dinv = dinv_ref[...]
    sarr = dinv * t_ref[...] + dinv * dinv * x_ref[...]
    s_ref[...] = sarr
    st_ref[...] = jnp.stack(
        [jnp.sum(sarr, axis=1), jnp.sum(sarr * sarr, axis=1)], axis=1)


def _tc_stats(t, x, dinv):
    return pl.pallas_call(
        _tc_stats_body,
        out_shape=[
            jax.ShapeDtypeStruct((LL, NN), jnp.float32),
            jax.ShapeDtypeStruct((LL, 2), jnp.float32),
        ],
    )(t, x, dinv)


_GB = 2000

def _tc_g_body(s_ref, dinv_ref, a_ref, c_ref, g_ref):
    q = 2 * pl.program_id(0) + pl.program_id(1)
    ab = a_ref[q, :]
    cb = c_ref[q, :]
    sb = s_ref[...]
    db = dinv_ref[...]
    g_ref[...] = db * jnp.maximum(sb * ab[None, :] + cb[None, :], 0.0)


def _tc_g(s2d, dinv2d, a, c):
    return pl.pallas_call(
        _tc_g_body,
        grid=(LL, 2, NN // _GB),
        in_specs=[
            pl.BlockSpec((_GB, 1), lambda l, h, nb: (l * (NN // _GB) + nb, 0)),
            pl.BlockSpec((_GB, 1), lambda l, h, nb: (l * (NN // _GB) + nb, 0)),
            pl.BlockSpec((2 * LL, 32), lambda l, h, nb: (0, 0)),
            pl.BlockSpec((2 * LL, 32), lambda l, h, nb: (0, 0)),
        ],
        out_specs=pl.BlockSpec(
            (_GB, 32), lambda l, h, nb: ((2 * l + h) * (NN // _GB) + nb, 0)),
        out_shape=jax.ShapeDtypeStruct((2 * LL * NN, 32), jnp.float32),
    )(s2d, dinv2d, a, c)


_HB = 1024

def _tc_head_body(u0L, u0R, u1L, u1R, sqL, sqR, dqL, dqR,
                  lay_ref, ln_ref, rn_ref,
                  a_ref, c_ref, W2_ref, b2_ref,
                  gW1_ref, gb1_ref, gW2_ref, gb2_ref,
                  wsm_ref, wss_ref, wsb_ref,
                  dW_ref, db_ref, pW_ref, pb_ref,
                  p_ref, d_ref):
    lay = lay_ref[...]
    oh = (lay == jnp.arange(LL, dtype=jnp.int32)[None, :]).astype(jnp.float32)
    aR = oh @ a_ref[...]
    cR = oh @ c_ref[...]
    b2R = oh @ b2_ref[...]

    def side(u0, u1, sq, dq):
        u = jnp.concatenate([u0[...], u1[...]], axis=1)
        sv = sq[...]
        dv = dq[...]
        h = jnp.maximum(aR * sv + cR, 0.0)
        pre = dv * u + dv * dv * h
        emb = b2R
        for l in range(LL):
            emb = emb + oh[:, l:l + 1] * (pre @ W2_ref[l])
        return emb

    embL = side(u0L, u1L, sqL, dqL)
    embR = side(u0R, u1R, sqR, dqR)
    specific = jnp.concatenate([embL, embR], axis=1)
    common = (jnp.maximum(specific @ gW1_ref[...] + gb1_ref[...], 0.0)
              @ gW2_ref[...] + gb2_ref[...])
    layf = lay.astype(jnp.float32)
    lnf = ln_ref[...].astype(jnp.float32)
    rnf = rn_ref[...].astype(jnp.float32)
    wsm = wsm_ref[...]
    z = (layf * wsm[0:1, :] + lnf * wsm[1:2, :] + rnf * wsm[2:3, :]
         + specific @ wss_ref[...] + wsb_ref[...])
    z = z - jnp.max(z, axis=1, keepdims=True)
    ez = jnp.exp(z)
    wsf = ez / jnp.sum(ez, axis=1, keepdims=True)
    p_in = specific * wsf[:, 0:1] + common * wsf[:, 1:2]
    p_ref[...] = p_in @ pW_ref[...] + pb_ref[...]
    d_ref[...] = common @ dW_ref[...] + db_ref[...]


def _tc_head(u0, u1, sq, dq, lay2, ln2, rn2, a, c, W2, b2,
             gW1, gb1, gW2, gb2, wsm, wss, wsb, dW, db, pW, pb):
    nb = BB // _HB
    left = lambda i: (i, 0)
    right = lambda i: (i + nb, 0)
    full = lambda i: tuple([0] * 2)
    full3 = lambda i: (0, 0, 0)
    return pl.pallas_call(
        _tc_head_body,
        grid=(nb,),
        in_specs=[
            pl.BlockSpec((_HB, 32), left), pl.BlockSpec((_HB, 32), right),
            pl.BlockSpec((_HB, 32), left), pl.BlockSpec((_HB, 32), right),
            pl.BlockSpec((_HB, 1), left), pl.BlockSpec((_HB, 1), right),
            pl.BlockSpec((_HB, 1), left), pl.BlockSpec((_HB, 1), right),
            pl.BlockSpec((_HB, 1), left),
            pl.BlockSpec((_HB, 1), left),
            pl.BlockSpec((_HB, 1), left),
            pl.BlockSpec((LL, HH), full), pl.BlockSpec((LL, HH), full),
            pl.BlockSpec((LL, HH, HH), full3), pl.BlockSpec((LL, HH), full),
            pl.BlockSpec((2 * HH, 16), full), pl.BlockSpec((1, 16), full),
            pl.BlockSpec((16, 2 * HH), full), pl.BlockSpec((1, 2 * HH), full),
            pl.BlockSpec((3, 2), full), pl.BlockSpec((2 * HH, 2), full),
            pl.BlockSpec((1, 2), full),
            pl.BlockSpec((2 * HH, LL), full), pl.BlockSpec((1, LL), full),
            pl.BlockSpec((2 * HH, 2), full), pl.BlockSpec((1, 2), full),
        ],
        out_specs=[
            pl.BlockSpec((_HB, 2), left),
            pl.BlockSpec((_HB, LL), left),
        ],
        out_shape=[
            jax.ShapeDtypeStruct((BB, 2), jnp.float32),
            jax.ShapeDtypeStruct((BB, LL), jnp.float32),
        ],
    )(u0, u0, u1, u1, sq, sq, dq, dq, lay2[:BB], ln2, rn2, a, c, W2, b2,
      gW1, gb1, gW2, gb2, wsm, wss, wsb, dW, db, pW, pb)


def kernel(xs, edge_index, leftnode, rightnode, layer,
           W1, b1, gamma, beta, W2, b2,
           gW1, gb1, gW2, gb2, wsW, wsb, dW, db, pW, pb):
    x = xs[..., 0]
    src = edge_index[:, 0, :].reshape(LL * EE)
    dst = edge_index[:, 1, :].reshape(LL * EE)

    degp = _sc_deg(dst).reshape(2, LL, NN)
    deg = degp[0] + degp[1] + 1.0
    dinv = lax.rsqrt(deg)
    xd = (x * dinv).reshape(LL * NN)

    tp = _sc_txsum(src, dst, xd).reshape(2, LL, NN)
    t = tp[0] + tp[1]

    s_arr, st = _tc_stats(t, x, dinv)
    mean = st[:, 0] / NN
    var = st[:, 1] / NN - mean * mean
    w1r = W1[:, 0, :]
    a = gamma * w1r * lax.rsqrt(var[:, None] * w1r * w1r + 1e-5)
    c = beta - a * mean[:, None]

    g = _tc_g(s_arr.reshape(LL * NN, 1), dinv.reshape(LL * NN, 1),
              a.reshape(2 * LL, 32), c.reshape(2 * LL, 32))
    u = _sc_agg(src, dst, g)

    ql = jnp.concatenate([layer, layer])
    qn = jnp.concatenate([leftnode, rightnode])
    u0, u1, sq, dq = _sc_headg(
        ql, qn, u, s_arr.reshape(LL * NN), dinv.reshape(LL * NN))

    p_out, d_out = _tc_head(
        u0, u1, sq.reshape(2 * BB, 1), dq.reshape(2 * BB, 1),
        ql.reshape(2 * BB, 1), leftnode.reshape(BB, 1),
        rightnode.reshape(BB, 1),
        a, c, W2, b2,
        gW1, gb1.reshape(1, 16), gW2, gb2.reshape(1, 2 * HH),
        wsW[:3], wsW[3:], wsb.reshape(1, 2),
        dW, db.reshape(1, LL), pW, pb.reshape(1, 2))
    return (p_out, d_out)

# --- scband reference (transcript-rebuilt; emitter-appended) ---
"""Pipeline reference for scband-model-net-55155970015714 (READ-ONLY COPY).

The authoritative reference and input builder live on the scoring server;
editing this copy changes nothing except your own understanding.
"""

import jax, jax.numpy as jnp
import numpy as np

L = 3
N = 50000
E = 800000
DIM = 64
HID = 64
B = 16384
EDGE_DIM = 2 * DIM


def grad_reverse(x):
    # identity in forward (gradient reversal only affects backward)
    return x


def setup_inputs(seed: int = 0) -> dict:
    key = jax.random.key(seed)
    ks = jax.random.split(key, 32)
    xs = jax.random.normal(ks[0], (L, N, 1), dtype=jnp.float32)
    edge_index = jax.random.randint(ks[1], (L, 2, E), 0, N, dtype=jnp.int32)
    leftnode = jax.random.randint(ks[2], (B,), 0, N, dtype=jnp.int32)
    rightnode = jax.random.randint(ks[3], (B,), 0, N, dtype=jnp.int32)
    layer = jax.random.randint(ks[4], (B,), 0, L, dtype=jnp.int32)

    def init(k, shape, fan_in):
        return jax.random.normal(k, shape, dtype=jnp.float32) / jnp.sqrt(float(fan_in))

    # per-layer GCN params (stacked over L)
    W1 = init(ks[5], (L, 1, HID), 1)
    b1 = jnp.zeros((L, HID), jnp.float32)
    gamma = jnp.ones((L, HID), jnp.float32)
    beta = jnp.zeros((L, HID), jnp.float32)
    W2 = init(ks[6], (L, HID, DIM), HID)
    b2 = jnp.zeros((L, DIM), jnp.float32)
    # g_mlp: Linear(EDGE_DIM,16) -> ReLU -> Linear(16,EDGE_DIM)
    gW1 = init(ks[7], (EDGE_DIM, 16), EDGE_DIM)
    gb1 = jnp.zeros((16,), jnp.float32)
    gW2 = init(ks[8], (16, EDGE_DIM), 16)
    gb2 = jnp.zeros((EDGE_DIM,), jnp.float32)
    # weight_softmax: Linear(3+EDGE_DIM, 2)
    wsW = init(ks[9], (3 + EDGE_DIM, 2), 3 + EDGE_DIM)
    wsb = jnp.zeros((2,), jnp.float32)
    # d_mlp: Linear(EDGE_DIM, L)
    dW = init(ks[10], (EDGE_DIM, L), EDGE_DIM)
    db = jnp.zeros((L,), jnp.float32)
    # p_mlp: Linear(EDGE_DIM, 2)
    pW = init(ks[11], (EDGE_DIM, 2), EDGE_DIM)
    pb = jnp.zeros((2,), jnp.float32)
    return {
        'xs': xs, 'edge_index': edge_index,
        'leftnode': leftnode, 'rightnode': rightnode, 'layer': layer,
        'W1': W1, 'b1': b1, 'gamma': gamma, 'beta': beta, 'W2': W2, 'b2': b2,
        'gW1': gW1, 'gb1': gb1, 'gW2': gW2, 'gb2': gb2,
        'wsW': wsW, 'wsb': wsb, 'dW': dW, 'db': db, 'pW': pW, 'pb': pb,
    }


def gcn_conv(x, src, dst, W, b):
    # GCNConv: sym-normalized adjacency with self-loops
    n = x.shape[0]
    loop = jnp.arange(n, dtype=src.dtype)
    s = jnp.concatenate([src, loop])
    d = jnp.concatenate([dst, loop])
    deg = jnp.zeros((n,), jnp.float32).at[d].add(1.0)
    dinv = jax.lax.rsqrt(deg)
    h = x @ W
    coef = (dinv[s] * dinv[d])[:, None]
    msg = h[s] * coef
    out = jnp.zeros((n, W.shape[1]), jnp.float32).at[d].add(msg)
    return out + b


def reference(xs, edge_index, leftnode, rightnode, layer,
              W1, b1, gamma, beta, W2, b2,
              gW1, gb1, gW2, gb2, wsW, wsb, dW, db, pW, pb):
    embeds = []
    for i in range(L):
        src = edge_index[i, 0]
        dst = edge_index[i, 1]
        h = gcn_conv(xs[i], src, dst, W1[i], b1[i])
        # BatchNorm1d (training-mode batch statistics)
        mean = jnp.mean(h, axis=0)
        var = jnp.var(h, axis=0)
        h = (h - mean) / jnp.sqrt(var + 1e-5) * gamma[i] + beta[i]
        h = jax.nn.relu(h)
        emb = gcn_conv(h, src, dst, W2[i], b2[i])
        embeds.append(emb)
    embeds = jnp.stack(embeds, axis=0)  # [L, N, DIM]

    le = embeds[layer, leftnode]   # [B, DIM]
    re = embeds[layer, rightnode]  # [B, DIM]
    specific = jnp.concatenate([le, re], axis=1)  # [B, 2*DIM]

    common = jax.nn.relu(specific @ gW1 + gb1) @ gW2 + gb2
    d_in = grad_reverse(common)
    d_out = d_in @ dW + db

    wt = jnp.concatenate([
        layer[:, None].astype(jnp.float32),
        leftnode[:, None].astype(jnp.float32),
        rightnode[:, None].astype(jnp.float32),
        specific,
    ], axis=1)
    w = jax.nn.softmax(wt @ wsW + wsb, axis=1)
    p_in = specific * w[:, 0:1] + common * w[:, 1:2]
    p_out = p_in @ pW + pb
    return (p_out, d_out)

if __name__ == "__main__":
    import jax
    _d = setup_inputs()
    print(jax.jit(kernel)(*tuple(_d.values())))

</pallas_src>

<mosaic_0001>
#map = affine_map<(d0, d1) -> (0)>
module attributes {stable_mosaic.version = 14 : i64} {
  func.func @_sc_deg_body(%arg0: i32, %arg1: i32, %arg2: memref<2400000xi32, #tpu.memory_space<hbm>>, %arg3: memref<300000xf32, #tpu.memory_space<hbm>>, %arg4: memref<1600xi32, #tpu.memory_space<vmem>>, %arg5: memref<1600xf32, #tpu.memory_space<vmem>>, %arg6: memref<2000xf32, #tpu.memory_space<vmem>>, %arg7: memref<2000xf32, #tpu.memory_space<vmem>>, %arg8: memref<50000xf32, #tpu.memory_space<vmem_shared>>, %arg9: memref<50000xf32, #tpu.memory_space<vmem_shared>>, %arg10: memref<50000xf32, #tpu.memory_space<vmem_shared>>) attributes {dimension_semantics = [#tpu.dimension_semantics<core_parallel>, #tpu.dimension_semantics<subcore_parallel>], iteration_bounds = array<i64: 2, 16>, scalar_prefetch = 0 : i64, scratch_operands = 7 : i64, tpu.core_type = #tpu.core_type<sc_vector_subcore>, window_params = [{transform_indices = #map}, {transform_indices = #map}]} {
    %mul3A = arith.constant 16 : i32
    %mul3A_0 = arith.muli %arg0, %mul3A : i32
    %add3A = arith.addi %mul3A_0, %arg1 : i32
    %scan3A = arith.constant 0 : i32
    %scan3A_1 = arith.constant 0 : i32
    %scan3A_2 = arith.constant 100 : i32
    %scan3A_3 = arith.addi %scan3A_1, %scan3A_2 : i32
    %scan3A_4 = arith.constant 1 : i32
    %scan3A_5 = scf.for %scan3A_78 = %scan3A_1 to %scan3A_3 step %scan3A_4 iter_args(%scan3A_79 = %scan3A) -> (i32)  : i32 {
      %broadcast_in_dim3A = arith.constant 1.000000e+00 : f32
      %broadcast_in_dim3A_80 = vector.broadcast %broadcast_in_dim3A : f32 to vector<16xf32>
      %mul3A_81 = arith.constant 16 : i32
      %mul3A_82 = arith.muli %scan3A_78, %mul3A_81 : i32
      %swap3A = arith.index_cast %mul3A_82 : i32 to index
      %swap3A_83 = tpu.vector_load %arg5[%swap3A] {strides = array<i32>} : memref<1600xf32, #tpu.memory_space<vmem>>, vector<16xf32>,
      %swap3A_84 = vector.shape_cast %swap3A_83 : vector<16xf32> to vector<16xf32>
      %swap3A_85 = vector.shape_cast %broadcast_in_dim3A_80 : vector<16xf32> to vector<16xf32>
      tpu.vector_store %arg5[%swap3A], %swap3A_85 {strides = array<i32>} : memref<1600xf32, #tpu.memory_space<vmem>>, vector<16xf32>,
      %scan3A_86 = arith.constant 0 : i32
      scf.yield %scan3A_86 : i32
    }
    %scan3A_6 = arith.constant 100 : i32
    %scan3A_7 = arith.constant 0 : i32
    %scan3A_8 = arith.constant 0 : i32
    %scan3A_9 = arith.constant 125 : i32
    %scan3A_10 = arith.addi %scan3A_8, %scan3A_9 : i32
    %scan3A_11 = arith.constant 1 : i32
    %scan3A_12 = scf.for %scan3A_78 = %scan3A_8 to %scan3A_10 step %scan3A_11 iter_args(%scan3A_79 = %scan3A_7) -> (i32)  : i32 {
      %broadcast_in_dim3A = arith.constant 0.000000e+00 : f32
      %broadcast_in_dim3A_80 = vector.broadcast %broadcast_in_dim3A : f32 to vector<16xf32>
      %mul3A_81 = arith.constant 16 : i32
      %mul3A_82 = arith.muli %scan3A_78, %mul3A_81 : i32
      %swap3A = arith.index_cast %mul3A_82 : i32 to index
      %swap3A_83 = tpu.vector_load %arg6[%swap3A] {strides = array<i32>} : memref<2000xf32, #tpu.memory_space<vmem>>, vector<16xf32>,
      %swap3A_84 = vector.shape_cast %swap3A_83 : vector<16xf32> to vector<16xf32>
      %swap3A_85 = vector.shape_cast %broadcast_in_dim3A_80 : vector<16xf32> to vector<16xf32>
      tpu.vector_store %arg6[%swap3A], %swap3A_85 {strides = array<i32>} : memref<2000xf32, #tpu.memory_space<vmem>>, vector<16xf32>,
      %scan3A_86 = arith.constant 0 : i32
      scf.yield %scan3A_86 : i32
    }
    %scan3A_13 = arith.constant 125 : i32
    %scan3A_14 = arith.constant 0 : i32
    %scan3A_15 = arith.constant 0 : i32
    %scan3A_16 = arith.constant 2 : i32
    %scan3A_17 = arith.addi %scan3A_15, %scan3A_16 : i32
    %scan3A_18 = arith.constant 1 : i32
    %scan3A_19 = scf.for %scan3A_78 = %scan3A_15 to %scan3A_17 step %scan3A_18 iter_args(%scan3A_79 = %scan3A_14) -> (i32)  : i32 {
      %mul3A_80 = arith.constant 16 : i32
      %mul3A_81 = arith.muli %mul3A_80, %scan3A_78 : i32
      %add3A_82 = arith.addi %arg1, %mul3A_81 : i32
      %lt3A = arith.constant 25 : i32
      %lt3A_83 = arith.cmpi slt, %add3A_82, %lt3A : i32
      %convert_element_type3A = arith.extui %lt3A_83 : i1 to i32
      %cond3A = arith.constant 0 : i32
      %cond3A_84 = arith.cmpi ne, %convert_element_type3A, %cond3A : i32
      scf.if %cond3A_84 {
        %mul3A_86 = arith.constant 2000 : i32
        %mul3A_87 = arith.muli %add3A_82, %mul3A_86 : i32
        "tpu.region"() ({
          %run_scoped3A = tpu.sem_alloc : memref<!tpu.dma_semaphore, #tpu.memory_space<semaphore_mem>>
          %dma_start3A = tpu.memref_slice %arg8[%mul3A_87] : memref<50000xf32, #tpu.memory_space<vmem_shared>> -> memref<2000xf32, #tpu.memory_space<vmem_shared>>
          %dma_start3A_88 = tpu.memref_slice %arg8[%mul3A_87] : memref<50000xf32, #tpu.memory_space<vmem_shared>> -> memref<2000xf32, #tpu.memory_space<vmem_shared>>
          tpu.enqueue_dma source(%arg6 : memref<2000xf32, #tpu.memory_space<vmem>>) target(%dma_start3A_88 : memref<2000xf32, #tpu.memory_space<vmem_shared>>) target_semaphore(%run_scoped3A : memref<!tpu.dma_semaphore, #tpu.memory_space<semaphore_mem>>)
          %dma_wait3A = tpu.memref_slice %arg8[%mul3A_87] : memref<50000xf32, #tpu.memory_space<vmem_shared>> -> memref<2000xf32, #tpu.memory_space<vmem_shared>>
          %dma_wait3A_89 = tpu.memref_slice %arg8[%mul3A_87] : memref<50000xf32, #tpu.memory_space<vmem_shared>> -> memref<2000xf32, #tpu.memory_space<vmem_shared>>
          tpu.wait_dma2 semaphore(%run_scoped3A : memref<!tpu.dma_semaphore, #tpu.memory_space<semaphore_mem>>) src(%arg6 : memref<2000xf32, #tpu.memory_space<vmem>>) dst(%dma_wait3A_89 : memref<2000xf32, #tpu.memory_space<vmem_shared>>)
          tpu.yield
        }) : () -> ()
      } else {
      }
      %scan3A_85 = arith.constant 0 : i32
      scf.yield %scan3A_85 : i32
    }
    %scan3A_20 = arith.constant 2 : i32
    %scan3A_21 = arith.constant 0 : i32
    %scan3A_22 = arith.constant 0 : i32
    %scan3A_23 = arith.constant 2 : i32
    %scan3A_24 = arith.addi %scan3A_22, %scan3A_23 : i32
    %scan3A_25 = arith.constant 1 : i32
    %scan3A_26 = scf.for %scan3A_78 = %scan3A_22 to %scan3A_24 step %scan3A_25 iter_args(%scan3A_79 = %scan3A_21) -> (i32)  : i32 {
      %mul3A_80 = arith.constant 16 : i32
      %mul3A_81 = arith.muli %mul3A_80, %scan3A_78 : i32
      %add3A_82 = arith.addi %arg1, %mul3A_81 : i32
      %lt3A = arith.constant 25 : i32
      %lt3A_83 = arith.cmpi slt, %add3A_82, %lt3A : i32
      %convert_element_type3A = arith.extui %lt3A_83 : i1 to i32
      %cond3A = arith.constant 0 : i32
      %cond3A_84 = arith.cmpi ne, %convert_element_type3A, %cond3A : i32
      scf.if %cond3A_84 {
        %mul3A_86 = arith.constant 2000 : i32
        %mul3A_87 = arith.muli %add3A_82, %mul3A_86 : i32
        "tpu.region"() ({
          %run_scoped3A = tpu.sem_alloc : memref<!tpu.dma_semaphore, #tpu.memory_space<semaphore_mem>>
          %dma_start3A = tpu.memref_slice %arg9[%mul3A_87] : memref<50000xf32, #tpu.memory_space<vmem_shared>> -> memref<2000xf32, #tpu.memory_space<vmem_shared>>
          %dma_start3A_88 = tpu.memref_slice %arg9[%mul3A_87] : memref<50000xf32, #tpu.memory_space<vmem_shared>> -> memref<2000xf32, #tpu.memory_space<vmem_shared>>
          tpu.enqueue_dma source(%arg6 : memref<2000xf32, #tpu.memory_space<vmem>>) target(%dma_start3A_88 : memref<2000xf32, #tpu.memory_space<vmem_shared>>) target_semaphore(%run_scoped3A : memref<!tpu.dma_semaphore, #tpu.memory_space<semaphore_mem>>)
          %dma_wait3A = tpu.memref_slice %arg9[%mul3A_87] : memref<50000xf32, #tpu.memory_space<vmem_shared>> -> memref<2000xf32, #tpu.memory_space<vmem_shared>>
          %dma_wait3A_89 = tpu.memref_slice %arg9[%mul3A_87] : memref<50000xf32, #tpu.memory_space<vmem_shared>> -> memref<2000xf32, #tpu.memory_space<vmem_shared>>
          tpu.wait_dma2 semaphore(%run_scoped3A : memref<!tpu.dma_semaphore, #tpu.memory_space<semaphore_mem>>) src(%arg6 : memref<2000xf32, #tpu.memory_space<vmem>>) dst(%dma_wait3A_89 : memref<2000xf32, #tpu.memory_space<vmem_shared>>)
          tpu.yield
        }) : () -> ()
      } else {
      }
      %scan3A_85 = arith.constant 0 : i32
      scf.yield %scan3A_85 : i32
    }
    %scan3A_27 = arith.constant 2 : i32
    %scan3A_28 = arith.constant 0 : i32
    %scan3A_29 = arith.constant 0 : i32
    %scan3A_30 = arith.constant 2 : i32
    %scan3A_31 = arith.addi %scan3A_29, %scan3A_30 : i32
    %scan3A_32 = arith.constant 1 : i32
    %scan3A_33 = scf.for %scan3A_78 = %scan3A_29 to %scan3A_31 step %scan3A_32 iter_args(%scan3A_79 = %scan3A_28) -> (i32)  : i32 {
      %mul3A_80 = arith.constant 16 : i32
      %mul3A_81 = arith.muli %mul3A_80, %scan3A_78 : i32
      %add3A_82 = arith.addi %arg1, %mul3A_81 : i32
      %lt3A = arith.constant 25 : i32
      %lt3A_83 = arith.cmpi slt, %add3A_82, %lt3A : i32
      %convert_element_type3A = arith.extui %lt3A_83 : i1 to i32
      %cond3A = arith.constant 0 : i32
      %cond3A_84 = arith.cmpi ne, %convert_element_type3A, %cond3A : i32
      scf.if %cond3A_84 {
        %mul3A_86 = arith.constant 2000 : i32
        %mul3A_87 = arith.muli %add3A_82, %mul3A_86 : i32
        "tpu.region"() ({
          %run_scoped3A = tpu.sem_alloc : memref<!tpu.dma_semaphore, #tpu.memory_space<semaphore_mem>>
          %dma_start3A = tpu.memref_slice %arg10[%mul3A_87] : memref<50000xf32, #tpu.memory_space<vmem_shared>> -> memref<2000xf32, #tpu.memory_space<vmem_shared>>
          %dma_start3A_88 = tpu.memref_slice %arg10[%mul3A_87] : memref<50000xf32, #tpu.memory_space<vmem_shared>> -> memref<2000xf32, #tpu.memory_space<vmem_shared>>
          tpu.enqueue_dma source(%arg6 : memref<2000xf32, #tpu.memory_space<vmem>>) target(%dma_start3A_88 : memref<2000xf32, #tpu.memory_space<vmem_shared>>) target_semaphore(%run_scoped3A : memref<!tpu.dma_semaphore, #tpu.memory_space<semaphore_mem>>)
          %dma_wait3A = tpu.memref_slice %arg10[%mul3A_87] : memref<50000xf32, #tpu.memory_space<vmem_shared>> -> memref<2000xf32, #tpu.memory_space<vmem_shared>>
          %dma_wait3A_89 = tpu.memref_slice %arg10[%mul3A_87] : memref<50000xf32, #tpu.memory_space<vmem_shared>> -> memref<2000xf32, #tpu.memory_space<vmem_shared>>
          tpu.wait_dma2 semaphore(%run_scoped3A : memref<!tpu.dma_semaphore, #tpu.memory_space<semaphore_mem>>) src(%arg6 : memref<2000xf32, #tpu.memory_space<vmem>>) dst(%dma_wait3A_89 : memref<2000xf32, #tpu.memory_space<vmem_shared>>)
          tpu.yield
        }) : () -> ()
      } else {
      }
      %scan3A_85 = arith.constant 0 : i32
      scf.yield %scan3A_85 : i32
    }
    %scan3A_34 = arith.constant 2 : i32
    %barrier3A = arith.constant 0 : index
    tpu.barrier barrier_id(%barrier3A)
    %scan3A_35 = arith.constant 0 : i32
    %scan3A_36 = arith.constant 0 : i32
    %scan3A_37 = arith.constant 16 : i32
    %scan3A_38 = arith.addi %scan3A_36, %scan3A_37 : i32
    %scan3A_39 = arith.constant 1 : i32
    %scan3A_40 = scf.for %scan3A_78 = %scan3A_36 to %scan3A_38 step %scan3A_39 iter_args(%scan3A_79 = %scan3A_35) -> (i32)  : i32 {
      %mul3A_80 = arith.constant 32 : i32
      %mul3A_81 = arith.muli %mul3A_80, %scan3A_78 : i32
      %add3A_82 = arith.addi %add3A, %mul3A_81 : i32
      %lt3A = arith.constant 500 : i32
      %lt3A_83 = arith.cmpi slt, %add3A_82, %lt3A : i32
      %convert_element_type3A = arith.extui %lt3A_83 : i1 to i32
      %cond3A = arith.constant 0 : i32
      %cond3A_84 = arith.cmpi ne, %convert_element_type3A, %cond3A : i32
      scf.if %cond3A_84 {
        %mul3A_86 = arith.constant 1600 : i32
        %mul3A_87 = arith.muli %add3A_82, %mul3A_86 : i32
        %add3A_88 = arith.constant 0 : i32
        %add3A_89 = arith.addi %add3A_88, %mul3A_87 : i32
        "tpu.region"() ({
          %run_scoped3A = tpu.sem_alloc : memref<!tpu.dma_semaphore, #tpu.memory_space<semaphore_mem>>
          %dma_start3A = tpu.memref_slice %arg2[%add3A_89] : memref<2400000xi32, #tpu.memory_space<hbm>> -> memref<1600xi32, #tpu.memory_space<hbm>>
          %dma_start3A_90 = tpu.memref_slice %arg2[%add3A_89] : memref<2400000xi32, #tpu.memory_space<hbm>> -> memref<1600xi32, #tpu.memory_space<hbm>>
          tpu.enqueue_dma source(%dma_start3A_90 : memref<1600xi32, #tpu.memory_space<hbm>>) target(%arg4 : memref<1600xi32, #tpu.memory_space<vmem>>) target_semaphore(%run_scoped3A : memref<!tpu.dma_semaphore, #tpu.memory_space<semaphore_mem>>)
          %dma_wait3A = tpu.memref_slice %arg2[%add3A_89] : memref<2400000xi32, #tpu.memory_space<hbm>> -> memref<1600xi32, #tpu.memory_space<hbm>>
          %dma_wait3A_91 = tpu.memref_slice %arg2[%add3A_89] : memref<2400000xi32, #tpu.memory_space<hbm>> -> memref<1600xi32, #tpu.memory_space<hbm>>
          tpu.wait_dma2 semaphore(%run_scoped3A : memref<!tpu.dma_semaphore, #tpu.memory_space<semaphore_mem>>) src(%dma_wait3A_91 : memref<1600xi32, #tpu.memory_space<hbm>>) dst(%arg4 : memref<1600xi32, #tpu.memory_space<vmem>>)
          tpu.yield
        }) : () -> ()
        "tpu.region"() ({
          %run_scoped3A = tpu.sem_alloc : memref<!tpu.dma_semaphore, #tpu.memory_space<semaphore_mem>>
          %dma_start3A = arith.constant 0 : i32
          %dma_start3A_90 = tpu.memref_slice %arg8[%dma_start3A] : memref<50000xf32, #tpu.memory_space<vmem_shared>> -> memref<50000xf32, #tpu.memory_space<vmem_shared>>
          tpu.enqueue_indirect_dma source(%arg5 : memref<1600xf32, #tpu.memory_space<vmem>>) target(%dma_start3A_90 : memref<50000xf32, #tpu.memory_space<vmem_shared>>) offsets(%arg4 : memref<1600xi32, #tpu.memory_space<vmem>>) semaphore(%run_scoped3A : memref<!tpu.dma_semaphore, #tpu.memory_space<semaphore_mem>>) {add = true}
          %dma_wait3A = arith.constant 0 : i32
          %dma_wait3A_91 = tpu.memref_slice %arg8[%dma_wait3A] : memref<50000xf32, #tpu.memory_space<vmem_shared>> -> memref<50000xf32, #tpu.memory_space<vmem_shared>>
          tpu.wait_indirect_dma semaphore(%run_scoped3A : memref<!tpu.dma_semaphore, #tpu.memory_space<semaphore_mem>>) src(%arg5 : memref<1600xf32, #tpu.memory_space<vmem>>) dst(%dma_wait3A_91 : memref<50000xf32, #tpu.memory_space<vmem_shared>>)
          tpu.yield
        }) : () -> ()
      } else {
      }
      %scan3A_85 = arith.constant 0 : i32
      scf.yield %scan3A_85 : i32
    }
    %scan3A_41 = arith.constant 16 : i32
    %scan3A_42 = arith.constant 0 : i32
    %scan3A_43 = arith.constant 0 : i32
    %scan3A_44 = arith.constant 16 : i32
    %scan3A_45 = arith.addi %scan3A_43, %scan3A_44 : i32
    %scan3A_46 = arith.constant 1 : i32
    %scan3A_47 = scf.for %scan3A_78 = %scan3A_43 to %scan3A_45 step %scan3A_46 iter_args(%scan3A_79 = %scan3A_42) -> (i32)  : i32 {
      %mul3A_80 = arith.constant 32 : i32
      %mul3A_81 = arith.muli %mul3A_80, %scan3A_78 : i32
      %add3A_82 = arith.addi %add3A, %mul3A_81 : i32
      %lt3A = arith.constant 500 : i32
      %lt3A_83 = arith.cmpi slt, %add3A_82, %lt3A : i32
      %convert_element_type3A = arith.extui %lt3A_83 : i1 to i32
      %cond3A = arith.constant 0 : i32
      %cond3A_84 = arith.cmpi ne, %convert_element_type3A, %cond3A : i32
      scf.if %cond3A_84 {
        %mul3A_86 = arith.constant 1600 : i32
        %mul3A_87 = arith.muli %add3A_82, %mul3A_86 : i32
        %add3A_88 = arith.constant 800000 : i32
        %add3A_89 = arith.addi %add3A_88, %mul3A_87 : i32
        "tpu.region"() ({
          %run_scoped3A = tpu.sem_alloc : memref<!tpu.dma_semaphore, #tpu.memory_space<semaphore_mem>>
          %dma_start3A = tpu.memref_slice %arg2[%add3A_89] : memref<2400000xi32, #tpu.memory_space<hbm>> -> memref<1600xi32, #tpu.memory_space<hbm>>
          %dma_start3A_90 = tpu.memref_slice %arg2[%add3A_89] : memref<2400000xi32, #tpu.memory_space<hbm>> -> memref<1600xi32, #tpu.memory_space<hbm>>
          tpu.enqueue_dma source(%dma_start3A_90 : memref<1600xi32, #tpu.memory_space<hbm>>) target(%arg4 : memref<1600xi32, #tpu.memory_space<vmem>>) target_semaphore(%run_scoped3A : memref<!tpu.dma_semaphore, #tpu.memory_space<semaphore_mem>>)
          %dma_wait3A = tpu.memref_slice %arg2[%add3A_89] : memref<2400000xi32, #tpu.memory_space<hbm>> -> memref<1600xi32, #tpu.memory_space<hbm>>
          %dma_wait3A_91 = tpu.memref_slice %arg2[%add3A_89] : memref<2400000xi32, #tpu.memory_space<hbm>> -> memref<1600xi32, #tpu.memory_space<hbm>>
          tpu.wait_dma2 semaphore(%run_scoped3A : memref<!tpu.dma_semaphore, #tpu.memory_space<semaphore_mem>>) src(%dma_wait3A_91 : memref<1600xi32, #tpu.memory_space<hbm>>) dst(%arg4 : memref<1600xi32, #tpu.memory_space<vmem>>)
          tpu.yield
        }) : () -> ()
        "tpu.region"() ({
          %run_scoped3A = tpu.sem_alloc : memref<!tpu.dma_semaphore, #tpu.memory_space<semaphore_mem>>
          %dma_start3A = arith.constant 0 : i32
          %dma_start3A_90 = tpu.memref_slice %arg9[%dma_start3A] : memref<50000xf32, #tpu.memory_space<vmem_shared>> -> memref<50000xf32, #tpu.memory_space<vmem_shared>>
          tpu.enqueue_indirect_dma source(%arg5 : memref<1600xf32, #tpu.memory_space<vmem>>) target(%dma_start3A_90 : memref<50000xf32, #tpu.memory_space<vmem_shared>>) offsets(%arg4 : memref<1600xi32, #tpu.memory_space<vmem>>) semaphore(%run_scoped3A : memref<!tpu.dma_semaphore, #tpu.memory_space<semaphore_mem>>) {add = true}
          %dma_wait3A = arith.constant 0 : i32
          %dma_wait3A_91 = tpu.memref_slice %arg9[%dma_wait3A] : memref<50000xf32, #tpu.memory_space<vmem_shared>> -> memref<50000xf32, #tpu.memory_space<vmem_shared>>
          tpu.wait_indirect_dma semaphore(%run_scoped3A : memref<!tpu.dma_semaphore, #tpu.memory_space<semaphore_mem>>) src(%arg5 : memref<1600xf32, #tpu.memory_space<vmem>>) dst(%dma_wait3A_91 : memref<50000xf32, #tpu.memory_space<vmem_shared>>)
          tpu.yield
        }) : () -> ()
      } else {
      }
      %scan3A_85 = arith.constant 0 : i32
      scf.yield %scan3A_85 : i32
    }
    %scan3A_48 = arith.constant 16 : i32
    %scan3A_49 = arith.constant 0 : i32
    %scan3A_50 = arith.constant 0 : i32
    %scan3A_51 = arith.constant 16 : i32
    %scan3A_52 = arith.addi %scan3A_50, %scan3A_51 : i32
    %scan3A_53 = arith.constant 1 : i32
    %scan3A_54 = scf.for %scan3A_78 = %scan3A_50 to %scan3A_52 step %scan3A_53 iter_args(%scan3A_79 = %scan3A_49) -> (i32)  : i32 {
      %mul3A_80 = arith.constant 32 : i32
      %mul3A_81 = arith.muli %mul3A_80, %scan3A_78 : i32
      %add3A_82 = arith.addi %add3A, %mul3A_81 : i32
      %lt3A = arith.constant 500 : i32
      %lt3A_83 = arith.cmpi slt, %add3A_82, %lt3A : i32
      %convert_element_type3A = arith.extui %lt3A_83 : i1 to i32
      %cond3A = arith.constant 0 : i32
      %cond3A_84 = arith.cmpi ne, %convert_element_type3A, %cond3A : i32
      scf.if %cond3A_84 {
        %mul3A_86 = arith.constant 1600 : i32
        %mul3A_87 = arith.muli %add3A_82, %mul3A_86 : i32
        %add3A_88 = arith.constant 1600000 : i32
        %add3A_89 = arith.addi %add3A_88, %mul3A_87 : i32
        "tpu.region"() ({
          %run_scoped3A = tpu.sem_alloc : memref<!tpu.dma_semaphore, #tpu.memory_space<semaphore_mem>>
          %dma_start3A = tpu.memref_slice %arg2[%add3A_89] : memref<2400000xi32, #tpu.memory_space<hbm>> -> memref<1600xi32, #tpu.memory_space<hbm>>
          %dma_start3A_90 = tpu.memref_slice %arg2[%add3A_89] : memref<2400000xi32, #tpu.memory_space<hbm>> -> memref<1600xi32, #tpu.memory_space<hbm>>
          tpu.enqueue_dma source(%dma_start3A_90 : memref<1600xi32, #tpu.memory_space<hbm>>) target(%arg4 : memref<1600xi32, #tpu.memory_space<vmem>>) target_semaphore(%run_scoped3A : memref<!tpu.dma_semaphore, #tpu.memory_space<semaphore_mem>>)
          %dma_wait3A = tpu.memref_slice %arg2[%add3A_89] : memref<2400000xi32, #tpu.memory_space<hbm>> -> memref<1600xi32, #tpu.memory_space<hbm>>
          %dma_wait3A_91 = tpu.memref_slice %arg2[%add3A_89] : memref<2400000xi32, #tpu.memory_space<hbm>> -> memref<1600xi32, #tpu.memory_space<hbm>>
          tpu.wait_dma2 semaphore(%run_scoped3A : memref<!tpu.dma_semaphore, #tpu.memory_space<semaphore_mem>>) src(%dma_wait3A_91 : memref<1600xi32, #tpu.memory_space<hbm>>) dst(%arg4 : memref<1600xi32, #tpu.memory_space<vmem>>)
          tpu.yield
        }) : () -> ()
        "tpu.region"() ({
          %run_scoped3A = tpu.sem_alloc : memref<!tpu.dma_semaphore, #tpu.memory_space<semaphore_mem>>
          %dma_start3A = arith.constant 0 : i32
          %dma_start3A_90 = tpu.memref_slice %arg10[%dma_start3A] : memref<50000xf32, #tpu.memory_space<vmem_shared>> -> memref<50000xf32, #tpu.memory_space<vmem_shared>>
          tpu.enqueue_indirect_dma source(%arg5 : memref<1600xf32, #tpu.memory_space<vmem>>) target(%dma_start3A_90 : memref<50000xf32, #tpu.memory_space<vmem_shared>>) offsets(%arg4 : memref<1600xi32, #tpu.memory_space<vmem>>) semaphore(%run_scoped3A : memref<!tpu.dma_semaphore, #tpu.memory_space<semaphore_mem>>) {add = true}
          %dma_wait3A = arith.constant 0 : i32
          %dma_wait3A_91 = tpu.memref_slice %arg10[%dma_wait3A] : memref<50000xf32, #tpu.memory_space<vmem_shared>> -> memref<50000xf32, #tpu.memory_space<vmem_shared>>
          tpu.wait_indirect_dma semaphore(%run_scoped3A : memref<!tpu.dma_semaphore, #tpu.memory_space<semaphore_mem>>) src(%arg5 : memref<1600xf32, #tpu.memory_space<vmem>>) dst(%dma_wait3A_91 : memref<50000xf32, #tpu.memory_space<vmem_shared>>)
          tpu.yield
        }) : () -> ()
      } else {
      }
      %scan3A_85 = arith.constant 0 : i32
      scf.yield %scan3A_85 : i32
    }
    %scan3A_55 = arith.constant 16 : i32
    %barrier3A_56 = arith.constant 0 : index
    tpu.barrier barrier_id(%barrier3A_56)
    %scan3A_57 = arith.constant 0 : i32
    %scan3A_58 = arith.constant 0 : i32
    %scan3A_59 = arith.constant 2 : i32
    %scan3A_60 = arith.addi %scan3A_58, %scan3A_59 : i32
    %scan3A_61 = arith.constant 1 : i32
    %scan3A_62 = scf.for %scan3A_78 = %scan3A_58 to %scan3A_60 step %scan3A_61 iter_args(%scan3A_79 = %scan3A_57) -> (i32)  : i32 {
      %mul3A_80 = arith.constant 16 : i32
      %mul3A_81 = arith.muli %mul3A_80, %scan3A_78 : i32
      %add3A_82 = arith.addi %arg1, %mul3A_81 : i32
      %lt3A = arith.constant 25 : i32
      %lt3A_83 = arith.cmpi slt, %add3A_82, %lt3A : i32
      %convert_element_type3A = arith.extui %lt3A_83 : i1 to i32
      %cond3A = arith.constant 0 : i32
      %cond3A_84 = arith.cmpi ne, %convert_element_type3A, %cond3A : i32
      scf.if %cond3A_84 {
        %mul3A_86 = arith.constant 2000 : i32
        %mul3A_87 = arith.muli %add3A_82, %mul3A_86 : i32
        "tpu.region"() ({
          %run_scoped3A = tpu.sem_alloc : memref<!tpu.dma_semaphore, #tpu.memory_space<semaphore_mem>>
          %dma_start3A = tpu.memref_slice %arg8[%mul3A_87] : memref<50000xf32, #tpu.memory_space<vmem_shared>> -> memref<2000xf32, #tpu.memory_space<vmem_shared>>
          %dma_start3A_97 = tpu.memref_slice %arg8[%mul3A_87] : memref<50000xf32, #tpu.memory_space<vmem_shared>> -> memref<2000xf32, #tpu.memory_space<vmem_shared>>
          tpu.enqueue_dma source(%dma_start3A_97 : memref<2000xf32, #tpu.memory_space<vmem_shared>>) target(%arg7 : memref<2000xf32, #tpu.memory_space<vmem>>) target_semaphore(%run_scoped3A : memref<!tpu.dma_semaphore, #tpu.memory_space<semaphore_mem>>)
          %dma_wait3A = tpu.memref_slice %arg8[%mul3A_87] : memref<50000xf32, #tpu.memory_space<vmem_shared>> -> memref<2000xf32, #tpu.memory_space<vmem_shared>>
          %dma_wait3A_98 = tpu.memref_slice %arg8[%mul3A_87] : memref<50000xf32, #tpu.memory_space<vmem_shared>> -> memref<2000xf32, #tpu.memory_space<vmem_shared>>
          tpu.wait_dma2 semaphore(%run_scoped3A : memref<!tpu.dma_semaphore, #tpu.memory_space<semaphore_mem>>) src(%dma_wait3A_98 : memref<2000xf32, #tpu.memory_space<vmem_shared>>) dst(%arg7 : memref<2000xf32, #tpu.memory_space<vmem>>)
          tpu.yield
        }) : () -> ()
        %mul3A_88 = arith.constant 3 : i32
        %mul3A_89 = arith.muli %arg0, %mul3A_88 : i32
        %add3A_90 = arith.constant 0 : i32
        %add3A_91 = arith.addi %mul3A_89, %add3A_90 : i32
        %mul3A_92 = arith.constant 50000 : i32
        %mul3A_93 = arith.muli %add3A_91, %mul3A_92 : i32
        %mul3A_94 = arith.constant 2000 : i32
        %mul3A_95 = arith.muli %add3A_82, %mul3A_94 : i32
        %add3A_96 = arith.addi %mul3A_93, %mul3A_95 : i32
        "tpu.region"() ({
          %run_scoped3A = tpu.sem_alloc : memref<!tpu.dma_semaphore, #tpu.memory_space<semaphore_mem>>
          %dma_start3A = tpu.memref_slice %arg3[%add3A_96] : memref<300000xf32, #tpu.memory_space<hbm>> -> memref<2000xf32, #tpu.memory_space<hbm>>
          %dma_start3A_97 = tpu.memref_slice %arg3[%add3A_96] : memref<300000xf32, #tpu.memory_space<hbm>> -> memref<2000xf32, #tpu.memory_space<hbm>>
          tpu.enqueue_dma source(%arg7 : memref<2000xf32, #tpu.memory_space<vmem>>) target(%dma_start3A_97 : memref<2000xf32, #tpu.memory_space<hbm>>) target_semaphore(%run_scoped3A : memref<!tpu.dma_semaphore, #tpu.memory_space<semaphore_mem>>)
          %dma_wait3A = tpu.memref_slice %arg3[%add3A_96] : memref<300000xf32, #tpu.memory_space<hbm>> -> memref<2000xf32, #tpu.memory_space<hbm>>
          %dma_wait3A_98 = tpu.memref_slice %arg3[%add3A_96] : memref<300000xf32, #tpu.memory_space<hbm>> -> memref<2000xf32, #tpu.memory_space<hbm>>
          tpu.wait_dma2 semaphore(%run_scoped3A : memref<!tpu.dma_semaphore, #tpu.memory_space<semaphore_mem>>) src(%arg7 : memref<2000xf32, #tpu.memory_space<vmem>>) dst(%dma_wait3A_98 : memref<2000xf32, #tpu.memory_space<hbm>>)
          tpu.yield
        }) : () -> ()
      } else {
      }
      %scan3A_85 = arith.constant 0 : i32
      scf.yield %scan3A_85 : i32
    }
    %scan3A_63 = arith.constant 2 : i32
    %scan3A_64 = arith.constant 0 : i32
    %scan3A_65 = arith.constant 0 : i32
    %scan3A_66 = arith.constant 2 : i32
    %scan3A_67 = arith.addi %scan3A_65, %scan3A_66 : i32
    %scan3A_68 = arith.constant 1 : i32
    %scan3A_69 = scf.for %scan3A_78 = %scan3A_65 to %scan3A_67 step %scan3A_68 iter_args(%scan3A_79 = %scan3A_64) -> (i32)  : i32 {
      %mul3A_80 = arith.constant 16 : i32
      %mul3A_81 = arith.muli %mul3A_80, %scan3A_78 : i32
      %add3A_82 = arith.addi %arg1, %mul3A_81 : i32
      %lt3A = arith.constant 25 : i32
      %lt3A_83 = arith.cmpi slt, %add3A_82, %lt3A : i32
      %convert_element_type3A = arith.extui %lt3A_83 : i1 to i32
      %cond3A = arith.constant 0 : i32
      %cond3A_84 = arith.cmpi ne, %convert_element_type3A, %cond3A : i32
      scf.if %cond3A_84 {
        %mul3A_86 = arith.constant 2000 : i32
        %mul3A_87 = arith.muli %add3A_82, %mul3A_86 : i32
        "tpu.region"() ({
          %run_scoped3A = tpu.sem_alloc : memref<!tpu.dma_semaphore, #tpu.memory_space<semaphore_mem>>
          %dma_start3A = tpu.memref_slice %arg9[%mul3A_87] : memref<50000xf32, #tpu.memory_space<vmem_shared>> -> memref<2000xf32, #tpu.memory_space<vmem_shared>>
          %dma_start3A_97 = tpu.memref_slice %arg9[%mul3A_87] : memref<50000xf32, #tpu.memory_space<vmem_shared>> -> memref<2000xf32, #tpu.memory_space<vmem_shared>>
          tpu.enqueue_dma source(%dma_start3A_97 : memref<2000xf32, #tpu.memory_space<vmem_shared>>) target(%arg7 : memref<2000xf32, #tpu.memory_space<vmem>>) target_semaphore(%run_scoped3A : memref<!tpu.dma_semaphore, #tpu.memory_space<semaphore_mem>>)
          %dma_wait3A = tpu.memref_slice %arg9[%mul3A_87] : memref<50000xf32, #tpu.memory_space<vmem_shared>> -> memref<2000xf32, #tpu.memory_space<vmem_shared>>
          %dma_wait3A_98 = tpu.memref_slice %arg9[%mul3A_87] : memref<50000xf32, #tpu.memory_space<vmem_shared>> -> memref<2000xf32, #tpu.memory_space<vmem_shared>>
          tpu.wait_dma2 semaphore(%run_scoped3A : memref<!tpu.dma_semaphore, #tpu.memory_space<semaphore_mem>>) src(%dma_wait3A_98 : memref<2000xf32, #tpu.memory_space<vmem_shared>>) dst(%arg7 : memref<2000xf32, #tpu.memory_space<vmem>>)
          tpu.yield
        }) : () -> ()
        %mul3A_88 = arith.constant 3 : i32
        %mul3A_89 = arith.muli %arg0, %mul3A_88 : i32
        %add3A_90 = arith.constant 1 : i32
        %add3A_91 = arith.addi %mul3A_89, %add3A_90 : i32
        %mul3A_92 = arith.constant 50000 : i32
        %mul3A_93 = arith.muli %add3A_91, %mul3A_92 : i32
        %mul3A_94 = arith.constant 2000 : i32
        %mul3A_95 = arith.muli %add3A_82, %mul3A_94 : i32
        %add3A_96 = arith.addi %mul3A_93, %mul3A_95 : i32
        "tpu.region"() ({
          %run_scoped3A = tpu.sem_alloc : memref<!tpu.dma_semaphore, #tpu.memory_space<semaphore_mem>>
          %dma_start3A = tpu.memref_slice %arg3[%add3A_96] : memref<300000xf32, #tpu.memory_space<hbm>> -> memref<2000xf32, #tpu.memory_space<hbm>>
          %dma_start3A_97 = tpu.memref_slice %arg3[%add3A_96] : memref<300000xf32, #tpu.memory_space<hbm>> -> memref<2000xf32, #tpu.memory_space<hbm>>
          tpu.enqueue_dma source(%arg7 : memref<2000xf32, #tpu.memory_space<vmem>>) target(%dma_start3A_97 : memref<2000xf32, #tpu.memory_space<hbm>>) target_semaphore(%run_scoped3A : memref<!tpu.dma_semaphore, #tpu.memory_space<semaphore_mem>>)
          %dma_wait3A = tpu.memref_slice %arg3[%add3A_96] : memref<300000xf32, #tpu.memory_space<hbm>> -> memref<2000xf32, #tpu.memory_space<hbm>>
          %dma_wait3A_98 = tpu.memref_slice %arg3[%add3A_96] : memref<300000xf32, #tpu.memory_space<hbm>> -> memref<2000xf32, #tpu.memory_space<hbm>>
          tpu.wait_dma2 semaphore(%run_scoped3A : memref<!tpu.dma_semaphore, #tpu.memory_space<semaphore_mem>>) src(%arg7 : memref<2000xf32, #tpu.memory_space<vmem>>) dst(%dma_wait3A_98 : memref<2000xf32, #tpu.memory_space<hbm>>)
          tpu.yield
        }) : () -> ()
      } else {
      }
      %scan3A_85 = arith.constant 0 : i32
      scf.yield %scan3A_85 : i32
    }
    %scan3A_70 = arith.constant 2 : i32
    %scan3A_71 = arith.constant 0 : i32
    %scan3A_72 = arith.constant 0 : i32
    %scan3A_73 = arith.constant 2 : i32
    %scan3A_74 = arith.addi %scan3A_72, %scan3A_73 : i32
    %scan3A_75 = arith.constant 1 : i32
    %scan3A_76 = scf.for %scan3A_78 = %scan3A_72 to %scan3A_74 step %scan3A_75 iter_args(%scan3A_79 = %scan3A_71) -> (i32)  : i32 {
      %mul3A_80 = arith.constant 16 : i32
      %mul3A_81 = arith.muli %mul3A_80, %scan3A_78 : i32
      %add3A_82 = arith.addi %arg1, %mul3A_81 : i32
      %lt3A = arith.constant 25 : i32
      %lt3A_83 = arith.cmpi slt, %add3A_82, %lt3A : i32
      %convert_element_type3A = arith.extui %lt3A_83 : i1 to i32
      %cond3A = arith.constant 0 : i32
      %cond3A_84 = arith.cmpi ne, %convert_element_type3A, %cond3A : i32
      scf.if %cond3A_84 {
        %mul3A_86 = arith.constant 2000 : i32
        %mul3A_87 = arith.muli %add3A_82, %mul3A_86 : i32
        "tpu.region"() ({
          %run_scoped3A = tpu.sem_alloc : memref<!tpu.dma_semaphore, #tpu.memory_space<semaphore_mem>>
          %dma_start3A = tpu.memref_slice %arg10[%mul3A_87] : memref<50000xf32, #tpu.memory_space<vmem_shared>> -> memref<2000xf32, #tpu.memory_space<vmem_shared>>
          %dma_start3A_97 = tpu.memref_slice %arg10[%mul3A_87] : memref<50000xf32, #tpu.memory_space<vmem_shared>> -> memref<2000xf32, #tpu.memory_space<vmem_shared>>
          tpu.enqueue_dma source(%dma_start3A_97 : memref<2000xf32, #tpu.memory_space<vmem_shared>>) target(%arg7 : memref<2000xf32, #tpu.memory_space<vmem>>) target_semaphore(%run_scoped3A : memref<!tpu.dma_semaphore, #tpu.memory_space<semaphore_mem>>)
          %dma_wait3A = tpu.memref_slice %arg10[%mul3A_87] : memref<50000xf32, #tpu.memory_space<vmem_shared>> -> memref<2000xf32, #tpu.memory_space<vmem_shared>>
          %dma_wait3A_98 = tpu.memref_slice %arg10[%mul3A_87] : memref<50000xf32, #tpu.memory_space<vmem_shared>> -> memref<2000xf32, #tpu.memory_space<vmem_shared>>
          tpu.wait_dma2 semaphore(%run_scoped3A : memref<!tpu.dma_semaphore, #tpu.memory_space<semaphore_mem>>) src(%dma_wait3A_98 : memref<2000xf32, #tpu.memory_space<vmem_shared>>) dst(%arg7 : memref<2000xf32, #tpu.memory_space<vmem>>)
          tpu.yield
        }) : () -> ()
        %mul3A_88 = arith.constant 3 : i32
        %mul3A_89 = arith.muli %arg0, %mul3A_88 : i32
        %add3A_90 = arith.constant 2 : i32
        %add3A_91 = arith.addi %mul3A_89, %add3A_90 : i32
        %mul3A_92 = arith.constant 50000 : i32
        %mul3A_93 = arith.muli %add3A_91, %mul3A_92 : i32
        %mul3A_94 = arith.constant 2000 : i32
        %mul3A_95 = arith.muli %add3A_82, %mul3A_94 : i32
        %add3A_96 = arith.addi %mul3A_93, %mul3A_95 : i32
        "tpu.region"() ({
          %run_scoped3A = tpu.sem_alloc : memref<!tpu.dma_semaphore, #tpu.memory_space<semaphore_mem>>
          %dma_start3A = tpu.memref_slice %arg3[%add3A_96] : memref<300000xf32, #tpu.memory_space<hbm>> -> memref<2000xf32, #tpu.memory_space<hbm>>
          %dma_start3A_97 = tpu.memref_slice %arg3[%add3A_96] : memref<300000xf32, #tpu.memory_space<hbm>> -> memref<2000xf32, #tpu.memory_space<hbm>>
          tpu.enqueue_dma source(%arg7 : memref<2000xf32, #tpu.memory_space<vmem>>) target(%dma_start3A_97 : memref<2000xf32, #tpu.memory_space<hbm>>) target_semaphore(%run_scoped3A : memref<!tpu.dma_semaphore, #tpu.memory_space<semaphore_mem>>)
          %dma_wait3A = tpu.memref_slice %arg3[%add3A_96] : memref<300000xf32, #tpu.memory_space<hbm>> -> memref<2000xf32, #tpu.memory_space<hbm>>
          %dma_wait3A_98 = tpu.memref_slice %arg3[%add3A_96] : memref<300000xf32, #tpu.memory_space<hbm>> -> memref<2000xf32, #tpu.memory_space<hbm>>
          tpu.wait_dma2 semaphore(%run_scoped3A : memref<!tpu.dma_semaphore, #tpu.memory_space<semaphore_mem>>) src(%arg7 : memref<2000xf32, #tpu.memory_space<vmem>>) dst(%dma_wait3A_98 : memref<2000xf32, #tpu.memory_space<hbm>>)
          tpu.yield
        }) : () -> ()
      } else {
      }
      %scan3A_85 = arith.constant 0 : i32
      scf.yield %scan3A_85 : i32
    }
    %scan3A_77 = arith.constant 2 : i32
    return
  }
}

#map = affine_map<(d0, d1) -> (0)>
#map1 = affine_map<(d0, d1) -> (0, 0)>
module attributes {stable_mosaic.version = 14 : i64} {
  func.func @_sc_agg_body(%arg0: i32, %arg1: i32, %arg2: memref<2400000xi32, #tpu.memory_space<hbm>>, %arg3: memref<2400000xi32, #tpu.memory_space<hbm>>, %arg4: memref<300000x32xf32, #tpu.memory_space<hbm>>, %arg5: memref<300000x32xf32, #tpu.memory_space<hbm>>, %arg6: memref<400xi32, #tpu.memory_space<vmem>>, %arg7: memref<400xi32, #tpu.memory_space<vmem>>, %arg8: memref<400xi32, #tpu.memory_space<vmem>>, %arg9: memref<400x32xf32, #tpu.memory_space<vmem>>, %arg10: memref<200x32xf32, #tpu.memory_space<vmem>>, %arg11: memref<50000x32xf32, #tpu.memory_space<vmem_shared>>, %arg12: memref<!tpu.dma_semaphore, #tpu.memory_space<semaphore_mem>>) attributes {dimension_semantics = [#tpu.dimension_semantics<core_parallel>, #tpu.dimension_semantics<subcore_parallel>], iteration_bounds = array<i64: 2, 16>, scalar_prefetch = 0 : i64, scratch_operands = 7 : i64, tpu.core_type = #tpu.core_type<sc_vector_subcore>, window_params = [{transform_indices = #map}, {transform_indices = #map}, {transform_indices = #map1}, {transform_indices = #map1}]} {
    %scan3A = arith.constant 0 : i32
    %scan3A_0 = arith.constant 0 : i32
    %scan3A_1 = arith.constant 200 : i32
    %scan3A_2 = arith.addi %scan3A_0, %scan3A_1 : i32
    %scan3A_3 = arith.constant 1 : i32
    %scan3A_4 = scf.for %scan3A_99 = %scan3A_0 to %scan3A_2 step %scan3A_3 iter_args(%scan3A_100 = %scan3A) -> (i32)  : i32 {
      %broadcast_in_dim3A = arith.constant 0.000000e+00 : f32
      %broadcast_in_dim3A_101 = vector.broadcast %broadcast_in_dim3A : f32 to vector<16xf32>
      %swap3A = arith.index_cast %scan3A_99 : i32 to index
      %swap3A_102 = arith.constant 0 : index
      %swap3A_103 = tpu.vector_load %arg10[%swap3A, %swap3A_102] {strides = array<i32>} : memref<200x32xf32, #tpu.memory_space<vmem>>, vector<1x16xf32>,
      %swap3A_104 = vector.shape_cast %swap3A_103 : vector<1x16xf32> to vector<16xf32>
      %swap3A_105 = vector.shape_cast %broadcast_in_dim3A_101 : vector<16xf32> to vector<1x16xf32>
      tpu.vector_store %arg10[%swap3A, %swap3A_102], %swap3A_105 {strides = array<i32>} : memref<200x32xf32, #tpu.memory_space<vmem>>, vector<1x16xf32>,
      %swap3A_106 = arith.index_cast %scan3A_99 : i32 to index
      %swap3A_107 = arith.constant 16 : index
      %swap3A_108 = tpu.vector_load %arg10[%swap3A_106, %swap3A_107] {strides = array<i32>} : memref<200x32xf32, #tpu.memory_space<vmem>>, vector<1x16xf32>,
      %swap3A_109 = vector.shape_cast %swap3A_108 : vector<1x16xf32> to vector<16xf32>
      %swap3A_110 = vector.shape_cast %broadcast_in_dim3A_101 : vector<16xf32> to vector<1x16xf32>
      tpu.vector_store %arg10[%swap3A_106, %swap3A_107], %swap3A_110 {strides = array<i32>} : memref<200x32xf32, #tpu.memory_space<vmem>>, vector<1x16xf32>,
      %scan3A_111 = arith.constant 0 : i32
      scf.yield %scan3A_111 : i32
    }
    %scan3A_5 = arith.constant 200 : i32
    %scan3A_6 = arith.constant 0 : i32
    %scan3A_7 = arith.constant 0 : i32
    %scan3A_8 = arith.constant 16 : i32
    %scan3A_9 = arith.addi %scan3A_7, %scan3A_8 : i32
    %scan3A_10 = arith.constant 1 : i32
    %scan3A_11 = scf.for %scan3A_99 = %scan3A_7 to %scan3A_9 step %scan3A_10 iter_args(%scan3A_100 = %scan3A_6) -> (i32)  : i32 {
      %mul3A_101 = arith.constant 16 : i32
      %mul3A_102 = arith.muli %mul3A_101, %scan3A_99 : i32
      %add3A_103 = arith.addi %arg1, %mul3A_102 : i32
      %lt3A = arith.constant 250 : i32
      %lt3A_104 = arith.cmpi slt, %add3A_103, %lt3A : i32
      %convert_element_type3A = arith.extui %lt3A_104 : i1 to i32
      %cond3A = arith.constant 0 : i32
      %cond3A_105 = arith.cmpi ne, %convert_element_type3A, %cond3A : i32
      scf.if %cond3A_105 {
        %mul3A_107 = arith.constant 200 : i32
        %mul3A_108 = arith.muli %add3A_103, %mul3A_107 : i32
        "tpu.region"() ({
          %run_scoped3A = tpu.sem_alloc : memref<!tpu.dma_semaphore, #tpu.memory_space<semaphore_mem>>
          %dma_start3A = arith.constant 0 : i32
          %dma_start3A_109 = tpu.memref_slice %arg11[%mul3A_108, %dma_start3A] : memref<50000x32xf32, #tpu.memory_space<vmem_shared>> -> memref<200x32xf32, #tpu.memory_space<vmem_shared>>
          %dma_start3A_110 = arith.constant 0 : i32
          %dma_start3A_111 = tpu.memref_slice %arg11[%mul3A_108, %dma_start3A_110] : memref<50000x32xf32, #tpu.memory_space<vmem_shared>> -> memref<200x32xf32, #tpu.memory_space<vmem_shared>>
          tpu.enqueue_dma source(%arg10 : memref<200x32xf32, #tpu.memory_space<vmem>>) target(%dma_start3A_111 : memref<200x32xf32, #tpu.memory_space<vmem_shared>>) target_semaphore(%run_scoped3A : memref<!tpu.dma_semaphore, #tpu.memory_space<semaphore_mem>>)
          %dma_wait3A = arith.constant 0 : i32
          %dma_wait3A_112 = tpu.memref_slice %arg11[%mul3A_108, %dma_wait3A] : memref<50000x32xf32, #tpu.memory_space<vmem_shared>> -> memref<200x32xf32, #tpu.memory_space<vmem_shared>>
          %dma_wait3A_113 = arith.constant 0 : i32
          %dma_wait3A_114 = tpu.memref_slice %arg11[%mul3A_108, %dma_wait3A_113] : memref<50000x32xf32, #tpu.memory_space<vmem_shared>> -> memref<200x32xf32, #tpu.memory_space<vmem_shared>>
          tpu.wait_dma2 semaphore(%run_scoped3A : memref<!tpu.dma_semaphore, #tpu.memory_space<semaphore_mem>>) src(%arg10 : memref<200x32xf32, #tpu.memory_space<vmem>>) dst(%dma_wait3A_114 : memref<200x32xf32, #tpu.memory_space<vmem_shared>>)
          tpu.yield
        }) : () -> ()
      } else {
      }
      %scan3A_106 = arith.constant 0 : i32
      scf.yield %scan3A_106 : i32
    }
    %scan3A_12 = arith.constant 16 : i32
    %barrier3A = arith.constant 0 : index
    tpu.barrier barrier_id(%barrier3A)
    %mul3A = arith.constant 50000 : i32
    %mul3A_13 = arith.muli %arg0, %mul3A : i32
    %add3A = arith.constant 0 : i32
    %add3A_14 = arith.addi %add3A, %mul3A_13 : i32
    %scan3A_15 = arith.constant 0 : i32
    %scan3A_16 = arith.constant 0 : i32
    %scan3A_17 = arith.constant 125 : i32
    %scan3A_18 = arith.addi %scan3A_16, %scan3A_17 : i32
    %scan3A_19 = arith.constant 1 : i32
    %scan3A_20 = scf.for %scan3A_99 = %scan3A_16 to %scan3A_18 step %scan3A_19 iter_args(%scan3A_100 = %scan3A_15) -> (i32)  : i32 {
      %mul3A_101 = arith.constant 16 : i32
      %mul3A_102 = arith.muli %mul3A_101, %scan3A_99 : i32
      %add3A_103 = arith.addi %arg1, %mul3A_102 : i32
      %lt3A = arith.constant 2000 : i32
      %lt3A_104 = arith.cmpi slt, %add3A_103, %lt3A : i32
      %convert_element_type3A = arith.extui %lt3A_104 : i1 to i32
      %cond3A = arith.constant 0 : i32
      %cond3A_105 = arith.cmpi ne, %convert_element_type3A, %cond3A : i32
      scf.if %cond3A_105 {
        %mul3A_107 = arith.constant 400 : i32
        %mul3A_108 = arith.muli %add3A_103, %mul3A_107 : i32
        %add3A_109 = arith.constant 0 : i32
        %add3A_110 = arith.addi %add3A_109, %mul3A_108 : i32
        "tpu.region"() ({
          %run_scoped3A = tpu.sem_alloc : memref<!tpu.dma_semaphore, #tpu.memory_space<semaphore_mem>>
          %dma_start3A_126 = tpu.memref_slice %arg2[%add3A_110] : memref<2400000xi32, #tpu.memory_space<hbm>> -> memref<400xi32, #tpu.memory_space<hbm>>
          %dma_start3A_127 = tpu.memref_slice %arg2[%add3A_110] : memref<2400000xi32, #tpu.memory_space<hbm>> -> memref<400xi32, #tpu.memory_space<hbm>>
          tpu.enqueue_dma source(%dma_start3A_127 : memref<400xi32, #tpu.memory_space<hbm>>) target(%arg6 : memref<400xi32, #tpu.memory_space<vmem>>) target_semaphore(%run_scoped3A : memref<!tpu.dma_semaphore, #tpu.memory_space<semaphore_mem>>)
          %dma_wait3A_128 = tpu.memref_slice %arg2[%add3A_110] : memref<2400000xi32, #tpu.memory_space<hbm>> -> memref<400xi32, #tpu.memory_space<hbm>>
          %dma_wait3A_129 = tpu.memref_slice %arg2[%add3A_110] : memref<2400000xi32, #tpu.memory_space<hbm>> -> memref<400xi32, #tpu.memory_space<hbm>>
          tpu.wait_dma2 semaphore(%run_scoped3A : memref<!tpu.dma_semaphore, #tpu.memory_space<semaphore_mem>>) src(%dma_wait3A_129 : memref<400xi32, #tpu.memory_space<hbm>>) dst(%arg6 : memref<400xi32, #tpu.memory_space<vmem>>)
          tpu.yield
        }) : () -> ()
        %mul3A_111 = arith.constant 400 : i32
        %mul3A_112 = arith.muli %add3A_103, %mul3A_111 : i32
        %add3A_113 = arith.constant 0 : i32
        %add3A_114 = arith.addi %add3A_113, %mul3A_112 : i32
        "tpu.region"() ({
          %run_scoped3A = tpu.sem_alloc : memref<!tpu.dma_semaphore, #tpu.memory_space<semaphore_mem>>
          %dma_start3A_126 = tpu.memref_slice %arg3[%add3A_114] : memref<2400000xi32, #tpu.memory_space<hbm>> -> memref<400xi32, #tpu.memory_space<hbm>>
          %dma_start3A_127 = tpu.memref_slice %arg3[%add3A_114] : memref<2400000xi32, #tpu.memory_space<hbm>> -> memref<400xi32, #tpu.memory_space<hbm>>
          tpu.enqueue_dma source(%dma_start3A_127 : memref<400xi32, #tpu.memory_space<hbm>>) target(%arg8 : memref<400xi32, #tpu.memory_space<vmem>>) target_semaphore(%run_scoped3A : memref<!tpu.dma_semaphore, #tpu.memory_space<semaphore_mem>>)
          %dma_wait3A_128 = tpu.memref_slice %arg3[%add3A_114] : memref<2400000xi32, #tpu.memory_space<hbm>> -> memref<400xi32, #tpu.memory_space<hbm>>
          %dma_wait3A_129 = tpu.memref_slice %arg3[%add3A_114] : memref<2400000xi32, #tpu.memory_space<hbm>> -> memref<400xi32, #tpu.memory_space<hbm>>
          tpu.wait_dma2 semaphore(%run_scoped3A : memref<!tpu.dma_semaphore, #tpu.memory_space<semaphore_mem>>) src(%dma_wait3A_129 : memref<400xi32, #tpu.memory_space<hbm>>) dst(%arg8 : memref<400xi32, #tpu.memory_space<vmem>>)
          tpu.yield
        }) : () -> ()
        %scan3A_115 = arith.constant 0 : i32
        %scan3A_116 = arith.constant 0 : i32
        %scan3A_117 = arith.constant 25 : i32
        %scan3A_118 = arith.addi %scan3A_116, %scan3A_117 : i32
        %scan3A_119 = arith.constant 1 : i32
        %scan3A_120 = scf.for %scan3A_126 = %scan3A_116 to %scan3A_118 step %scan3A_119 iter_args(%scan3A_127 = %scan3A_115) -> (i32)  : i32 {
          %mul3A_128 = arith.constant 16 : i32
          %mul3A_129 = arith.muli %scan3A_126, %mul3A_128 : i32
          %get3A = arith.index_cast %mul3A_129 : i32 to index
          %get3A_130 = tpu.vector_load %arg6[%get3A] {strides = array<i32>} : memref<400xi32, #tpu.memory_space<vmem>>, vector<16xi32>,
          %get3A_131 = vector.shape_cast %get3A_130 : vector<16xi32> to vector<16xi32>
          %add3A_132 = vector.broadcast %add3A_14 : i32 to vector<16xi32>
          %add3A_133 = arith.addi %get3A_131, %add3A_132 : vector<16xi32>
          %mul3A_134 = arith.constant 16 : i32
          %mul3A_135 = arith.muli %scan3A_126, %mul3A_134 : i32
          %swap3A = arith.index_cast %mul3A_135 : i32 to index
          %swap3A_136 = tpu.vector_load %arg7[%swap3A] {strides = array<i32>} : memref<400xi32, #tpu.memory_space<vmem>>, vector<16xi32>,
          %swap3A_137 = vector.shape_cast %swap3A_136 : vector<16xi32> to vector<16xi32>
          %swap3A_138 = vector.shape_cast %add3A_133 : vector<16xi32> to vector<16xi32>
          tpu.vector_store %arg7[%swap3A], %swap3A_138 {strides = array<i32>} : memref<400xi32, #tpu.memory_space<vmem>>, vector<16xi32>,
          %scan3A_139 = arith.constant 0 : i32
          scf.yield %scan3A_139 : i32
        }
        %scan3A_121 = arith.constant 25 : i32
        %dma_start3A = arith.constant 0 : i32
        %dma_start3A_122 = arith.constant 0 : i32
        %dma_start3A_123 = tpu.memref_slice %arg4[%dma_start3A, %dma_start3A_122] : memref<300000x32xf32, #tpu.memory_space<hbm>> -> memref<300000x32xf32, #tpu.memory_space<hbm>>
        tpu.enqueue_indirect_dma source(%dma_start3A_123 : memref<300000x32xf32, #tpu.memory_space<hbm>>) target(%arg9 : memref<400x32xf32, #tpu.memory_space<vmem>>) offsets(%arg7 : memref<400xi32, #tpu.memory_space<vmem>>) semaphore(%arg12 : memref<!tpu.dma_semaphore, #tpu.memory_space<semaphore_mem>>)
        %dma_wait3A = arith.constant 0 : i32
        %dma_wait3A_124 = arith.constant 0 : i32
        %dma_wait3A_125 = tpu.memref_slice %arg4[%dma_wait3A, %dma_wait3A_124] : memref<300000x32xf32, #tpu.memory_space<hbm>> -> memref<300000x32xf32, #tpu.memory_space<hbm>>
        tpu.wait_indirect_dma semaphore(%arg12 : memref<!tpu.dma_semaphore, #tpu.memory_space<semaphore_mem>>) src(%dma_wait3A_125 : memref<300000x32xf32, #tpu.memory_space<hbm>>) dst(%arg9 : memref<400x32xf32, #tpu.memory_space<vmem>>)
        "tpu.region"() ({
          %run_scoped3A = tpu.sem_alloc : memref<!tpu.dma_semaphore, #tpu.memory_space<semaphore_mem>>
          %dma_start3A_126 = arith.constant 0 : i32
          %dma_start3A_127 = arith.constant 0 : i32
          %dma_start3A_128 = tpu.memref_slice %arg11[%dma_start3A_126, %dma_start3A_127] : memref<50000x32xf32, #tpu.memory_space<vmem_shared>> -> memref<50000x32xf32, #tpu.memory_space<vmem_shared>>
          tpu.enqueue_indirect_dma source(%arg9 : memref<400x32xf32, #tpu.memory_space<vmem>>) target(%dma_start3A_128 : memref<50000x32xf32, #tpu.memory_space<vmem_shared>>) offsets(%arg8 : memref<400xi32, #tpu.memory_space<vmem>>) semaphore(%run_scoped3A : memref<!tpu.dma_semaphore, #tpu.memory_space<semaphore_mem>>) {add = true}
          %dma_wait3A_129 = arith.constant 0 : i32
          %dma_wait3A_130 = arith.constant 0 : i32
          %dma_wait3A_131 = tpu.memref_slice %arg11[%dma_wait3A_129, %dma_wait3A_130] : memref<50000x32xf32, #tpu.memory_space<vmem_shared>> -> memref<50000x32xf32, #tpu.memory_space<vmem_shared>>
          tpu.wait_indirect_dma semaphore(%run_scoped3A : memref<!tpu.dma_semaphore, #tpu.memory_space<semaphore_mem>>) src(%arg9 : memref<400x32xf32, #tpu.memory_space<vmem>>) dst(%dma_wait3A_131 : memref<50000x32xf32, #tpu.memory_space<vmem_shared>>)
          tpu.yield
        }) : () -> ()
      } else {
      }
      %scan3A_106 = arith.constant 0 : i32
      scf.yield %scan3A_106 : i32
    }
    %scan3A_21 = arith.constant 125 : i32
    %barrier3A_22 = arith.constant 0 : index
    tpu.barrier barrier_id(%barrier3A_22)
    %scan3A_23 = arith.constant 0 : i32
    %scan3A_24 = arith.constant 0 : i32
    %scan3A_25 = arith.constant 16 : i32
    %scan3A_26 = arith.addi %scan3A_24, %scan3A_25 : i32
    %scan3A_27 = arith.constant 1 : i32
    %scan3A_28 = scf.for %scan3A_99 = %scan3A_24 to %scan3A_26 step %scan3A_27 iter_args(%scan3A_100 = %scan3A_23) -> (i32)  : i32 {
      %mul3A_101 = arith.constant 16 : i32
      %mul3A_102 = arith.muli %mul3A_101, %scan3A_99 : i32
      %add3A_103 = arith.addi %arg1, %mul3A_102 : i32
      %lt3A = arith.constant 250 : i32
      %lt3A_104 = arith.cmpi slt, %add3A_103, %lt3A : i32
      %convert_element_type3A = arith.extui %lt3A_104 : i1 to i32
      %cond3A = arith.constant 0 : i32
      %cond3A_105 = arith.cmpi ne, %convert_element_type3A, %cond3A : i32
      scf.if %cond3A_105 {
        %mul3A_107 = arith.constant 200 : i32
        %mul3A_108 = arith.muli %add3A_103, %mul3A_107 : i32
        "tpu.region"() ({
          %run_scoped3A = tpu.sem_alloc : memref<!tpu.dma_semaphore, #tpu.memory_space<semaphore_mem>>
          %dma_start3A = arith.constant 0 : i32
          %dma_start3A_116 = tpu.memref_slice %arg11[%mul3A_108, %dma_start3A] : memref<50000x32xf32, #tpu.memory_space<vmem_shared>> -> memref<200x32xf32, #tpu.memory_space<vmem_shared>>
          %dma_start3A_117 = arith.constant 0 : i32
          %dma_start3A_118 = tpu.memref_slice %arg11[%mul3A_108, %dma_start3A_117] : memref<50000x32xf32, #tpu.memory_space<vmem_shared>> -> memref<200x32xf32, #tpu.memory_space<vmem_shared>>
          tpu.enqueue_dma source(%dma_start3A_118 : memref<200x32xf32, #tpu.memory_space<vmem_shared>>) target(%arg10 : memref<200x32xf32, #tpu.memory_space<vmem>>) target_semaphore(%run_scoped3A : memref<!tpu.dma_semaphore, #tpu.memory_space<semaphore_mem>>)
          %dma_wait3A = arith.constant 0 : i32
          %dma_wait3A_119 = tpu.memref_slice %arg11[%mul3A_108, %dma_wait3A] : memref<50000x32xf32, #tpu.memory_space<vmem_shared>> -> memref<200x32xf32, #tpu.memory_space<vmem_shared>>
          %dma_wait3A_120 = arith.constant 0 : i32
          %dma_wait3A_121 = tpu.memref_slice %arg11[%mul3A_108, %dma_wait3A_120] : memref<50000x32xf32, #tpu.memory_space<vmem_shared>> -> memref<200x32xf32, #tpu.memory_space<vmem_shared>>
          tpu.wait_dma2 semaphore(%run_scoped3A : memref<!tpu.dma_semaphore, #tpu.memory_space<semaphore_mem>>) src(%dma_wait3A_121 : memref<200x32xf32, #tpu.memory_space<vmem_shared>>) dst(%arg10 : memref<200x32xf32, #tpu.memory_space<vmem>>)
          tpu.yield
        }) : () -> ()
        %add3A_109 = arith.constant 0 : i32
        %add3A_110 = arith.addi %add3A_109, %arg0 : i32
        %mul3A_111 = arith.constant 50000 : i32
        %mul3A_112 = arith.muli %add3A_110, %mul3A_111 : i32
        %mul3A_113 = arith.constant 200 : i32
        %mul3A_114 = arith.muli %add3A_103, %mul3A_113 : i32
        %add3A_115 = arith.addi %mul3A_112, %mul3A_114 : i32
        "tpu.region"() ({
          %run_scoped3A = tpu.sem_alloc : memref<!tpu.dma_semaphore, #tpu.memory_space<semaphore_mem>>
          %dma_start3A = arith.constant 0 : i32
          %dma_start3A_116 = tpu.memref_slice %arg5[%add3A_115, %dma_start3A] : memref<300000x32xf32, #tpu.memory_space<hbm>> -> memref<200x32xf32, #tpu.memory_space<hbm>>
          %dma_start3A_117 = arith.constant 0 : i32
          %dma_start3A_118 = tpu.memref_slice %arg5[%add3A_115, %dma_start3A_117] : memref<300000x32xf32, #tpu.memory_space<hbm>> -> memref<200x32xf32, #tpu.memory_space<hbm>>
          tpu.enqueue_dma source(%arg10 : memref<200x32xf32, #tpu.memory_space<vmem>>) target(%dma_start3A_118 : memref<200x32xf32, #tpu.memory_space<hbm>>) target_semaphore(%run_scoped3A : memref<!tpu.dma_semaphore, #tpu.memory_space<semaphore_mem>>)
          %dma_wait3A = arith.constant 0 : i32
          %dma_wait3A_119 = tpu.memref_slice %arg5[%add3A_115, %dma_wait3A] : memref<300000x32xf32, #tpu.memory_space<hbm>> -> memref<200x32xf32, #tpu.memory_space<hbm>>
          %dma_wait3A_120 = arith.constant 0 : i32
          %dma_wait3A_121 = tpu.memref_slice %arg5[%add3A_115, %dma_wait3A_120] : memref<300000x32xf32, #tpu.memory_space<hbm>> -> memref<200x32xf32, #tpu.memory_space<hbm>>
          tpu.wait_dma2 semaphore(%run_scoped3A : memref<!tpu.dma_semaphore, #tpu.memory_space<semaphore_mem>>) src(%arg10 : memref<200x32xf32, #tpu.memory_space<vmem>>) dst(%dma_wait3A_121 : memref<200x32xf32, #tpu.memory_space<hbm>>)
          tpu.yield
        }) : () -> ()
      } else {
      }
      %scan3A_106 = arith.constant 0 : i32
      scf.yield %scan3A_106 : i32
    }
    %scan3A_29 = arith.constant 16 : i32
    %scan3A_30 = arith.constant 0 : i32
    %scan3A_31 = arith.constant 0 : i32
    %scan3A_32 = arith.constant 200 : i32
    %scan3A_33 = arith.addi %scan3A_31, %scan3A_32 : i32
    %scan3A_34 = arith.constant 1 : i32
    %scan3A_35 = scf.for %scan3A_99 = %scan3A_31 to %scan3A_33 step %scan3A_34 iter_args(%scan3A_100 = %scan3A_30) -> (i32)  : i32 {
      %broadcast_in_dim3A = arith.constant 0.000000e+00 : f32
      %broadcast_in_dim3A_101 = vector.broadcast %broadcast_in_dim3A : f32 to vector<16xf32>
      %swap3A = arith.index_cast %scan3A_99 : i32 to index
      %swap3A_102 = arith.constant 0 : index
      %swap3A_103 = tpu.vector_load %arg10[%swap3A, %swap3A_102] {strides = array<i32>} : memref<200x32xf32, #tpu.memory_space<vmem>>, vector<1x16xf32>,
      %swap3A_104 = vector.shape_cast %swap3A_103 : vector<1x16xf32> to vector<16xf32>
      %swap3A_105 = vector.shape_cast %broadcast_in_dim3A_101 : vector<16xf32> to vector<1x16xf32>
      tpu.vector_store %arg10[%swap3A, %swap3A_102], %swap3A_105 {strides = array<i32>} : memref<200x32xf32, #tpu.memory_space<vmem>>, vector<1x16xf32>,
      %swap3A_106 = arith.index_cast %scan3A_99 : i32 to index
      %swap3A_107 = arith.constant 16 : index
      %swap3A_108 = tpu.vector_load %arg10[%swap3A_106, %swap3A_107] {strides = array<i32>} : memref<200x32xf32, #tpu.memory_space<vmem>>, vector<1x16xf32>,
      %swap3A_109 = vector.shape_cast %swap3A_108 : vector<1x16xf32> to vector<16xf32>
      %swap3A_110 = vector.shape_cast %broadcast_in_dim3A_101 : vector<16xf32> to vector<1x16xf32>
      tpu.vector_store %arg10[%swap3A_106, %swap3A_107], %swap3A_110 {strides = array<i32>} : memref<200x32xf32, #tpu.memory_space<vmem>>, vector<1x16xf32>,
      %scan3A_111 = arith.constant 0 : i32
      scf.yield %scan3A_111 : i32
    }
    %scan3A_36 = arith.constant 200 : i32
    %scan3A_37 = arith.constant 0 : i32
    %scan3A_38 = arith.constant 0 : i32
    %scan3A_39 = arith.constant 16 : i32
    %scan3A_40 = arith.addi %scan3A_38, %scan3A_39 : i32
    %scan3A_41 = arith.constant 1 : i32
    %scan3A_42 = scf.for %scan3A_99 = %scan3A_38 to %scan3A_40 step %scan3A_41 iter_args(%scan3A_100 = %scan3A_37) -> (i32)  : i32 {
      %mul3A_101 = arith.constant 16 : i32
      %mul3A_102 = arith.muli %mul3A_101, %scan3A_99 : i32
      %add3A_103 = arith.addi %arg1, %mul3A_102 : i32
      %lt3A = arith.constant 250 : i32
      %lt3A_104 = arith.cmpi slt, %add3A_103, %lt3A : i32
      %convert_element_type3A = arith.extui %lt3A_104 : i1 to i32
      %cond3A = arith.constant 0 : i32
      %cond3A_105 = arith.cmpi ne, %convert_element_type3A, %cond3A : i32
      scf.if %cond3A_105 {
        %mul3A_107 = arith.constant 200 : i32
        %mul3A_108 = arith.muli %add3A_103, %mul3A_107 : i32
        "tpu.region"() ({
          %run_scoped3A = tpu.sem_alloc : memref<!tpu.dma_semaphore, #tpu.memory_space<semaphore_mem>>
          %dma_start3A = arith.constant 0 : i32
          %dma_start3A_109 = tpu.memref_slice %arg11[%mul3A_108, %dma_start3A] : memref<50000x32xf32, #tpu.memory_space<vmem_shared>> -> memref<200x32xf32, #tpu.memory_space<vmem_shared>>
          %dma_start3A_110 = arith.constant 0 : i32
          %dma_start3A_111 = tpu.memref_slice %arg11[%mul3A_108, %dma_start3A_110] : memref<50000x32xf32, #tpu.memory_space<vmem_shared>> -> memref<200x32xf32, #tpu.memory_space<vmem_shared>>
          tpu.enqueue_dma source(%arg10 : memref<200x32xf32, #tpu.memory_space<vmem>>) target(%dma_start3A_111 : memref<200x32xf32, #tpu.memory_space<vmem_shared>>) target_semaphore(%run_scoped3A : memref<!tpu.dma_semaphore, #tpu.memory_space<semaphore_mem>>)
          %dma_wait3A = arith.constant 0 : i32
          %dma_wait3A_112 = tpu.memref_slice %arg11[%mul3A_108, %dma_wait3A] : memref<50000x32xf32, #tpu.memory_space<vmem_shared>> -> memref<200x32xf32, #tpu.memory_space<vmem_shared>>
          %dma_wait3A_113 = arith.constant 0 : i32
          %dma_wait3A_114 = tpu.memref_slice %arg11[%mul3A_108, %dma_wait3A_113] : memref<50000x32xf32, #tpu.memory_space<vmem_shared>> -> memref<200x32xf32, #tpu.memory_space<vmem_shared>>
          tpu.wait_dma2 semaphore(%run_scoped3A : memref<!tpu.dma_semaphore, #tpu.memory_space<semaphore_mem>>) src(%arg10 : memref<200x32xf32, #tpu.memory_space<vmem>>) dst(%dma_wait3A_114 : memref<200x32xf32, #tpu.memory_space<vmem_shared>>)
          tpu.yield
        }) : () -> ()
      } else {
      }
      %scan3A_106 = arith.constant 0 : i32
      scf.yield %scan3A_106 : i32
    }
    %scan3A_43 = arith.constant 16 : i32
    %barrier3A_44 = arith.constant 0 : index
    tpu.barrier barrier_id(%barrier3A_44)
    %mul3A_45 = arith.constant 50000 : i32
    %mul3A_46 = arith.muli %arg0, %mul3A_45 : i32
    %add3A_47 = arith.constant 100000 : i32
    %add3A_48 = arith.addi %add3A_47, %mul3A_46 : i32
    %scan3A_49 = arith.constant 0 : i32
    %scan3A_50 = arith.constant 0 : i32
    %scan3A_51 = arith.constant 125 : i32
    %scan3A_52 = arith.addi %scan3A_50, %scan3A_51 : i32
    %scan3A_53 = arith.constant 1 : i32
    %scan3A_54 = scf.for %scan3A_99 = %scan3A_50 to %scan3A_52 step %scan3A_53 iter_args(%scan3A_100 = %scan3A_49) -> (i32)  : i32 {
      %mul3A_101 = arith.constant 16 : i32
      %mul3A_102 = arith.muli %mul3A_101, %scan3A_99 : i32
      %add3A_103 = arith.addi %arg1, %mul3A_102 : i32
      %lt3A = arith.constant 2000 : i32
      %lt3A_104 = arith.cmpi slt, %add3A_103, %lt3A : i32
      %convert_element_type3A = arith.extui %lt3A_104 : i1 to i32
      %cond3A = arith.constant 0 : i32
      %cond3A_105 = arith.cmpi ne, %convert_element_type3A, %cond3A : i32
      scf.if %cond3A_105 {
        %mul3A_107 = arith.constant 400 : i32
        %mul3A_108 = arith.muli %add3A_103, %mul3A_107 : i32
        %add3A_109 = arith.constant 800000 : i32
        %add3A_110 = arith.addi %add3A_109, %mul3A_108 : i32
        "tpu.region"() ({
          %run_scoped3A = tpu.sem_alloc : memref<!tpu.dma_semaphore, #tpu.memory_space<semaphore_mem>>
          %dma_start3A_126 = tpu.memref_slice %arg2[%add3A_110] : memref<2400000xi32, #tpu.memory_space<hbm>> -> memref<400xi32, #tpu.memory_space<hbm>>
          %dma_start3A_127 = tpu.memref_slice %arg2[%add3A_110] : memref<2400000xi32, #tpu.memory_space<hbm>> -> memref<400xi32, #tpu.memory_space<hbm>>
          tpu.enqueue_dma source(%dma_start3A_127 : memref<400xi32, #tpu.memory_space<hbm>>) target(%arg6 : memref<400xi32, #tpu.memory_space<vmem>>) target_semaphore(%run_scoped3A : memref<!tpu.dma_semaphore, #tpu.memory_space<semaphore_mem>>)
          %dma_wait3A_128 = tpu.memref_slice %arg2[%add3A_110] : memref<2400000xi32, #tpu.memory_space<hbm>> -> memref<400xi32, #tpu.memory_space<hbm>>
          %dma_wait3A_129 = tpu.memref_slice %arg2[%add3A_110] : memref<2400000xi32, #tpu.memory_space<hbm>> -> memref<400xi32, #tpu.memory_space<hbm>>
          tpu.wait_dma2 semaphore(%run_scoped3A : memref<!tpu.dma_semaphore, #tpu.memory_space<semaphore_mem>>) src(%dma_wait3A_129 : memref<400xi32, #tpu.memory_space<hbm>>) dst(%arg6 : memref<400xi32, #tpu.memory_space<vmem>>)
          tpu.yield
        }) : () -> ()
        %mul3A_111 = arith.constant 400 : i32
        %mul3A_112 = arith.muli %add3A_103, %mul3A_111 : i32
        %add3A_113 = arith.constant 800000 : i32
        %add3A_114 = arith.addi %add3A_113, %mul3A_112 : i32
        "tpu.region"() ({
          %run_scoped3A = tpu.sem_alloc : memref<!tpu.dma_semaphore, #tpu.memory_space<semaphore_mem>>
          %dma_start3A_126 = tpu.memref_slice %arg3[%add3A_114] : memref<2400000xi32, #tpu.memory_space<hbm>> -> memref<400xi32, #tpu.memory_space<hbm>>
          %dma_start3A_127 = tpu.memref_slice %arg3[%add3A_114] : memref<2400000xi32, #tpu.memory_space<hbm>> -> memref<400xi32, #tpu.memory_space<hbm>>
          tpu.enqueue_dma source(%dma_start3A_127 : memref<400xi32, #tpu.memory_space<hbm>>) target(%arg8 : memref<400xi32, #tpu.memory_space<vmem>>) target_semaphore(%run_scoped3A : memref<!tpu.dma_semaphore, #tpu.memory_space<semaphore_mem>>)
          %dma_wait3A_128 = tpu.memref_slice %arg3[%add3A_114] : memref<2400000xi32, #tpu.memory_space<hbm>> -> memref<400xi32, #tpu.memory_space<hbm>>
          %dma_wait3A_129 = tpu.memref_slice %arg3[%add3A_114] : memref<2400000xi32, #tpu.memory_space<hbm>> -> memref<400xi32, #tpu.memory_space<hbm>>
          tpu.wait_dma2 semaphore(%run_scoped3A : memref<!tpu.dma_semaphore, #tpu.memory_space<semaphore_mem>>) src(%dma_wait3A_129 : memref<400xi32, #tpu.memory_space<hbm>>) dst(%arg8 : memref<400xi32, #tpu.memory_space<vmem>>)
          tpu.yield
        }) : () -> ()
        %scan3A_115 = arith.constant 0 : i32
        %scan3A_116 = arith.constant 0 : i32
        %scan3A_117 = arith.constant 25 : i32
        %scan3A_118 = arith.addi %scan3A_116, %scan3A_117 : i32
        %scan3A_119 = arith.constant 1 : i32
        %scan3A_120 = scf.for %scan3A_126 = %scan3A_116 to %scan3A_118 step %scan3A_119 iter_args(%scan3A_127 = %scan3A_115) -> (i32)  : i32 {
          %mul3A_128 = arith.constant 16 : i32
          %mul3A_129 = arith.muli %scan3A_126, %mul3A_128 : i32
          %get3A = arith.index_cast %mul3A_129 : i32 to index
          %get3A_130 = tpu.vector_load %arg6[%get3A] {strides = array<i32>} : memref<400xi32, #tpu.memory_space<vmem>>, vector<16xi32>,
          %get3A_131 = vector.shape_cast %get3A_130 : vector<16xi32> to vector<16xi32>
          %add3A_132 = vector.broadcast %add3A_48 : i32 to vector<16xi32>
          %add3A_133 = arith.addi %get3A_131, %add3A_132 : vector<16xi32>
          %mul3A_134 = arith.constant 16 : i32
          %mul3A_135 = arith.muli %scan3A_126, %mul3A_134 : i32
          %swap3A = arith.index_cast %mul3A_135 : i32 to index
          %swap3A_136 = tpu.vector_load %arg7[%swap3A] {strides = array<i32>} : memref<400xi32, #tpu.memory_space<vmem>>, vector<16xi32>,
          %swap3A_137 = vector.shape_cast %swap3A_136 : vector<16xi32> to vector<16xi32>
          %swap3A_138 = vector.shape_cast %add3A_133 : vector<16xi32> to vector<16xi32>
          tpu.vector_store %arg7[%swap3A], %swap3A_138 {strides = array<i32>} : memref<400xi32, #tpu.memory_space<vmem>>, vector<16xi32>,
          %scan3A_139 = arith.constant 0 : i32
          scf.yield %scan3A_139 : i32
        }
        %scan3A_121 = arith.constant 25 : i32
        %dma_start3A = arith.constant 0 : i32
        %dma_start3A_122 = arith.constant 0 : i32
        %dma_start3A_123 = tpu.memref_slice %arg4[%dma_start3A, %dma_start3A_122] : memref<300000x32xf32, #tpu.memory_space<hbm>> -> memref<300000x32xf32, #tpu.memory_space<hbm>>
        tpu.enqueue_indirect_dma source(%dma_start3A_123 : memref<300000x32xf32, #tpu.memory_space<hbm>>) target(%arg9 : memref<400x32xf32, #tpu.memory_space<vmem>>) offsets(%arg7 : memref<400xi32, #tpu.memory_space<vmem>>) semaphore(%arg12 : memref<!tpu.dma_semaphore, #tpu.memory_space<semaphore_mem>>)
        %dma_wait3A = arith.constant 0 : i32
        %dma_wait3A_124 = arith.constant 0 : i32
        %dma_wait3A_125 = tpu.memref_slice %arg4[%dma_wait3A, %dma_wait3A_124] : memref<300000x32xf32, #tpu.memory_space<hbm>> -> memref<300000x32xf32, #tpu.memory_space<hbm>>
        tpu.wait_indirect_dma semaphore(%arg12 : memref<!tpu.dma_semaphore, #tpu.memory_space<semaphore_mem>>) src(%dma_wait3A_125 : memref<300000x32xf32, #tpu.memory_space<hbm>>) dst(%arg9 : memref<400x32xf32, #tpu.memory_space<vmem>>)
        "tpu.region"() ({
          %run_scoped3A = tpu.sem_alloc : memref<!tpu.dma_semaphore, #tpu.memory_space<semaphore_mem>>
          %dma_start3A_126 = arith.constant 0 : i32
          %dma_start3A_127 = arith.constant 0 : i32
          %dma_start3A_128 = tpu.memref_slice %arg11[%dma_start3A_126, %dma_start3A_127] : memref<50000x32xf32, #tpu.memory_space<vmem_shared>> -> memref<50000x32xf32, #tpu.memory_space<vmem_shared>>
          tpu.enqueue_indirect_dma source(%arg9 : memref<400x32xf32, #tpu.memory_space<vmem>>) target(%dma_start3A_128 : memref<50000x32xf32, #tpu.memory_space<vmem_shared>>) offsets(%arg8 : memref<400xi32, #tpu.memory_space<vmem>>) semaphore(%run_scoped3A : memref<!tpu.dma_semaphore, #tpu.memory_space<semaphore_mem>>) {add = true}
          %dma_wait3A_129 = arith.constant 0 : i32
          %dma_wait3A_130 = arith.constant 0 : i32
          %dma_wait3A_131 = tpu.memref_slice %arg11[%dma_wait3A_129, %dma_wait3A_130] : memref<50000x32xf32, #tpu.memory_space<vmem_shared>> -> memref<50000x32xf32, #tpu.memory_space<vmem_shared>>
          tpu.wait_indirect_dma semaphore(%run_scoped3A : memref<!tpu.dma_semaphore, #tpu.memory_space<semaphore_mem>>) src(%arg9 : memref<400x32xf32, #tpu.memory_space<vmem>>) dst(%dma_wait3A_131 : memref<50000x32xf32, #tpu.memory_space<vmem_shared>>)
          tpu.yield
        }) : () -> ()
      } else {
      }
      %scan3A_106 = arith.constant 0 : i32
      scf.yield %scan3A_106 : i32
    }
    %scan3A_55 = arith.constant 125 : i32
    %barrier3A_56 = arith.constant 0 : index
    tpu.barrier barrier_id(%barrier3A_56)
    %scan3A_57 = arith.constant 0 : i32
    %scan3A_58 = arith.constant 0 : i32
    %scan3A_59 = arith.constant 16 : i32
    %scan3A_60 = arith.addi %scan3A_58, %scan3A_59 : i32
    %scan3A_61 = arith.constant 1 : i32
    %scan3A_62 = scf.for %scan3A_99 = %scan3A_58 to %scan3A_60 step %scan3A_61 iter_args(%scan3A_100 = %scan3A_57) -> (i32)  : i32 {
      %mul3A_101 = arith.constant 16 : i32
      %mul3A_102 = arith.muli %mul3A_101, %scan3A_99 : i32
      %add3A_103 = arith.addi %arg1, %mul3A_102 : i32
      %lt3A = arith.constant 250 : i32
      %lt3A_104 = arith.cmpi slt, %add3A_103, %lt3A : i32
      %convert_element_type3A = arith.extui %lt3A_104 : i1 to i32
      %cond3A = arith.constant 0 : i32
      %cond3A_105 = arith.cmpi ne, %convert_element_type3A, %cond3A : i32
      scf.if %cond3A_105 {
        %mul3A_107 = arith.constant 200 : i32
        %mul3A_108 = arith.muli %add3A_103, %mul3A_107 : i32
        "tpu.region"() ({
          %run_scoped3A = tpu.sem_alloc : memref<!tpu.dma_semaphore, #tpu.memory_space<semaphore_mem>>
          %dma_start3A = arith.constant 0 : i32
          %dma_start3A_116 = tpu.memref_slice %arg11[%mul3A_108, %dma_start3A] : memref<50000x32xf32, #tpu.memory_space<vmem_shared>> -> memref<200x32xf32, #tpu.memory_space<vmem_shared>>
          %dma_start3A_117 = arith.constant 0 : i32
          %dma_start3A_118 = tpu.memref_slice %arg11[%mul3A_108, %dma_start3A_117] : memref<50000x32xf32, #tpu.memory_space<vmem_shared>> -> memref<200x32xf32, #tpu.memory_space<vmem_shared>>
          tpu.enqueue_dma source(%dma_start3A_118 : memref<200x32xf32, #tpu.memory_space<vmem_shared>>) target(%arg10 : memref<200x32xf32, #tpu.memory_space<vmem>>) target_semaphore(%run_scoped3A : memref<!tpu.dma_semaphore, #tpu.memory_space<semaphore_mem>>)
          %dma_wait3A = arith.constant 0 : i32
          %dma_wait3A_119 = tpu.memref_slice %arg11[%mul3A_108, %dma_wait3A] : memref<50000x32xf32, #tpu.memory_space<vmem_shared>> -> memref<200x32xf32, #tpu.memory_space<vmem_shared>>
          %dma_wait3A_120 = arith.constant 0 : i32
          %dma_wait3A_121 = tpu.memref_slice %arg11[%mul3A_108, %dma_wait3A_120] : memref<50000x32xf32, #tpu.memory_space<vmem_shared>> -> memref<200x32xf32, #tpu.memory_space<vmem_shared>>
          tpu.wait_dma2 semaphore(%run_scoped3A : memref<!tpu.dma_semaphore, #tpu.memory_space<semaphore_mem>>) src(%dma_wait3A_121 : memref<200x32xf32, #tpu.memory_space<vmem_shared>>) dst(%arg10 : memref<200x32xf32, #tpu.memory_space<vmem>>)
          tpu.yield
        }) : () -> ()
        %add3A_109 = arith.constant 2 : i32
        %add3A_110 = arith.addi %add3A_109, %arg0 : i32
        %mul3A_111 = arith.constant 50000 : i32
        %mul3A_112 = arith.muli %add3A_110, %mul3A_111 : i32
        %mul3A_113 = arith.constant 200 : i32
        %mul3A_114 = arith.muli %add3A_103, %mul3A_113 : i32
        %add3A_115 = arith.addi %mul3A_112, %mul3A_114 : i32
        "tpu.region"() ({
          %run_scoped3A = tpu.sem_alloc : memref<!tpu.dma_semaphore, #tpu.memory_space<semaphore_mem>>
          %dma_start3A = arith.constant 0 : i32
          %dma_start3A_116 = tpu.memref_slice %arg5[%add3A_115, %dma_start3A] : memref<300000x32xf32, #tpu.memory_space<hbm>> -> memref<200x32xf32, #tpu.memory_space<hbm>>
          %dma_start3A_117 = arith.constant 0 : i32
          %dma_start3A_118 = tpu.memref_slice %arg5[%add3A_115, %dma_start3A_117] : memref<300000x32xf32, #tpu.memory_space<hbm>> -> memref<200x32xf32, #tpu.memory_space<hbm>>
          tpu.enqueue_dma source(%arg10 : memref<200x32xf32, #tpu.memory_space<vmem>>) target(%dma_start3A_118 : memref<200x32xf32, #tpu.memory_space<hbm>>) target_semaphore(%run_scoped3A : memref<!tpu.dma_semaphore, #tpu.memory_space<semaphore_mem>>)
          %dma_wait3A = arith.constant 0 : i32
          %dma_wait3A_119 = tpu.memref_slice %arg5[%add3A_115, %dma_wait3A] : memref<300000x32xf32, #tpu.memory_space<hbm>> -> memref<200x32xf32, #tpu.memory_space<hbm>>
          %dma_wait3A_120 = arith.constant 0 : i32
          %dma_wait3A_121 = tpu.memref_slice %arg5[%add3A_115, %dma_wait3A_120] : memref<300000x32xf32, #tpu.memory_space<hbm>> -> memref<200x32xf32, #tpu.memory_space<hbm>>
          tpu.wait_dma2 semaphore(%run_scoped3A : memref<!tpu.dma_semaphore, #tpu.memory_space<semaphore_mem>>) src(%arg10 : memref<200x32xf32, #tpu.memory_space<vmem>>) dst(%dma_wait3A_121 : memref<200x32xf32, #tpu.memory_space<hbm>>)
          tpu.yield
        }) : () -> ()
      } else {
      }
      %scan3A_106 = arith.constant 0 : i32
      scf.yield %scan3A_106 : i32
    }
    %scan3A_63 = arith.constant 16 : i32
    %scan3A_64 = arith.constant 0 : i32
    %scan3A_65 = arith.constant 0 : i32
    %scan3A_66 = arith.constant 200 : i32
    %scan3A_67 = arith.addi %scan3A_65, %scan3A_66 : i32
    %scan3A_68 = arith.constant 1 : i32
    %scan3A_69 = scf.for %scan3A_99 = %scan3A_65 to %scan3A_67 step %scan3A_68 iter_args(%scan3A_100 = %scan3A_64) -> (i32)  : i32 {
      %broadcast_in_dim3A = arith.constant 0.000000e+00 : f32
      %broadcast_in_dim3A_101 = vector.broadcast %broadcast_in_dim3A : f32 to vector<16xf32>
      %swap3A = arith.index_cast %scan3A_99 : i32 to index
      %swap3A_102 = arith.constant 0 : index
      %swap3A_103 = tpu.vector_load %arg10[%swap3A, %swap3A_102] {strides = array<i32>} : memref<200x32xf32, #tpu.memory_space<vmem>>, vector<1x16xf32>,
      %swap3A_104 = vector.shape_cast %swap3A_103 : vector<1x16xf32> to vector<16xf32>
      %swap3A_105 = vector.shape_cast %broadcast_in_dim3A_101 : vector<16xf32> to vector<1x16xf32>
      tpu.vector_store %arg10[%swap3A, %swap3A_102], %swap3A_105 {strides = array<i32>} : memref<200x32xf32, #tpu.memory_space<vmem>>, vector<1x16xf32>,
      %swap3A_106 = arith.index_cast %scan3A_99 : i32 to index
      %swap3A_107 = arith.constant 16 : index
      %swap3A_108 = tpu.vector_load %arg10[%swap3A_106, %swap3A_107] {strides = array<i32>} : memref<200x32xf32, #tpu.memory_space<vmem>>, vector<1x16xf32>,
      %swap3A_109 = vector.shape_cast %swap3A_108 : vector<1x16xf32> to vector<16xf32>
      %swap3A_110 = vector.shape_cast %broadcast_in_dim3A_101 : vector<16xf32> to vector<1x16xf32>
      tpu.vector_store %arg10[%swap3A_106, %swap3A_107], %swap3A_110 {strides = array<i32>} : memref<200x32xf32, #tpu.memory_space<vmem>>, vector<1x16xf32>,
      %scan3A_111 = arith.constant 0 : i32
      scf.yield %scan3A_111 : i32
    }
    %scan3A_70 = arith.constant 200 : i32
    %scan3A_71 = arith.constant 0 : i32
    %scan3A_72 = arith.constant 0 : i32
    %scan3A_73 = arith.constant 16 : i32
    %scan3A_74 = arith.addi %scan3A_72, %scan3A_73 : i32
    %scan3A_75 = arith.constant 1 : i32
    %scan3A_76 = scf.for %scan3A_99 = %scan3A_72 to %scan3A_74 step %scan3A_75 iter_args(%scan3A_100 = %scan3A_71) -> (i32)  : i32 {
      %mul3A_101 = arith.constant 16 : i32
      %mul3A_102 = arith.muli %mul3A_101, %scan3A_99 : i32
      %add3A_103 = arith.addi %arg1, %mul3A_102 : i32
      %lt3A = arith.constant 250 : i32
      %lt3A_104 = arith.cmpi slt, %add3A_103, %lt3A : i32
      %convert_element_type3A = arith.extui %lt3A_104 : i1 to i32
      %cond3A = arith.constant 0 : i32
      %cond3A_105 = arith.cmpi ne, %convert_element_type3A, %cond3A : i32
      scf.if %cond3A_105 {
        %mul3A_107 = arith.constant 200 : i32
        %mul3A_108 = arith.muli %add3A_103, %mul3A_107 : i32
        "tpu.region"() ({
          %run_scoped3A = tpu.sem_alloc : memref<!tpu.dma_semaphore, #tpu.memory_space<semaphore_mem>>
          %dma_start3A = arith.constant 0 : i32
          %dma_start3A_109 = tpu.memref_slice %arg11[%mul3A_108, %dma_start3A] : memref<50000x32xf32, #tpu.memory_space<vmem_shared>> -> memref<200x32xf32, #tpu.memory_space<vmem_shared>>
          %dma_start3A_110 = arith.constant 0 : i32
          %dma_start3A_111 = tpu.memref_slice %arg11[%mul3A_108, %dma_start3A_110] : memref<50000x32xf32, #tpu.memory_space<vmem_shared>> -> memref<200x32xf32, #tpu.memory_space<vmem_shared>>
          tpu.enqueue_dma source(%arg10 : memref<200x32xf32, #tpu.memory_space<vmem>>) target(%dma_start3A_111 : memref<200x32xf32, #tpu.memory_space<vmem_shared>>) target_semaphore(%run_scoped3A : memref<!tpu.dma_semaphore, #tpu.memory_space<semaphore_mem>>)
          %dma_wait3A = arith.constant 0 : i32
          %dma_wait3A_112 = tpu.memref_slice %arg11[%mul3A_108, %dma_wait3A] : memref<50000x32xf32, #tpu.memory_space<vmem_shared>> -> memref<200x32xf32, #tpu.memory_space<vmem_shared>>
          %dma_wait3A_113 = arith.constant 0 : i32
          %dma_wait3A_114 = tpu.memref_slice %arg11[%mul3A_108, %dma_wait3A_113] : memref<50000x32xf32, #tpu.memory_space<vmem_shared>> -> memref<200x32xf32, #tpu.memory_space<vmem_shared>>
          tpu.wait_dma2 semaphore(%run_scoped3A : memref<!tpu.dma_semaphore, #tpu.memory_space<semaphore_mem>>) src(%arg10 : memref<200x32xf32, #tpu.memory_space<vmem>>) dst(%dma_wait3A_114 : memref<200x32xf32, #tpu.memory_space<vmem_shared>>)
          tpu.yield
        }) : () -> ()
      } else {
      }
      %scan3A_106 = arith.constant 0 : i32
      scf.yield %scan3A_106 : i32
    }
    %scan3A_77 = arith.constant 16 : i32
    %barrier3A_78 = arith.constant 0 : index
    tpu.barrier barrier_id(%barrier3A_78)
    %mul3A_79 = arith.constant 50000 : i32
    %mul3A_80 = arith.muli %arg0, %mul3A_79 : i32
    %add3A_81 = arith.constant 200000 : i32
    %add3A_82 = arith.addi %add3A_81, %mul3A_80 : i32
    %scan3A_83 = arith.constant 0 : i32
    %scan3A_84 = arith.constant 0 : i32
    %scan3A_85 = arith.constant 125 : i32
    %scan3A_86 = arith.addi %scan3A_84, %scan3A_85 : i32
    %scan3A_87 = arith.constant 1 : i32
    %scan3A_88 = scf.for %scan3A_99 = %scan3A_84 to %scan3A_86 step %scan3A_87 iter_args(%scan3A_100 = %scan3A_83) -> (i32)  : i32 {
      %mul3A_101 = arith.constant 16 : i32
      %mul3A_102 = arith.muli %mul3A_101, %scan3A_99 : i32
      %add3A_103 = arith.addi %arg1, %mul3A_102 : i32
      %lt3A = arith.constant 2000 : i32
      %lt3A_104 = arith.cmpi slt, %add3A_103, %lt3A : i32
      %convert_element_type3A = arith.extui %lt3A_104 : i1 to i32
      %cond3A = arith.constant 0 : i32
      %cond3A_105 = arith.cmpi ne, %convert_element_type3A, %cond3A : i32
      scf.if %cond3A_105 {
        %mul3A_107 = arith.constant 400 : i32
        %mul3A_108 = arith.muli %add3A_103, %mul3A_107 : i32
        %add3A_109 = arith.constant 1600000 : i32
        %add3A_110 = arith.addi %add3A_109, %mul3A_108 : i32
        "tpu.region"() ({
          %run_scoped3A = tpu.sem_alloc : memref<!tpu.dma_semaphore, #tpu.memory_space<semaphore_mem>>
          %dma_start3A_126 = tpu.memref_slice %arg2[%add3A_110] : memref<2400000xi32, #tpu.memory_space<hbm>> -> memref<400xi32, #tpu.memory_space<hbm>>
          %dma_start3A_127 = tpu.memref_slice %arg2[%add3A_110] : memref<2400000xi32, #tpu.memory_space<hbm>> -> memref<400xi32, #tpu.memory_space<hbm>>
          tpu.enqueue_dma source(%dma_start3A_127 : memref<400xi32, #tpu.memory_space<hbm>>) target(%arg6 : memref<400xi32, #tpu.memory_space<vmem>>) target_semaphore(%run_scoped3A : memref<!tpu.dma_semaphore, #tpu.memory_space<semaphore_mem>>)
          %dma_wait3A_128 = tpu.memref_slice %arg2[%add3A_110] : memref<2400000xi32, #tpu.memory_space<hbm>> -> memref<400xi32, #tpu.memory_space<hbm>>
          %dma_wait3A_129 = tpu.memref_slice %arg2[%add3A_110] : memref<2400000xi32, #tpu.memory_space<hbm>> -> memref<400xi32, #tpu.memory_space<hbm>>
          tpu.wait_dma2 semaphore(%run_scoped3A : memref<!tpu.dma_semaphore, #tpu.memory_space<semaphore_mem>>) src(%dma_wait3A_129 : memref<400xi32, #tpu.memory_space<hbm>>) dst(%arg6 : memref<400xi32, #tpu.memory_space<vmem>>)
          tpu.yield
        }) : () -> ()
        %mul3A_111 = arith.constant 400 : i32
        %mul3A_112 = arith.muli %add3A_103, %mul3A_111 : i32
        %add3A_113 = arith.constant 1600000 : i32
        %add3A_114 = arith.addi %add3A_113, %mul3A_112 : i32
        "tpu.region"() ({
          %run_scoped3A = tpu.sem_alloc : memref<!tpu.dma_semaphore, #tpu.memory_space<semaphore_mem>>
          %dma_start3A_126 = tpu.memref_slice %arg3[%add3A_114] : memref<2400000xi32, #tpu.memory_space<hbm>> -> memref<400xi32, #tpu.memory_space<hbm>>
          %dma_start3A_127 = tpu.memref_slice %arg3[%add3A_114] : memref<2400000xi32, #tpu.memory_space<hbm>> -> memref<400xi32, #tpu.memory_space<hbm>>
          tpu.enqueue_dma source(%dma_start3A_127 : memref<400xi32, #tpu.memory_space<hbm>>) target(%arg8 : memref<400xi32, #tpu.memory_space<vmem>>) target_semaphore(%run_scoped3A : memref<!tpu.dma_semaphore, #tpu.memory_space<semaphore_mem>>)
          %dma_wait3A_128 = tpu.memref_slice %arg3[%add3A_114] : memref<2400000xi32, #tpu.memory_space<hbm>> -> memref<400xi32, #tpu.memory_space<hbm>>
          %dma_wait3A_129 = tpu.memref_slice %arg3[%add3A_114] : memref<2400000xi32, #tpu.memory_space<hbm>> -> memref<400xi32, #tpu.memory_space<hbm>>
          tpu.wait_dma2 semaphore(%run_scoped3A : memref<!tpu.dma_semaphore, #tpu.memory_space<semaphore_mem>>) src(%dma_wait3A_129 : memref<400xi32, #tpu.memory_space<hbm>>) dst(%arg8 : memref<400xi32, #tpu.memory_space<vmem>>)
          tpu.yield
        }) : () -> ()
        %scan3A_115 = arith.constant 0 : i32
        %scan3A_116 = arith.constant 0 : i32
        %scan3A_117 = arith.constant 25 : i32
        %scan3A_118 = arith.addi %scan3A_116, %scan3A_117 : i32
        %scan3A_119 = arith.constant 1 : i32
        %scan3A_120 = scf.for %scan3A_126 = %scan3A_116 to %scan3A_118 step %scan3A_119 iter_args(%scan3A_127 = %scan3A_115) -> (i32)  : i32 {
          %mul3A_128 = arith.constant 16 : i32
          %mul3A_129 = arith.muli %scan3A_126, %mul3A_128 : i32
          %get3A = arith.index_cast %mul3A_129 : i32 to index
          %get3A_130 = tpu.vector_load %arg6[%get3A] {strides = array<i32>} : memref<400xi32, #tpu.memory_space<vmem>>, vector<16xi32>,
          %get3A_131 = vector.shape_cast %get3A_130 : vector<16xi32> to vector<16xi32>
          %add3A_132 = vector.broadcast %add3A_82 : i32 to vector<16xi32>
          %add3A_133 = arith.addi %get3A_131, %add3A_132 : vector<16xi32>
          %mul3A_134 = arith.constant 16 : i32
          %mul3A_135 = arith.muli %scan3A_126, %mul3A_134 : i32
          %swap3A = arith.index_cast %mul3A_135 : i32 to index
          %swap3A_136 = tpu.vector_load %arg7[%swap3A] {strides = array<i32>} : memref<400xi32, #tpu.memory_space<vmem>>, vector<16xi32>,
          %swap3A_137 = vector.shape_cast %swap3A_136 : vector<16xi32> to vector<16xi32>
          %swap3A_138 = vector.shape_cast %add3A_133 : vector<16xi32> to vector<16xi32>
          tpu.vector_store %arg7[%swap3A], %swap3A_138 {strides = array<i32>} : memref<400xi32, #tpu.memory_space<vmem>>, vector<16xi32>,
          %scan3A_139 = arith.constant 0 : i32
          scf.yield %scan3A_139 : i32
        }
        %scan3A_121 = arith.constant 25 : i32
        %dma_start3A = arith.constant 0 : i32
        %dma_start3A_122 = arith.constant 0 : i32
        %dma_start3A_123 = tpu.memref_slice %arg4[%dma_start3A, %dma_start3A_122] : memref<300000x32xf32, #tpu.memory_space<hbm>> -> memref<300000x32xf32, #tpu.memory_space<hbm>>
        tpu.enqueue_indirect_dma source(%dma_start3A_123 : memref<300000x32xf32, #tpu.memory_space<hbm>>) target(%arg9 : memref<400x32xf32, #tpu.memory_space<vmem>>) offsets(%arg7 : memref<400xi32, #tpu.memory_space<vmem>>) semaphore(%arg12 : memref<!tpu.dma_semaphore, #tpu.memory_space<semaphore_mem>>)
        %dma_wait3A = arith.constant 0 : i32
        %dma_wait3A_124 = arith.constant 0 : i32
        %dma_wait3A_125 = tpu.memref_slice %arg4[%dma_wait3A, %dma_wait3A_124] : memref<300000x32xf32, #tpu.memory_space<hbm>> -> memref<300000x32xf32, #tpu.memory_space<hbm>>
        tpu.wait_indirect_dma semaphore(%arg12 : memref<!tpu.dma_semaphore, #tpu.memory_space<semaphore_mem>>) src(%dma_wait3A_125 : memref<300000x32xf32, #tpu.memory_space<hbm>>) dst(%arg9 : memref<400x32xf32, #tpu.memory_space<vmem>>)
        "tpu.region"() ({
          %run_scoped3A = tpu.sem_alloc : memref<!tpu.dma_semaphore, #tpu.memory_space<semaphore_mem>>
          %dma_start3A_126 = arith.constant 0 : i32
          %dma_start3A_127 = arith.constant 0 : i32
          %dma_start3A_128 = tpu.memref_slice %arg11[%dma_start3A_126, %dma_start3A_127] : memref<50000x32xf32, #tpu.memory_space<vmem_shared>> -> memref<50000x32xf32, #tpu.memory_space<vmem_shared>>
          tpu.enqueue_indirect_dma source(%arg9 : memref<400x32xf32, #tpu.memory_space<vmem>>) target(%dma_start3A_128 : memref<50000x32xf32, #tpu.memory_space<vmem_shared>>) offsets(%arg8 : memref<400xi32, #tpu.memory_space<vmem>>) semaphore(%run_scoped3A : memref<!tpu.dma_semaphore, #tpu.memory_space<semaphore_mem>>) {add = true}
          %dma_wait3A_129 = arith.constant 0 : i32
          %dma_wait3A_130 = arith.constant 0 : i32
          %dma_wait3A_131 = tpu.memref_slice %arg11[%dma_wait3A_129, %dma_wait3A_130] : memref<50000x32xf32, #tpu.memory_space<vmem_shared>> -> memref<50000x32xf32, #tpu.memory_space<vmem_shared>>
          tpu.wait_indirect_dma semaphore(%run_scoped3A : memref<!tpu.dma_semaphore, #tpu.memory_space<semaphore_mem>>) src(%arg9 : memref<400x32xf32, #tpu.memory_space<vmem>>) dst(%dma_wait3A_131 : memref<50000x32xf32, #tpu.memory_space<vmem_shared>>)
          tpu.yield
        }) : () -> ()
      } else {
      }
      %scan3A_106 = arith.constant 0 : i32
      scf.yield %scan3A_106 : i32
    }
    %scan3A_89 = arith.constant 125 : i32
    %barrier3A_90 = arith.constant 0 : index
    tpu.barrier barrier_id(%barrier3A_90)
    %scan3A_91 = arith.constant 0 : i32
    %scan3A_92 = arith.constant 0 : i32
    %scan3A_93 = arith.constant 16 : i32
    %scan3A_94 = arith.addi %scan3A_92, %scan3A_93 : i32
    %scan3A_95 = arith.constant 1 : i32
    %scan3A_96 = scf.for %scan3A_99 = %scan3A_92 to %scan3A_94 step %scan3A_95 iter_args(%scan3A_100 = %scan3A_91) -> (i32)  : i32 {
      %mul3A_101 = arith.constant 16 : i32
      %mul3A_102 = arith.muli %mul3A_101, %scan3A_99 : i32
      %add3A_103 = arith.addi %arg1, %mul3A_102 : i32
      %lt3A = arith.constant 250 : i32
      %lt3A_104 = arith.cmpi slt, %add3A_103, %lt3A : i32
      %convert_element_type3A = arith.extui %lt3A_104 : i1 to i32
      %cond3A = arith.constant 0 : i32
      %cond3A_105 = arith.cmpi ne, %convert_element_type3A, %cond3A : i32
      scf.if %cond3A_105 {
        %mul3A_107 = arith.constant 200 : i32
        %mul3A_108 = arith.muli %add3A_103, %mul3A_107 : i32
        "tpu.region"() ({
          %run_scoped3A = tpu.sem_alloc : memref<!tpu.dma_semaphore, #tpu.memory_space<semaphore_mem>>
          %dma_start3A = arith.constant 0 : i32
          %dma_start3A_116 = tpu.memref_slice %arg11[%mul3A_108, %dma_start3A] : memref<50000x32xf32, #tpu.memory_space<vmem_shared>> -> memref<200x32xf32, #tpu.memory_space<vmem_shared>>
          %dma_start3A_117 = arith.constant 0 : i32
          %dma_start3A_118 = tpu.memref_slice %arg11[%mul3A_108, %dma_start3A_117] : memref<50000x32xf32, #tpu.memory_space<vmem_shared>> -> memref<200x32xf32, #tpu.memory_space<vmem_shared>>
          tpu.enqueue_dma source(%dma_start3A_118 : memref<200x32xf32, #tpu.memory_space<vmem_shared>>) target(%arg10 : memref<200x32xf32, #tpu.memory_space<vmem>>) target_semaphore(%run_scoped3A : memref<!tpu.dma_semaphore, #tpu.memory_space<semaphore_mem>>)
          %dma_wait3A = arith.constant 0 : i32
          %dma_wait3A_119 = tpu.memref_slice %arg11[%mul3A_108, %dma_wait3A] : memref<50000x32xf32, #tpu.memory_space<vmem_shared>> -> memref<200x32xf32, #tpu.memory_space<vmem_shared>>
          %dma_wait3A_120 = arith.constant 0 : i32
          %dma_wait3A_121 = tpu.memref_slice %arg11[%mul3A_108, %dma_wait3A_120] : memref<50000x32xf32, #tpu.memory_space<vmem_shared>> -> memref<200x32xf32, #tpu.memory_space<vmem_shared>>
          tpu.wait_dma2 semaphore(%run_scoped3A : memref<!tpu.dma_semaphore, #tpu.memory_space<semaphore_mem>>) src(%dma_wait3A_121 : memref<200x32xf32, #tpu.memory_space<vmem_shared>>) dst(%arg10 : memref<200x32xf32, #tpu.memory_space<vmem>>)
          tpu.yield
        }) : () -> ()
        %add3A_109 = arith.constant 4 : i32
        %add3A_110 = arith.addi %add3A_109, %arg0 : i32
        %mul3A_111 = arith.constant 50000 : i32
        %mul3A_112 = arith.muli %add3A_110, %mul3A_111 : i32
        %mul3A_113 = arith.constant 200 : i32
        %mul3A_114 = arith.muli %add3A_103, %mul3A_113 : i32
        %add3A_115 = arith.addi %mul3A_112, %mul3A_114 : i32
        "tpu.region"() ({
          %run_scoped3A = tpu.sem_alloc : memref<!tpu.dma_semaphore, #tpu.memory_space<semaphore_mem>>
          %dma_start3A = arith.constant 0 : i32
          %dma_start3A_116 = tpu.memref_slice %arg5[%add3A_115, %dma_start3A] : memref<300000x32xf32, #tpu.memory_space<hbm>> -> memref<200x32xf32, #tpu.memory_space<hbm>>
          %dma_start3A_117 = arith.constant 0 : i32
          %dma_start3A_118 = tpu.memref_slice %arg5[%add3A_115, %dma_start3A_117] : memref<300000x32xf32, #tpu.memory_space<hbm>> -> memref<200x32xf32, #tpu.memory_space<hbm>>
          tpu.enqueue_dma source(%arg10 : memref<200x32xf32, #tpu.memory_space<vmem>>) target(%dma_start3A_118 : memref<200x32xf32, #tpu.memory_space<hbm>>) target_semaphore(%run_scoped3A : memref<!tpu.dma_semaphore, #tpu.memory_space<semaphore_mem>>)
          %dma_wait3A = arith.constant 0 : i32
          %dma_wait3A_119 = tpu.memref_slice %arg5[%add3A_115, %dma_wait3A] : memref<300000x32xf32, #tpu.memory_space<hbm>> -> memref<200x32xf32, #tpu.memory_space<hbm>>
          %dma_wait3A_120 = arith.constant 0 : i32
          %dma_wait3A_121 = tpu.memref_slice %arg5[%add3A_115, %dma_wait3A_120] : memref<300000x32xf32, #tpu.memory_space<hbm>> -> memref<200x32xf32, #tpu.memory_space<hbm>>
          tpu.wait_dma2 semaphore(%run_scoped3A : memref<!tpu.dma_semaphore, #tpu.memory_space<semaphore_mem>>) src(%arg10 : memref<200x32xf32, #tpu.memory_space<vmem>>) dst(%dma_wait3A_121 : memref<200x32xf32, #tpu.memory_space<hbm>>)
          tpu.yield
        }) : () -> ()
      } else {
      }
      %scan3A_106 = arith.constant 0 : i32
      scf.yield %scan3A_106 : i32
    }
    %scan3A_97 = arith.constant 16 : i32
    %barrier3A_98 = arith.constant 0 : index
    tpu.barrier barrier_id(%barrier3A_98)
    return
  }
}

#map = affine_map<(d0, d1) -> (0)>
#map1 = affine_map<(d0, d1) -> (0, 0)>
module attributes {stable_mosaic.version = 14 : i64} {
  func.func @_sc_headg_body(%arg0: i32, %arg1: i32, %arg2: memref<32768xi32, #tpu.memory_space<hbm>>, %arg3: memref<32768xi32, #tpu.memory_space<hbm>>, %arg4: memref<300000x32xf32, #tpu.memory_space<hbm>>, %arg5: memref<150000xf32, #tpu.memory_space<hbm>>, %arg6: memref<150000xf32, #tpu.memory_space<hbm>>, %arg7: memref<32768x32xf32, #tpu.memory_space<hbm>>, %arg8: memref<32768x32xf32, #tpu.memory_space<hbm>>, %arg9: memref<32768xf32, #tpu.memory_space<hbm>>, %arg10: memref<32768xf32, #tpu.memory_space<hbm>>, %arg11: memref<512xi32, #tpu.memory_space<vmem>>, %arg12: memref<512xi32, #tpu.memory_space<vmem>>, %arg13: memref<512xi32, #tpu.memory_space<vmem>>, %arg14: memref<512xi32, #tpu.memory_space<vmem>>, %arg15: memref<512xi32, #tpu.memory_space<vmem>>, %arg16: memref<512x32xf32, #tpu.memory_space<vmem>>, %arg17: memref<512x32xf32, #tpu.memory_space<vmem>>, %arg18: memref<512xf32, #tpu.memory_space<vmem>>, %arg19: memref<512xf32, #tpu.memory_space<vmem>>, %arg20: memref<!tpu.dma_semaphore, #tpu.memory_space<semaphore_mem>>) attributes {dimension_semantics = [#tpu.dimension_semantics<core_parallel>, #tpu.dimension_semantics<subcore_parallel>], iteration_bounds = array<i64: 2, 16>, scalar_prefetch = 0 : i64, scratch_operands = 10 : i64, tpu.core_type = #tpu.core_type<sc_vector_subcore>, window_params = [{transform_indices = #map}, {transform_indices = #map}, {transform_indices = #map1}, {transform_indices = #map}, {transform_indices = #map}, {transform_indices = #map1}, {transform_indices = #map1}, {transform_indices = #map}, {transform_indices = #map}]} {
    %mul3A = arith.constant 16 : i32
    %mul3A_0 = arith.muli %arg0, %mul3A : i32
    %add3A = arith.addi %mul3A_0, %arg1 : i32
    %scan3A = arith.constant 0 : i32
    %scan3A_1 = arith.constant 0 : i32
    %scan3A_2 = arith.constant 2 : i32
    %scan3A_3 = arith.addi %scan3A_1, %scan3A_2 : i32
    %scan3A_4 = arith.constant 1 : i32
    %scan3A_5 = scf.for %scan3A_7 = %scan3A_1 to %scan3A_3 step %scan3A_4 iter_args(%scan3A_8 = %scan3A) -> (i32)  : i32 {
      %mul3A_9 = arith.constant 1024 : i32
      %mul3A_10 = arith.muli %add3A, %mul3A_9 : i32
      %mul3A_11 = arith.constant 512 : i32
      %mul3A_12 = arith.muli %scan3A_7, %mul3A_11 : i32
      %add3A_13 = arith.addi %mul3A_10, %mul3A_12 : i32
      "tpu.region"() ({
        %run_scoped3A = tpu.sem_alloc : memref<!tpu.dma_semaphore, #tpu.memory_space<semaphore_mem>>
        %dma_start3A_40 = tpu.memref_slice %arg2[%add3A_13] : memref<32768xi32, #tpu.memory_space<hbm>> -> memref<512xi32, #tpu.memory_space<hbm>>
        %dma_start3A_41 = tpu.memref_slice %arg2[%add3A_13] : memref<32768xi32, #tpu.memory_space<hbm>> -> memref<512xi32, #tpu.memory_space<hbm>>
        tpu.enqueue_dma source(%dma_start3A_41 : memref<512xi32, #tpu.memory_space<hbm>>) target(%arg11 : memref<512xi32, #tpu.memory_space<vmem>>) target_semaphore(%run_scoped3A : memref<!tpu.dma_semaphore, #tpu.memory_space<semaphore_mem>>)
        %dma_wait3A_42 = tpu.memref_slice %arg2[%add3A_13] : memref<32768xi32, #tpu.memory_space<hbm>> -> memref<512xi32, #tpu.memory_space<hbm>>
        %dma_wait3A_43 = tpu.memref_slice %arg2[%add3A_13] : memref<32768xi32, #tpu.memory_space<hbm>> -> memref<512xi32, #tpu.memory_space<hbm>>
        tpu.wait_dma2 semaphore(%run_scoped3A : memref<!tpu.dma_semaphore, #tpu.memory_space<semaphore_mem>>) src(%dma_wait3A_43 : memref<512xi32, #tpu.memory_space<hbm>>) dst(%arg11 : memref<512xi32, #tpu.memory_space<vmem>>)
        tpu.yield
      }) : () -> ()
      "tpu.region"() ({
        %run_scoped3A = tpu.sem_alloc : memref<!tpu.dma_semaphore, #tpu.memory_space<semaphore_mem>>
        %dma_start3A_40 = tpu.memref_slice %arg3[%add3A_13] : memref<32768xi32, #tpu.memory_space<hbm>> -> memref<512xi32, #tpu.memory_space<hbm>>
        %dma_start3A_41 = tpu.memref_slice %arg3[%add3A_13] : memref<32768xi32, #tpu.memory_space<hbm>> -> memref<512xi32, #tpu.memory_space<hbm>>
        tpu.enqueue_dma source(%dma_start3A_41 : memref<512xi32, #tpu.memory_space<hbm>>) target(%arg12 : memref<512xi32, #tpu.memory_space<vmem>>) target_semaphore(%run_scoped3A : memref<!tpu.dma_semaphore, #tpu.memory_space<semaphore_mem>>)
        %dma_wait3A_42 = tpu.memref_slice %arg3[%add3A_13] : memref<32768xi32, #tpu.memory_space<hbm>> -> memref<512xi32, #tpu.memory_space<hbm>>
        %dma_wait3A_43 = tpu.memref_slice %arg3[%add3A_13] : memref<32768xi32, #tpu.memory_space<hbm>> -> memref<512xi32, #tpu.memory_space<hbm>>
        tpu.wait_dma2 semaphore(%run_scoped3A : memref<!tpu.dma_semaphore, #tpu.memory_space<semaphore_mem>>) src(%dma_wait3A_43 : memref<512xi32, #tpu.memory_space<hbm>>) dst(%arg12 : memref<512xi32, #tpu.memory_space<vmem>>)
        tpu.yield
      }) : () -> ()
      %scan3A_14 = arith.constant 0 : i32
      %scan3A_15 = arith.constant 0 : i32
      %scan3A_16 = arith.constant 32 : i32
      %scan3A_17 = arith.addi %scan3A_15, %scan3A_16 : i32
      %scan3A_18 = arith.constant 1 : i32
      %scan3A_19 = scf.for %scan3A_40 = %scan3A_15 to %scan3A_17 step %scan3A_18 iter_args(%scan3A_41 = %scan3A_14) -> (i32)  : i32 {
        %mul3A_42 = arith.constant 16 : i32
        %mul3A_43 = arith.muli %scan3A_40, %mul3A_42 : i32
        %get3A = arith.index_cast %mul3A_43 : i32 to index
        %get3A_44 = tpu.vector_load %arg11[%get3A] {strides = array<i32>} : memref<512xi32, #tpu.memory_space<vmem>>, vector<16xi32>,
        %get3A_45 = vector.shape_cast %get3A_44 : vector<16xi32> to vector<16xi32>
        %mul3A_46 = arith.constant 16 : i32
        %mul3A_47 = arith.muli %scan3A_40, %mul3A_46 : i32
        %get3A_48 = arith.index_cast %mul3A_47 : i32 to index
        %get3A_49 = tpu.vector_load %arg12[%get3A_48] {strides = array<i32>} : memref<512xi32, #tpu.memory_space<vmem>>, vector<16xi32>,
        %get3A_50 = vector.shape_cast %get3A_49 : vector<16xi32> to vector<16xi32>
        %mul3A_51 = arith.constant 50000 : i32
        %mul3A_52 = vector.broadcast %mul3A_51 : i32 to vector<16xi32>
        %mul3A_53 = arith.muli %get3A_45, %mul3A_52 : vector<16xi32>
        %add3A_54 = arith.addi %mul3A_53, %get3A_50 : vector<16xi32>
        %mul3A_55 = arith.constant 16 : i32
        %mul3A_56 = arith.muli %scan3A_40, %mul3A_55 : i32
        %swap3A = arith.index_cast %mul3A_56 : i32 to index
        %swap3A_57 = tpu.vector_load %arg15[%swap3A] {strides = array<i32>} : memref<512xi32, #tpu.memory_space<vmem>>, vector<16xi32>,
        %swap3A_58 = vector.shape_cast %swap3A_57 : vector<16xi32> to vector<16xi32>
        %swap3A_59 = vector.shape_cast %add3A_54 : vector<16xi32> to vector<16xi32>
        tpu.vector_store %arg15[%swap3A], %swap3A_59 {strides = array<i32>} : memref<512xi32, #tpu.memory_space<vmem>>, vector<16xi32>,
        %mul3A_60 = arith.constant 100000 : i32
        %mul3A_61 = vector.broadcast %mul3A_60 : i32 to vector<16xi32>
        %mul3A_62 = arith.muli %get3A_45, %mul3A_61 : vector<16xi32>
        %add3A_63 = arith.addi %mul3A_62, %get3A_50 : vector<16xi32>
        %mul3A_64 = arith.constant 16 : i32
        %mul3A_65 = arith.muli %scan3A_40, %mul3A_64 : i32
        %swap3A_66 = arith.index_cast %mul3A_65 : i32 to index
        %swap3A_67 = tpu.vector_load %arg13[%swap3A_66] {strides = array<i32>} : memref<512xi32, #tpu.memory_space<vmem>>, vector<16xi32>,
        %swap3A_68 = vector.shape_cast %swap3A_67 : vector<16xi32> to vector<16xi32>
        %swap3A_69 = vector.shape_cast %add3A_63 : vector<16xi32> to vector<16xi32>
        tpu.vector_store %arg13[%swap3A_66], %swap3A_69 {strides = array<i32>} : memref<512xi32, #tpu.memory_space<vmem>>, vector<16xi32>,
        %add3A_70 = arith.constant 50000 : i32
        %add3A_71 = vector.broadcast %add3A_70 : i32 to vector<16xi32>
        %add3A_72 = arith.addi %add3A_63, %add3A_71 : vector<16xi32>
        %mul3A_73 = arith.constant 16 : i32
        %mul3A_74 = arith.muli %scan3A_40, %mul3A_73 : i32
        %swap3A_75 = arith.index_cast %mul3A_74 : i32 to index
        %swap3A_76 = tpu.vector_load %arg14[%swap3A_75] {strides = array<i32>} : memref<512xi32, #tpu.memory_space<vmem>>, vector<16xi32>,
        %swap3A_77 = vector.shape_cast %swap3A_76 : vector<16xi32> to vector<16xi32>
        %swap3A_78 = vector.shape_cast %add3A_72 : vector<16xi32> to vector<16xi32>
        tpu.vector_store %arg14[%swap3A_75], %swap3A_78 {strides = array<i32>} : memref<512xi32, #tpu.memory_space<vmem>>, vector<16xi32>,
        %scan3A_79 = arith.constant 0 : i32
        scf.yield %scan3A_79 : i32
      }
      %scan3A_20 = arith.constant 32 : i32
      %dma_start3A = arith.constant 0 : i32
      %dma_start3A_21 = arith.constant 0 : i32
      %dma_start3A_22 = tpu.memref_slice %arg4[%dma_start3A, %dma_start3A_21] : memref<300000x32xf32, #tpu.memory_space<hbm>> -> memref<300000x32xf32, #tpu.memory_space<hbm>>
      tpu.enqueue_indirect_dma source(%dma_start3A_22 : memref<300000x32xf32, #tpu.memory_space<hbm>>) target(%arg16 : memref<512x32xf32, #tpu.memory_space<vmem>>) offsets(%arg13 : memref<512xi32, #tpu.memory_space<vmem>>) semaphore(%arg20 : memref<!tpu.dma_semaphore, #tpu.memory_space<semaphore_mem>>)
      %dma_wait3A = arith.constant 0 : i32
      %dma_wait3A_23 = arith.constant 0 : i32
      %dma_wait3A_24 = tpu.memref_slice %arg4[%dma_wait3A, %dma_wait3A_23] : memref<300000x32xf32, #tpu.memory_space<hbm>> -> memref<300000x32xf32, #tpu.memory_space<hbm>>
      tpu.wait_indirect_dma semaphore(%arg20 : memref<!tpu.dma_semaphore, #tpu.memory_space<semaphore_mem>>) src(%dma_wait3A_24 : memref<300000x32xf32, #tpu.memory_space<hbm>>) dst(%arg16 : memref<512x32xf32, #tpu.memory_space<vmem>>)
      %dma_start3A_25 = arith.constant 0 : i32
      %dma_start3A_26 = arith.constant 0 : i32
      %dma_start3A_27 = tpu.memref_slice %arg4[%dma_start3A_25, %dma_start3A_26] : memref<300000x32xf32, #tpu.memory_space<hbm>> -> memref<300000x32xf32, #tpu.memory_space<hbm>>
      tpu.enqueue_indirect_dma source(%dma_start3A_27 : memref<300000x32xf32, #tpu.memory_space<hbm>>) target(%arg17 : memref<512x32xf32, #tpu.memory_space<vmem>>) offsets(%arg14 : memref<512xi32, #tpu.memory_space<vmem>>) semaphore(%arg20 : memref<!tpu.dma_semaphore, #tpu.memory_space<semaphore_mem>>)
      %dma_wait3A_28 = arith.constant 0 : i32
      %dma_wait3A_29 = arith.constant 0 : i32
      %dma_wait3A_30 = tpu.memref_slice %arg4[%dma_wait3A_28, %dma_wait3A_29] : memref<300000x32xf32, #tpu.memory_space<hbm>> -> memref<300000x32xf32, #tpu.memory_space<hbm>>
      tpu.wait_indirect_dma semaphore(%arg20 : memref<!tpu.dma_semaphore, #tpu.memory_space<semaphore_mem>>) src(%dma_wait3A_30 : memref<300000x32xf32, #tpu.memory_space<hbm>>) dst(%arg17 : memref<512x32xf32, #tpu.memory_space<vmem>>)
      %dma_start3A_31 = arith.constant 0 : i32
      %dma_start3A_32 = tpu.memref_slice %arg5[%dma_start3A_31] : memref<150000xf32, #tpu.memory_space<hbm>> -> memref<150000xf32, #tpu.memory_space<hbm>>
      tpu.enqueue_indirect_dma source(%dma_start3A_32 : memref<150000xf32, #tpu.memory_space<hbm>>) target(%arg18 : memref<512xf32, #tpu.memory_space<vmem>>) offsets(%arg15 : memref<512xi32, #tpu.memory_space<vmem>>) semaphore(%arg20 : memref<!tpu.dma_semaphore, #tpu.memory_space<semaphore_mem>>)
      %dma_wait3A_33 = arith.constant 0 : i32
      %dma_wait3A_34 = tpu.memref_slice %arg5[%dma_wait3A_33] : memref<150000xf32, #tpu.memory_space<hbm>> -> memref<150000xf32, #tpu.memory_space<hbm>>
      tpu.wait_indirect_dma semaphore(%arg20 : memref<!tpu.dma_semaphore, #tpu.memory_space<semaphore_mem>>) src(%dma_wait3A_34 : memref<150000xf32, #tpu.memory_space<hbm>>) dst(%arg18 : memref<512xf32, #tpu.memory_space<vmem>>)
      %dma_start3A_35 = arith.constant 0 : i32
      %dma_start3A_36 = tpu.memref_slice %arg6[%dma_start3A_35] : memref<150000xf32, #tpu.memory_space<hbm>> -> memref<150000xf32, #tpu.memory_space<hbm>>
      tpu.enqueue_indirect_dma source(%dma_start3A_36 : memref<150000xf32, #tpu.memory_space<hbm>>) target(%arg19 : memref<512xf32, #tpu.memory_space<vmem>>) offsets(%arg15 : memref<512xi32, #tpu.memory_space<vmem>>) semaphore(%arg20 : memref<!tpu.dma_semaphore, #tpu.memory_space<semaphore_mem>>)
      %dma_wait3A_37 = arith.constant 0 : i32
      %dma_wait3A_38 = tpu.memref_slice %arg6[%dma_wait3A_37] : memref<150000xf32, #tpu.memory_space<hbm>> -> memref<150000xf32, #tpu.memory_space<hbm>>
      tpu.wait_indirect_dma semaphore(%arg20 : memref<!tpu.dma_semaphore, #tpu.memory_space<semaphore_mem>>) src(%dma_wait3A_38 : memref<150000xf32, #tpu.memory_space<hbm>>) dst(%arg19 : memref<512xf32, #tpu.memory_space<vmem>>)
      "tpu.region"() ({
        %run_scoped3A = tpu.sem_alloc : memref<!tpu.dma_semaphore, #tpu.memory_space<semaphore_mem>>
        %dma_start3A_40 = arith.constant 0 : i32
        %dma_start3A_41 = tpu.memref_slice %arg7[%add3A_13, %dma_start3A_40] : memref<32768x32xf32, #tpu.memory_space<hbm>> -> memref<512x32xf32, #tpu.memory_space<hbm>>
        %dma_start3A_42 = arith.constant 0 : i32
        %dma_start3A_43 = tpu.memref_slice %arg7[%add3A_13, %dma_start3A_42] : memref<32768x32xf32, #tpu.memory_space<hbm>> -> memref<512x32xf32, #tpu.memory_space<hbm>>
        tpu.enqueue_dma source(%arg16 : memref<512x32xf32, #tpu.memory_space<vmem>>) target(%dma_start3A_43 : memref<512x32xf32, #tpu.memory_space<hbm>>) target_semaphore(%run_scoped3A : memref<!tpu.dma_semaphore, #tpu.memory_space<semaphore_mem>>)
        %dma_wait3A_44 = arith.constant 0 : i32
        %dma_wait3A_45 = tpu.memref_slice %arg7[%add3A_13, %dma_wait3A_44] : memref<32768x32xf32, #tpu.memory_space<hbm>> -> memref<512x32xf32, #tpu.memory_space<hbm>>
        %dma_wait3A_46 = arith.constant 0 : i32
        %dma_wait3A_47 = tpu.memref_slice %arg7[%add3A_13, %dma_wait3A_46] : memref<32768x32xf32, #tpu.memory_space<hbm>> -> memref<512x32xf32, #tpu.memory_space<hbm>>
        tpu.wait_dma2 semaphore(%run_scoped3A : memref<!tpu.dma_semaphore, #tpu.memory_space<semaphore_mem>>) src(%arg16 : memref<512x32xf32, #tpu.memory_space<vmem>>) dst(%dma_wait3A_47 : memref<512x32xf32, #tpu.memory_space<hbm>>)
        tpu.yield
      }) : () -> ()
      "tpu.region"() ({
        %run_scoped3A = tpu.sem_alloc : memref<!tpu.dma_semaphore, #tpu.memory_space<semaphore_mem>>
        %dma_start3A_40 = arith.constant 0 : i32
        %dma_start3A_41 = tpu.memref_slice %arg8[%add3A_13, %dma_start3A_40] : memref<32768x32xf32, #tpu.memory_space<hbm>> -> memref<512x32xf32, #tpu.memory_space<hbm>>
        %dma_start3A_42 = arith.constant 0 : i32
        %dma_start3A_43 = tpu.memref_slice %arg8[%add3A_13, %dma_start3A_42] : memref<32768x32xf32, #tpu.memory_space<hbm>> -> memref<512x32xf32, #tpu.memory_space<hbm>>
        tpu.enqueue_dma source(%arg17 : memref<512x32xf32, #tpu.memory_space<vmem>>) target(%dma_start3A_43 : memref<512x32xf32, #tpu.memory_space<hbm>>) target_semaphore(%run_scoped3A : memref<!tpu.dma_semaphore, #tpu.memory_space<semaphore_mem>>)
        %dma_wait3A_44 = arith.constant 0 : i32
        %dma_wait3A_45 = tpu.memref_slice %arg8[%add3A_13, %dma_wait3A_44] : memref<32768x32xf32, #tpu.memory_space<hbm>> -> memref<512x32xf32, #tpu.memory_space<hbm>>
        %dma_wait3A_46 = arith.constant 0 : i32
        %dma_wait3A_47 = tpu.memref_slice %arg8[%add3A_13, %dma_wait3A_46] : memref<32768x32xf32, #tpu.memory_space<hbm>> -> memref<512x32xf32, #tpu.memory_space<hbm>>
        tpu.wait_dma2 semaphore(%run_scoped3A : memref<!tpu.dma_semaphore, #tpu.memory_space<semaphore_mem>>) src(%arg17 : memref<512x32xf32, #tpu.memory_space<vmem>>) dst(%dma_wait3A_47 : memref<512x32xf32, #tpu.memory_space<hbm>>)
        tpu.yield
      }) : () -> ()
      "tpu.region"() ({
        %run_scoped3A = tpu.sem_alloc : memref<!tpu.dma_semaphore, #tpu.memory_space<semaphore_mem>>
        %dma_start3A_40 = tpu.memref_slice %arg9[%add3A_13] : memref<32768xf32, #tpu.memory_space<hbm>> -> memref<512xf32, #tpu.memory_space<hbm>>
        %dma_start3A_41 = tpu.memref_slice %arg9[%add3A_13] : memref<32768xf32, #tpu.memory_space<hbm>> -> memref<512xf32, #tpu.memory_space<hbm>>
        tpu.enqueue_dma source(%arg18 : memref<512xf32, #tpu.memory_space<vmem>>) target(%dma_start3A_41 : memref<512xf32, #tpu.memory_space<hbm>>) target_semaphore(%run_scoped3A : memref<!tpu.dma_semaphore, #tpu.memory_space<semaphore_mem>>)
        %dma_wait3A_42 = tpu.memref_slice %arg9[%add3A_13] : memref<32768xf32, #tpu.memory_space<hbm>> -> memref<512xf32, #tpu.memory_space<hbm>>
        %dma_wait3A_43 = tpu.memref_slice %arg9[%add3A_13] : memref<32768xf32, #tpu.memory_space<hbm>> -> memref<512xf32, #tpu.memory_space<hbm>>
        tpu.wait_dma2 semaphore(%run_scoped3A : memref<!tpu.dma_semaphore, #tpu.memory_space<semaphore_mem>>) src(%arg18 : memref<512xf32, #tpu.memory_space<vmem>>) dst(%dma_wait3A_43 : memref<512xf32, #tpu.memory_space<hbm>>)
        tpu.yield
      }) : () -> ()
      "tpu.region"() ({
        %run_scoped3A = tpu.sem_alloc : memref<!tpu.dma_semaphore, #tpu.memory_space<semaphore_mem>>
        %dma_start3A_40 = tpu.memref_slice %arg10[%add3A_13] : memref<32768xf32, #tpu.memory_space<hbm>> -> memref<512xf32, #tpu.memory_space<hbm>>
        %dma_start3A_41 = tpu.memref_slice %arg10[%add3A_13] : memref<32768xf32, #tpu.memory_space<hbm>> -> memref<512xf32, #tpu.memory_space<hbm>>
        tpu.enqueue_dma source(%arg19 : memref<512xf32, #tpu.memory_space<vmem>>) target(%dma_start3A_41 : memref<512xf32, #tpu.memory_space<hbm>>) target_semaphore(%run_scoped3A : memref<!tpu.dma_semaphore, #tpu.memory_space<semaphore_mem>>)
        %dma_wait3A_42 = tpu.memref_slice %arg10[%add3A_13] : memref<32768xf32, #tpu.memory_space<hbm>> -> memref<512xf32, #tpu.memory_space<hbm>>
        %dma_wait3A_43 = tpu.memref_slice %arg10[%add3A_13] : memref<32768xf32, #tpu.memory_space<hbm>> -> memref<512xf32, #tpu.memory_space<hbm>>
        tpu.wait_dma2 semaphore(%run_scoped3A : memref<!tpu.dma_semaphore, #tpu.memory_space<semaphore_mem>>) src(%arg19 : memref<512xf32, #tpu.memory_space<vmem>>) dst(%dma_wait3A_43 : memref<512xf32, #tpu.memory_space<hbm>>)
        tpu.yield
      }) : () -> ()
      %scan3A_39 = arith.constant 0 : i32
      scf.yield %scan3A_39 : i32
    }
    %scan3A_6 = arith.constant 2 : i32
    return
  }
}

#map = affine_map<(d0, d1) -> (0)>
module attributes {stable_mosaic.version = 14 : i64} {
  func.func @_sc_txsum_body(%arg0: i32, %arg1: i32, %arg2: memref<2400000xi32, #tpu.memory_space<hbm>>, %arg3: memref<2400000xi32, #tpu.memory_space<hbm>>, %arg4: memref<150000xf32, #tpu.memory_space<hbm>>, %arg5: memref<300000xf32, #tpu.memory_space<hbm>>, %arg6: memref<3200xi32, #tpu.memory_space<vmem>>, %arg7: memref<3200xi32, #tpu.memory_space<vmem>>, %arg8: memref<3200xf32, #tpu.memory_space<vmem>>, %arg9: memref<2000xf32, #tpu.memory_space<vmem>>, %arg10: memref<2000xf32, #tpu.memory_space<vmem>>, %arg11: memref<50000xf32, #tpu.memory_space<vmem_shared>>, %arg12: memref<50000xf32, #tpu.memory_space<vmem_shared>>, %arg13: memref<50000xf32, #tpu.memory_space<vmem_shared>>, %arg14: memref<50000xf32, #tpu.memory_space<vmem_shared>>) attributes {dimension_semantics = [#tpu.dimension_semantics<core_parallel>, #tpu.dimension_semantics<subcore_parallel>], iteration_bounds = array<i64: 2, 16>, scalar_prefetch = 0 : i64, scratch_operands = 9 : i64, tpu.core_type = #tpu.core_type<sc_vector_subcore>, window_params = [{transform_indices = #map}, {transform_indices = #map}, {transform_indices = #map}, {transform_indices = #map}]} {
    %mul3A = arith.constant 16 : i32
    %mul3A_0 = arith.muli %arg0, %mul3A : i32
    %add3A = arith.addi %mul3A_0, %arg1 : i32
    %scan3A = arith.constant 0 : i32
    %scan3A_1 = arith.constant 0 : i32
    %scan3A_2 = arith.constant 125 : i32
    %scan3A_3 = arith.addi %scan3A_1, %scan3A_2 : i32
    %scan3A_4 = arith.constant 1 : i32
    %scan3A_5 = scf.for %scan3A_96 = %scan3A_1 to %scan3A_3 step %scan3A_4 iter_args(%scan3A_97 = %scan3A) -> (i32)  : i32 {
      %broadcast_in_dim3A = arith.constant 0.000000e+00 : f32
      %broadcast_in_dim3A_98 = vector.broadcast %broadcast_in_dim3A : f32 to vector<16xf32>
      %mul3A_99 = arith.constant 16 : i32
      %mul3A_100 = arith.muli %scan3A_96, %mul3A_99 : i32
      %swap3A = arith.index_cast %mul3A_100 : i32 to index
      %swap3A_101 = tpu.vector_load %arg9[%swap3A] {strides = array<i32>} : memref<2000xf32, #tpu.memory_space<vmem>>, vector<16xf32>,
      %swap3A_102 = vector.shape_cast %swap3A_101 : vector<16xf32> to vector<16xf32>
      %swap3A_103 = vector.shape_cast %broadcast_in_dim3A_98 : vector<16xf32> to vector<16xf32>
      tpu.vector_store %arg9[%swap3A], %swap3A_103 {strides = array<i32>} : memref<2000xf32, #tpu.memory_space<vmem>>, vector<16xf32>,
      %scan3A_104 = arith.constant 0 : i32
      scf.yield %scan3A_104 : i32
    }
    %scan3A_6 = arith.constant 125 : i32
    %scan3A_7 = arith.constant 0 : i32
    %scan3A_8 = arith.constant 0 : i32
    %scan3A_9 = arith.constant 2 : i32
    %scan3A_10 = arith.addi %scan3A_8, %scan3A_9 : i32
    %scan3A_11 = arith.constant 1 : i32
    %scan3A_12 = scf.for %scan3A_96 = %scan3A_8 to %scan3A_10 step %scan3A_11 iter_args(%scan3A_97 = %scan3A_7) -> (i32)  : i32 {
      %mul3A_98 = arith.constant 16 : i32
      %mul3A_99 = arith.muli %mul3A_98, %scan3A_96 : i32
      %add3A_100 = arith.addi %arg1, %mul3A_99 : i32
      %lt3A = arith.constant 25 : i32
      %lt3A_101 = arith.cmpi slt, %add3A_100, %lt3A : i32
      %convert_element_type3A = arith.extui %lt3A_101 : i1 to i32
      %cond3A = arith.constant 0 : i32
      %cond3A_102 = arith.cmpi ne, %convert_element_type3A, %cond3A : i32
      scf.if %cond3A_102 {
        %mul3A_104 = arith.constant 2000 : i32
        %mul3A_105 = arith.muli %add3A_100, %mul3A_104 : i32
        "tpu.region"() ({
          %run_scoped3A = tpu.sem_alloc : memref<!tpu.dma_semaphore, #tpu.memory_space<semaphore_mem>>
          %dma_start3A = tpu.memref_slice %arg12[%mul3A_105] : memref<50000xf32, #tpu.memory_space<vmem_shared>> -> memref<2000xf32, #tpu.memory_space<vmem_shared>>
          %dma_start3A_106 = tpu.memref_slice %arg12[%mul3A_105] : memref<50000xf32, #tpu.memory_space<vmem_shared>> -> memref<2000xf32, #tpu.memory_space<vmem_shared>>
          tpu.enqueue_dma source(%arg9 : memref<2000xf32, #tpu.memory_space<vmem>>) target(%dma_start3A_106 : memref<2000xf32, #tpu.memory_space<vmem_shared>>) target_semaphore(%run_scoped3A : memref<!tpu.dma_semaphore, #tpu.memory_space<semaphore_mem>>)
          %dma_wait3A = tpu.memref_slice %arg12[%mul3A_105] : memref<50000xf32, #tpu.memory_space<vmem_shared>> -> memref<2000xf32, #tpu.memory_space<vmem_shared>>
          %dma_wait3A_107 = tpu.memref_slice %arg12[%mul3A_105] : memref<50000xf32, #tpu.memory_space<vmem_shared>> -> memref<2000xf32, #tpu.memory_space<vmem_shared>>
          tpu.wait_dma2 semaphore(%run_scoped3A : memref<!tpu.dma_semaphore, #tpu.memory_space<semaphore_mem>>) src(%arg9 : memref<2000xf32, #tpu.memory_space<vmem>>) dst(%dma_wait3A_107 : memref<2000xf32, #tpu.memory_space<vmem_shared>>)
          tpu.yield
        }) : () -> ()
      } else {
      }
      %scan3A_103 = arith.constant 0 : i32
      scf.yield %scan3A_103 : i32
    }
    %scan3A_13 = arith.constant 2 : i32
    %scan3A_14 = arith.constant 0 : i32
    %scan3A_15 = arith.constant 0 : i32
    %scan3A_16 = arith.constant 2 : i32
    %scan3A_17 = arith.addi %scan3A_15, %scan3A_16 : i32
    %scan3A_18 = arith.constant 1 : i32
    %scan3A_19 = scf.for %scan3A_96 = %scan3A_15 to %scan3A_17 step %scan3A_18 iter_args(%scan3A_97 = %scan3A_14) -> (i32)  : i32 {
      %mul3A_98 = arith.constant 16 : i32
      %mul3A_99 = arith.muli %mul3A_98, %scan3A_96 : i32
      %add3A_100 = arith.addi %arg1, %mul3A_99 : i32
      %lt3A = arith.constant 25 : i32
      %lt3A_101 = arith.cmpi slt, %add3A_100, %lt3A : i32
      %convert_element_type3A = arith.extui %lt3A_101 : i1 to i32
      %cond3A = arith.constant 0 : i32
      %cond3A_102 = arith.cmpi ne, %convert_element_type3A, %cond3A : i32
      scf.if %cond3A_102 {
        %mul3A_104 = arith.constant 2000 : i32
        %mul3A_105 = arith.muli %add3A_100, %mul3A_104 : i32
        "tpu.region"() ({
          %run_scoped3A = tpu.sem_alloc : memref<!tpu.dma_semaphore, #tpu.memory_space<semaphore_mem>>
          %dma_start3A = tpu.memref_slice %arg13[%mul3A_105] : memref<50000xf32, #tpu.memory_space<vmem_shared>> -> memref<2000xf32, #tpu.memory_space<vmem_shared>>
          %dma_start3A_106 = tpu.memref_slice %arg13[%mul3A_105] : memref<50000xf32, #tpu.memory_space<vmem_shared>> -> memref<2000xf32, #tpu.memory_space<vmem_shared>>
          tpu.enqueue_dma source(%arg9 : memref<2000xf32, #tpu.memory_space<vmem>>) target(%dma_start3A_106 : memref<2000xf32, #tpu.memory_space<vmem_shared>>) target_semaphore(%run_scoped3A : memref<!tpu.dma_semaphore, #tpu.memory_space<semaphore_mem>>)
          %dma_wait3A = tpu.memref_slice %arg13[%mul3A_105] : memref<50000xf32, #tpu.memory_space<vmem_shared>> -> memref<2000xf32, #tpu.memory_space<vmem_shared>>
          %dma_wait3A_107 = tpu.memref_slice %arg13[%mul3A_105] : memref<50000xf32, #tpu.memory_space<vmem_shared>> -> memref<2000xf32, #tpu.memory_space<vmem_shared>>
          tpu.wait_dma2 semaphore(%run_scoped3A : memref<!tpu.dma_semaphore, #tpu.memory_space<semaphore_mem>>) src(%arg9 : memref<2000xf32, #tpu.memory_space<vmem>>) dst(%dma_wait3A_107 : memref<2000xf32, #tpu.memory_space<vmem_shared>>)
          tpu.yield
        }) : () -> ()
      } else {
      }
      %scan3A_103 = arith.constant 0 : i32
      scf.yield %scan3A_103 : i32
    }
    %scan3A_20 = arith.constant 2 : i32
    %scan3A_21 = arith.constant 0 : i32
    %scan3A_22 = arith.constant 0 : i32
    %scan3A_23 = arith.constant 2 : i32
    %scan3A_24 = arith.addi %scan3A_22, %scan3A_23 : i32
    %scan3A_25 = arith.constant 1 : i32
    %scan3A_26 = scf.for %scan3A_96 = %scan3A_22 to %scan3A_24 step %scan3A_25 iter_args(%scan3A_97 = %scan3A_21) -> (i32)  : i32 {
      %mul3A_98 = arith.constant 16 : i32
      %mul3A_99 = arith.muli %mul3A_98, %scan3A_96 : i32
      %add3A_100 = arith.addi %arg1, %mul3A_99 : i32
      %lt3A = arith.constant 25 : i32
      %lt3A_101 = arith.cmpi slt, %add3A_100, %lt3A : i32
      %convert_element_type3A = arith.extui %lt3A_101 : i1 to i32
      %cond3A = arith.constant 0 : i32
      %cond3A_102 = arith.cmpi ne, %convert_element_type3A, %cond3A : i32
      scf.if %cond3A_102 {
        %mul3A_104 = arith.constant 2000 : i32
        %mul3A_105 = arith.muli %add3A_100, %mul3A_104 : i32
        "tpu.region"() ({
          %run_scoped3A = tpu.sem_alloc : memref<!tpu.dma_semaphore, #tpu.memory_space<semaphore_mem>>
          %dma_start3A = tpu.memref_slice %arg14[%mul3A_105] : memref<50000xf32, #tpu.memory_space<vmem_shared>> -> memref<2000xf32, #tpu.memory_space<vmem_shared>>
          %dma_start3A_106 = tpu.memref_slice %arg14[%mul3A_105] : memref<50000xf32, #tpu.memory_space<vmem_shared>> -> memref<2000xf32, #tpu.memory_space<vmem_shared>>
          tpu.enqueue_dma source(%arg9 : memref<2000xf32, #tpu.memory_space<vmem>>) target(%dma_start3A_106 : memref<2000xf32, #tpu.memory_space<vmem_shared>>) target_semaphore(%run_scoped3A : memref<!tpu.dma_semaphore, #tpu.memory_space<semaphore_mem>>)
          %dma_wait3A = tpu.memref_slice %arg14[%mul3A_105] : memref<50000xf32, #tpu.memory_space<vmem_shared>> -> memref<2000xf32, #tpu.memory_space<vmem_shared>>
          %dma_wait3A_107 = tpu.memref_slice %arg14[%mul3A_105] : memref<50000xf32, #tpu.memory_space<vmem_shared>> -> memref<2000xf32, #tpu.memory_space<vmem_shared>>
          tpu.wait_dma2 semaphore(%run_scoped3A : memref<!tpu.dma_semaphore, #tpu.memory_space<semaphore_mem>>) src(%arg9 : memref<2000xf32, #tpu.memory_space<vmem>>) dst(%dma_wait3A_107 : memref<2000xf32, #tpu.memory_space<vmem_shared>>)
          tpu.yield
        }) : () -> ()
      } else {
      }
      %scan3A_103 = arith.constant 0 : i32
      scf.yield %scan3A_103 : i32
    }
    %scan3A_27 = arith.constant 2 : i32
    %scan3A_28 = arith.constant 0 : i32
    %scan3A_29 = arith.constant 0 : i32
    %scan3A_30 = arith.constant 2 : i32
    %scan3A_31 = arith.addi %scan3A_29, %scan3A_30 : i32
    %scan3A_32 = arith.constant 1 : i32
    %scan3A_33 = scf.for %scan3A_96 = %scan3A_29 to %scan3A_31 step %scan3A_32 iter_args(%scan3A_97 = %scan3A_28) -> (i32)  : i32 {
      %mul3A_98 = arith.constant 16 : i32
      %mul3A_99 = arith.muli %mul3A_98, %scan3A_96 : i32
      %add3A_100 = arith.addi %arg1, %mul3A_99 : i32
      %lt3A = arith.constant 25 : i32
      %lt3A_101 = arith.cmpi slt, %add3A_100, %lt3A : i32
      %convert_element_type3A = arith.extui %lt3A_101 : i1 to i32
      %cond3A = arith.constant 0 : i32
      %cond3A_102 = arith.cmpi ne, %convert_element_type3A, %cond3A : i32
      scf.if %cond3A_102 {
        %mul3A_104 = arith.constant 2000 : i32
        %mul3A_105 = arith.muli %add3A_100, %mul3A_104 : i32
        %add3A_106 = arith.constant 0 : i32
        %add3A_107 = arith.addi %add3A_106, %mul3A_105 : i32
        "tpu.region"() ({
          %run_scoped3A = tpu.sem_alloc : memref<!tpu.dma_semaphore, #tpu.memory_space<semaphore_mem>>
          %dma_start3A = tpu.memref_slice %arg4[%add3A_107] : memref<150000xf32, #tpu.memory_space<hbm>> -> memref<2000xf32, #tpu.memory_space<hbm>>
          %dma_start3A_110 = tpu.memref_slice %arg4[%add3A_107] : memref<150000xf32, #tpu.memory_space<hbm>> -> memref<2000xf32, #tpu.memory_space<hbm>>
          tpu.enqueue_dma source(%dma_start3A_110 : memref<2000xf32, #tpu.memory_space<hbm>>) target(%arg10 : memref<2000xf32, #tpu.memory_space<vmem>>) target_semaphore(%run_scoped3A : memref<!tpu.dma_semaphore, #tpu.memory_space<semaphore_mem>>)
          %dma_wait3A = tpu.memref_slice %arg4[%add3A_107] : memref<150000xf32, #tpu.memory_space<hbm>> -> memref<2000xf32, #tpu.memory_space<hbm>>
          %dma_wait3A_111 = tpu.memref_slice %arg4[%add3A_107] : memref<150000xf32, #tpu.memory_space<hbm>> -> memref<2000xf32, #tpu.memory_space<hbm>>
          tpu.wait_dma2 semaphore(%run_scoped3A : memref<!tpu.dma_semaphore, #tpu.memory_space<semaphore_mem>>) src(%dma_wait3A_111 : memref<2000xf32, #tpu.memory_space<hbm>>) dst(%arg10 : memref<2000xf32, #tpu.memory_space<vmem>>)
          tpu.yield
        }) : () -> ()
        %mul3A_108 = arith.constant 2000 : i32
        %mul3A_109 = arith.muli %add3A_100, %mul3A_108 : i32
        "tpu.region"() ({
          %run_scoped3A = tpu.sem_alloc : memref<!tpu.dma_semaphore, #tpu.memory_space<semaphore_mem>>
          %dma_start3A = tpu.memref_slice %arg11[%mul3A_109] : memref<50000xf32, #tpu.memory_space<vmem_shared>> -> memref<2000xf32, #tpu.memory_space<vmem_shared>>
          %dma_start3A_110 = tpu.memref_slice %arg11[%mul3A_109] : memref<50000xf32, #tpu.memory_space<vmem_shared>> -> memref<2000xf32, #tpu.memory_space<vmem_shared>>
          tpu.enqueue_dma source(%arg10 : memref<2000xf32, #tpu.memory_space<vmem>>) target(%dma_start3A_110 : memref<2000xf32, #tpu.memory_space<vmem_shared>>) target_semaphore(%run_scoped3A : memref<!tpu.dma_semaphore, #tpu.memory_space<semaphore_mem>>)
          %dma_wait3A = tpu.memref_slice %arg11[%mul3A_109] : memref<50000xf32, #tpu.memory_space<vmem_shared>> -> memref<2000xf32, #tpu.memory_space<vmem_shared>>
          %dma_wait3A_111 = tpu.memref_slice %arg11[%mul3A_109] : memref<50000xf32, #tpu.memory_space<vmem_shared>> -> memref<2000xf32, #tpu.memory_space<vmem_shared>>
          tpu.wait_dma2 semaphore(%run_scoped3A : memref<!tpu.dma_semaphore, #tpu.memory_space<semaphore_mem>>) src(%arg10 : memref<2000xf32, #tpu.memory_space<vmem>>) dst(%dma_wait3A_111 : memref<2000xf32, #tpu.memory_space<vmem_shared>>)
          tpu.yield
        }) : () -> ()
      } else {
      }
      %scan3A_103 = arith.constant 0 : i32
      scf.yield %scan3A_103 : i32
    }
    %scan3A_34 = arith.constant 2 : i32
    %barrier3A = arith.constant 0 : index
    tpu.barrier barrier_id(%barrier3A)
    %scan3A_35 = arith.constant 0 : i32
    %scan3A_36 = arith.constant 0 : i32
    %scan3A_37 = arith.constant 8 : i32
    %scan3A_38 = arith.addi %scan3A_36, %scan3A_37 : i32
    %scan3A_39 = arith.constant 1 : i32
    %scan3A_40 = scf.for %scan3A_96 = %scan3A_36 to %scan3A_38 step %scan3A_39 iter_args(%scan3A_97 = %scan3A_35) -> (i32)  : i32 {
      %mul3A_98 = arith.constant 32 : i32
      %mul3A_99 = arith.muli %mul3A_98, %scan3A_96 : i32
      %add3A_100 = arith.addi %add3A, %mul3A_99 : i32
      %lt3A = arith.constant 250 : i32
      %lt3A_101 = arith.cmpi slt, %add3A_100, %lt3A : i32
      %convert_element_type3A = arith.extui %lt3A_101 : i1 to i32
      %cond3A = arith.constant 0 : i32
      %cond3A_102 = arith.cmpi ne, %convert_element_type3A, %cond3A : i32
      scf.if %cond3A_102 {
        %mul3A_104 = arith.constant 3200 : i32
        %mul3A_105 = arith.muli %add3A_100, %mul3A_104 : i32
        %add3A_106 = arith.constant 0 : i32
        %add3A_107 = arith.addi %add3A_106, %mul3A_105 : i32
        "tpu.region"() ({
          %run_scoped3A = tpu.sem_alloc : memref<!tpu.dma_semaphore, #tpu.memory_space<semaphore_mem>>
          %dma_start3A = tpu.memref_slice %arg2[%add3A_107] : memref<2400000xi32, #tpu.memory_space<hbm>> -> memref<3200xi32, #tpu.memory_space<hbm>>
          %dma_start3A_112 = tpu.memref_slice %arg2[%add3A_107] : memref<2400000xi32, #tpu.memory_space<hbm>> -> memref<3200xi32, #tpu.memory_space<hbm>>
          tpu.enqueue_dma source(%dma_start3A_112 : memref<3200xi32, #tpu.memory_space<hbm>>) target(%arg6 : memref<3200xi32, #tpu.memory_space<vmem>>) target_semaphore(%run_scoped3A : memref<!tpu.dma_semaphore, #tpu.memory_space<semaphore_mem>>)
          %dma_wait3A = tpu.memref_slice %arg2[%add3A_107] : memref<2400000xi32, #tpu.memory_space<hbm>> -> memref<3200xi32, #tpu.memory_space<hbm>>
          %dma_wait3A_113 = tpu.memref_slice %arg2[%add3A_107] : memref<2400000xi32, #tpu.memory_space<hbm>> -> memref<3200xi32, #tpu.memory_space<hbm>>
          tpu.wait_dma2 semaphore(%run_scoped3A : memref<!tpu.dma_semaphore, #tpu.memory_space<semaphore_mem>>) src(%dma_wait3A_113 : memref<3200xi32, #tpu.memory_space<hbm>>) dst(%arg6 : memref<3200xi32, #tpu.memory_space<vmem>>)
          tpu.yield
        }) : () -> ()
        %mul3A_108 = arith.constant 3200 : i32
        %mul3A_109 = arith.muli %add3A_100, %mul3A_108 : i32
        %add3A_110 = arith.constant 0 : i32
        %add3A_111 = arith.addi %add3A_110, %mul3A_109 : i32
        "tpu.region"() ({
          %run_scoped3A = tpu.sem_alloc : memref<!tpu.dma_semaphore, #tpu.memory_space<semaphore_mem>>
          %dma_start3A = tpu.memref_slice %arg3[%add3A_111] : memref<2400000xi32, #tpu.memory_space<hbm>> -> memref<3200xi32, #tpu.memory_space<hbm>>
          %dma_start3A_112 = tpu.memref_slice %arg3[%add3A_111] : memref<2400000xi32, #tpu.memory_space<hbm>> -> memref<3200xi32, #tpu.memory_space<hbm>>
          tpu.enqueue_dma source(%dma_start3A_112 : memref<3200xi32, #tpu.memory_space<hbm>>) target(%arg7 : memref<3200xi32, #tpu.memory_space<vmem>>) target_semaphore(%run_scoped3A : memref<!tpu.dma_semaphore, #tpu.memory_space<semaphore_mem>>)
          %dma_wait3A = tpu.memref_slice %arg3[%add3A_111] : memref<2400000xi32, #tpu.memory_space<hbm>> -> memref<3200xi32, #tpu.memory_space<hbm>>
          %dma_wait3A_113 = tpu.memref_slice %arg3[%add3A_111] : memref<2400000xi32, #tpu.memory_space<hbm>> -> memref<3200xi32, #tpu.memory_space<hbm>>
          tpu.wait_dma2 semaphore(%run_scoped3A : memref<!tpu.dma_semaphore, #tpu.memory_space<semaphore_mem>>) src(%dma_wait3A_113 : memref<3200xi32, #tpu.memory_space<hbm>>) dst(%arg7 : memref<3200xi32, #tpu.memory_space<vmem>>)
          tpu.yield
        }) : () -> ()
        "tpu.region"() ({
          %run_scoped3A = tpu.sem_alloc : memref<!tpu.dma_semaphore, #tpu.memory_space<semaphore_mem>>
          %dma_start3A = arith.constant 0 : i32
          %dma_start3A_112 = tpu.memref_slice %arg11[%dma_start3A] : memref<50000xf32, #tpu.memory_space<vmem_shared>> -> memref<50000xf32, #tpu.memory_space<vmem_shared>>
          tpu.enqueue_indirect_dma source(%dma_start3A_112 : memref<50000xf32, #tpu.memory_space<vmem_shared>>) target(%arg8 : memref<3200xf32, #tpu.memory_space<vmem>>) offsets(%arg6 : memref<3200xi32, #tpu.memory_space<vmem>>) semaphore(%run_scoped3A : memref<!tpu.dma_semaphore, #tpu.memory_space<semaphore_mem>>)
          %dma_wait3A = arith.constant 0 : i32
          %dma_wait3A_113 = tpu.memref_slice %arg11[%dma_wait3A] : memref<50000xf32, #tpu.memory_space<vmem_shared>> -> memref<50000xf32, #tpu.memory_space<vmem_shared>>
          tpu.wait_indirect_dma semaphore(%run_scoped3A : memref<!tpu.dma_semaphore, #tpu.memory_space<semaphore_mem>>) src(%dma_wait3A_113 : memref<50000xf32, #tpu.memory_space<vmem_shared>>) dst(%arg8 : memref<3200xf32, #tpu.memory_space<vmem>>)
          tpu.yield
        }) : () -> ()
        "tpu.region"() ({
          %run_scoped3A = tpu.sem_alloc : memref<!tpu.dma_semaphore, #tpu.memory_space<semaphore_mem>>
          %dma_start3A = arith.constant 0 : i32
          %dma_start3A_112 = tpu.memref_slice %arg12[%dma_start3A] : memref<50000xf32, #tpu.memory_space<vmem_shared>> -> memref<50000xf32, #tpu.memory_space<vmem_shared>>
          tpu.enqueue_indirect_dma source(%arg8 : memref<3200xf32, #tpu.memory_space<vmem>>) target(%dma_start3A_112 : memref<50000xf32, #tpu.memory_space<vmem_shared>>) offsets(%arg7 : memref<3200xi32, #tpu.memory_space<vmem>>) semaphore(%run_scoped3A : memref<!tpu.dma_semaphore, #tpu.memory_space<semaphore_mem>>) {add = true}
          %dma_wait3A = arith.constant 0 : i32
          %dma_wait3A_113 = tpu.memref_slice %arg12[%dma_wait3A] : memref<50000xf32, #tpu.memory_space<vmem_shared>> -> memref<50000xf32, #tpu.memory_space<vmem_shared>>
          tpu.wait_indirect_dma semaphore(%run_scoped3A : memref<!tpu.dma_semaphore, #tpu.memory_space<semaphore_mem>>) src(%arg8 : memref<3200xf32, #tpu.memory_space<vmem>>) dst(%dma_wait3A_113 : memref<50000xf32, #tpu.memory_space<vmem_shared>>)
          tpu.yield
        }) : () -> ()
      } else {
      }
      %scan3A_103 = arith.constant 0 : i32
      scf.yield %scan3A_103 : i32
    }
    %scan3A_41 = arith.constant 8 : i32
    %barrier3A_42 = arith.constant 0 : index
    tpu.barrier barrier_id(%barrier3A_42)
    %scan3A_43 = arith.constant 0 : i32
    %scan3A_44 = arith.constant 0 : i32
    %scan3A_45 = arith.constant 2 : i32
    %scan3A_46 = arith.addi %scan3A_44, %scan3A_45 : i32
    %scan3A_47 = arith.constant 1 : i32
    %scan3A_48 = scf.for %scan3A_96 = %scan3A_44 to %scan3A_46 step %scan3A_47 iter_args(%scan3A_97 = %scan3A_43) -> (i32)  : i32 {
      %mul3A_98 = arith.constant 16 : i32
      %mul3A_99 = arith.muli %mul3A_98, %scan3A_96 : i32
      %add3A_100 = arith.addi %arg1, %mul3A_99 : i32
      %lt3A = arith.constant 25 : i32
      %lt3A_101 = arith.cmpi slt, %add3A_100, %lt3A : i32
      %convert_element_type3A = arith.extui %lt3A_101 : i1 to i32
      %cond3A = arith.constant 0 : i32
      %cond3A_102 = arith.cmpi ne, %convert_element_type3A, %cond3A : i32
      scf.if %cond3A_102 {
        %mul3A_104 = arith.constant 2000 : i32
        %mul3A_105 = arith.muli %add3A_100, %mul3A_104 : i32
        %add3A_106 = arith.constant 50000 : i32
        %add3A_107 = arith.addi %add3A_106, %mul3A_105 : i32
        "tpu.region"() ({
          %run_scoped3A = tpu.sem_alloc : memref<!tpu.dma_semaphore, #tpu.memory_space<semaphore_mem>>
          %dma_start3A = tpu.memref_slice %arg4[%add3A_107] : memref<150000xf32, #tpu.memory_space<hbm>> -> memref<2000xf32, #tpu.memory_space<hbm>>
          %dma_start3A_110 = tpu.memref_slice %arg4[%add3A_107] : memref<150000xf32, #tpu.memory_space<hbm>> -> memref<2000xf32, #tpu.memory_space<hbm>>
          tpu.enqueue_dma source(%dma_start3A_110 : memref<2000xf32, #tpu.memory_space<hbm>>) target(%arg10 : memref<2000xf32, #tpu.memory_space<vmem>>) target_semaphore(%run_scoped3A : memref<!tpu.dma_semaphore, #tpu.memory_space<semaphore_mem>>)
          %dma_wait3A = tpu.memref_slice %arg4[%add3A_107] : memref<150000xf32, #tpu.memory_space<hbm>> -> memref<2000xf32, #tpu.memory_space<hbm>>
          %dma_wait3A_111 = tpu.memref_slice %arg4[%add3A_107] : memref<150000xf32, #tpu.memory_space<hbm>> -> memref<2000xf32, #tpu.memory_space<hbm>>
          tpu.wait_dma2 semaphore(%run_scoped3A : memref<!tpu.dma_semaphore, #tpu.memory_space<semaphore_mem>>) src(%dma_wait3A_111 : memref<2000xf32, #tpu.memory_space<hbm>>) dst(%arg10 : memref<2000xf32, #tpu.memory_space<vmem>>)
          tpu.yield
        }) : () -> ()
        %mul3A_108 = arith.constant 2000 : i32
        %mul3A_109 = arith.muli %add3A_100, %mul3A_108 : i32
        "tpu.region"() ({
          %run_scoped3A = tpu.sem_alloc : memref<!tpu.dma_semaphore, #tpu.memory_space<semaphore_mem>>
          %dma_start3A = tpu.memref_slice %arg11[%mul3A_109] : memref<50000xf32, #tpu.memory_space<vmem_shared>> -> memref<2000xf32, #tpu.memory_space<vmem_shared>>
          %dma_start3A_110 = tpu.memref_slice %arg11[%mul3A_109] : memref<50000xf32, #tpu.memory_space<vmem_shared>> -> memref<2000xf32, #tpu.memory_space<vmem_shared>>
          tpu.enqueue_dma source(%arg10 : memref<2000xf32, #tpu.memory_space<vmem>>) target(%dma_start3A_110 : memref<2000xf32, #tpu.memory_space<vmem_shared>>) target_semaphore(%run_scoped3A : memref<!tpu.dma_semaphore, #tpu.memory_space<semaphore_mem>>)
          %dma_wait3A = tpu.memref_slice %arg11[%mul3A_109] : memref<50000xf32, #tpu.memory_space<vmem_shared>> -> memref<2000xf32, #tpu.memory_space<vmem_shared>>
          %dma_wait3A_111 = tpu.memref_slice %arg11[%mul3A_109] : memref<50000xf32, #tpu.memory_space<vmem_shared>> -> memref<2000xf32, #tpu.memory_space<vmem_shared>>
          tpu.wait_dma2 semaphore(%run_scoped3A : memref<!tpu.dma_semaphore, #tpu.memory_space<semaphore_mem>>) src(%arg10 : memref<2000xf32, #tpu.memory_space<vmem>>) dst(%dma_wait3A_111 : memref<2000xf32, #tpu.memory_space<vmem_shared>>)
          tpu.yield
        }) : () -> ()
      } else {
      }
      %scan3A_103 = arith.constant 0 : i32
      scf.yield %scan3A_103 : i32
    }
    %scan3A_49 = arith.constant 2 : i32
    %barrier3A_50 = arith.constant 0 : index
    tpu.barrier barrier_id(%barrier3A_50)
    %scan3A_51 = arith.constant 0 : i32
    %scan3A_52 = arith.constant 0 : i32
    %scan3A_53 = arith.constant 8 : i32
    %scan3A_54 = arith.addi %scan3A_52, %scan3A_53 : i32
    %scan3A_55 = arith.constant 1 : i32
    %scan3A_56 = scf.for %scan3A_96 = %scan3A_52 to %scan3A_54 step %scan3A_55 iter_args(%scan3A_97 = %scan3A_51) -> (i32)  : i32 {
      %mul3A_98 = arith.constant 32 : i32
      %mul3A_99 = arith.muli %mul3A_98, %scan3A_96 : i32
      %add3A_100 = arith.addi %add3A, %mul3A_99 : i32
      %lt3A = arith.constant 250 : i32
      %lt3A_101 = arith.cmpi slt, %add3A_100, %lt3A : i32
      %convert_element_type3A = arith.extui %lt3A_101 : i1 to i32
      %cond3A = arith.constant 0 : i32
      %cond3A_102 = arith.cmpi ne, %convert_element_type3A, %cond3A : i32
      scf.if %cond3A_102 {
        %mul3A_104 = arith.constant 3200 : i32
        %mul3A_105 = arith.muli %add3A_100, %mul3A_104 : i32
        %add3A_106 = arith.constant 800000 : i32
        %add3A_107 = arith.addi %add3A_106, %mul3A_105 : i32
        "tpu.region"() ({
          %run_scoped3A = tpu.sem_alloc : memref<!tpu.dma_semaphore, #tpu.memory_space<semaphore_mem>>
          %dma_start3A = tpu.memref_slice %arg2[%add3A_107] : memref<2400000xi32, #tpu.memory_space<hbm>> -> memref<3200xi32, #tpu.memory_space<hbm>>
          %dma_start3A_112 = tpu.memref_slice %arg2[%add3A_107] : memref<2400000xi32, #tpu.memory_space<hbm>> -> memref<3200xi32, #tpu.memory_space<hbm>>
          tpu.enqueue_dma source(%dma_start3A_112 : memref<3200xi32, #tpu.memory_space<hbm>>) target(%arg6 : memref<3200xi32, #tpu.memory_space<vmem>>) target_semaphore(%run_scoped3A : memref<!tpu.dma_semaphore, #tpu.memory_space<semaphore_mem>>)
          %dma_wait3A = tpu.memref_slice %arg2[%add3A_107] : memref<2400000xi32, #tpu.memory_space<hbm>> -> memref<3200xi32, #tpu.memory_space<hbm>>
          %dma_wait3A_113 = tpu.memref_slice %arg2[%add3A_107] : memref<2400000xi32, #tpu.memory_space<hbm>> -> memref<3200xi32, #tpu.memory_space<hbm>>
          tpu.wait_dma2 semaphore(%run_scoped3A : memref<!tpu.dma_semaphore, #tpu.memory_space<semaphore_mem>>) src(%dma_wait3A_113 : memref<3200xi32, #tpu.memory_space<hbm>>) dst(%arg6 : memref<3200xi32, #tpu.memory_space<vmem>>)
          tpu.yield
        }) : () -> ()
        %mul3A_108 = arith.constant 3200 : i32
        %mul3A_109 = arith.muli %add3A_100, %mul3A_108 : i32
        %add3A_110 = arith.constant 800000 : i32
        %add3A_111 = arith.addi %add3A_110, %mul3A_109 : i32
        "tpu.region"() ({
          %run_scoped3A = tpu.sem_alloc : memref<!tpu.dma_semaphore, #tpu.memory_space<semaphore_mem>>
          %dma_start3A = tpu.memref_slice %arg3[%add3A_111] : memref<2400000xi32, #tpu.memory_space<hbm>> -> memref<3200xi32, #tpu.memory_space<hbm>>
          %dma_start3A_112 = tpu.memref_slice %arg3[%add3A_111] : memref<2400000xi32, #tpu.memory_space<hbm>> -> memref<3200xi32, #tpu.memory_space<hbm>>
          tpu.enqueue_dma source(%dma_start3A_112 : memref<3200xi32, #tpu.memory_space<hbm>>) target(%arg7 : memref<3200xi32, #tpu.memory_space<vmem>>) target_semaphore(%run_scoped3A : memref<!tpu.dma_semaphore, #tpu.memory_space<semaphore_mem>>)
          %dma_wait3A = tpu.memref_slice %arg3[%add3A_111] : memref<2400000xi32, #tpu.memory_space<hbm>> -> memref<3200xi32, #tpu.memory_space<hbm>>
          %dma_wait3A_113 = tpu.memref_slice %arg3[%add3A_111] : memref<2400000xi32, #tpu.memory_space<hbm>> -> memref<3200xi32, #tpu.memory_space<hbm>>
          tpu.wait_dma2 semaphore(%run_scoped3A : memref<!tpu.dma_semaphore, #tpu.memory_space<semaphore_mem>>) src(%dma_wait3A_113 : memref<3200xi32, #tpu.memory_space<hbm>>) dst(%arg7 : memref<3200xi32, #tpu.memory_space<vmem>>)
          tpu.yield
        }) : () -> ()
        "tpu.region"() ({
          %run_scoped3A = tpu.sem_alloc : memref<!tpu.dma_semaphore, #tpu.memory_space<semaphore_mem>>
          %dma_start3A = arith.constant 0 : i32
          %dma_start3A_112 = tpu.memref_slice %arg11[%dma_start3A] : memref<50000xf32, #tpu.memory_space<vmem_shared>> -> memref<50000xf32, #tpu.memory_space<vmem_shared>>
          tpu.enqueue_indirect_dma source(%dma_start3A_112 : memref<50000xf32, #tpu.memory_space<vmem_shared>>) target(%arg8 : memref<3200xf32, #tpu.memory_space<vmem>>) offsets(%arg6 : memref<3200xi32, #tpu.memory_space<vmem>>) semaphore(%run_scoped3A : memref<!tpu.dma_semaphore, #tpu.memory_space<semaphore_mem>>)
          %dma_wait3A = arith.constant 0 : i32
          %dma_wait3A_113 = tpu.memref_slice %arg11[%dma_wait3A] : memref<50000xf32, #tpu.memory_space<vmem_shared>> -> memref<50000xf32, #tpu.memory_space<vmem_shared>>
          tpu.wait_indirect_dma semaphore(%run_scoped3A : memref<!tpu.dma_semaphore, #tpu.memory_space<semaphore_mem>>) src(%dma_wait3A_113 : memref<50000xf32, #tpu.memory_space<vmem_shared>>) dst(%arg8 : memref<3200xf32, #tpu.memory_space<vmem>>)
          tpu.yield
        }) : () -> ()
        "tpu.region"() ({
          %run_scoped3A = tpu.sem_alloc : memref<!tpu.dma_semaphore, #tpu.memory_space<semaphore_mem>>
          %dma_start3A = arith.constant 0 : i32
          %dma_start3A_112 = tpu.memref_slice %arg13[%dma_start3A] : memref<50000xf32, #tpu.memory_space<vmem_shared>> -> memref<50000xf32, #tpu.memory_space<vmem_shared>>
          tpu.enqueue_indirect_dma source(%arg8 : memref<3200xf32, #tpu.memory_space<vmem>>) target(%dma_start3A_112 : memref<50000xf32, #tpu.memory_space<vmem_shared>>) offsets(%arg7 : memref<3200xi32, #tpu.memory_space<vmem>>) semaphore(%run_scoped3A : memref<!tpu.dma_semaphore, #tpu.memory_space<semaphore_mem>>) {add = true}
          %dma_wait3A = arith.constant 0 : i32
          %dma_wait3A_113 = tpu.memref_slice %arg13[%dma_wait3A] : memref<50000xf32, #tpu.memory_space<vmem_shared>> -> memref<50000xf32, #tpu.memory_space<vmem_shared>>
          tpu.wait_indirect_dma semaphore(%run_scoped3A : memref<!tpu.dma_semaphore, #tpu.memory_space<semaphore_mem>>) src(%arg8 : memref<3200xf32, #tpu.memory_space<vmem>>) dst(%dma_wait3A_113 : memref<50000xf32, #tpu.memory_space<vmem_shared>>)
          tpu.yield
        }) : () -> ()
      } else {
      }
      %scan3A_103 = arith.constant 0 : i32
      scf.yield %scan3A_103 : i32
    }
    %scan3A_57 = arith.constant 8 : i32
    %barrier3A_58 = arith.constant 0 : index
    tpu.barrier barrier_id(%barrier3A_58)
    %scan3A_59 = arith.constant 0 : i32
    %scan3A_60 = arith.constant 0 : i32
    %scan3A_61 = arith.constant 2 : i32
    %scan3A_62 = arith.addi %scan3A_60, %scan3A_61 : i32
    %scan3A_63 = arith.constant 1 : i32
    %scan3A_64 = scf.for %scan3A_96 = %scan3A_60 to %scan3A_62 step %scan3A_63 iter_args(%scan3A_97 = %scan3A_59) -> (i32)  : i32 {
      %mul3A_98 = arith.constant 16 : i32
      %mul3A_99 = arith.muli %mul3A_98, %scan3A_96 : i32
      %add3A_100 = arith.addi %arg1, %mul3A_99 : i32
      %lt3A = arith.constant 25 : i32
      %lt3A_101 = arith.cmpi slt, %add3A_100, %lt3A : i32
      %convert_element_type3A = arith.extui %lt3A_101 : i1 to i32
      %cond3A = arith.constant 0 : i32
      %cond3A_102 = arith.cmpi ne, %convert_element_type3A, %cond3A : i32
      scf.if %cond3A_102 {
        %mul3A_104 = arith.constant 2000 : i32
        %mul3A_105 = arith.muli %add3A_100, %mul3A_104 : i32
        %add3A_106 = arith.constant 100000 : i32
        %add3A_107 = arith.addi %add3A_106, %mul3A_105 : i32
        "tpu.region"() ({
          %run_scoped3A = tpu.sem_alloc : memref<!tpu.dma_semaphore, #tpu.memory_space<semaphore_mem>>
          %dma_start3A = tpu.memref_slice %arg4[%add3A_107] : memref<150000xf32, #tpu.memory_space<hbm>> -> memref<2000xf32, #tpu.memory_space<hbm>>
          %dma_start3A_110 = tpu.memref_slice %arg4[%add3A_107] : memref<150000xf32, #tpu.memory_space<hbm>> -> memref<2000xf32, #tpu.memory_space<hbm>>
          tpu.enqueue_dma source(%dma_start3A_110 : memref<2000xf32, #tpu.memory_space<hbm>>) target(%arg10 : memref<2000xf32, #tpu.memory_space<vmem>>) target_semaphore(%run_scoped3A : memref<!tpu.dma_semaphore, #tpu.memory_space<semaphore_mem>>)
          %dma_wait3A = tpu.memref_slice %arg4[%add3A_107] : memref<150000xf32, #tpu.memory_space<hbm>> -> memref<2000xf32, #tpu.memory_space<hbm>>
          %dma_wait3A_111 = tpu.memref_slice %arg4[%add3A_107] : memref<150000xf32, #tpu.memory_space<hbm>> -> memref<2000xf32, #tpu.memory_space<hbm>>
          tpu.wait_dma2 semaphore(%run_scoped3A : memref<!tpu.dma_semaphore, #tpu.memory_space<semaphore_mem>>) src(%dma_wait3A_111 : memref<2000xf32, #tpu.memory_space<hbm>>) dst(%arg10 : memref<2000xf32, #tpu.memory_space<vmem>>)
          tpu.yield
        }) : () -> ()
        %mul3A_108 = arith.constant 2000 : i32
        %mul3A_109 = arith.muli %add3A_100, %mul3A_108 : i32
        "tpu.region"() ({
          %run_scoped3A = tpu.sem_alloc : memref<!tpu.dma_semaphore, #tpu.memory_space<semaphore_mem>>
          %dma_start3A = tpu.memref_slice %arg11[%mul3A_109] : memref<50000xf32, #tpu.memory_space<vmem_shared>> -> memref<2000xf32, #tpu.memory_space<vmem_shared>>
          %dma_start3A_110 = tpu.memref_slice %arg11[%mul3A_109] : memref<50000xf32, #tpu.memory_space<vmem_shared>> -> memref<2000xf32, #tpu.memory_space<vmem_shared>>
          tpu.enqueue_dma source(%arg10 : memref<2000xf32, #tpu.memory_space<vmem>>) target(%dma_start3A_110 : memref<2000xf32, #tpu.memory_space<vmem_shared>>) target_semaphore(%run_scoped3A : memref<!tpu.dma_semaphore, #tpu.memory_space<semaphore_mem>>)
          %dma_wait3A = tpu.memref_slice %arg11[%mul3A_109] : memref<50000xf32, #tpu.memory_space<vmem_shared>> -> memref<2000xf32, #tpu.memory_space<vmem_shared>>
          %dma_wait3A_111 = tpu.memref_slice %arg11[%mul3A_109] : memref<50000xf32, #tpu.memory_space<vmem_shared>> -> memref<2000xf32, #tpu.memory_space<vmem_shared>>
          tpu.wait_dma2 semaphore(%run_scoped3A : memref<!tpu.dma_semaphore, #tpu.memory_space<semaphore_mem>>) src(%arg10 : memref<2000xf32, #tpu.memory_space<vmem>>) dst(%dma_wait3A_111 : memref<2000xf32, #tpu.memory_space<vmem_shared>>)
          tpu.yield
        }) : () -> ()
      } else {
      }
      %scan3A_103 = arith.constant 0 : i32
      scf.yield %scan3A_103 : i32
    }
    %scan3A_65 = arith.constant 2 : i32
    %barrier3A_66 = arith.constant 0 : index
    tpu.barrier barrier_id(%barrier3A_66)
    %scan3A_67 = arith.constant 0 : i32
    %scan3A_68 = arith.constant 0 : i32
    %scan3A_69 = arith.constant 8 : i32
    %scan3A_70 = arith.addi %scan3A_68, %scan3A_69 : i32
    %scan3A_71 = arith.constant 1 : i32
    %scan3A_72 = scf.for %scan3A_96 = %scan3A_68 to %scan3A_70 step %scan3A_71 iter_args(%scan3A_97 = %scan3A_67) -> (i32)  : i32 {
      %mul3A_98 = arith.constant 32 : i32
      %mul3A_99 = arith.muli %mul3A_98, %scan3A_96 : i32
      %add3A_100 = arith.addi %add3A, %mul3A_99 : i32
      %lt3A = arith.constant 250 : i32
      %lt3A_101 = arith.cmpi slt, %add3A_100, %lt3A : i32
      %convert_element_type3A = arith.extui %lt3A_101 : i1 to i32
      %cond3A = arith.constant 0 : i32
      %cond3A_102 = arith.cmpi ne, %convert_element_type3A, %cond3A : i32
      scf.if %cond3A_102 {
        %mul3A_104 = arith.constant 3200 : i32
        %mul3A_105 = arith.muli %add3A_100, %mul3A_104 : i32
        %add3A_106 = arith.constant 1600000 : i32
        %add3A_107 = arith.addi %add3A_106, %mul3A_105 : i32
        "tpu.region"() ({
          %run_scoped3A = tpu.sem_alloc : memref<!tpu.dma_semaphore, #tpu.memory_space<semaphore_mem>>
          %dma_start3A = tpu.memref_slice %arg2[%add3A_107] : memref<2400000xi32, #tpu.memory_space<hbm>> -> memref<3200xi32, #tpu.memory_space<hbm>>
          %dma_start3A_112 = tpu.memref_slice %arg2[%add3A_107] : memref<2400000xi32, #tpu.memory_space<hbm>> -> memref<3200xi32, #tpu.memory_space<hbm>>
          tpu.enqueue_dma source(%dma_start3A_112 : memref<3200xi32, #tpu.memory_space<hbm>>) target(%arg6 : memref<3200xi32, #tpu.memory_space<vmem>>) target_semaphore(%run_scoped3A : memref<!tpu.dma_semaphore, #tpu.memory_space<semaphore_mem>>)
          %dma_wait3A = tpu.memref_slice %arg2[%add3A_107] : memref<2400000xi32, #tpu.memory_space<hbm>> -> memref<3200xi32, #tpu.memory_space<hbm>>
          %dma_wait3A_113 = tpu.memref_slice %arg2[%add3A_107] : memref<2400000xi32, #tpu.memory_space<hbm>> -> memref<3200xi32, #tpu.memory_space<hbm>>
          tpu.wait_dma2 semaphore(%run_scoped3A : memref<!tpu.dma_semaphore, #tpu.memory_space<semaphore_mem>>) src(%dma_wait3A_113 : memref<3200xi32, #tpu.memory_space<hbm>>) dst(%arg6 : memref<3200xi32, #tpu.memory_space<vmem>>)
          tpu.yield
        }) : () -> ()
        %mul3A_108 = arith.constant 3200 : i32
        %mul3A_109 = arith.muli %add3A_100, %mul3A_108 : i32
        %add3A_110 = arith.constant 1600000 : i32
        %add3A_111 = arith.addi %add3A_110, %mul3A_109 : i32
        "tpu.region"() ({
          %run_scoped3A = tpu.sem_alloc : memref<!tpu.dma_semaphore, #tpu.memory_space<semaphore_mem>>
          %dma_start3A = tpu.memref_slice %arg3[%add3A_111] : memref<2400000xi32, #tpu.memory_space<hbm>> -> memref<3200xi32, #tpu.memory_space<hbm>>
          %dma_start3A_112 = tpu.memref_slice %arg3[%add3A_111] : memref<2400000xi32, #tpu.memory_space<hbm>> -> memref<3200xi32, #tpu.memory_space<hbm>>
          tpu.enqueue_dma source(%dma_start3A_112 : memref<3200xi32, #tpu.memory_space<hbm>>) target(%arg7 : memref<3200xi32, #tpu.memory_space<vmem>>) target_semaphore(%run_scoped3A : memref<!tpu.dma_semaphore, #tpu.memory_space<semaphore_mem>>)
          %dma_wait3A = tpu.memref_slice %arg3[%add3A_111] : memref<2400000xi32, #tpu.memory_space<hbm>> -> memref<3200xi32, #tpu.memory_space<hbm>>
          %dma_wait3A_113 = tpu.memref_slice %arg3[%add3A_111] : memref<2400000xi32, #tpu.memory_space<hbm>> -> memref<3200xi32, #tpu.memory_space<hbm>>
          tpu.wait_dma2 semaphore(%run_scoped3A : memref<!tpu.dma_semaphore, #tpu.memory_space<semaphore_mem>>) src(%dma_wait3A_113 : memref<3200xi32, #tpu.memory_space<hbm>>) dst(%arg7 : memref<3200xi32, #tpu.memory_space<vmem>>)
          tpu.yield
        }) : () -> ()
        "tpu.region"() ({
          %run_scoped3A = tpu.sem_alloc : memref<!tpu.dma_semaphore, #tpu.memory_space<semaphore_mem>>
          %dma_start3A = arith.constant 0 : i32
          %dma_start3A_112 = tpu.memref_slice %arg11[%dma_start3A] : memref<50000xf32, #tpu.memory_space<vmem_shared>> -> memref<50000xf32, #tpu.memory_space<vmem_shared>>
          tpu.enqueue_indirect_dma source(%dma_start3A_112 : memref<50000xf32, #tpu.memory_space<vmem_shared>>) target(%arg8 : memref<3200xf32, #tpu.memory_space<vmem>>) offsets(%arg6 : memref<3200xi32, #tpu.memory_space<vmem>>) semaphore(%run_scoped3A : memref<!tpu.dma_semaphore, #tpu.memory_space<semaphore_mem>>)
          %dma_wait3A = arith.constant 0 : i32
          %dma_wait3A_113 = tpu.memref_slice %arg11[%dma_wait3A] : memref<50000xf32, #tpu.memory_space<vmem_shared>> -> memref<50000xf32, #tpu.memory_space<vmem_shared>>
          tpu.wait_indirect_dma semaphore(%run_scoped3A : memref<!tpu.dma_semaphore, #tpu.memory_space<semaphore_mem>>) src(%dma_wait3A_113 : memref<50000xf32, #tpu.memory_space<vmem_shared>>) dst(%arg8 : memref<3200xf32, #tpu.memory_space<vmem>>)
          tpu.yield
        }) : () -> ()
        "tpu.region"() ({
          %run_scoped3A = tpu.sem_alloc : memref<!tpu.dma_semaphore, #tpu.memory_space<semaphore_mem>>
          %dma_start3A = arith.constant 0 : i32
          %dma_start3A_112 = tpu.memref_slice %arg14[%dma_start3A] : memref<50000xf32, #tpu.memory_space<vmem_shared>> -> memref<50000xf32, #tpu.memory_space<vmem_shared>>
          tpu.enqueue_indirect_dma source(%arg8 : memref<3200xf32, #tpu.memory_space<vmem>>) target(%dma_start3A_112 : memref<50000xf32, #tpu.memory_space<vmem_shared>>) offsets(%arg7 : memref<3200xi32, #tpu.memory_space<vmem>>) semaphore(%run_scoped3A : memref<!tpu.dma_semaphore, #tpu.memory_space<semaphore_mem>>) {add = true}
          %dma_wait3A = arith.constant 0 : i32
          %dma_wait3A_113 = tpu.memref_slice %arg14[%dma_wait3A] : memref<50000xf32, #tpu.memory_space<vmem_shared>> -> memref<50000xf32, #tpu.memory_space<vmem_shared>>
          tpu.wait_indirect_dma semaphore(%run_scoped3A : memref<!tpu.dma_semaphore, #tpu.memory_space<semaphore_mem>>) src(%arg8 : memref<3200xf32, #tpu.memory_space<vmem>>) dst(%dma_wait3A_113 : memref<50000xf32, #tpu.memory_space<vmem_shared>>)
          tpu.yield
        }) : () -> ()
      } else {
      }
      %scan3A_103 = arith.constant 0 : i32
      scf.yield %scan3A_103 : i32
    }
    %scan3A_73 = arith.constant 8 : i32
    %barrier3A_74 = arith.constant 0 : index
    tpu.barrier barrier_id(%barrier3A_74)
    %scan3A_75 = arith.constant 0 : i32
    %scan3A_76 = arith.constant 0 : i32
    %scan3A_77 = arith.constant 2 : i32
    %scan3A_78 = arith.addi %scan3A_76, %scan3A_77 : i32
    %scan3A_79 = arith.constant 1 : i32
    %scan3A_80 = scf.for %scan3A_96 = %scan3A_76 to %scan3A_78 step %scan3A_79 iter_args(%scan3A_97 = %scan3A_75) -> (i32)  : i32 {
      %mul3A_98 = arith.constant 16 : i32
      %mul3A_99 = arith.muli %mul3A_98, %scan3A_96 : i32
      %add3A_100 = arith.addi %arg1, %mul3A_99 : i32
      %lt3A = arith.constant 25 : i32
      %lt3A_101 = arith.cmpi slt, %add3A_100, %lt3A : i32
      %convert_element_type3A = arith.extui %lt3A_101 : i1 to i32
      %cond3A = arith.constant 0 : i32
      %cond3A_102 = arith.cmpi ne, %convert_element_type3A, %cond3A : i32
      scf.if %cond3A_102 {
        %mul3A_104 = arith.constant 2000 : i32
        %mul3A_105 = arith.muli %add3A_100, %mul3A_104 : i32
        "tpu.region"() ({
          %run_scoped3A = tpu.sem_alloc : memref<!tpu.dma_semaphore, #tpu.memory_space<semaphore_mem>>
          %dma_start3A = tpu.memref_slice %arg12[%mul3A_105] : memref<50000xf32, #tpu.memory_space<vmem_shared>> -> memref<2000xf32, #tpu.memory_space<vmem_shared>>
          %dma_start3A_115 = tpu.memref_slice %arg12[%mul3A_105] : memref<50000xf32, #tpu.memory_space<vmem_shared>> -> memref<2000xf32, #tpu.memory_space<vmem_shared>>
          tpu.enqueue_dma source(%dma_start3A_115 : memref<2000xf32, #tpu.memory_space<vmem_shared>>) target(%arg10 : memref<2000xf32, #tpu.memory_space<vmem>>) target_semaphore(%run_scoped3A : memref<!tpu.dma_semaphore, #tpu.memory_space<semaphore_mem>>)
          %dma_wait3A = tpu.memref_slice %arg12[%mul3A_105] : memref<50000xf32, #tpu.memory_space<vmem_shared>> -> memref<2000xf32, #tpu.memory_space<vmem_shared>>
          %dma_wait3A_116 = tpu.memref_slice %arg12[%mul3A_105] : memref<50000xf32, #tpu.memory_space<vmem_shared>> -> memref<2000xf32, #tpu.memory_space<vmem_shared>>
          tpu.wait_dma2 semaphore(%run_scoped3A : memref<!tpu.dma_semaphore, #tpu.memory_space<semaphore_mem>>) src(%dma_wait3A_116 : memref<2000xf32, #tpu.memory_space<vmem_shared>>) dst(%arg10 : memref<2000xf32, #tpu.memory_space<vmem>>)
          tpu.yield
        }) : () -> ()
        %mul3A_106 = arith.constant 3 : i32
        %mul3A_107 = arith.muli %arg0, %mul3A_106 : i32
        %add3A_108 = arith.constant 0 : i32
        %add3A_109 = arith.addi %mul3A_107, %add3A_108 : i32
        %mul3A_110 = arith.constant 50000 : i32
        %mul3A_111 = arith.muli %add3A_109, %mul3A_110 : i32
        %mul3A_112 = arith.constant 2000 : i32
        %mul3A_113 = arith.muli %add3A_100, %mul3A_112 : i32
        %add3A_114 = arith.addi %mul3A_111, %mul3A_113 : i32
        "tpu.region"() ({
          %run_scoped3A = tpu.sem_alloc : memref<!tpu.dma_semaphore, #tpu.memory_space<semaphore_mem>>
          %dma_start3A = tpu.memref_slice %arg5[%add3A_114] : memref<300000xf32, #tpu.memory_space<hbm>> -> memref<2000xf32, #tpu.memory_space<hbm>>
          %dma_start3A_115 = tpu.memref_slice %arg5[%add3A_114] : memref<300000xf32, #tpu.memory_space<hbm>> -> memref<2000xf32, #tpu.memory_space<hbm>>
          tpu.enqueue_dma source(%arg10 : memref<2000xf32, #tpu.memory_space<vmem>>) target(%dma_start3A_115 : memref<2000xf32, #tpu.memory_space<hbm>>) target_semaphore(%run_scoped3A : memref<!tpu.dma_semaphore, #tpu.memory_space<semaphore_mem>>)
          %dma_wait3A = tpu.memref_slice %arg5[%add3A_114] : memref<300000xf32, #tpu.memory_space<hbm>> -> memref<2000xf32, #tpu.memory_space<hbm>>
          %dma_wait3A_116 = tpu.memref_slice %arg5[%add3A_114] : memref<300000xf32, #tpu.memory_space<hbm>> -> memref<2000xf32, #tpu.memory_space<hbm>>
          tpu.wait_dma2 semaphore(%run_scoped3A : memref<!tpu.dma_semaphore, #tpu.memory_space<semaphore_mem>>) src(%arg10 : memref<2000xf32, #tpu.memory_space<vmem>>) dst(%dma_wait3A_116 : memref<2000xf32, #tpu.memory_space<hbm>>)
          tpu.yield
        }) : () -> ()
      } else {
      }
      %scan3A_103 = arith.constant 0 : i32
      scf.yield %scan3A_103 : i32
    }
    %scan3A_81 = arith.constant 2 : i32
    %scan3A_82 = arith.constant 0 : i32
    %scan3A_83 = arith.constant 0 : i32
    %scan3A_84 = arith.constant 2 : i32
    %scan3A_85 = arith.addi %scan3A_83, %scan3A_84 : i32
    %scan3A_86 = arith.constant 1 : i32
    %scan3A_87 = scf.for %scan3A_96 = %scan3A_83 to %scan3A_85 step %scan3A_86 iter_args(%scan3A_97 = %scan3A_82) -> (i32)  : i32 {
      %mul3A_98 = arith.constant 16 : i32
      %mul3A_99 = arith.muli %mul3A_98, %scan3A_96 : i32
      %add3A_100 = arith.addi %arg1, %mul3A_99 : i32
      %lt3A = arith.constant 25 : i32
      %lt3A_101 = arith.cmpi slt, %add3A_100, %lt3A : i32
      %convert_element_type3A = arith.extui %lt3A_101 : i1 to i32
      %cond3A = arith.constant 0 : i32
      %cond3A_102 = arith.cmpi ne, %convert_element_type3A, %cond3A : i32
      scf.if %cond3A_102 {
        %mul3A_104 = arith.constant 2000 : i32
        %mul3A_105 = arith.muli %add3A_100, %mul3A_104 : i32
        "tpu.region"() ({
          %run_scoped3A = tpu.sem_alloc : memref<!tpu.dma_semaphore, #tpu.memory_space<semaphore_mem>>
          %dma_start3A = tpu.memref_slice %arg13[%mul3A_105] : memref<50000xf32, #tpu.memory_space<vmem_shared>> -> memref<2000xf32, #tpu.memory_space<vmem_shared>>
          %dma_start3A_115 = tpu.memref_slice %arg13[%mul3A_105] : memref<50000xf32, #tpu.memory_space<vmem_shared>> -> memref<2000xf32, #tpu.memory_space<vmem_shared>>
          tpu.enqueue_dma source(%dma_start3A_115 : memref<2000xf32, #tpu.memory_space<vmem_shared>>) target(%arg10 : memref<2000xf32, #tpu.memory_space<vmem>>) target_semaphore(%run_scoped3A : memref<!tpu.dma_semaphore, #tpu.memory_space<semaphore_mem>>)
          %dma_wait3A = tpu.memref_slice %arg13[%mul3A_105] : memref<50000xf32, #tpu.memory_space<vmem_shared>> -> memref<2000xf32, #tpu.memory_space<vmem_shared>>
          %dma_wait3A_116 = tpu.memref_slice %arg13[%mul3A_105] : memref<50000xf32, #tpu.memory_space<vmem_shared>> -> memref<2000xf32, #tpu.memory_space<vmem_shared>>
          tpu.wait_dma2 semaphore(%run_scoped3A : memref<!tpu.dma_semaphore, #tpu.memory_space<semaphore_mem>>) src(%dma_wait3A_116 : memref<2000xf32, #tpu.memory_space<vmem_shared>>) dst(%arg10 : memref<2000xf32, #tpu.memory_space<vmem>>)
          tpu.yield
        }) : () -> ()
        %mul3A_106 = arith.constant 3 : i32
        %mul3A_107 = arith.muli %arg0, %mul3A_106 : i32
        %add3A_108 = arith.constant 1 : i32
        %add3A_109 = arith.addi %mul3A_107, %add3A_108 : i32
        %mul3A_110 = arith.constant 50000 : i32
        %mul3A_111 = arith.muli %add3A_109, %mul3A_110 : i32
        %mul3A_112 = arith.constant 2000 : i32
        %mul3A_113 = arith.muli %add3A_100, %mul3A_112 : i32
        %add3A_114 = arith.addi %mul3A_111, %mul3A_113 : i32
        "tpu.region"() ({
          %run_scoped3A = tpu.sem_alloc : memref<!tpu.dma_semaphore, #tpu.memory_space<semaphore_mem>>
          %dma_start3A = tpu.memref_slice %arg5[%add3A_114] : memref<300000xf32, #tpu.memory_space<hbm>> -> memref<2000xf32, #tpu.memory_space<hbm>>
          %dma_start3A_115 = tpu.memref_slice %arg5[%add3A_114] : memref<300000xf32, #tpu.memory_space<hbm>> -> memref<2000xf32, #tpu.memory_space<hbm>>
          tpu.enqueue_dma source(%arg10 : memref<2000xf32, #tpu.memory_space<vmem>>) target(%dma_start3A_115 : memref<2000xf32, #tpu.memory_space<hbm>>) target_semaphore(%run_scoped3A : memref<!tpu.dma_semaphore, #tpu.memory_space<semaphore_mem>>)
          %dma_wait3A = tpu.memref_slice %arg5[%add3A_114] : memref<300000xf32, #tpu.memory_space<hbm>> -> memref<2000xf32, #tpu.memory_space<hbm>>
          %dma_wait3A_116 = tpu.memref_slice %arg5[%add3A_114] : memref<300000xf32, #tpu.memory_space<hbm>> -> memref<2000xf32, #tpu.memory_space<hbm>>
          tpu.wait_dma2 semaphore(%run_scoped3A : memref<!tpu.dma_semaphore, #tpu.memory_space<semaphore_mem>>) src(%arg10 : memref<2000xf32, #tpu.memory_space<vmem>>) dst(%dma_wait3A_116 : memref<2000xf32, #tpu.memory_space<hbm>>)
          tpu.yield
        }) : () -> ()
      } else {
      }
      %scan3A_103 = arith.constant 0 : i32
      scf.yield %scan3A_103 : i32
    }
    %scan3A_88 = arith.constant 2 : i32
    %scan3A_89 = arith.constant 0 : i32
    %scan3A_90 = arith.constant 0 : i32
    %scan3A_91 = arith.constant 2 : i32
    %scan3A_92 = arith.addi %scan3A_90, %scan3A_91 : i32
    %scan3A_93 = arith.constant 1 : i32
    %scan3A_94 = scf.for %scan3A_96 = %scan3A_90 to %scan3A_92 step %scan3A_93 iter_args(%scan3A_97 = %scan3A_89) -> (i32)  : i32 {
      %mul3A_98 = arith.constant 16 : i32
      %mul3A_99 = arith.muli %mul3A_98, %scan3A_96 : i32
      %add3A_100 = arith.addi %arg1, %mul3A_99 : i32
      %lt3A = arith.constant 25 : i32
      %lt3A_101 = arith.cmpi slt, %add3A_100, %lt3A : i32
      %convert_element_type3A = arith.extui %lt3A_101 : i1 to i32
      %cond3A = arith.constant 0 : i32
      %cond3A_102 = arith.cmpi ne, %convert_element_type3A, %cond3A : i32
      scf.if %cond3A_102 {
        %mul3A_104 = arith.constant 2000 : i32
        %mul3A_105 = arith.muli %add3A_100, %mul3A_104 : i32
        "tpu.region"() ({
          %run_scoped3A = tpu.sem_alloc : memref<!tpu.dma_semaphore, #tpu.memory_space<semaphore_mem>>
          %dma_start3A = tpu.memref_slice %arg14[%mul3A_105] : memref<50000xf32, #tpu.memory_space<vmem_shared>> -> memref<2000xf32, #tpu.memory_space<vmem_shared>>
          %dma_start3A_115 = tpu.memref_slice %arg14[%mul3A_105] : memref<50000xf32, #tpu.memory_space<vmem_shared>> -> memref<2000xf32, #tpu.memory_space<vmem_shared>>
          tpu.enqueue_dma source(%dma_start3A_115 : memref<2000xf32, #tpu.memory_space<vmem_shared>>) target(%arg10 : memref<2000xf32, #tpu.memory_space<vmem>>) target_semaphore(%run_scoped3A : memref<!tpu.dma_semaphore, #tpu.memory_space<semaphore_mem>>)
          %dma_wait3A = tpu.memref_slice %arg14[%mul3A_105] : memref<50000xf32, #tpu.memory_space<vmem_shared>> -> memref<2000xf32, #tpu.memory_space<vmem_shared>>
          %dma_wait3A_116 = tpu.memref_slice %arg14[%mul3A_105] : memref<50000xf32, #tpu.memory_space<vmem_shared>> -> memref<2000xf32, #tpu.memory_space<vmem_shared>>
          tpu.wait_dma2 semaphore(%run_scoped3A : memref<!tpu.dma_semaphore, #tpu.memory_space<semaphore_mem>>) src(%dma_wait3A_116 : memref<2000xf32, #tpu.memory_space<vmem_shared>>) dst(%arg10 : memref<2000xf32, #tpu.memory_space<vmem>>)
          tpu.yield
        }) : () -> ()
        %mul3A_106 = arith.constant 3 : i32
        %mul3A_107 = arith.muli %arg0, %mul3A_106 : i32
        %add3A_108 = arith.constant 2 : i32
        %add3A_109 = arith.addi %mul3A_107, %add3A_108 : i32
        %mul3A_110 = arith.constant 50000 : i32
        %mul3A_111 = arith.muli %add3A_109, %mul3A_110 : i32
        %mul3A_112 = arith.constant 2000 : i32
        %mul3A_113 = arith.muli %add3A_100, %mul3A_112 : i32
        %add3A_114 = arith.addi %mul3A_111, %mul3A_113 : i32
        "tpu.region"() ({
          %run_scoped3A = tpu.sem_alloc : memref<!tpu.dma_semaphore, #tpu.memory_space<semaphore_mem>>
          %dma_start3A = tpu.memref_slice %arg5[%add3A_114] : memref<300000xf32, #tpu.memory_space<hbm>> -> memref<2000xf32, #tpu.memory_space<hbm>>
          %dma_start3A_115 = tpu.memref_slice %arg5[%add3A_114] : memref<300000xf32, #tpu.memory_space<hbm>> -> memref<2000xf32, #tpu.memory_space<hbm>>
          tpu.enqueue_dma source(%arg10 : memref<2000xf32, #tpu.memory_space<vmem>>) target(%dma_start3A_115 : memref<2000xf32, #tpu.memory_space<hbm>>) target_semaphore(%run_scoped3A : memref<!tpu.dma_semaphore, #tpu.memory_space<semaphore_mem>>)
          %dma_wait3A = tpu.memref_slice %arg5[%add3A_114] : memref<300000xf32, #tpu.memory_space<hbm>> -> memref<2000xf32, #tpu.memory_space<hbm>>
          %dma_wait3A_116 = tpu.memref_slice %arg5[%add3A_114] : memref<300000xf32, #tpu.memory_space<hbm>> -> memref<2000xf32, #tpu.memory_space<hbm>>
          tpu.wait_dma2 semaphore(%run_scoped3A : memref<!tpu.dma_semaphore, #tpu.memory_space<semaphore_mem>>) src(%arg10 : memref<2000xf32, #tpu.memory_space<vmem>>) dst(%dma_wait3A_116 : memref<2000xf32, #tpu.memory_space<hbm>>)
          tpu.yield
        }) : () -> ()
      } else {
      }
      %scan3A_103 = arith.constant 0 : i32
      scf.yield %scan3A_103 : i32
    }
    %scan3A_95 = arith.constant 2 : i32
    return
  }
}

module attributes {stable_mosaic.version = 14 : i64} {
  func.func @_tc_stats_body(%arg0: memref<3x50000xf32, #tpu.memory_space<vmem>>, %arg1: memref<3x50000xf32, #tpu.memory_space<vmem>>, %arg2: memref<3x50000xf32, #tpu.memory_space<vmem>>, %arg3: memref<3x50000xf32, #tpu.memory_space<vmem>>, %arg4: memref<3x2xf32, #tpu.memory_space<vmem>>) attributes {dimension_semantics = [], scalar_prefetch = 0 : i64, scratch_operands = 0 : i64, tpu.core_type = #tpu.core_type<tc>} {
    %get3A = arith.constant 0 : index
    %get3A_0 = arith.constant 0 : index
    %get3A_1 = vector.load %arg2[%get3A, %get3A_0] : memref<3x50000xf32, #tpu.memory_space<vmem>>, vector<3x50000xf32>
    %get3A_2 = arith.constant 0 : index
    %get3A_3 = arith.constant 0 : index
    %get3A_4 = vector.load %arg0[%get3A_2, %get3A_3] : memref<3x50000xf32, #tpu.memory_space<vmem>>, vector<3x50000xf32>
    %mul3A = arith.mulf %get3A_1, %get3A_4 : vector<3x50000xf32>
    %mul3A_5 = arith.mulf %get3A_1, %get3A_1 : vector<3x50000xf32>
    %get3A_6 = arith.constant 0 : index
    %get3A_7 = arith.constant 0 : index
    %get3A_8 = vector.load %arg1[%get3A_6, %get3A_7] : memref<3x50000xf32, #tpu.memory_space<vmem>>, vector<3x50000xf32>
    %mul3A_9 = arith.mulf %mul3A_5, %get3A_8 : vector<3x50000xf32>
    %add3A = arith.addf %mul3A, %mul3A_9 : vector<3x50000xf32>
    %swap3A = arith.constant 0 : index
    %swap3A_10 = arith.constant 0 : index
    %swap3A_11 = vector.load %arg3[%swap3A, %swap3A_10] : memref<3x50000xf32, #tpu.memory_space<vmem>>, vector<3x50000xf32>
    tpu.vector_store %arg3[%swap3A, %swap3A_10], %add3A {strides = array<i32>} : memref<3x50000xf32, #tpu.memory_space<vmem>>, vector<3x50000xf32>,
    %reduce_sum3A = arith.constant dense<0.000000e+00> : vector<3xf32>
    %reduce_sum3A_12 = vector.multi_reduction <add>, %add3A, %reduce_sum3A [1] : vector<3x50000xf32> to vector<3xf32>
    %mul3A_13 = arith.mulf %add3A, %add3A : vector<3x50000xf32>
    %reduce_sum3A_14 = arith.constant dense<0.000000e+00> : vector<3xf32>
    %reduce_sum3A_15 = vector.multi_reduction <add>, %mul3A_13, %reduce_sum3A_14 [1] : vector<3x50000xf32> to vector<3xf32>
    %stack3A = vector.shape_cast %reduce_sum3A_12 : vector<3xf32> to vector<3x1xf32>
    %stack3A_16 = vector.shape_cast %reduce_sum3A_15 : vector<3xf32> to vector<3x1xf32>
    %stack3A_17 = tpu.concatenate %stack3A, %stack3A_16 in 1 : vector<3x1xf32>, vector<3x1xf32> -> vector<3x2xf32>
    %swap3A_18 = arith.constant 0 : index
    %swap3A_19 = arith.constant 0 : index
    %swap3A_20 = vector.load %arg4[%swap3A_18, %swap3A_19] : memref<3x2xf32, #tpu.memory_space<vmem>>, vector<3x2xf32>
    tpu.vector_store %arg4[%swap3A_18, %swap3A_19], %stack3A_17 {strides = array<i32>} : memref<3x2xf32, #tpu.memory_space<vmem>>, vector<3x2xf32>,
    return
  }
}

module attributes {stable_mosaic.version = 14 : i64} {
  func.func @_tc_g_body(%arg0: i32, %arg1: i32, %arg2: i32, %arg3: memref<2000x1xf32, #tpu.memory_space<vmem>>, %arg4: memref<2000x1xf32, #tpu.memory_space<vmem>>, %arg5: memref<6x32xf32, #tpu.memory_space<vmem>>, %arg6: memref<6x32xf32, #tpu.memory_space<vmem>>, %arg7: memref<2000x32xf32, #tpu.memory_space<vmem>>) attributes {dimension_semantics = [#tpu.dimension_semantics<arbitrary>, #tpu.dimension_semantics<arbitrary>, #tpu.dimension_semantics<arbitrary>], iteration_bounds = array<i64: 3, 2, 25>, scalar_prefetch = 0 : i64, scratch_operands = 0 : i64, tpu.core_type = #tpu.core_type<tc>, window_params = [{transform_indices = @transform_0, window_bounds = array<i64: 2000, 1>}, {transform_indices = @transform_1, window_bounds = array<i64: 2000, 1>}, {pipeline_mode = #tpu.pipeline_mode<synchronous>, transform_indices = @transform_2, window_bounds = array<i64: 6, 32>}, {pipeline_mode = #tpu.pipeline_mode<synchronous>, transform_indices = @transform_3, window_bounds = array<i64: 6, 32>}, {transform_indices = @transform_4, window_bounds = array<i64: 2000, 32>}]} {
    %mul3A = arith.constant 2 : i32
    %mul3A_0 = arith.muli %mul3A, %arg0 : i32
    %add3A = arith.addi %mul3A_0, %arg1 : i32
    %get3A = arith.index_cast %add3A : i32 to index
    %get3A_1 = arith.constant 0 : index
    %get3A_2 = vector.load %arg5[%get3A, %get3A_1] : memref<6x32xf32, #tpu.memory_space<vmem>>, vector<1x32xf32>
    %get3A_3 = vector.shape_cast %get3A_2 : vector<1x32xf32> to vector<32xf32>
    %get3A_4 = arith.index_cast %add3A : i32 to index
    %get3A_5 = arith.constant 0 : index
    %get3A_6 = vector.load %arg6[%get3A_4, %get3A_5] : memref<6x32xf32, #tpu.memory_space<vmem>>, vector<1x32xf32>
    %get3A_7 = vector.shape_cast %get3A_6 : vector<1x32xf32> to vector<32xf32>
    %get3A_8 = arith.constant 0 : index
    %get3A_9 = arith.constant 0 : index
    %get3A_10 = vector.load %arg3[%get3A_8, %get3A_9] : memref<2000x1xf32, #tpu.memory_space<vmem>>, vector<2000x1xf32>
    %get3A_11 = arith.constant 0 : index
    %get3A_12 = arith.constant 0 : index
    %get3A_13 = vector.load %arg4[%get3A_11, %get3A_12] : memref<2000x1xf32, #tpu.memory_space<vmem>>, vector<2000x1xf32>
    %broadcast_in_dim3A = vector.shape_cast %get3A_3 : vector<32xf32> to vector<1x32xf32>
    %mul3A_14 = vector.broadcast %get3A_10 : vector<2000x1xf32> to vector<2000x32xf32>
    %mul3A_15 = vector.broadcast %broadcast_in_dim3A : vector<1x32xf32> to vector<2000x32xf32>
    %mul3A_16 = arith.mulf %mul3A_14, %mul3A_15 : vector<2000x32xf32>
    %broadcast_in_dim3A_17 = vector.shape_cast %get3A_7 : vector<32xf32> to vector<1x32xf32>
    %add3A_18 = vector.broadcast %broadcast_in_dim3A_17 : vector<1x32xf32> to vector<2000x32xf32>
    %add3A_19 = arith.addf %mul3A_16, %add3A_18 : vector<2000x32xf32>
    %max3A = arith.constant 0.000000e+00 : f32
    %max3A_20 = vector.broadcast %max3A : f32 to vector<2000x32xf32>
    %max3A_21 = arith.maximumf %add3A_19, %max3A_20 : vector<2000x32xf32>
    %mul3A_22 = vector.broadcast %get3A_13 : vector<2000x1xf32> to vector<2000x32xf32>
    %mul3A_23 = arith.mulf %mul3A_22, %max3A_21 : vector<2000x32xf32>
    %swap3A = arith.constant 0 : index
    %swap3A_24 = arith.constant 0 : index
    %swap3A_25 = vector.load %arg7[%swap3A, %swap3A_24] : memref<2000x32xf32, #tpu.memory_space<vmem>>, vector<2000x32xf32>
    tpu.vector_store %arg7[%swap3A, %swap3A_24], %mul3A_23 {strides = array<i32>} : memref<2000x32xf32, #tpu.memory_space<vmem>>, vector<2000x32xf32>,
    return
  }
  func.func @transform_0(%arg0: i32, %arg1: i32, %arg2: i32) -> (i32, i32) {
    %mul3A = arith.constant 25 : i32
    %mul3A_0 = arith.muli %arg0, %mul3A : i32
    %add3A = arith.addi %mul3A_0, %arg2 : i32
    %c0_i32 = arith.constant 0 : i32
    %c0_i32_1 = arith.constant 0 : i32
    return %add3A, %c0_i32 : i32, i32
  }
  func.func @transform_1(%arg0: i32, %arg1: i32, %arg2: i32) -> (i32, i32) {
    %mul3A = arith.constant 25 : i32
    %mul3A_0 = arith.muli %arg0, %mul3A : i32
    %add3A = arith.addi %mul3A_0, %arg2 : i32
    %c0_i32 = arith.constant 0 : i32
    %c0_i32_1 = arith.constant 0 : i32
    return %add3A, %c0_i32 : i32, i32
  }
  func.func @transform_2(%arg0: i32, %arg1: i32, %arg2: i32) -> (i32, i32) {
    %c0_i32 = arith.constant 0 : i32
    %c0_i32_0 = arith.constant 0 : i32
    %c0_i32_1 = arith.constant 0 : i32
    return %c0_i32, %c0_i32_0 : i32, i32
  }
  func.func @transform_3(%arg0: i32, %arg1: i32, %arg2: i32) -> (i32, i32) {
    %c0_i32 = arith.constant 0 : i32
    %c0_i32_0 = arith.constant 0 : i32
    %c0_i32_1 = arith.constant 0 : i32
    return %c0_i32, %c0_i32_0 : i32, i32
  }
  func.func @transform_4(%arg0: i32, %arg1: i32, %arg2: i32) -> (i32, i32) {
    %mul3A = arith.constant 2 : i32
    %mul3A_0 = arith.muli %mul3A, %arg0 : i32
    %add3A = arith.addi %mul3A_0, %arg1 : i32
    %mul3A_1 = arith.constant 25 : i32
    %mul3A_2 = arith.muli %add3A, %mul3A_1 : i32
    %add3A_3 = arith.addi %mul3A_2, %arg2 : i32
    %c0_i32 = arith.constant 0 : i32
    %c0_i32_4 = arith.constant 0 : i32
    return %add3A_3, %c0_i32 : i32, i32
  }
}

module attributes {stable_mosaic.version = 14 : i64} {
  func.func @_tc_head_body(%arg0: i32, %arg1: memref<1024x32xf32, #tpu.memory_space<vmem>>, %arg2: memref<1024x32xf32, #tpu.memory_space<vmem>>, %arg3: memref<1024x32xf32, #tpu.memory_space<vmem>>, %arg4: memref<1024x32xf32, #tpu.memory_space<vmem>>, %arg5: memref<1024x1xf32, #tpu.memory_space<vmem>>, %arg6: memref<1024x1xf32, #tpu.memory_space<vmem>>, %arg7: memref<1024x1xf32, #tpu.memory_space<vmem>>, %arg8: memref<1024x1xf32, #tpu.memory_space<vmem>>, %arg9: memref<1024x1xi32, #tpu.memory_space<vmem>>, %arg10: memref<1024x1xi32, #tpu.memory_space<vmem>>, %arg11: memref<1024x1xi32, #tpu.memory_space<vmem>>, %arg12: memref<3x64xf32, #tpu.memory_space<vmem>>, %arg13: memref<3x64xf32, #tpu.memory_space<vmem>>, %arg14: memref<3x64x64xf32, #tpu.memory_space<vmem>>, %arg15: memref<3x64xf32, #tpu.memory_space<vmem>>, %arg16: memref<128x16xf32, #tpu.memory_space<vmem>>, %arg17: memref<1x16xf32, #tpu.memory_space<vmem>>, %arg18: memref<16x128xf32, #tpu.memory_space<vmem>>, %arg19: memref<1x128xf32, #tpu.memory_space<vmem>>, %arg20: memref<3x2xf32, #tpu.memory_space<vmem>>, %arg21: memref<128x2xf32, #tpu.memory_space<vmem>>, %arg22: memref<1x2xf32, #tpu.memory_space<vmem>>, %arg23: memref<128x3xf32, #tpu.memory_space<vmem>>, %arg24: memref<1x3xf32, #tpu.memory_space<vmem>>, %arg25: memref<128x2xf32, #tpu.memory_space<vmem>>, %arg26: memref<1x2xf32, #tpu.memory_space<vmem>>, %arg27: memref<1024x2xf32, #tpu.memory_space<vmem>>, %arg28: memref<1024x3xf32, #tpu.memory_space<vmem>>) attributes {dimension_semantics = [#tpu.dimension_semantics<arbitrary>], iteration_bounds = array<i64: 16>, scalar_prefetch = 0 : i64, scratch_operands = 0 : i64, tpu.core_type = #tpu.core_type<tc>, window_params = [{transform_indices = @transform_0, window_bounds = array<i64: 1024, 32>}, {transform_indices = @transform_1, window_bounds = array<i64: 1024, 32>}, {transform_indices = @transform_2, window_bounds = array<i64: 1024, 32>}, {transform_indices = @transform_3, window_bounds = array<i64: 1024, 32>}, {transform_indices = @transform_4, window_bounds = array<i64: 1024, 1>}, {transform_indices = @transform_5, window_bounds = array<i64: 1024, 1>}, {transform_indices = @transform_6, window_bounds = array<i64: 1024, 1>}, {transform_indices = @transform_7, window_bounds = array<i64: 1024, 1>}, {transform_indices = @transform_8, window_bounds = array<i64: 1024, 1>}, {transform_indices = @transform_9, window_bounds = array<i64: 1024, 1>}, {transform_indices = @transform_10, window_bounds = array<i64: 1024, 1>}, {pipeline_mode = #tpu.pipeline_mode<synchronous>, transform_indices = @transform_11, window_bounds = array<i64: 3, 64>}, {pipeline_mode = #tpu.pipeline_mode<synchronous>, transform_indices = @transform_12, window_bounds = array<i64: 3, 64>}, {pipeline_mode = #tpu.pipeline_mode<synchronous>, transform_indices = @transform_13, window_bounds = array<i64: 3, 64, 64>}, {pipeline_mode = #tpu.pipeline_mode<synchronous>, transform_indices = @transform_14, window_bounds = array<i64: 3, 64>}, {pipeline_mode = #tpu.pipeline_mode<synchronous>, transform_indices = @transform_15, window_bounds = array<i64: 128, 16>}, {pipeline_mode = #tpu.pipeline_mode<synchronous>, transform_indices = @transform_16, window_bounds = array<i64: 1, 16>}, {pipeline_mode = #tpu.pipeline_mode<synchronous>, transform_indices = @transform_17, window_bounds = array<i64: 16, 128>}, {pipeline_mode = #tpu.pipeline_mode<synchronous>, transform_indices = @transform_18, window_bounds = array<i64: 1, 128>}, {pipeline_mode = #tpu.pipeline_mode<synchronous>, transform_indices = @transform_19, window_bounds = array<i64: 3, 2>}, {pipeline_mode = #tpu.pipeline_mode<synchronous>, transform_indices = @transform_20, window_bounds = array<i64: 128, 2>}, {pipeline_mode = #tpu.pipeline_mode<synchronous>, transform_indices = @transform_21, window_bounds = array<i64: 1, 2>}, {pipeline_mode = #tpu.pipeline_mode<synchronous>, transform_indices = @transform_22, window_bounds = array<i64: 128, 3>}, {pipeline_mode = #tpu.pipeline_mode<synchronous>, transform_indices = @transform_23, window_bounds = array<i64: 1, 3>}, {pipeline_mode = #tpu.pipeline_mode<synchronous>, transform_indices = @transform_24, window_bounds = array<i64: 128, 2>}, {pipeline_mode = #tpu.pipeline_mode<synchronous>, transform_indices = @transform_25, window_bounds = array<i64: 1, 2>}, {transform_indices = @transform_26, window_bounds = array<i64: 1024, 2>}, {transform_indices = @transform_27, window_bounds = array<i64: 1024, 3>}]} {
    %get3A = arith.constant 0 : index
    %get3A_0 = arith.constant 0 : index
    %get3A_1 = vector.load %arg9[%get3A, %get3A_0] : memref<1024x1xi32, #tpu.memory_space<vmem>>, vector<1024x1xi32>
    %iota3A = tpu.iota {dimensions = array<i32: 1>} : vector<1x3xi32>
    %iota3A_2 = vector.shape_cast %iota3A : vector<1x3xi32> to vector<3xi32>
    %broadcast_in_dim3A = vector.shape_cast %iota3A_2 : vector<3xi32> to vector<1x3xi32>
    %eq3A = vector.broadcast %get3A_1 : vector<1024x1xi32> to vector<1024x3xi32>
    %eq3A_3 = vector.broadcast %broadcast_in_dim3A : vector<1x3xi32> to vector<1024x3xi32>
    %eq3A_4 = arith.cmpi eq, %eq3A, %eq3A_3 : vector<1024x3xi32>
    %convert_element_type3A = arith.extui %eq3A_4 : vector<1024x3xi1> to vector<1024x3xi32>
    %convert_element_type3A_5 = arith.sitofp %convert_element_type3A : vector<1024x3xi32> to vector<1024x3xf32>
    %get3A_6 = arith.constant 0 : index
    %get3A_7 = arith.constant 0 : index
    %get3A_8 = vector.load %arg12[%get3A_6, %get3A_7] : memref<3x64xf32, #tpu.memory_space<vmem>>, vector<3x64xf32>
    %dot_general3A = arith.constant dense<0.000000e+00> : vector<1024x64xf32>
    %dot_general3A_9 = tpu.matmul %convert_element_type3A_5, %get3A_8, %dot_general3A {dimension_numbers = #tpu.dot_dimension_numbers<[1], [0], [0], [1], [0, 0, 1, 1], [], []>, transpose_lhs_hint = false} : vector<1024x3xf32>, vector<3x64xf32>, vector<1024x64xf32> -> vector<1024x64xf32>
    %get3A_10 = arith.constant 0 : index
    %get3A_11 = arith.constant 0 : index
    %get3A_12 = vector.load %arg13[%get3A_10, %get3A_11] : memref<3x64xf32, #tpu.memory_space<vmem>>, vector<3x64xf32>
    %dot_general3A_13 = arith.constant dense<0.000000e+00> : vector<1024x64xf32>
    %dot_general3A_14 = tpu.matmul %convert_element_type3A_5, %get3A_12, %dot_general3A_13 {dimension_numbers = #tpu.dot_dimension_numbers<[1], [0], [0], [1], [0, 0, 1, 1], [], []>, transpose_lhs_hint = false} : vector<1024x3xf32>, vector<3x64xf32>, vector<1024x64xf32> -> vector<1024x64xf32>
    %get3A_15 = arith.constant 0 : index
    %get3A_16 = arith.constant 0 : index
    %get3A_17 = vector.load %arg15[%get3A_15, %get3A_16] : memref<3x64xf32, #tpu.memory_space<vmem>>, vector<3x64xf32>
    %dot_general3A_18 = arith.constant dense<0.000000e+00> : vector<1024x64xf32>
    %dot_general3A_19 = tpu.matmul %convert_element_type3A_5, %get3A_17, %dot_general3A_18 {dimension_numbers = #tpu.dot_dimension_numbers<[1], [0], [0], [1], [0, 0, 1, 1], [], []>, transpose_lhs_hint = false} : vector<1024x3xf32>, vector<3x64xf32>, vector<1024x64xf32> -> vector<1024x64xf32>
    %get3A_20 = arith.constant 0 : index
    %get3A_21 = arith.constant 0 : index
    %get3A_22 = vector.load %arg1[%get3A_20, %get3A_21] : memref<1024x32xf32, #tpu.memory_space<vmem>>, vector<1024x32xf32>
    %get3A_23 = arith.constant 0 : index
    %get3A_24 = arith.constant 0 : index
    %get3A_25 = vector.load %arg3[%get3A_23, %get3A_24] : memref<1024x32xf32, #tpu.memory_space<vmem>>, vector<1024x32xf32>
    %concatenate3A = tpu.concatenate %get3A_22, %get3A_25 in 1 : vector<1024x32xf32>, vector<1024x32xf32> -> vector<1024x64xf32>
    %get3A_26 = arith.constant 0 : index
    %get3A_27 = arith.constant 0 : index
    %get3A_28 = vector.load %arg5[%get3A_26, %get3A_27] : memref<1024x1xf32, #tpu.memory_space<vmem>>, vector<1024x1xf32>
    %get3A_29 = arith.constant 0 : index
    %get3A_30 = arith.constant 0 : index
    %get3A_31 = vector.load %arg7[%get3A_29, %get3A_30] : memref<1024x1xf32, #tpu.memory_space<vmem>>, vector<1024x1xf32>
    %mul3A = vector.broadcast %get3A_28 : vector<1024x1xf32> to vector<1024x64xf32>
    %mul3A_32 = arith.mulf %dot_general3A_9, %mul3A : vector<1024x64xf32>
    %add3A = arith.addf %mul3A_32, %dot_general3A_14 : vector<1024x64xf32>
    %max3A = arith.constant 0.000000e+00 : f32
    %max3A_33 = vector.broadcast %max3A : f32 to vector<1024x64xf32>
    %max3A_34 = arith.maximumf %add3A, %max3A_33 : vector<1024x64xf32>
    %mul3A_35 = vector.broadcast %get3A_31 : vector<1024x1xf32> to vector<1024x64xf32>
    %mul3A_36 = arith.mulf %mul3A_35, %concatenate3A : vector<1024x64xf32>
    %mul3A_37 = arith.mulf %get3A_31, %get3A_31 : vector<1024x1xf32>
    %mul3A_38 = vector.broadcast %mul3A_37 : vector<1024x1xf32> to vector<1024x64xf32>
    %mul3A_39 = arith.mulf %mul3A_38, %max3A_34 : vector<1024x64xf32>
    %add3A_40 = arith.addf %mul3A_36, %mul3A_39 : vector<1024x64xf32>
    %slice3A = vector.extract_strided_slice %convert_element_type3A_5 {offsets = [0, 0], sizes = [1024, 1], strides = [1, 1]} : vector<1024x3xf32> to vector<1024x1xf32>
    %get3A_41 = arith.constant 0 : index
    %get3A_42 = arith.constant 0 : index
    %get3A_43 = arith.constant 0 : index
    %get3A_44 = vector.load %arg14[%get3A_41, %get3A_42, %get3A_43] : memref<3x64x64xf32, #tpu.memory_space<vmem>>, vector<1x64x64xf32>
    %get3A_45 = vector.shape_cast %get3A_44 : vector<1x64x64xf32> to vector<64x64xf32>
    %dot_general3A_46 = arith.constant dense<0.000000e+00> : vector<1024x64xf32>
    %dot_general3A_47 = tpu.matmul %add3A_40, %get3A_45, %dot_general3A_46 {dimension_numbers = #tpu.dot_dimension_numbers<[1], [0], [0], [1], [0, 0, 1, 1], [], []>, transpose_lhs_hint = false} : vector<1024x64xf32>, vector<64x64xf32>, vector<1024x64xf32> -> vector<1024x64xf32>
    %mul3A_48 = vector.broadcast %slice3A : vector<1024x1xf32> to vector<1024x64xf32>
    %mul3A_49 = arith.mulf %mul3A_48, %dot_general3A_47 : vector<1024x64xf32>
    %add3A_50 = arith.addf %dot_general3A_19, %mul3A_49 : vector<1024x64xf32>
    %slice3A_51 = vector.extract_strided_slice %convert_element_type3A_5 {offsets = [0, 1], sizes = [1024, 1], strides = [1, 1]} : vector<1024x3xf32> to vector<1024x1xf32>
    %get3A_52 = arith.constant 1 : index
    %get3A_53 = arith.constant 0 : index
    %get3A_54 = arith.constant 0 : index
    %get3A_55 = vector.load %arg14[%get3A_52, %get3A_53, %get3A_54] : memref<3x64x64xf32, #tpu.memory_space<vmem>>, vector<1x64x64xf32>
    %get3A_56 = vector.shape_cast %get3A_55 : vector<1x64x64xf32> to vector<64x64xf32>
    %dot_general3A_57 = arith.constant dense<0.000000e+00> : vector<1024x64xf32>
    %dot_general3A_58 = tpu.matmul %add3A_40, %get3A_56, %dot_general3A_57 {dimension_numbers = #tpu.dot_dimension_numbers<[1], [0], [0], [1], [0, 0, 1, 1], [], []>, transpose_lhs_hint = false} : vector<1024x64xf32>, vector<64x64xf32>, vector<1024x64xf32> -> vector<1024x64xf32>
    %mul3A_59 = vector.broadcast %slice3A_51 : vector<1024x1xf32> to vector<1024x64xf32>
    %mul3A_60 = arith.mulf %mul3A_59, %dot_general3A_58 : vector<1024x64xf32>
    %add3A_61 = arith.addf %add3A_50, %mul3A_60 : vector<1024x64xf32>
    %slice3A_62 = vector.extract_strided_slice %convert_element_type3A_5 {offsets = [0, 2], sizes = [1024, 1], strides = [1, 1]} : vector<1024x3xf32> to vector<1024x1xf32>
    %get3A_63 = arith.constant 2 : index
    %get3A_64 = arith.constant 0 : index
    %get3A_65 = arith.constant 0 : index
    %get3A_66 = vector.load %arg14[%get3A_63, %get3A_64, %get3A_65] : memref<3x64x64xf32, #tpu.memory_space<vmem>>, vector<1x64x64xf32>
    %get3A_67 = vector.shape_cast %get3A_66 : vector<1x64x64xf32> to vector<64x64xf32>
    %dot_general3A_68 = arith.constant dense<0.000000e+00> : vector<1024x64xf32>
    %dot_general3A_69 = tpu.matmul %add3A_40, %get3A_67, %dot_general3A_68 {dimension_numbers = #tpu.dot_dimension_numbers<[1], [0], [0], [1], [0, 0, 1, 1], [], []>, transpose_lhs_hint = false} : vector<1024x64xf32>, vector<64x64xf32>, vector<1024x64xf32> -> vector<1024x64xf32>
    %mul3A_70 = vector.broadcast %slice3A_62 : vector<1024x1xf32> to vector<1024x64xf32>
    %mul3A_71 = arith.mulf %mul3A_70, %dot_general3A_69 : vector<1024x64xf32>
    %add3A_72 = arith.addf %add3A_61, %mul3A_71 : vector<1024x64xf32>
    %get3A_73 = arith.constant 0 : index
    %get3A_74 = arith.constant 0 : index
    %get3A_75 = vector.load %arg2[%get3A_73, %get3A_74] : memref<1024x32xf32, #tpu.memory_space<vmem>>, vector<1024x32xf32>
    %get3A_76 = arith.constant 0 : index
    %get3A_77 = arith.constant 0 : index
    %get3A_78 = vector.load %arg4[%get3A_76, %get3A_77] : memref<1024x32xf32, #tpu.memory_space<vmem>>, vector<1024x32xf32>
    %concatenate3A_79 = tpu.concatenate %get3A_75, %get3A_78 in 1 : vector<1024x32xf32>, vector<1024x32xf32> -> vector<1024x64xf32>
    %get3A_80 = arith.constant 0 : index
    %get3A_81 = arith.constant 0 : index
    %get3A_82 = vector.load %arg6[%get3A_80, %get3A_81] : memref<1024x1xf32, #tpu.memory_space<vmem>>, vector<1024x1xf32>
    %get3A_83 = arith.constant 0 : index
    %get3A_84 = arith.constant 0 : index
    %get3A_85 = vector.load %arg8[%get3A_83, %get3A_84] : memref<1024x1xf32, #tpu.memory_space<vmem>>, vector<1024x1xf32>
    %mul3A_86 = vector.broadcast %get3A_82 : vector<1024x1xf32> to vector<1024x64xf32>
    %mul3A_87 = arith.mulf %dot_general3A_9, %mul3A_86 : vector<1024x64xf32>
    %add3A_88 = arith.addf %mul3A_87, %dot_general3A_14 : vector<1024x64xf32>
    %max3A_89 = arith.constant 0.000000e+00 : f32
    %max3A_90 = vector.broadcast %max3A_89 : f32 to vector<1024x64xf32>
    %max3A_91 = arith.maximumf %add3A_88, %max3A_90 : vector<1024x64xf32>
    %mul3A_92 = vector.broadcast %get3A_85 : vector<1024x1xf32> to vector<1024x64xf32>
    %mul3A_93 = arith.mulf %mul3A_92, %concatenate3A_79 : vector<1024x64xf32>
    %mul3A_94 = arith.mulf %get3A_85, %get3A_85 : vector<1024x1xf32>
    %mul3A_95 = vector.broadcast %mul3A_94 : vector<1024x1xf32> to vector<1024x64xf32>
    %mul3A_96 = arith.mulf %mul3A_95, %max3A_91 : vector<1024x64xf32>
    %add3A_97 = arith.addf %mul3A_93, %mul3A_96 : vector<1024x64xf32>
    %slice3A_98 = vector.extract_strided_slice %convert_element_type3A_5 {offsets = [0, 0], sizes = [1024, 1], strides = [1, 1]} : vector<1024x3xf32> to vector<1024x1xf32>
    %get3A_99 = arith.constant 0 : index
    %get3A_100 = arith.constant 0 : index
    %get3A_101 = arith.constant 0 : index
    %get3A_102 = vector.load %arg14[%get3A_99, %get3A_100, %get3A_101] : memref<3x64x64xf32, #tpu.memory_space<vmem>>, vector<1x64x64xf32>
    %get3A_103 = vector.shape_cast %get3A_102 : vector<1x64x64xf32> to vector<64x64xf32>
    %dot_general3A_104 = arith.constant dense<0.000000e+00> : vector<1024x64xf32>
    %dot_general3A_105 = tpu.matmul %add3A_97, %get3A_103, %dot_general3A_104 {dimension_numbers = #tpu.dot_dimension_numbers<[1], [0], [0], [1], [0, 0, 1, 1], [], []>, transpose_lhs_hint = false} : vector<1024x64xf32>, vector<64x64xf32>, vector<1024x64xf32> -> vector<1024x64xf32>
    %mul3A_106 = vector.broadcast %slice3A_98 : vector<1024x1xf32> to vector<1024x64xf32>
    %mul3A_107 = arith.mulf %mul3A_106, %dot_general3A_105 : vector<1024x64xf32>
    %add3A_108 = arith.addf %dot_general3A_19, %mul3A_107 : vector<1024x64xf32>
    %slice3A_109 = vector.extract_strided_slice %convert_element_type3A_5 {offsets = [0, 1], sizes = [1024, 1], strides = [1, 1]} : vector<1024x3xf32> to vector<1024x1xf32>
    %get3A_110 = arith.constant 1 : index
    %get3A_111 = arith.constant 0 : index
    %get3A_112 = arith.constant 0 : index
    %get3A_113 = vector.load %arg14[%get3A_110, %get3A_111, %get3A_112] : memref<3x64x64xf32, #tpu.memory_space<vmem>>, vector<1x64x64xf32>
    %get3A_114 = vector.shape_cast %get3A_113 : vector<1x64x64xf32> to vector<64x64xf32>
    %dot_general3A_115 = arith.constant dense<0.000000e+00> : vector<1024x64xf32>
    %dot_general3A_116 = tpu.matmul %add3A_97, %get3A_114, %dot_general3A_115 {dimension_numbers = #tpu.dot_dimension_numbers<[1], [0], [0], [1], [0, 0, 1, 1], [], []>, transpose_lhs_hint = false} : vector<1024x64xf32>, vector<64x64xf32>, vector<1024x64xf32> -> vector<1024x64xf32>
    %mul3A_117 = vector.broadcast %slice3A_109 : vector<1024x1xf32> to vector<1024x64xf32>
    %mul3A_118 = arith.mulf %mul3A_117, %dot_general3A_116 : vector<1024x64xf32>
    %add3A_119 = arith.addf %add3A_108, %mul3A_118 : vector<1024x64xf32>
    %slice3A_120 = vector.extract_strided_slice %convert_element_type3A_5 {offsets = [0, 2], sizes = [1024, 1], strides = [1, 1]} : vector<1024x3xf32> to vector<1024x1xf32>
    %get3A_121 = arith.constant 2 : index
    %get3A_122 = arith.constant 0 : index
    %get3A_123 = arith.constant 0 : index
    %get3A_124 = vector.load %arg14[%get3A_121, %get3A_122, %get3A_123] : memref<3x64x64xf32, #tpu.memory_space<vmem>>, vector<1x64x64xf32>
    %get3A_125 = vector.shape_cast %get3A_124 : vector<1x64x64xf32> to vector<64x64xf32>
    %dot_general3A_126 = arith.constant dense<0.000000e+00> : vector<1024x64xf32>
    %dot_general3A_127 = tpu.matmul %add3A_97, %get3A_125, %dot_general3A_126 {dimension_numbers = #tpu.dot_dimension_numbers<[1], [0], [0], [1], [0, 0, 1, 1], [], []>, transpose_lhs_hint = false} : vector<1024x64xf32>, vector<64x64xf32>, vector<1024x64xf32> -> vector<1024x64xf32>
    %mul3A_128 = vector.broadcast %slice3A_120 : vector<1024x1xf32> to vector<1024x64xf32>
    %mul3A_129 = arith.mulf %mul3A_128, %dot_general3A_127 : vector<1024x64xf32>
    %add3A_130 = arith.addf %add3A_119, %mul3A_129 : vector<1024x64xf32>
    %concatenate3A_131 = tpu.concatenate %add3A_72, %add3A_130 in 1 : vector<1024x64xf32>, vector<1024x64xf32> -> vector<1024x128xf32>
    %get3A_132 = arith.constant 0 : index
    %get3A_133 = arith.constant 0 : index
    %get3A_134 = vector.load %arg16[%get3A_132, %get3A_133] : memref<128x16xf32, #tpu.memory_space<vmem>>, vector<128x16xf32>
    %dot_general3A_135 = arith.constant dense<0.000000e+00> : vector<1024x16xf32>
    %dot_general3A_136 = tpu.matmul %concatenate3A_131, %get3A_134, %dot_general3A_135 {dimension_numbers = #tpu.dot_dimension_numbers<[1], [0], [0], [1], [0, 0, 1, 1], [], []>, transpose_lhs_hint = false} : vector<1024x128xf32>, vector<128x16xf32>, vector<1024x16xf32> -> vector<1024x16xf32>
    %get3A_137 = arith.constant 0 : index
    %get3A_138 = arith.constant 0 : index
    %get3A_139 = vector.load %arg17[%get3A_137, %get3A_138] : memref<1x16xf32, #tpu.memory_space<vmem>>, vector<1x16xf32>
    %add3A_140 = vector.broadcast %get3A_139 : vector<1x16xf32> to vector<1024x16xf32>
    %add3A_141 = arith.addf %dot_general3A_136, %add3A_140 : vector<1024x16xf32>
    %max3A_142 = arith.constant 0.000000e+00 : f32
    %max3A_143 = vector.broadcast %max3A_142 : f32 to vector<1024x16xf32>
    %max3A_144 = arith.maximumf %add3A_141, %max3A_143 : vector<1024x16xf32>
    %get3A_145 = arith.constant 0 : index
    %get3A_146 = arith.constant 0 : index
    %get3A_147 = vector.load %arg18[%get3A_145, %get3A_146] : memref<16x128xf32, #tpu.memory_space<vmem>>, vector<16x128xf32>
    %dot_general3A_148 = arith.constant dense<0.000000e+00> : vector<1024x128xf32>
    %dot_general3A_149 = tpu.matmul %max3A_144, %get3A_147, %dot_general3A_148 {dimension_numbers = #tpu.dot_dimension_numbers<[1], [0], [0], [1], [0, 0, 1, 1], [], []>, transpose_lhs_hint = false} : vector<1024x16xf32>, vector<16x128xf32>, vector<1024x128xf32> -> vector<1024x128xf32>
    %get3A_150 = arith.constant 0 : index
    %get3A_151 = arith.constant 0 : index
    %get3A_152 = vector.load %arg19[%get3A_150, %get3A_151] : memref<1x128xf32, #tpu.memory_space<vmem>>, vector<1x128xf32>
    %add3A_153 = vector.broadcast %get3A_152 : vector<1x128xf32> to vector<1024x128xf32>
    %add3A_154 = arith.addf %dot_general3A_149, %add3A_153 : vector<1024x128xf32>
    %convert_element_type3A_155 = arith.sitofp %get3A_1 : vector<1024x1xi32> to vector<1024x1xf32>
    %get3A_156 = arith.constant 0 : index
    %get3A_157 = arith.constant 0 : index
    %get3A_158 = vector.load %arg10[%get3A_156, %get3A_157] : memref<1024x1xi32, #tpu.memory_space<vmem>>, vector<1024x1xi32>
    %convert_element_type3A_159 = arith.sitofp %get3A_158 : vector<1024x1xi32> to vector<1024x1xf32>
    %get3A_160 = arith.constant 0 : index
    %get3A_161 = arith.constant 0 : index
    %get3A_162 = vector.load %arg11[%get3A_160, %get3A_161] : memref<1024x1xi32, #tpu.memory_space<vmem>>, vector<1024x1xi32>
    %convert_element_type3A_163 = arith.sitofp %get3A_162 : vector<1024x1xi32> to vector<1024x1xf32>
    %get3A_164 = arith.constant 0 : index
    %get3A_165 = arith.constant 0 : index
    %get3A_166 = vector.load %arg20[%get3A_164, %get3A_165] : memref<3x2xf32, #tpu.memory_space<vmem>>, vector<3x2xf32>
    %slice3A_167 = vector.extract_strided_slice %get3A_166 {offsets = [0, 0], sizes = [1, 2], strides = [1, 1]} : vector<3x2xf32> to vector<1x2xf32>
    %mul3A_168 = vector.broadcast %convert_element_type3A_155 : vector<1024x1xf32> to vector<1024x2xf32>
    %mul3A_169 = vector.broadcast %slice3A_167 : vector<1x2xf32> to vector<1024x2xf32>
    %mul3A_170 = arith.mulf %mul3A_168, %mul3A_169 : vector<1024x2xf32>
    %slice3A_171 = vector.extract_strided_slice %get3A_166 {offsets = [1, 0], sizes = [1, 2], strides = [1, 1]} : vector<3x2xf32> to vector<1x2xf32>
    %mul3A_172 = vector.broadcast %convert_element_type3A_159 : vector<1024x1xf32> to vector<1024x2xf32>
    %mul3A_173 = vector.broadcast %slice3A_171 : vector<1x2xf32> to vector<1024x2xf32>
    %mul3A_174 = arith.mulf %mul3A_172, %mul3A_173 : vector<1024x2xf32>
    %add3A_175 = arith.addf %mul3A_170, %mul3A_174 : vector<1024x2xf32>
    %slice3A_176 = vector.extract_strided_slice %get3A_166 {offsets = [2, 0], sizes = [1, 2], strides = [1, 1]} : vector<3x2xf32> to vector<1x2xf32>
    %mul3A_177 = vector.broadcast %convert_element_type3A_163 : vector<1024x1xf32> to vector<1024x2xf32>
    %mul3A_178 = vector.broadcast %slice3A_176 : vector<1x2xf32> to vector<1024x2xf32>
    %mul3A_179 = arith.mulf %mul3A_177, %mul3A_178 : vector<1024x2xf32>
    %add3A_180 = arith.addf %add3A_175, %mul3A_179 : vector<1024x2xf32>
    %get3A_181 = arith.constant 0 : index
    %get3A_182 = arith.constant 0 : index
    %get3A_183 = vector.load %arg21[%get3A_181, %get3A_182] : memref<128x2xf32, #tpu.memory_space<vmem>>, vector<128x2xf32>
    %dot_general3A_184 = arith.constant dense<0.000000e+00> : vector<1024x2xf32>
    %dot_general3A_185 = tpu.matmul %concatenate3A_131, %get3A_183, %dot_general3A_184 {dimension_numbers = #tpu.dot_dimension_numbers<[1], [0], [0], [1], [0, 0, 1, 1], [], []>, transpose_lhs_hint = false} : vector<1024x128xf32>, vector<128x2xf32>, vector<1024x2xf32> -> vector<1024x2xf32>
    %add3A_186 = arith.addf %add3A_180, %dot_general3A_185 : vector<1024x2xf32>
    %get3A_187 = arith.constant 0 : index
    %get3A_188 = arith.constant 0 : index
    %get3A_189 = vector.load %arg22[%get3A_187, %get3A_188] : memref<1x2xf32, #tpu.memory_space<vmem>>, vector<1x2xf32>
    %add3A_190 = vector.broadcast %get3A_189 : vector<1x2xf32> to vector<1024x2xf32>
    %add3A_191 = arith.addf %add3A_186, %add3A_190 : vector<1024x2xf32>
    %reduce_max3A = arith.constant dense<0xFF800000> : vector<1024xf32>
    %reduce_max3A_192 = vector.multi_reduction <maximumf>, %add3A_191, %reduce_max3A [1] : vector<1024x2xf32> to vector<1024xf32>
    %broadcast_in_dim3A_193 = vector.shape_cast %reduce_max3A_192 : vector<1024xf32> to vector<1024x1xf32>
    %sub3A = vector.broadcast %broadcast_in_dim3A_193 : vector<1024x1xf32> to vector<1024x2xf32>
    %sub3A_194 = arith.subf %add3A_191, %sub3A : vector<1024x2xf32>
    %exp3A = math.exp %sub3A_194 : vector<1024x2xf32>
    %reduce_sum3A = arith.constant dense<0.000000e+00> : vector<1024xf32>
    %reduce_sum3A_195 = vector.multi_reduction <add>, %exp3A, %reduce_sum3A [1] : vector<1024x2xf32> to vector<1024xf32>
    %broadcast_in_dim3A_196 = vector.shape_cast %reduce_sum3A_195 : vector<1024xf32> to vector<1024x1xf32>
    %div3A = vector.broadcast %broadcast_in_dim3A_196 : vector<1024x1xf32> to vector<1024x2xf32>
    %div3A_197 = arith.divf %exp3A, %div3A : vector<1024x2xf32>
    %slice3A_198 = vector.extract_strided_slice %div3A_197 {offsets = [0, 0], sizes = [1024, 1], strides = [1, 1]} : vector<1024x2xf32> to vector<1024x1xf32>
    %mul3A_199 = vector.broadcast %slice3A_198 : vector<1024x1xf32> to vector<1024x128xf32>
    %mul3A_200 = arith.mulf %concatenate3A_131, %mul3A_199 : vector<1024x128xf32>
    %slice3A_201 = vector.extract_strided_slice %div3A_197 {offsets = [0, 1], sizes = [1024, 1], strides = [1, 1]} : vector<1024x2xf32> to vector<1024x1xf32>
    %mul3A_202 = vector.broadcast %slice3A_201 : vector<1024x1xf32> to vector<1024x128xf32>
    %mul3A_203 = arith.mulf %add3A_154, %mul3A_202 : vector<1024x128xf32>
    %add3A_204 = arith.addf %mul3A_200, %mul3A_203 : vector<1024x128xf32>
    %get3A_205 = arith.constant 0 : index
    %get3A_206 = arith.constant 0 : index
    %get3A_207 = vector.load %arg25[%get3A_205, %get3A_206] : memref<128x2xf32, #tpu.memory_space<vmem>>, vector<128x2xf32>
    %dot_general3A_208 = arith.constant dense<0.000000e+00> : vector<1024x2xf32>
    %dot_general3A_209 = tpu.matmul %add3A_204, %get3A_207, %dot_general3A_208 {dimension_numbers = #tpu.dot_dimension_numbers<[1], [0], [0], [1], [0, 0, 1, 1], [], []>, transpose_lhs_hint = false} : vector<1024x128xf32>, vector<128x2xf32>, vector<1024x2xf32> -> vector<1024x2xf32>
    %get3A_210 = arith.constant 0 : index
    %get3A_211 = arith.constant 0 : index
    %get3A_212 = vector.load %arg26[%get3A_210, %get3A_211] : memref<1x2xf32, #tpu.memory_space<vmem>>, vector<1x2xf32>
    %add3A_213 = vector.broadcast %get3A_212 : vector<1x2xf32> to vector<1024x2xf32>
    %add3A_214 = arith.addf %dot_general3A_209, %add3A_213 : vector<1024x2xf32>
    %swap3A = arith.constant 0 : index
    %swap3A_215 = arith.constant 0 : index
    %swap3A_216 = vector.load %arg27[%swap3A, %swap3A_215] : memref<1024x2xf32, #tpu.memory_space<vmem>>, vector<1024x2xf32>
    tpu.vector_store %arg27[%swap3A, %swap3A_215], %add3A_214 {strides = array<i32>} : memref<1024x2xf32, #tpu.memory_space<vmem>>, vector<1024x2xf32>,
    %get3A_217 = arith.constant 0 : index
    %get3A_218 = arith.constant 0 : index
    %get3A_219 = vector.load %arg23[%get3A_217, %get3A_218] : memref<128x3xf32, #tpu.memory_space<vmem>>, vector<128x3xf32>
    %dot_general3A_220 = arith.constant dense<0.000000e+00> : vector<1024x3xf32>
    %dot_general3A_221 = tpu.matmul %add3A_154, %get3A_219, %dot_general3A_220 {dimension_numbers = #tpu.dot_dimension_numbers<[1], [0], [0], [1], [0, 0, 1, 1], [], []>, transpose_lhs_hint = false} : vector<1024x128xf32>, vector<128x3xf32>, vector<1024x3xf32> -> vector<1024x3xf32>
    %get3A_222 = arith.constant 0 : index
    %get3A_223 = arith.constant 0 : index
    %get3A_224 = vector.load %arg24[%get3A_222, %get3A_223] : memref<1x3xf32, #tpu.memory_space<vmem>>, vector<1x3xf32>
    %add3A_225 = vector.broadcast %get3A_224 : vector<1x3xf32> to vector<1024x3xf32>
    %add3A_226 = arith.addf %dot_general3A_221, %add3A_225 : vector<1024x3xf32>
    %swap3A_227 = arith.constant 0 : index
    %swap3A_228 = arith.constant 0 : index
    %swap3A_229 = vector.load %arg28[%swap3A_227, %swap3A_228] : memref<1024x3xf32, #tpu.memory_space<vmem>>, vector<1024x3xf32>
    tpu.vector_store %arg28[%swap3A_227, %swap3A_228], %add3A_226 {strides = array<i32>} : memref<1024x3xf32, #tpu.memory_space<vmem>>, vector<1024x3xf32>,
    return
  }
  func.func @transform_0(%arg0: i32) -> (i32, i32) {
    %c0_i32 = arith.constant 0 : i32
    %c0_i32_0 = arith.constant 0 : i32
    return %arg0, %c0_i32 : i32, i32
  }
  func.func @transform_1(%arg0: i32) -> (i32, i32) {
    %add3A = arith.constant 16 : i32
    %add3A_0 = arith.addi %arg0, %add3A : i32
    %c0_i32 = arith.constant 0 : i32
    %c0_i32_1 = arith.constant 0 : i32
    return %add3A_0, %c0_i32 : i32, i32
  }
  func.func @transform_2(%arg0: i32) -> (i32, i32) {
    %c0_i32 = arith.constant 0 : i32
    %c0_i32_0 = arith.constant 0 : i32
    return %arg0, %c0_i32 : i32, i32
  }
  func.func @transform_3(%arg0: i32) -> (i32, i32) {
    %add3A = arith.constant 16 : i32
    %add3A_0 = arith.addi %arg0, %add3A : i32
    %c0_i32 = arith.constant 0 : i32
    %c0_i32_1 = arith.constant 0 : i32
    return %add3A_0, %c0_i32 : i32, i32
  }
  func.func @transform_4(%arg0: i32) -> (i32, i32) {
    %c0_i32 = arith.constant 0 : i32
    %c0_i32_0 = arith.constant 0 : i32
    return %arg0, %c0_i32 : i32, i32
  }
  func.func @transform_5(%arg0: i32) -> (i32, i32) {
    %add3A = arith.constant 16 : i32
    %add3A_0 = arith.addi %arg0, %add3A : i32
    %c0_i32 = arith.constant 0 : i32
    %c0_i32_1 = arith.constant 0 : i32
    return %add3A_0, %c0_i32 : i32, i32
  }
  func.func @transform_6(%arg0: i32) -> (i32, i32) {
    %c0_i32 = arith.constant 0 : i32
    %c0_i32_0 = arith.constant 0 : i32
    return %arg0, %c0_i32 : i32, i32
  }
  func.func @transform_7(%arg0: i32) -> (i32, i32) {
    %add3A = arith.constant 16 : i32
    %add3A_0 = arith.addi %arg0, %add3A : i32
    %c0_i32 = arith.constant 0 : i32
    %c0_i32_1 = arith.constant 0 : i32
    return %add3A_0, %c0_i32 : i32, i32
  }
  func.func @transform_8(%arg0: i32) -> (i32, i32) {
    %c0_i32 = arith.constant 0 : i32
    %c0_i32_0 = arith.constant 0 : i32
    return %arg0, %c0_i32 : i32, i32
  }
  func.func @transform_9(%arg0: i32) -> (i32, i32) {
    %c0_i32 = arith.constant 0 : i32
    %c0_i32_0 = arith.constant 0 : i32
    return %arg0, %c0_i32 : i32, i32
  }
  func.func @transform_10(%arg0: i32) -> (i32, i32) {
    %c0_i32 = arith.constant 0 : i32
    %c0_i32_0 = arith.constant 0 : i32
    return %arg0, %c0_i32 : i32, i32
  }
  func.func @transform_11(%arg0: i32) -> (i32, i32) {
    %c0_i32 = arith.constant 0 : i32
    %c0_i32_0 = arith.constant 0 : i32
    %c0_i32_1 = arith.constant 0 : i32
    return %c0_i32, %c0_i32_0 : i32, i32
  }
  func.func @transform_12(%arg0: i32) -> (i32, i32) {
    %c0_i32 = arith.constant 0 : i32
    %c0_i32_0 = arith.constant 0 : i32
    %c0_i32_1 = arith.constant 0 : i32
    return %c0_i32, %c0_i32_0 : i32, i32
  }
  func.func @transform_13(%arg0: i32) -> (i32, i32, i32) {
    %c0_i32 = arith.constant 0 : i32
    %c0_i32_0 = arith.constant 0 : i32
    %c0_i32_1 = arith.constant 0 : i32
    %c0_i32_2 = arith.constant 0 : i32
    return %c0_i32, %c0_i32_0, %c0_i32_1 : i32, i32, i32
  }
  func.func @transform_14(%arg0: i32) -> (i32, i32) {
    %c0_i32 = arith.constant 0 : i32
    %c0_i32_0 = arith.constant 0 : i32
    %c0_i32_1 = arith.constant 0 : i32
    return %c0_i32, %c0_i32_0 : i32, i32
  }
  func.func @transform_15(%arg0: i32) -> (i32, i32) {
    %c0_i32 = arith.constant 0 : i32
    %c0_i32_0 = arith.constant 0 : i32
    %c0_i32_1 = arith.constant 0 : i32
    return %c0_i32, %c0_i32_0 : i32, i32
  }
  func.func @transform_16(%arg0: i32) -> (i32, i32) {
    %c0_i32 = arith.constant 0 : i32
    %c0_i32_0 = arith.constant 0 : i32
    %c0_i32_1 = arith.constant 0 : i32
    return %c0_i32, %c0_i32_0 : i32, i32
  }
  func.func @transform_17(%arg0: i32) -> (i32, i32) {
    %c0_i32 = arith.constant 0 : i32
    %c0_i32_0 = arith.constant 0 : i32
    %c0_i32_1 = arith.constant 0 : i32
    return %c0_i32, %c0_i32_0 : i32, i32
  }
  func.func @transform_18(%arg0: i32) -> (i32, i32) {
    %c0_i32 = arith.constant 0 : i32
    %c0_i32_0 = arith.constant 0 : i32
    %c0_i32_1 = arith.constant 0 : i32
    return %c0_i32, %c0_i32_0 : i32, i32
  }
  func.func @transform_19(%arg0: i32) -> (i32, i32) {
    %c0_i32 = arith.constant 0 : i32
    %c0_i32_0 = arith.constant 0 : i32
    %c0_i32_1 = arith.constant 0 : i32
    return %c0_i32, %c0_i32_0 : i32, i32
  }
  func.func @transform_20(%arg0: i32) -> (i32, i32) {
    %c0_i32 = arith.constant 0 : i32
    %c0_i32_0 = arith.constant 0 : i32
    %c0_i32_1 = arith.constant 0 : i32
    return %c0_i32, %c0_i32_0 : i32, i32
  }
  func.func @transform_21(%arg0: i32) -> (i32, i32) {
    %c0_i32 = arith.constant 0 : i32
    %c0_i32_0 = arith.constant 0 : i32
    %c0_i32_1 = arith.constant 0 : i32
    return %c0_i32, %c0_i32_0 : i32, i32
  }
  func.func @transform_22(%arg0: i32) -> (i32, i32) {
    %c0_i32 = arith.constant 0 : i32
    %c0_i32_0 = arith.constant 0 : i32
    %c0_i32_1 = arith.constant 0 : i32
    return %c0_i32, %c0_i32_0 : i32, i32
  }
  func.func @transform_23(%arg0: i32) -> (i32, i32) {
    %c0_i32 = arith.constant 0 : i32
    %c0_i32_0 = arith.constant 0 : i32
    %c0_i32_1 = arith.constant 0 : i32
    return %c0_i32, %c0_i32_0 : i32, i32
  }
  func.func @transform_24(%arg0: i32) -> (i32, i32) {
    %c0_i32 = arith.constant 0 : i32
    %c0_i32_0 = arith.constant 0 : i32
    %c0_i32_1 = arith.constant 0 : i32
    return %c0_i32, %c0_i32_0 : i32, i32
  }
  func.func @transform_25(%arg0: i32) -> (i32, i32) {
    %c0_i32 = arith.constant 0 : i32
    %c0_i32_0 = arith.constant 0 : i32
    %c0_i32_1 = arith.constant 0 : i32
    return %c0_i32, %c0_i32_0 : i32, i32
  }
  func.func @transform_26(%arg0: i32) -> (i32, i32) {
    %c0_i32 = arith.constant 0 : i32
    %c0_i32_0 = arith.constant 0 : i32
    return %arg0, %c0_i32 : i32, i32
  }
  func.func @transform_27(%arg0: i32) -> (i32, i32) {
    %c0_i32 = arith.constant 0 : i32
    %c0_i32_0 = arith.constant 0 : i32
    return %arg0, %c0_i32 : i32, i32
  }
}

</mosaic_0001>

<sc_bundles>
// kernel: kernel.12.cloned.1.call-start
scs
__scs_entry_jumppad:
0x0: {  	(pc) =	sbr.rel $0x88, $3  }
0x1: {  	(tag) =	ssettag $0x0;
	lr =	simm.s32 $0x1  }
0x2: {  	[smem:$0x3F8D] =	sst lr;
	_ =	strace $0xD0000000  }
0x3: {  	_ = 	snop  }
0x4: {  	_ = 	snop  }
0x5: {  	_ = 	snop  }
0x6: {  	_ = 	snop  }
0x7: {  	_ = 	snop  }
__scs_overlays_trampoline_lowered:
0x8: {  	[smem:$0x3F9C] =	sst s0  }
0x9: {  	[smem:$0x3F9D] =	sst s1  }
0xa: {  	[smem:$0x3F9E] =	sst s2  }
0xb: {  	[smem:$0x3F9F] =	sst s3  }
0xc: {  	[smem:$0x3FA0] =	sst s4  }
0xd: {  	[smem:$0x3FA1] =	sst s5  }
0xe: {  	[smem:$0x3FA2] =	sst s6  }
0xf: {  	[smem:$0x3FA3] =	sst s7  }
0x10: {  	[smem:$0x3FA4] =	sst s8  }
0x11: {  	[smem:$0x3FA5] =	sst s9;
	s0 =	simm.s32 @!p0 $0x0  }
0x12: {  	s1 =	sld [smem:$0x3F8B];
	s0 =	simm.s32 @p0 $0x1  }
0x13: {  	[smem:$0x3FA6] =	sst s0;
	s0 =	simm.s32 @!p1 $0x0  }
0x14: {  	s2 =	sld [smem:$0x3F8A];
	s0 =	simm.s32 @p1 $0x1  }
0x15: {  	[smem:$0x3FA7] =	sst s0;
	s0 =	simm.s32 @!p2 $0x0  }
0x16: {  	s3 =	sld [smem:$0x3FDB];
	s0 =	simm.s32 @p2 $0x1  }
0x17: {  	s4 =	simm.s32 $0x1BF5;
	[smem:$0x3FA9] =	sst s0  }
0x18: {  	s0 =	sld [smem:$0x3F8C];
	_ =	swait.ge [sflag:s4], $0x0  }
0x19: {  	s7 =	sld [smem:$0x3F8D]  }
0x1a: {  	s8 =	sadd.s32 $0xFFFFE003, lr  }
0x1b: {  	s9 =	sadd.s32 $0xFFFFFEF7, lr;
	s5 =	simm.s32 $0xFFFFFFFF;
	p2 =	slt.u32 s8, $0xFFFFF086  }
0x1c: {  	p1 =	slt.u32 s9, $0xF7A;
	s5 =	simm.s32 @!p2 $0x0  }
0x1d: {  	s5 =	simm.s32 @p1 $0x1;
	p0 =	seq.s32 s7, s2  }
0x1e: {  	s7 =	smul.u32 @!p0 $0xF7A, s2;
	p2 =	seq.s32 @!p0 s5, $0x0  }
0x1f: {  	s9 =	smul.u32 $0xF7A, s1;
	s8 =	simm.s32 @!p0 $0x1BF5;
	p2 =	por !p2, p0  }
0x20: {  	[sflag:s8] =	ssyncset.s32 @!p0 $0xFFFFF086;
	s6 =	sadd.s32 @!p0 s3, s7;
	s7 =	simm.s32 @!p0 $0x108  }
0x21: {  	s3 =	sadd.s32 s3, s9;
	s6 =	sadd.s32 @!p0 $0x88, s6;
	s7 =	simm.s32 @p2 $0x1082  }
0x22: {  	[simem:s7], [sflag:s8] =	dma.local @!p0 [hbm:s6], $0xF7A  }
0x23: {  	s9 =	sor.u32 $0xD0000000, s2;
	s6 =	simm.s32 $0x108;
	_ =	swait.ge @!p0 [sflag:s8], $0x0  }
0x24: {  	s3 =	sadd.s32 $0x88, s3;
	s6 =	simm.s32 @!p1 $0x1082;
	[sflag:s4] =	ssyncset.s32 $0xFFFFF086  }
0x25: {  	[simem:s6], [sflag:s4] =	dma.local [hbm:s3], $0xF7A  }
0x26: {  	[smem:$0x3F8D] =	sst s1;
	(tag) =	ssettag s2;
	_ =	strace s9  }
0x27: {  	s1 =	sld [smem:$0x3F9D]  }
0x28: {  	s2 =	sld [smem:$0x3F9E]  }
0x29: {  	s4 =	sld [smem:$0x3FA0]  }
0x2a: {  	p0 =	seq.s32 s5, $0x0;
	s5 =	sld [smem:$0x3FA1]  }
0x2b: {  	s6 =	sld [smem:$0x3FA2]  }
0x2c: {  	s7 =	sld [smem:$0x3FA3]  }
0x2d: {  	s3 =	simm.s32 $0x108;
	s8 =	sld [smem:$0x3FA4]  }
0x2e: {  	s3 =	simm.s32 @!p0 $0x1082;
	s9 =	sld [smem:$0x3FA5]  }
0x2f: {  	lr =	sadd.s32 s0, s3;
	s0 =	sld [smem:$0x3F9C]  }
0x30: {  	s3 =	sld [smem:$0x3F9F]  }
0x31: {  	[smem:$0x3FA8] =	sst s10  }
0x32: {  	s10 =	sld [smem:$0x3FA6];
	_ =	sdelay $0x3  }
0x33: {  	p0 =	seq.s32 s10, $0x1;
	s10 =	sld [smem:$0x3FA8];
	_ =	sdelay $0x3  }
0x34: {  	[smem:$0x3FA8] =	sst s10  }
0x35: {  	s10 =	sld [smem:$0x3FA7];
	_ =	sdelay $0x3  }
0x36: {  	p1 =	seq.s32 s10, $0x1;
	s10 =	sld [smem:$0x3FA8];
	_ =	sdelay $0x3  }
0x37: {  	[smem:$0x3FA8] =	sst s10  }
0x38: {  	s10 =	sld [smem:$0x3FA9]  }
0x39: {  	_ = 	snop;
	(pc) =	sbr.ind lr, $3  }
0x3a: {  	_ = 	snop  }
0x3b: {  	_ = 	snop  }
0x3c: {  	p2 =	seq.s32 s10, $0x1;
	s10 =	sld [smem:$0x3FA8]  }
0x3d: {  	_ =	shalt  }
0x3e: {  	_ =	shalt  }
0x3f: {  	_ =	shalt  }
0x40: {  	_ =	shalt  }
0x41: {  	_ =	shalt  }
0x42: {  	_ =	shalt  }
0x43: {  	_ =	shalt  }
0x44: {  	_ =	shalt  }
0x45: {  	_ =	shalt  }
0x46: {  	_ =	shalt  }
0x47: {  	_ =	shalt  }
0x48: {  	_ =	shalt  }
0x49: {  	_ =	shalt  }
0x4a: {  	_ =	shalt  }
0x4b: {  	_ =	shalt  }
0x4c: {  	_ =	shalt  }
0x4d: {  	_ =	shalt  }
0x4e: {  	_ =	shalt  }
0x4f: {  	_ =	shalt  }
0x50: {  	_ =	shalt  }
0x51: {  	_ =	shalt  }
0x52: {  	_ =	shalt  }
0x53: {  	_ =	shalt  }
0x54: {  	_ =	shalt  }
0x55: {  	_ =	shalt  }
0x56: {  	_ =	shalt  }
0x57: {  	_ =	shalt  }
0x58: {  	_ =	shalt  }
0x59: {  	_ =	shalt  }
0x5a: {  	_ =	shalt  }
0x5b: {  	_ =	shalt  }
0x5c: {  	_ =	shalt  }
0x5d: {  	_ =	shalt  }
0x5e: {  	_ =	shalt  }
0x5f: {  	_ =	shalt  }
0x60: {  	_ =	shalt  }
0x61: {  	_ =	shalt  }
0x62: {  	_ =	shalt  }
0x63: {  	_ =	shalt  }
0x64: {  	_ =	shalt  }
0x65: {  	_ =	shalt  }
0x66: {  	_ =	shalt  }
0x67: {  	_ =	shalt  }
0x68: {  	_ =	shalt  }
0x69: {  	_ =	shalt  }
0x6a: {  	_ =	shalt  }
0x6b: {  	_ =	shalt  }
0x6c: {  	_ =	shalt  }
0x6d: {  	_ =	shalt  }
0x6e: {  	_ =	shalt  }
0x6f: {  	_ =	shalt  }
0x70: {  	_ =	shalt  }
0x71: {  	_ =	shalt  }
0x72: {  	_ =	shalt  }
0x73: {  	_ =	shalt  }
0x74: {  	_ =	shalt  }
0x75: {  	_ =	shalt  }
0x76: {  	_ =	shalt  }
0x77: {  	_ =	shalt  }
0x78: {  	_ =	shalt  }
0x79: {  	_ =	shalt  }
0x7a: {  	_ =	shalt  }
0x7b: {  	_ =	shalt  }
0x7c: {  	_ =	shalt  }
0x7d: {  	_ =	shalt  }
0x7e: {  	_ =	shalt  }
0x7f: {  	_ =	shalt  }
0x80: {  	_ =	shalt  }
0x81: {  	_ =	shalt  }
0x82: {  	_ =	shalt  }
0x83: {  	_ =	shalt  }
0x84: {  	_ =	shalt  }
0x85: {  	_ =	shalt  }
0x86: {  	_ =	shalt  }
0x87: {  	_ =	shalt  }
.Lfunc_end0:
.L_simem_size_0:
called_computation.1_lowered:
.L_overlay_start_0:
0x88: {  	s2 =	sld [smem:$0x3FD9]  }
0x89: {  	s3 =	sld [smem:$0x3FFE];
	_ =	sdelay $0x1  }
0x8a: {  	s1 =	srdreg.scid  }
0x8b: {  	s0 =	sand.u32 $0x1, s1  }
0x8c: {  	s16 =	sshll.u32 s0, $0xA;
	s2 =	sadd.s32 s3, s2  }
0x8d: {  	s2 =	sadd.s32 s2, s16  }
0x8e: {  	[smem:$0x3FB4] =	sst s2  }
0x8f: {  	_ = 	snop  }
0x90: {  	(tm) =	ssettm $0x1  }
0x91: {  	s17 =	sld [smem:$0x3FFB];
	_ =	sdelay $0x3  }
0x92: {  	_ =	strace s17  }
0x93: {  	s2 =	sld [smem:$0x3FFC];
	_ =	sdelay $0x3  }
0x94: {  	_ =	strace s2  }
0x95: {  	s2 =	sld [smem:$0x3FFD];
	_ =	sdelay $0x3  }
0x96: {  	_ =	strace s2  }
0x97: {  	_ =	strace $0x8FFFFFFF  }
0x98: {  	s18 =	sld [smem:$0x3FDB];
	_ =	sdelay $0x1  }
0x99: {  	s19 =	simm.s32 $_scs_section_size  }
0x9a: {  	s4 =	simm.s32 $_size__tile_overlayer_lowered;
	s5 =	simm.s32 $_tile_overlayer_lowered  }
0x9b: {  	s22 =	simm.s32 $0x1BFF;
	s21 =	sshll.u32 s5, $0x1;
	s2 =	sadd.s32 s19, s18  }
0x9c: {  	s6 =	simm.s32 $0x0;
	s20 =	sshll.u32 s4, $0x1;
	s4 =	sadd.s32 s21, s2  }
0x9d: {  	[timem:s6], [sflag:s22] =	dma.local [hbm:s4], s20  }
0x9e: {  	_ =	swait.ge [sflag:s22], s20  }
0x9f: {  	s3 =	ssub.s32 $0x0, s20;
	[sflag:s22] =	ssyncset.done $0x0  }
0xa0: {  	[sflag:s22] =	ssyncadd.s32 s3;
	_ =	sdelay $0x1  }
0xa1: {  	s23 =	simm.s32 $0x1B8B  }
0xa2: {  	_ =	swait.ge [sflag:s23], $0x1  }
0xa3: {  	[sflag:s23] =	ssyncset.done $0x0  }
0xa4: {  	s25 =	simm.s32 $0x1B8E;
	s24 =	sld [smem:$0x3FFE];
	[sflag:s23] =	ssyncadd.s32 $0xFFFFFFFF  }
0xa5: {  	s26 =	simm.s32 $execute0_lowered;
	[smem:$0x3FD2] =	sst s25  }
0xa6: {  	s4 =	sshll.u32 s26, $0x1;
	_ =	strace $0x80000049;
	[dreg:$0x1] =	wrdreg $0xFFFFFFFF  }
0xa7: {  	s28 =	simm.s32 $_size_execute0_lowered;
	s2 =	sadd.s32 s2, s4;
	[dreg:$0x0] =	wrdreg $0x0  }
0xa8: {  	s4 =	sshll.u32 s28, $0x1;
	[dreg:$0x2] =	wrdreg s2  }
0xa9: {  	[dreg:$0x3] =	wrdreg s4  }
0xaa: {  	[dreg:$0x4] =	wrdreg $0xC0  }
0xab: {  	_ =	task [dreg:s6], $0x5FFFF  }
0xac: {  	[dreg:$0x1] =	wrdreg $0xFFFFFFFF  }
0xad: {  	[dreg:$0x0] =	wrdreg $0x60  }
0xae: {  	[dreg:$0x2] =	wrdreg s24  }
0xaf: {  	[dreg:$0x3] =	wrdreg $0x41580  }
0xb0: {  	[dreg:$0x4] =	wrdreg $0x4D900  }
0xb1: {  	[dreg:$0x5] =	wrdreg $0x59C80  }
0xb2: {  	[dreg:$0x6] =	wrdreg $0x35200  }
0xb3: {  	[dreg:$0x7] =	wrdreg $0x9  }
0xb4: {  	_ =	task.clear_ibuf [dreg:s6], $0x8FFFF;
	_ =	strace $0x90000049  }
0xb5: {  	s29 =	simm.s32 $0x9;
	_ =	strace $0x8000004B  }
0xb6: {  	_ =	swait.ge [sflag:s29], $0x1  }
0xb7: {  	[sflag:s29] =	ssyncadd.s32 $0xFFFFFFFF  }
0xb8: {  	_ =	strace $0x9000004B  }
0xb9: {  	_ =	sfence  }
0xba: {  	s30 =	sld [smem:$0x0];
	_ =	sdelay $0x2  }
0xbb: {  	s31 =	sshll.u32 s1, $0xD;
	s1 =	sshrl.u32 s1, $0x2  }
0xbc: {  	s3 =	sand.u32 $0x4000, s31;
	s1 =	sadd.s32 s1, s30  }
0xbd: {  	s0 =	sor.u32 s3, s0;
	s1 =	sshll.u32 s1, $0x11  }
0xbe: {  	s0 =	sor.u32 s1, s0  }
0xbf: {  	s0 =	sadd.s32 $0x8F2B, s0  }
0xc0: {  	[sflag:s0] =	ssyncadd.remote.s32 $0x1  }
0xc1: {  	_ =	sfence.sel $0xFFFF  }
0xc2: {  	[dreg:$0x0] =	wrdreg $0xFFFFFFFF;
	(pc) =	sbr.abs _section_cstart, $3  }
0xc3: {  	[dreg:$0x1] =	wrdreg $0xFFFFFFFF  }
0xc4: {  	_ =	task.clear_ibuf [dreg:s6], $0x2FFFF;
	_ =	strace $0x9FFFFFFF  }
0xc5: {  	(tm) =	ssettm $0x7FFFFFFF  }
tec
execute0_lowered:
.L_overlay_start_1:
0x0: {  	(tag) =	ssettag $0x1  }
0x1: {  	s6 =	rddreg [dreg:$0x0]  }
0x2: {  	s0 =	rddreg [dreg:$0x1]  }
0x3: {  	s1 =	rddreg [dreg:$0x2]  }
0x4: {  	s2 =	rddreg [dreg:$0x3]  }
0x5: {  	s3 =	rddreg [dreg:$0x4]  }
0x6: {  	s4 =	simm.s32 $0x0;
	s5 =	srdreg.scid;
	s21 =	stileid.u32  }
0x7: {  	s7 =	sadd.s32 $0x56C00, s6;
	s10 =	sand.u32 $0x1, s5;
	s5 =	smul.u32 $0x7D0, s21  }
0x8: {  	s8 =	sadd.s32 $0x4400, s6;
	s18 =	sor.u32 $0x10, s21;
	s12 =	smul.u32 $0x249F0, s10  }
0x9: {  	s9 =	sadd.s32 $0xA0000, s6;
	s14 =	sadd.s32 $0xA4A00, s6;
	s6 =	smul.u32 $0x7D0, s18  }
0xa: {  	[smem:$0x7FF] =	sst s4;
	s11 =	ssub.s32 $0x2, s10;
	s23 =	smul.u32 $0x1900, s10  }
0xb: {  	p0 =	sgt.u32 s18, $0x18;
	s18 =	smul.u32 $0x1F40, s18;
	s13 =	sshrl.u32 s11, $0x1  }
0xc: {  	s16 =	sshrl.u32 s5, $0x3;
	s11 =	ssub.s32 s11, s13;
	s24 =	sadd.s32 $0xC350, s12  }
0xd: {  	s15 =	sadd.s32 $0x186A0, s12;
	s22 =	sadd.s32 s9, s16;
	s26 =	sshrl.u32 s6, $0x3  }
0xe: {  	s17 =	sadd.s32 s12, s5;
	s12 =	sadd.s32 s12, s6;
	s25 =	sadd.s32 s9, s26  }
0xf: {  	s31 =	sshrl.u32 s17, $0x3;
	s12 =	sshrl.u32 s12, $0x3;
	s16 =	sadd.s32 s5, s24  }
0x10: {  	s19 =	sadd.s32 s6, s24;
	s24 =	sadd.s32 s5, s15;
	s26 =	smul.u32 $0xC800, s10  }
0x11: {  	s15 =	sadd.s32 s6, s15;
	s9 =	sadd.s32 s14, s31;
	s17 =	sshrl.u32 s16, $0x3  }
0x12: {  	s31 =	smul.u32 $0xC80, s21;
	[dreg:$0x7] =	wrdreg s9;
	s9 =	sadd.s32 s14, s12  }
0x13: {  	s20 =	sshrl.u32 s19, $0x3;
	s19 =	smul.u32 $0x190, s21;
	[dreg:$0x8] =	wrdreg s9  }
0x14: {  	s9 =	sadd.s32 s14, s17;
	s17 =	sshrl.u32 s15, $0x3;
	s13 =	sadd.s32 s31, s26  }
0x15: {  	[dreg:$0x9] =	wrdreg s9;
	s9 =	sadd.s32 s14, s20;
	s20 =	sadd.s32 s23, s7  }
0x16: {  	s23 =	sadd.s32 s23, s8;
	s31 =	sadd.s32 $0x186A00, s13;
	[dreg:$0xa] =	wrdreg s9  }
0x17: {  	s9 =	sshrl.u32 s24, $0x3;
	s24 =	sadd.s32 $0xC3500, s13;
	s15 =	sadd.s32 s19, s23  }
0x18: {  	s12 =	sshrl.u32 s31, $0x3;
	s13 =	smul.u32 $0x1F40, s21;
	s9 =	sadd.s32 s14, s9  }
0x19: {  	s23 =	smax.u32 s11, $0x1;
	s26 =	sshrl.u32 s24, $0x3;
	[dreg:$0xb] =	wrdreg s9  }
0x1a: {  	s9 =	sadd.s32 s14, s17;
	s14 =	sadd.s32 s19, s20;
	s16 =	sadd.s32 s26, s8  }
0x1b: {  	s17 =	sadd.s32 s26, s7;
	s19 =	sadd.s32 s12, s8;
	s20 =	sadd.s32 s12, s7  }
0x1c: {  	s7 =	sshrl.u32 s13, $0x2;
	s8 =	sshrl.u32 s18, $0x2;
	[dreg:$0xc] =	wrdreg s9  }
0x1d: {  	s24 =	sadd.s32 s7, s0;
	_ =	strace $0x8000004A;
	[dreg:$0xd] =	wrdreg s23  }
0x1e: {  	s26 =	sadd.s32 s8, s0;
	[dreg:$0xe] =	wrdreg s24  }
0x1f: {  	s31 =	sadd.s32 s8, s1;
	[dreg:$0x10] =	wrdreg s26  }
0x20: {  	s11 =	sadd.s32 s5, s0;
	[dreg:$0x11] =	wrdreg s31  }
0x21: {  	s12 =	sadd.s32 s5, s1;
	[dreg:$0x12] =	wrdreg s11  }
0x22: {  	s29 =	sadd.s32 s5, s3;
	s5 =	sadd.s32 s5, s2;
	[dreg:$0x13] =	wrdreg s12  }
0x23: {  	s13 =	sadd.s32 s6, s0;
	[dreg:$0x14] =	wrdreg s5  }
0x24: {  	s18 =	sadd.s32 s6, s1;
	[dreg:$0x15] =	wrdreg s13  }
0x25: {  	s9 =	sshll.u32 s10, $0x4;
	[dreg:$0x16] =	wrdreg s18  }
0x26: {  	s5 =	sadd.s32 s6, s3;
	s6 =	sadd.s32 s6, s2;
	[dreg:$0x6] =	wrdreg s22  }
0x27: {  	s23 =	sadd.s32 s7, s1;
	s7 =	sadd.s32 s7, s2;
	[dreg:$0x17] =	wrdreg s6  }
0x28: {  	s11 =	sor.u32 s9, s21;
	s21 =	sadd.s32 $0x186A, s22;
	[dreg:$0xf] =	wrdreg s7  }
0x29: {  	s30 =	simm.s32 $0x0;
	s24 =	sadd.s32 $0x186A, s25;
	[dreg:$0x18] =	wrdreg s21  }
0x2a: {  	s28 =	sadd.s32 s8, s2;
	s26 =	sadd.s32 $0x30D4, s22;
	[dreg:$0x19] =	wrdreg s24  }
0x2b: {  	s31 =	sadd.s32 $0x30D4, s25;
	s22 =	simm.s32 $0x1;
	[dreg:$0x1a] =	wrdreg s26  }
0x2c: {  	s28 =	smov.u32 @p0 s7;
	s24 =	smov.u32 s25;
	[dreg:$0x1b] =	wrdreg s31  }
0x2d: {  	v0 =	vimm.f32 $0.0e+00;
	s21 =	simm.s32 $0x2580;
	s25 =	simm.s32 $0x2D50;
	s26 =	simm.s32 $0x2  }
.LBB2_1:
0x2e: {  	s8 =	simm.s32 $0x40;
	s9 =	simm.s32 $0x0  }
.LBB2_2:
0x2f: {  	p1 =	sne.s32 s8, $0x1F00;
	[tilespmem:s9+$0x2580] =	vst v0;
	s9 =	smov.u32 s8;
	s8 =	sadd.s32 $0x40, s8  }
.Ltmp0:
0x30: {  	(pc) =	sbr.rel @p1 .LBB2_2-.Ltmp0, $2  }
0x31: {  	_ =	sdelay $0x2  }
0x32: {  	s9 =	sshra.s32 s9, $0x2  }
0x33: {  	[tilespmem:s9+$0x2580] =	vst v0;
	s6 =	rddreg [dreg:$0xe]  }
0x34: {  	[spmem:s6] =	stream.linear.scatter [tilespmem:s21], [sflag:$0x1], $0x7D0, $0x38;
	[tilespmem:$0x6600] =	vst v63  }
0x35: {  	_ =	swait.ge [sflag:s22], $0x7D0  }
0x36: {  	s8 =	simm.s32 @!p0 $0x2580;
	[sflag:s22] =	ssyncset.done $0x0  }
0x37: {  	s9 =	simm.s32 @!p0 $0x1;
	s6 =	rddreg [dreg:$0x10];
	[sflag:s22] =	ssyncadd.s32 $0xFFFFF830  }
0x38: {  	[spmem:s6] =	stream.linear.scatter @!p0 [tilespmem:s8], [sflag:$0x1], $0x7D0, $0x38;
	[tilespmem:$0x6600] =	vst v63  }
0x39: {  	_ =	swait.ge @!p0 [sflag:s9], $0x7D0  }
0x3a: {  	[sflag:s9] =	ssyncset.done @!p0 $0x0  }
0x3b: {  	[sflag:s9] =	ssyncadd.s32 @!p0 $0xFFFFF830  }
0x3c: {  	[spmem:s23] =	stream.linear.scatter @!p0 [tilespmem:s8], [sflag:$0x1], $0x7D0, $0x38;
	[tilespmem:$0x6600] =	vst v63  }
0x3d: {  	_ =	swait.ge @!p0 [sflag:s9], $0x7D0  }
0x3e: {  	[sflag:s9] =	ssyncset.done @!p0 $0x0  }
0x3f: {  	s6 =	rddreg [dreg:$0x11];
	[sflag:s9] =	ssyncadd.s32 @!p0 $0xFFFFF830  }
0x40: {  	[spmem:s6] =	stream.linear.scatter @!p0 [tilespmem:s8], [sflag:$0x1], $0x7D0, $0x38;
	[tilespmem:$0x6600] =	vst v63  }
0x41: {  	_ =	swait.ge @!p0 [sflag:s9], $0x7D0  }
0x42: {  	[sflag:s9] =	ssyncset.done @!p0 $0x0;
	s8 =	rddreg [dreg:$0xf]  }
0x43: {  	[sflag:s9] =	ssyncadd.s32 @!p0 $0xFFFFF830;
	s8 =	smov.u32 @p0 s23  }
0x44: {  	[spmem:s8] =	stream.linear.scatter [tilespmem:s21], [sflag:$0x1], $0x7D0, $0x38;
	[tilespmem:$0x6600] =	vst v63  }
0x45: {  	_ =	swait.ge [sflag:s22], $0x7D0  }
0x46: {  	[sflag:s22] =	ssyncset.done $0x0  }
0x47: {  	[sflag:s22] =	ssyncadd.s32 $0xFFFFF830  }
0x48: {  	[spmem:s28] =	stream.linear.scatter [tilespmem:s21], [sflag:$0x1], $0x7D0, $0x38;
	[tilespmem:$0x6600] =	vst v63  }
0x49: {  	_ =	swait.ge [sflag:s22], $0x7D0  }
0x4a: {  	[sflag:s22] =	ssyncset.done $0x0  }
0x4b: {  	s18 =	rddreg [dreg:$0x6];
	[sflag:s22] =	ssyncadd.s32 $0xFFFFF830  }
0x4c: {  	[tilespmem:s25], [sflag:$0x2] =	stream.linear.gather [hbm4b:s18+s4], $0x7D0, $0x38;
	[tilespmem:$0x6600] =	vst v63  }
0x4d: {  	_ =	swait.ge [sflag:s26], $0x7D0  }
0x4e: {  	[sflag:s26] =	ssyncset.done $0x0  }
0x4f: {  	[sflag:s26] =	ssyncadd.s32 $0xFFFFF830  }
0x50: {  	[spmem:s29] =	stream.linear.scatter [tilespmem:s25], [sflag:$0x1], $0x7D0, $0x38;
	[tilespmem:$0x6600] =	vst v63  }
0x51: {  	_ =	swait.ge [sflag:s22], $0x7D0  }
0x52: {  	[sflag:s22] =	ssyncset.done $0x0  }
0x53: {  	s8 =	simm.s32 @!p0 $0x0;
	s18 =	simm.s32 @!p0 $0x2D50;
	[sflag:s22] =	ssyncadd.s32 $0xFFFFF830  }
0x54: {  	[tilespmem:s18], [sflag:$0x2] =	stream.linear.gather @!p0 [hbm4b:s24+s8], $0x7D0, $0x38;
	[tilespmem:$0x6600] =	vst v63  }
0x55: {  	s8 =	simm.s32 @!p0 $0x2  }
0x56: {  	_ =	swait.ge @!p0 [sflag:s8], $0x7D0  }
0x57: {  	[sflag:s8] =	ssyncset.done @!p0 $0x0  }
0x58: {  	[sflag:s8] =	ssyncadd.s32 @!p0 $0xFFFFF830  }
0x59: {  	[spmem:s5] =	stream.linear.scatter @!p0 [tilespmem:s18], [sflag:$0x1], $0x7D0, $0x38;
	[tilespmem:$0x6600] =	vst v63  }
0x5a: {  	_ =	swait.ge @!p0 [sflag:s9], $0x7D0  }
0x5b: {  	p1 =	sgt.u32 s11, $0xF9;
	[sflag:s9] =	ssyncset.done @!p0 $0x0  }
0x5c: {  	s8 =	sadd.s32 @!p1 $0x0, s14;
	[sflag:s9] =	ssyncadd.s32 @!p0 $0xFFFFF830  }
0x5d: {  	s18 =	simm.s32 @!p1 $0x2;
	s9 =	simm.s32 @!p1 $0x0;
	[bflag:$0x0] =	sbarrier.arrive $0xFFFF  }
0x5e: {  	[tilespmem:s9], [sflag:$0x2] =	stream.linear.gather @!p1 [hbm4b:s8+s9], $0xC80, $0x38;
	[tilespmem:$0x6600] =	vst v63  }
0x5f: {  	p2 =	por p1, p1;
	_ =	swait.ge @!p1 [sflag:s18], $0xC80  }
0x60: {  	[sflag:s18] =	ssyncset.done @!p2 $0x0  }
0x61: {  	s31 =	simm.s32 @!p2 $0xC80;
	s8 =	sadd.s32 @!p2 $0x0, s15;
	[sflag:s18] =	ssyncadd.s32 @!p2 $0xFFFFF380  }
0x62: {  	[tilespmem:s31], [sflag:$0x2] =	stream.linear.gather @!p2 [hbm4b:s8+s9], $0xC80, $0x38;
	[tilespmem:$0x6600] =	vst v63  }
0x63: {  	_ =	swait.ge @!p2 [sflag:s18], $0xC80  }
0x64: {  	[sflag:s18] =	ssyncset.done @!p2 $0x0  }
0x65: {  	s8 =	simm.s32 @!p2 $0x1900;
	[sflag:s18] =	ssyncadd.s32 @!p2 $0xFFFFF380  }
0x66: {  	[tilespmem:s8], [sflag:$0x2] =	stream.indirect.gather @!p2 [spmem:s3], $0x1, s9, s31, $0xb8;
	[tilespmem:$0x6600] =	vst v63  }
0x67: {  	_ =	swait.ge @!p2 [sflag:s18], $0xC80  }
0x68: {  	[sflag:s18] =	ssyncset.done @!p2 $0x0  }
0x69: {  	[sflag:s18] =	ssyncadd.s32 @!p2 $0xFFFFF380  }
0x6a: {  	[spmem:s0] =	stream.indirect.scatter.add.f32 @!p2 [tilespmem:s8], [sflag:$0x1], $0x1, s31, s31, $0xb8;
	[tilespmem:$0x6600] =	vst v63  }
0x6b: {  	s9 =	simm.s32 @!p2 $0x1;
	s18 =	sadd.s32 $0x20, s11;
	s31 =	simm.s32 $0x3200  }
0x6c: {  	s8 =	simm.s32 $0x6400;
	p4 =	sgt.u32 s18, $0xF9;
	_ =	swait.ge @!p2 [sflag:s9], $0xC80  }
.LBB2_4:
0x6d: {  	s10 =	sadd.s32 @!p4 s31, s14  }
0x6e: {  	s12 =	simm.s32 @!p4 $0x0;
	[sflag:s9] =	ssyncset.done @!p2 $0x0;
	s13 =	smov.u32 s8  }
0x6f: {  	s8 =	sadd.s32 $0x3200, s8;
	s6 =	simm.s32 @!p4 $0x2;
	[sflag:s9] =	ssyncadd.s32 @!p2 $0xFFFFF380  }
0x70: {  	[tilespmem:s12], [sflag:$0x2] =	stream.linear.gather @!p4 [hbm4b:s10+s12], $0xC80, $0x38;
	[tilespmem:$0x6600] =	vst v63  }
0x71: {  	p3 =	sne.s32 s8, $0x19000;
	p2 =	por p4, p4;
	_ =	swait.ge @!p4 [sflag:s6], $0xC80  }
0x72: {  	[sflag:s6] =	ssyncset.done @!p2 $0x0  }
0x73: {  	s9 =	sadd.s32 @!p2 s31, s15;
	s10 =	simm.s32 @!p2 $0xC80;
	[sflag:s6] =	ssyncadd.s32 @!p2 $0xFFFFF380  }
0x74: {  	[tilespmem:s10], [sflag:$0x2] =	stream.linear.gather @!p2 [hbm4b:s9+s12], $0xC80, $0x38;
	[tilespmem:$0x6600] =	vst v63  }
0x75: {  	s31 =	smov.u32 s13;
	_ =	swait.ge @!p2 [sflag:s6], $0xC80  }
0x76: {  	[sflag:s6] =	ssyncset.done @!p2 $0x0  }
0x77: {  	s13 =	simm.s32 @!p2 $0x1900;
	[sflag:s6] =	ssyncadd.s32 @!p2 $0xFFFFF380  }
0x78: {  	[tilespmem:s13], [sflag:$0x2] =	stream.indirect.gather @!p2 [spmem:s3], $0x1, s12, s10, $0xb8;
	[tilespmem:$0x6600] =	vst v63  }
.Ltmp1:
0x79: {  	_ =	swait.ge @!p2 [sflag:s6], $0xC80;
	(pc) =	sbr.rel @p3 .LBB2_4-.Ltmp1, $4  }
0x7a: {  	[sflag:s6] =	ssyncset.done @!p2 $0x0  }
0x7b: {  	s18 =	sadd.s32 $0x20, s18;
	s9 =	simm.s32 @!p2 $0x1;
	[sflag:s6] =	ssyncadd.s32 @!p2 $0xFFFFF380  }
0x7c: {  	[spmem:s0] =	stream.indirect.scatter.add.f32 @!p2 [tilespmem:s13], [sflag:$0x1], $0x1, s10, s10, $0xb8;
	[tilespmem:$0x6600] =	vst v63  }
0x7d: {  	p4 =	sgt.u32 s18, $0xF9;
	_ =	swait.ge @!p2 [sflag:s9], $0xC80  }
0x7e: {  	s6 =	sadd.s32 @!p4 s31, s14;
	[sflag:s9] =	ssyncset.done @!p2 $0x0  }
0x7f: {  	s8 =	simm.s32 @!p4 $0x0;
	s10 =	simm.s32 @!p4 $0x2;
	[sflag:s9] =	ssyncadd.s32 @!p2 $0xFFFFF380  }
0x80: {  	[tilespmem:s8], [sflag:$0x2] =	stream.linear.gather @!p4 [hbm4b:s6+s8], $0xC80, $0x38;
	[tilespmem:$0x6600] =	vst v63  }
0x81: {  	p2 =	por p4, p4;
	_ =	swait.ge @!p4 [sflag:s10], $0xC80  }
0x82: {  	[sflag:s10] =	ssyncset.done @!p2 $0x0  }
0x83: {  	s6 =	sadd.s32 @!p2 s31, s15;
	s9 =	simm.s32 @!p2 $0xC80;
	[sflag:s10] =	ssyncadd.s32 @!p2 $0xFFFFF380  }
0x84: {  	[tilespmem:s9], [sflag:$0x2] =	stream.linear.gather @!p2 [hbm4b:s6+s8], $0xC80, $0x38;
	[tilespmem:$0x6600] =	vst v63  }
0x85: {  	_ =	swait.ge @!p2 [sflag:s10], $0xC80  }
0x86: {  	[sflag:s10] =	ssyncset.done @!p2 $0x0  }
0x87: {  	s6 =	simm.s32 @!p2 $0x1900;
	[sflag:s10] =	ssyncadd.s32 @!p2 $0xFFFFF380  }
0x88: {  	[tilespmem:s6], [sflag:$0x2] =	stream.indirect.gather @!p2 [spmem:s3], $0x1, s8, s9, $0xb8;
	[tilespmem:$0x6600] =	vst v63  }
0x89: {  	_ =	swait.ge @!p2 [sflag:s10], $0xC80  }
0x8a: {  	[sflag:s10] =	ssyncset.done @!p2 $0x0  }
0x8b: {  	s8 =	simm.s32 @!p2 $0x1;
	[sflag:s10] =	ssyncadd.s32 @!p2 $0xFFFFF380  }
0x8c: {  	[spmem:s0] =	stream.indirect.scatter.add.f32 @!p2 [tilespmem:s6], [sflag:$0x1], $0x1, s9, s9, $0xb8;
	[tilespmem:$0x6600] =	vst v63  }
0x8d: {  	_ =	swait.ge @!p2 [sflag:s8], $0xC80  }
0x8e: {  	[sflag:s8] =	ssyncset.done @!p2 $0x0  }
0x8f: {  	[sflag:s8] =	ssyncadd.s32 @!p2 $0xFFFFF380  }
0x90: {  	[bflag:$0x0] =	sbarrier.arrive $0xFFFF  }
0x91: {  	s18 =	rddreg [dreg:$0x18]  }
0x92: {  	[tilespmem:s25], [sflag:$0x2] =	stream.linear.gather [hbm4b:s18+s4], $0x7D0, $0x38;
	[tilespmem:$0x6600] =	vst v63  }
0x93: {  	_ =	swait.ge [sflag:s26], $0x7D0  }
0x94: {  	[sflag:s26] =	ssyncset.done $0x0  }
0x95: {  	[sflag:s26] =	ssyncadd.s32 $0xFFFFF830  }
0x96: {  	[spmem:s29] =	stream.linear.scatter [tilespmem:s25], [sflag:$0x1], $0x7D0, $0x38;
	[tilespmem:$0x6600] =	vst v63  }
0x97: {  	_ =	swait.ge [sflag:s22], $0x7D0  }
0x98: {  	s6 =	simm.s32 @!p0 $0x0;
	[sflag:s22] =	ssyncset.done $0x0  }
0x99: {  	s8 =	simm.s32 @!p0 $0x2D50;
	s7 =	rddreg [dreg:$0x19];
	[sflag:s22] =	ssyncadd.s32 $0xFFFFF830  }
0x9a: {  	[tilespmem:s8], [sflag:$0x2] =	stream.linear.gather @!p0 [hbm4b:s7+s6], $0x7D0, $0x38;
	[tilespmem:$0x6600] =	vst v63  }
0x9b: {  	s6 =	simm.s32 @!p0 $0x2  }
0x9c: {  	_ =	swait.ge @!p0 [sflag:s6], $0x7D0  }
0x9d: {  	[sflag:s6] =	ssyncset.done @!p0 $0x0  }
0x9e: {  	[sflag:s6] =	ssyncadd.s32 @!p0 $0xFFFFF830;
	s6 =	simm.s32 @!p0 $0x1  }
0x9f: {  	[spmem:s5] =	stream.linear.scatter @!p0 [tilespmem:s8], [sflag:$0x1], $0x7D0, $0x38;
	[tilespmem:$0x6600] =	vst v63  }
0xa0: {  	_ =	swait.ge @!p0 [sflag:s6], $0x7D0  }
0xa1: {  	[sflag:s6] =	ssyncset.done @!p0 $0x0  }
0xa2: {  	s9 =	simm.s32 @!p1 $0x2;
	[sflag:s6] =	ssyncadd.s32 @!p0 $0xFFFFF830  }
0xa3: {  	s8 =	simm.s32 @!p1 $0x0;
	s6 =	sadd.s32 @!p1 $0x0, s17;
	[bflag:$0x0] =	sbarrier.arrive $0xFFFF  }
0xa4: {  	[tilespmem:s8], [sflag:$0x2] =	stream.linear.gather @!p1 [hbm4b:s6+s8], $0xC80, $0x38;
	[tilespmem:$0x6600] =	vst v63  }
0xa5: {  	p2 =	por p1, p1;
	_ =	swait.ge @!p1 [sflag:s9], $0xC80  }
0xa6: {  	[sflag:s9] =	ssyncset.done @!p2 $0x0  }
0xa7: {  	s10 =	simm.s32 @!p2 $0xC80;
	s6 =	sadd.s32 @!p2 $0x0, s16;
	[sflag:s9] =	ssyncadd.s32 @!p2 $0xFFFFF380  }
0xa8: {  	[tilespmem:s10], [sflag:$0x2] =	stream.linear.gather @!p2 [hbm4b:s6+s8], $0xC80, $0x38;
	[tilespmem:$0x6600] =	vst v63  }
0xa9: {  	_ =	swait.ge @!p2 [sflag:s9], $0xC80  }
0xaa: {  	[sflag:s9] =	ssyncset.done @!p2 $0x0  }
0xab: {  	s6 =	simm.s32 @!p2 $0x1900;
	[sflag:s9] =	ssyncadd.s32 @!p2 $0xFFFFF380  }
0xac: {  	[tilespmem:s6], [sflag:$0x2] =	stream.indirect.gather @!p2 [spmem:s3], $0x1, s8, s10, $0xb8;
	[tilespmem:$0x6600] =	vst v63  }
0xad: {  	_ =	swait.ge @!p2 [sflag:s9], $0xC80  }
0xae: {  	s31 =	simm.s32 $0x3200;
	[sflag:s9] =	ssyncset.done @!p2 $0x0  }
0xaf: {  	s18 =	sadd.s32 $0x20, s11;
	[sflag:s9] =	ssyncadd.s32 @!p2 $0xFFFFF380;
	s9 =	simm.s32 @!p2 $0x1  }
0xb0: {  	[spmem:s1] =	stream.indirect.scatter.add.f32 @!p2 [tilespmem:s6], [sflag:$0x1], $0x1, s10, s10, $0xb8;
	[tilespmem:$0x6600] =	vst v63  }
0xb1: {  	p4 =	sgt.u32 s18, $0xF9;
	s8 =	simm.s32 $0x6400;
	_ =	swait.ge @!p2 [sflag:s9], $0xC80  }
.LBB2_6:
0xb2: {  	s6 =	sadd.s32 @!p4 s31, s17  }
0xb3: {  	s10 =	simm.s32 @!p4 $0x0;
	[sflag:s9] =	ssyncset.done @!p2 $0x0;
	s12 =	smov.u32 s8  }
0xb4: {  	s8 =	sadd.s32 $0x3200, s8;
	s13 =	simm.s32 @!p4 $0x2;
	[sflag:s9] =	ssyncadd.s32 @!p2 $0xFFFFF380  }
0xb5: {  	[tilespmem:s10], [sflag:$0x2] =	stream.linear.gather @!p4 [hbm4b:s6+s10], $0xC80, $0x38;
	[tilespmem:$0x6600] =	vst v63  }
0xb6: {  	p3 =	sne.s32 s8, $0x19000;
	p2 =	por p4, p4;
	_ =	swait.ge @!p4 [sflag:s13], $0xC80  }
0xb7: {  	[sflag:s13] =	ssyncset.done @!p2 $0x0  }
0xb8: {  	s6 =	sadd.s32 @!p2 s31, s16;
	s7 =	simm.s32 @!p2 $0xC80;
	[sflag:s13] =	ssyncadd.s32 @!p2 $0xFFFFF380  }
0xb9: {  	[tilespmem:s7], [sflag:$0x2] =	stream.linear.gather @!p2 [hbm4b:s6+s10], $0xC80, $0x38;
	[tilespmem:$0x6600] =	vst v63  }
0xba: {  	s31 =	smov.u32 s12;
	_ =	swait.ge @!p2 [sflag:s13], $0xC80  }
0xbb: {  	[sflag:s13] =	ssyncset.done @!p2 $0x0  }
0xbc: {  	s6 =	simm.s32 @!p2 $0x1900;
	[sflag:s13] =	ssyncadd.s32 @!p2 $0xFFFFF380  }
0xbd: {  	[tilespmem:s6], [sflag:$0x2] =	stream.indirect.gather @!p2 [spmem:s3], $0x1, s10, s7, $0xb8;
	[tilespmem:$0x6600] =	vst v63  }
.Ltmp2:
0xbe: {  	_ =	swait.ge @!p2 [sflag:s13], $0xC80;
	(pc) =	sbr.rel @p3 .LBB2_6-.Ltmp2, $4  }
0xbf: {  	[sflag:s13] =	ssyncset.done @!p2 $0x0  }
0xc0: {  	s18 =	sadd.s32 $0x20, s18;
	s9 =	simm.s32 @!p2 $0x1;
	[sflag:s13] =	ssyncadd.s32 @!p2 $0xFFFFF380  }
0xc1: {  	[spmem:s1] =	stream.indirect.scatter.add.f32 @!p2 [tilespmem:s6], [sflag:$0x1], $0x1, s7, s7, $0xb8;
	[tilespmem:$0x6600] =	vst v63  }
0xc2: {  	p4 =	sgt.u32 s18, $0xF9;
	_ =	swait.ge @!p2 [sflag:s9], $0xC80  }
0xc3: {  	s6 =	sadd.s32 @!p4 s31, s17;
	[sflag:s9] =	ssyncset.done @!p2 $0x0  }
0xc4: {  	s7 =	simm.s32 @!p4 $0x0;
	s8 =	simm.s32 @!p4 $0x2;
	[sflag:s9] =	ssyncadd.s32 @!p2 $0xFFFFF380  }
0xc5: {  	[tilespmem:s7], [sflag:$0x2] =	stream.linear.gather @!p4 [hbm4b:s6+s7], $0xC80, $0x38;
	[tilespmem:$0x6600] =	vst v63  }
0xc6: {  	p2 =	por p4, p4;
	_ =	swait.ge @!p4 [sflag:s8], $0xC80  }
0xc7: {  	[sflag:s8] =	ssyncset.done @!p2 $0x0  }
0xc8: {  	s6 =	sadd.s32 @!p2 s31, s16;
	s9 =	simm.s32 @!p2 $0xC80;
	[sflag:s8] =	ssyncadd.s32 @!p2 $0xFFFFF380  }
0xc9: {  	[tilespmem:s9], [sflag:$0x2] =	stream.linear.gather @!p2 [hbm4b:s6+s7], $0xC80, $0x38;
	[tilespmem:$0x6600] =	vst v63  }
0xca: {  	_ =	swait.ge @!p2 [sflag:s8], $0xC80  }
0xcb: {  	[sflag:s8] =	ssyncset.done @!p2 $0x0  }
0xcc: {  	s6 =	simm.s32 @!p2 $0x1900;
	[sflag:s8] =	ssyncadd.s32 @!p2 $0xFFFFF380  }
0xcd: {  	[tilespmem:s6], [sflag:$0x2] =	stream.indirect.gather @!p2 [spmem:s3], $0x1, s7, s9, $0xb8;
	[tilespmem:$0x6600] =	vst v63  }
0xce: {  	_ =	swait.ge @!p2 [sflag:s8], $0xC80  }
0xcf: {  	[sflag:s8] =	ssyncset.done @!p2 $0x0  }
0xd0: {  	s7 =	simm.s32 @!p2 $0x1;
	[sflag:s8] =	ssyncadd.s32 @!p2 $0xFFFFF380  }
0xd1: {  	[spmem:s1] =	stream.indirect.scatter.add.f32 @!p2 [tilespmem:s6], [sflag:$0x1], $0x1, s9, s9, $0xb8;
	[tilespmem:$0x6600] =	vst v63  }
0xd2: {  	_ =	swait.ge @!p2 [sflag:s7], $0xC80  }
0xd3: {  	[sflag:s7] =	ssyncset.done @!p2 $0x0  }
0xd4: {  	[sflag:s7] =	ssyncadd.s32 @!p2 $0xFFFFF380  }
0xd5: {  	[bflag:$0x0] =	sbarrier.arrive $0xFFFF  }
0xd6: {  	s18 =	rddreg [dreg:$0x1a]  }
0xd7: {  	[tilespmem:s25], [sflag:$0x2] =	stream.linear.gather [hbm4b:s18+s4], $0x7D0, $0x38;
	[tilespmem:$0x6600] =	vst v63  }
0xd8: {  	_ =	swait.ge [sflag:s26], $0x7D0  }
0xd9: {  	[sflag:s26] =	ssyncset.done $0x0  }
0xda: {  	[sflag:s26] =	ssyncadd.s32 $0xFFFFF830  }
0xdb: {  	[spmem:s29] =	stream.linear.scatter [tilespmem:s25], [sflag:$0x1], $0x7D0, $0x38;
	[tilespmem:$0x6600] =	vst v63  }
0xdc: {  	_ =	swait.ge [sflag:s22], $0x7D0  }
0xdd: {  	s6 =	simm.s32 @!p0 $0x0;
	[sflag:s22] =	ssyncset.done $0x0  }
0xde: {  	s7 =	simm.s32 @!p0 $0x2D50;
	s8 =	rddreg [dreg:$0x1b];
	[sflag:s22] =	ssyncadd.s32 $0xFFFFF830  }
0xdf: {  	[tilespmem:s7], [sflag:$0x2] =	stream.linear.gather @!p0 [hbm4b:s8+s6], $0x7D0, $0x38;
	[tilespmem:$0x6600] =	vst v63  }
0xe0: {  	s6 =	simm.s32 @!p0 $0x2  }
0xe1: {  	_ =	swait.ge @!p0 [sflag:s6], $0x7D0  }
0xe2: {  	[sflag:s6] =	ssyncset.done @!p0 $0x0  }
0xe3: {  	[sflag:s6] =	ssyncadd.s32 @!p0 $0xFFFFF830;
	s6 =	simm.s32 @!p0 $0x1  }
0xe4: {  	[spmem:s5] =	stream.linear.scatter @!p0 [tilespmem:s7], [sflag:$0x1], $0x7D0, $0x38;
	[tilespmem:$0x6600] =	vst v63  }
0xe5: {  	_ =	swait.ge @!p0 [sflag:s6], $0x7D0  }
0xe6: {  	[sflag:s6] =	ssyncset.done @!p0 $0x0  }
0xe7: {  	s8 =	simm.s32 @!p1 $0x2;
	[sflag:s6] =	ssyncadd.s32 @!p0 $0xFFFFF830  }
0xe8: {  	s7 =	simm.s32 @!p1 $0x0;
	s6 =	sadd.s32 @!p1 $0x0, s20;
	[bflag:$0x0] =	sbarrier.arrive $0xFFFF  }
0xe9: {  	[tilespmem:s7], [sflag:$0x2] =	stream.linear.gather @!p1 [hbm4b:s6+s7], $0xC80, $0x38;
	[tilespmem:$0x6600] =	vst v63  }
0xea: {  	_ =	swait.ge @!p1 [sflag:s8], $0xC80;
	p1 =	por p1, p1  }
0xeb: {  	[sflag:s8] =	ssyncset.done @!p1 $0x0  }
0xec: {  	s6 =	sadd.s32 @!p1 $0x0, s19;
	s9 =	simm.s32 @!p1 $0xC80;
	[sflag:s8] =	ssyncadd.s32 @!p1 $0xFFFFF380  }
0xed: {  	[tilespmem:s9], [sflag:$0x2] =	stream.linear.gather @!p1 [hbm4b:s6+s7], $0xC80, $0x38;
	[tilespmem:$0x6600] =	vst v63  }
0xee: {  	_ =	swait.ge @!p1 [sflag:s8], $0xC80  }
0xef: {  	[sflag:s8] =	ssyncset.done @!p1 $0x0  }
0xf0: {  	s6 =	simm.s32 @!p1 $0x1900;
	[sflag:s8] =	ssyncadd.s32 @!p1 $0xFFFFF380  }
0xf1: {  	[tilespmem:s6], [sflag:$0x2] =	stream.indirect.gather @!p1 [spmem:s3], $0x1, s7, s9, $0xb8;
	[tilespmem:$0x6600] =	vst v63  }
0xf2: {  	_ =	swait.ge @!p1 [sflag:s8], $0xC80  }
0xf3: {  	[sflag:s8] =	ssyncset.done @!p1 $0x0  }
0xf4: {  	[sflag:s8] =	ssyncadd.s32 @!p1 $0xFFFFF380  }
0xf5: {  	[spmem:s2] =	stream.indirect.scatter.add.f32 @!p1 [tilespmem:s6], [sflag:$0x1], $0x1, s9, s9, $0xb8;
	[tilespmem:$0x6600] =	vst v63  }
0xf6: {  	s31 =	simm.s32 $0x3200;
	s18 =	sadd.s32 $0x20, s11;
	s9 =	simm.s32 @!p1 $0x1  }
0xf7: {  	p3 =	sgt.u32 s18, $0xF9;
	s8 =	simm.s32 $0x6400;
	_ =	swait.ge @!p1 [sflag:s9], $0xC80  }
.LBB2_8:
0xf8: {  	s6 =	sadd.s32 @!p3 s31, s20  }
0xf9: {  	s7 =	simm.s32 @!p3 $0x0;
	[sflag:s9] =	ssyncset.done @!p1 $0x0;
	s10 =	smov.u32 s8  }
0xfa: {  	s8 =	sadd.s32 $0x3200, s8;
	s12 =	simm.s32 @!p3 $0x2;
	[sflag:s9] =	ssyncadd.s32 @!p1 $0xFFFFF380  }
0xfb: {  	[tilespmem:s7], [sflag:$0x2] =	stream.linear.gather @!p3 [hbm4b:s6+s7], $0xC80, $0x38;
	[tilespmem:$0x6600] =	vst v63  }
0xfc: {  	p2 =	sne.s32 s8, $0x19000;
	p1 =	por p3, p3;
	_ =	swait.ge @!p3 [sflag:s12], $0xC80  }
0xfd: {  	[sflag:s12] =	ssyncset.done @!p1 $0x0  }
0xfe: {  	s6 =	sadd.s32 @!p1 s31, s19;
	s13 =	simm.s32 @!p1 $0xC80;
	[sflag:s12] =	ssyncadd.s32 @!p1 $0xFFFFF380  }
0xff: {  	[tilespmem:s13], [sflag:$0x2] =	stream.linear.gather @!p1 [hbm4b:s6+s7], $0xC80, $0x38;
	[tilespmem:$0x6600] =	vst v63  }
0x100: {  	s31 =	smov.u32 s10;
	_ =	swait.ge @!p1 [sflag:s12], $0xC80  }
0x101: {  	[sflag:s12] =	ssyncset.done @!p1 $0x0  }
0x102: {  	s6 =	simm.s32 @!p1 $0x1900;
	[sflag:s12] =	ssyncadd.s32 @!p1 $0xFFFFF380  }
0x103: {  	[tilespmem:s6], [sflag:$0x2] =	stream.indirect.gather @!p1 [spmem:s3], $0x1, s7, s13, $0xb8;
	[tilespmem:$0x6600] =	vst v63  }
.Ltmp3:
0x104: {  	_ =	swait.ge @!p1 [sflag:s12], $0xC80;
	(pc) =	sbr.rel @p2 .LBB2_8-.Ltmp3, $4  }
0x105: {  	[sflag:s12] =	ssyncset.done @!p1 $0x0  }
0x106: {  	s18 =	sadd.s32 $0x20, s18;
	s9 =	simm.s32 @!p1 $0x1;
	[sflag:s12] =	ssyncadd.s32 @!p1 $0xFFFFF380  }
0x107: {  	[spmem:s2] =	stream.indirect.scatter.add.f32 @!p1 [tilespmem:s6], [sflag:$0x1], $0x1, s13, s13, $0xb8;
	[tilespmem:$0x6600] =	vst v63  }
0x108: {  	p3 =	sgt.u32 s18, $0xF9;
	_ =	swait.ge @!p1 [sflag:s9], $0xC80  }
0x109: {  	s6 =	sadd.s32 @!p3 s31, s20;
	[sflag:s9] =	ssyncset.done @!p1 $0x0  }
0x10a: {  	s7 =	simm.s32 @!p3 $0x0;
	s8 =	simm.s32 @!p3 $0x2;
	[sflag:s9] =	ssyncadd.s32 @!p1 $0xFFFFF380  }
0x10b: {  	[tilespmem:s7], [sflag:$0x2] =	stream.linear.gather @!p3 [hbm4b:s6+s7], $0xC80, $0x38;
	[tilespmem:$0x6600] =	vst v63  }
0x10c: {  	p1 =	por p3, p3;
	_ =	swait.ge @!p3 [sflag:s8], $0xC80  }
0x10d: {  	[sflag:s8] =	ssyncset.done @!p1 $0x0  }
0x10e: {  	s6 =	sadd.s32 @!p1 s31, s19;
	s9 =	simm.s32 @!p1 $0xC80;
	[sflag:s8] =	ssyncadd.s32 @!p1 $0xFFFFF380  }
0x10f: {  	[tilespmem:s9], [sflag:$0x2] =	stream.linear.gather @!p1 [hbm4b:s6+s7], $0xC80, $0x38;
	[tilespmem:$0x6600] =	vst v63  }
0x110: {  	_ =	swait.ge @!p1 [sflag:s8], $0xC80  }
0x111: {  	[sflag:s8] =	ssyncset.done @!p1 $0x0  }
0x112: {  	s6 =	simm.s32 @!p1 $0x1900;
	[sflag:s8] =	ssyncadd.s32 @!p1 $0xFFFFF380  }
0x113: {  	[tilespmem:s6], [sflag:$0x2] =	stream.indirect.gather @!p1 [spmem:s3], $0x1, s7, s9, $0xb8;
	[tilespmem:$0x6600] =	vst v63  }
0x114: {  	_ =	swait.ge @!p1 [sflag:s8], $0xC80  }
0x115: {  	[sflag:s8] =	ssyncset.done @!p1 $0x0  }
0x116: {  	s7 =	simm.s32 @!p1 $0x1;
	[sflag:s8] =	ssyncadd.s32 @!p1 $0xFFFFF380  }
0x117: {  	[spmem:s2] =	stream.indirect.scatter.add.f32 @!p1 [tilespmem:s6], [sflag:$0x1], $0x1, s9, s9, $0xb8;
	[tilespmem:$0x6600] =	vst v63  }
0x118: {  	_ =	swait.ge @!p1 [sflag:s7], $0xC80  }
0x119: {  	[sflag:s7] =	ssyncset.done @!p1 $0x0  }
0x11a: {  	[sflag:s7] =	ssyncadd.s32 @!p1 $0xFFFFF380  }
0x11b: {  	[bflag:$0x0] =	sbarrier.arrive $0xFFFF  }
0x11c: {  	s9 =	rddreg [dreg:$0x12]  }
0x11d: {  	[tilespmem:s25], [sflag:$0x2] =	stream.linear.gather [spmem:s9], $0x7D0, $0x38;
	[tilespmem:$0x6600] =	vst v63  }
0x11e: {  	_ =	swait.ge [sflag:s26], $0x7D0  }
0x11f: {  	[sflag:s26] =	ssyncset.done $0x0  }
0x120: {  	s10 =	rddreg [dreg:$0x7];
	[sflag:s26] =	ssyncadd.s32 $0xFFFFF830  }
0x121: {  	[hbm4b:s10+s4] =	stream.linear.scatter [tilespmem:s25], [sflag:$0x1], $0x7D0, $0x38;
	[tilespmem:$0x6600] =	vst v63  }
0x122: {  	_ =	swait.ge [sflag:s22], $0x7D0  }
0x123: {  	[sflag:s22] =	ssyncset.done $0x0  }
0x124: {  	s6 =	simm.s32 @!p0 $0x2D50;
	s7 =	rddreg [dreg:$0x15];
	[sflag:s22] =	ssyncadd.s32 $0xFFFFF830  }
0x125: {  	[tilespmem:s6], [sflag:$0x2] =	stream.linear.gather @!p0 [spmem:s7], $0x7D0, $0x38;
	[tilespmem:$0x6600] =	vst v63  }
0x126: {  	s7 =	simm.s32 @!p0 $0x2  }
0x127: {  	_ =	swait.ge @!p0 [sflag:s7], $0x7D0  }
0x128: {  	[sflag:s7] =	ssyncset.done @!p0 $0x0  }
0x129: {  	s8 =	simm.s32 @!p0 $0x0;
	s9 =	rddreg [dreg:$0x8];
	[sflag:s7] =	ssyncadd.s32 @!p0 $0xFFFFF830  }
0x12a: {  	[hbm4b:s9+s8] =	stream.linear.scatter @!p0 [tilespmem:s6], [sflag:$0x1], $0x7D0, $0x38;
	[tilespmem:$0x6600] =	vst v63  }
0x12b: {  	s9 =	simm.s32 @!p0 $0x1  }
0x12c: {  	_ =	swait.ge @!p0 [sflag:s9], $0x7D0  }
0x12d: {  	[sflag:s9] =	ssyncset.done @!p0 $0x0  }
0x12e: {  	s10 =	rddreg [dreg:$0x13];
	[sflag:s9] =	ssyncadd.s32 @!p0 $0xFFFFF830  }
0x12f: {  	[tilespmem:s25], [sflag:$0x2] =	stream.linear.gather [spmem:s10], $0x7D0, $0x38;
	[tilespmem:$0x6600] =	vst v63  }
0x130: {  	_ =	swait.ge [sflag:s26], $0x7D0  }
0x131: {  	[sflag:s26] =	ssyncset.done $0x0  }
0x132: {  	s12 =	rddreg [dreg:$0x9];
	[sflag:s26] =	ssyncadd.s32 $0xFFFFF830  }
0x133: {  	[hbm4b:s12+s4] =	stream.linear.scatter [tilespmem:s25], [sflag:$0x1], $0x7D0, $0x38;
	[tilespmem:$0x6600] =	vst v63  }
0x134: {  	_ =	swait.ge [sflag:s22], $0x7D0  }
0x135: {  	[sflag:s22] =	ssyncset.done $0x0  }
0x136: {  	s10 =	rddreg [dreg:$0x16];
	[sflag:s22] =	ssyncadd.s32 $0xFFFFF830  }
0x137: {  	[tilespmem:s6], [sflag:$0x2] =	stream.linear.gather @!p0 [spmem:s10], $0x7D0, $0x38;
	[tilespmem:$0x6600] =	vst v63  }
0x138: {  	_ =	swait.ge @!p0 [sflag:s7], $0x7D0  }
0x139: {  	[sflag:s7] =	ssyncset.done @!p0 $0x0  }
0x13a: {  	s10 =	rddreg [dreg:$0xa];
	[sflag:s7] =	ssyncadd.s32 @!p0 $0xFFFFF830  }
0x13b: {  	[hbm4b:s10+s8] =	stream.linear.scatter @!p0 [tilespmem:s6], [sflag:$0x1], $0x7D0, $0x38;
	[tilespmem:$0x6600] =	vst v63  }
0x13c: {  	_ =	swait.ge @!p0 [sflag:s9], $0x7D0  }
0x13d: {  	[sflag:s9] =	ssyncset.done @!p0 $0x0  }
0x13e: {  	s13 =	rddreg [dreg:$0x14];
	[sflag:s9] =	ssyncadd.s32 @!p0 $0xFFFFF830  }
0x13f: {  	[tilespmem:s25], [sflag:$0x2] =	stream.linear.gather [spmem:s13], $0x7D0, $0x38;
	[tilespmem:$0x6600] =	vst v63  }
0x140: {  	_ =	swait.ge [sflag:s26], $0x7D0  }
0x141: {  	[sflag:s26] =	ssyncset.done $0x0  }
0x142: {  	s18 =	rddreg [dreg:$0xb];
	[sflag:s26] =	ssyncadd.s32 $0xFFFFF830  }
0x143: {  	[hbm4b:s18+s4] =	stream.linear.scatter [tilespmem:s25], [sflag:$0x1], $0x7D0, $0x38;
	[tilespmem:$0x6600] =	vst v63  }
0x144: {  	_ =	swait.ge [sflag:s22], $0x7D0  }
0x145: {  	[sflag:s22] =	ssyncset.done $0x0  }
0x146: {  	s10 =	rddreg [dreg:$0x17];
	[sflag:s22] =	ssyncadd.s32 $0xFFFFF830  }
0x147: {  	[tilespmem:s6], [sflag:$0x2] =	stream.linear.gather @!p0 [spmem:s10], $0x7D0, $0x38;
	[tilespmem:$0x6600] =	vst v63  }
0x148: {  	_ =	swait.ge @!p0 [sflag:s7], $0x7D0  }
0x149: {  	[sflag:s7] =	ssyncset.done @!p0 $0x0  }
0x14a: {  	[sflag:s7] =	ssyncadd.s32 @!p0 $0xFFFFF830;
	s7 =	rddreg [dreg:$0xc]  }
0x14b: {  	[hbm4b:s7+s8] =	stream.linear.scatter @!p0 [tilespmem:s6], [sflag:$0x1], $0x7D0, $0x38;
	[tilespmem:$0x6600] =	vst v63  }
0x14c: {  	_ =	swait.ge @!p0 [sflag:s9], $0x7D0  }
0x14d: {  	s30 =	sadd.s32 $0x1, s30;
	s31 =	rddreg [dreg:$0xd]  }
0x14e: {  	p1 =	sne.s32 s30, s31  }
.Ltmp4:
0x14f: {  	_ = 	snop;
	(pc) =	sbr.rel @p1 .LBB2_1-.Ltmp4, $3  }
0x150: {  	_ =	sdelay $0x1  }
0x151: {  	[sflag:s9] =	ssyncset.done @!p0 $0x0  }
0x152: {  	[sflag:s9] =	ssyncadd.s32 @!p0 $0xFFFFF830  }
0x153: {  	_ =	sfence.sel $0x180000  }
0x154: {  	[bflag:$0x0] =	sbarrier.arrive $0xFFFF  }
0x155: {  	_ =	strace $0x9000004A  }
0x156: {  	s0 =	stileid.u32;
	[bflag:$0x2] =	sbarrier.arrive $0xFFFF  }
0x157: {  	p0 =	sne.s32 s0, $0x0;
	s0 =	rddreg [dreg:$0x5]  }
0x158: {  	s0 =	sadd.s32 @!p0 $0x100000, s0  }
0x159: {  	[sflag:s0] =	ssyncadd.tile.s32 @!p0 $0x1;
	_ =	shalt  }
.Lfunc_end2:
_tile_overlayer_lowered:
.L_overlay_start_2:
0x15a: {  	(tag) =	ssettag $0x2  }
0x15b: {  	s0 =	rddreg [dreg:$0x0];
	s2 =	stileid.u32  }
0x15c: {  	s1 =	rddreg [dreg:$0x1];
	p0 =	sne.s32 s2, $0x0  }
0x15d: {  	s3 =	rddreg [dreg:$0x2];
	[bflag:$0x3] =	sbarrier.arrive $0xFFFF;
	s2 =	simm.s32 @!p0 $0x1C01  }
0x15e: {  	[timem:s3], [sflag:s2] =	dma.local @!p0 [hbm:s0], s1  }
0x15f: {  	s0 =	simm.s32 @!p0 $0x1  }
0x160: {  	_ =	swait.ge @!p0 [sflag:s0], s1  }
0x161: {  	s1 =	ssub.s32 @!p0 $0x0, s1;
	[sflag:s0] =	ssyncset.done @!p0 $0x0  }
0x162: {  	[sflag:s0] =	ssyncadd.s32 @!p0 s1  }
0x163: {  	[bflag:$0x3] =	sbarrier.arrive $0xFFFF  }
0x164: {  	_ =	shalt  }

// kernel: kernel.15.cloned.1.call-start
scs
__scs_entry_jumppad:
0x0: {  	(pc) =	sbr.rel $0x88, $3  }
0x1: {  	(tag) =	ssettag $0x0;
	lr =	simm.s32 $0x1  }
0x2: {  	[smem:$0x3F8D] =	sst lr;
	_ =	strace $0xD0000000  }
0x3: {  	_ = 	snop  }
0x4: {  	_ = 	snop  }
0x5: {  	_ = 	snop  }
0x6: {  	_ = 	snop  }
0x7: {  	_ = 	snop  }
__scs_overlays_trampoline_lowered:
0x8: {  	[smem:$0x3F9C] =	sst s0  }
0x9: {  	[smem:$0x3F9D] =	sst s1  }
0xa: {  	[smem:$0x3F9E] =	sst s2  }
0xb: {  	[smem:$0x3F9F] =	sst s3  }
0xc: {  	[smem:$0x3FA0] =	sst s4  }
0xd: {  	[smem:$0x3FA1] =	sst s5  }
0xe: {  	[smem:$0x3FA2] =	sst s6  }
0xf: {  	[smem:$0x3FA3] =	sst s7  }
0x10: {  	[smem:$0x3FA4] =	sst s8  }
0x11: {  	[smem:$0x3FA5] =	sst s9;
	s0 =	simm.s32 @!p0 $0x0  }
0x12: {  	s1 =	sld [smem:$0x3F8B];
	s0 =	simm.s32 @p0 $0x1  }
0x13: {  	[smem:$0x3FA6] =	sst s0;
	s0 =	simm.s32 @!p1 $0x0  }
0x14: {  	s2 =	sld [smem:$0x3F8A];
	s0 =	simm.s32 @p1 $0x1  }
0x15: {  	[smem:$0x3FA7] =	sst s0;
	s0 =	simm.s32 @!p2 $0x0  }
0x16: {  	s3 =	sld [smem:$0x3FDB];
	s0 =	simm.s32 @p2 $0x1  }
0x17: {  	s4 =	simm.s32 $0x1BF5;
	[smem:$0x3FA9] =	sst s0  }
0x18: {  	s0 =	sld [smem:$0x3F8C];
	_ =	swait.ge [sflag:s4], $0x0  }
0x19: {  	s7 =	sld [smem:$0x3F8D]  }
0x1a: {  	s8 =	sadd.s32 $0xFFFFE003, lr  }
0x1b: {  	s9 =	sadd.s32 $0xFFFFFEF7, lr;
	s5 =	simm.s32 $0xFFFFFFFF;
	p2 =	slt.u32 s8, $0xFFFFF086  }
0x1c: {  	p1 =	slt.u32 s9, $0xF7A;
	s5 =	simm.s32 @!p2 $0x0  }
0x1d: {  	s5 =	simm.s32 @p1 $0x1;
	p0 =	seq.s32 s7, s2  }
0x1e: {  	s7 =	smul.u32 @!p0 $0xF7A, s2;
	p2 =	seq.s32 @!p0 s5, $0x0  }
0x1f: {  	s9 =	smul.u32 $0xF7A, s1;
	s8 =	simm.s32 @!p0 $0x1BF5;
	p2 =	por !p2, p0  }
0x20: {  	[sflag:s8] =	ssyncset.s32 @!p0 $0xFFFFF086;
	s6 =	sadd.s32 @!p0 s3, s7;
	s7 =	simm.s32 @!p0 $0x108  }
0x21: {  	s3 =	sadd.s32 s3, s9;
	s6 =	sadd.s32 @!p0 $0x88, s6;
	s7 =	simm.s32 @p2 $0x1082  }
0x22: {  	[simem:s7], [sflag:s8] =	dma.local @!p0 [hbm:s6], $0xF7A  }
0x23: {  	s9 =	sor.u32 $0xD0000000, s2;
	s6 =	simm.s32 $0x108;
	_ =	swait.ge @!p0 [sflag:s8], $0x0  }
0x24: {  	s3 =	sadd.s32 $0x88, s3;
	s6 =	simm.s32 @!p1 $0x1082;
	[sflag:s4] =	ssyncset.s32 $0xFFFFF086  }
0x25: {  	[simem:s6], [sflag:s4] =	dma.local [hbm:s3], $0xF7A  }
0x26: {  	[smem:$0x3F8D] =	sst s1;
	(tag) =	ssettag s2;
	_ =	strace s9  }
0x27: {  	s1 =	sld [smem:$0x3F9D]  }
0x28: {  	s2 =	sld [smem:$0x3F9E]  }
0x29: {  	s4 =	sld [smem:$0x3FA0]  }
0x2a: {  	p0 =	seq.s32 s5, $0x0;
	s5 =	sld [smem:$0x3FA1]  }
0x2b: {  	s6 =	sld [smem:$0x3FA2]  }
0x2c: {  	s7 =	sld [smem:$0x3FA3]  }
0x2d: {  	s3 =	simm.s32 $0x108;
	s8 =	sld [smem:$0x3FA4]  }
0x2e: {  	s3 =	simm.s32 @!p0 $0x1082;
	s9 =	sld [smem:$0x3FA5]  }
0x2f: {  	lr =	sadd.s32 s0, s3;
	s0 =	sld [smem:$0x3F9C]  }
0x30: {  	s3 =	sld [smem:$0x3F9F]  }
0x31: {  	[smem:$0x3FA8] =	sst s10  }
0x32: {  	s10 =	sld [smem:$0x3FA6];
	_ =	sdelay $0x3  }
0x33: {  	p0 =	seq.s32 s10, $0x1;
	s10 =	sld [smem:$0x3FA8];
	_ =	sdelay $0x3  }
0x34: {  	[smem:$0x3FA8] =	sst s10  }
0x35: {  	s10 =	sld [smem:$0x3FA7];
	_ =	sdelay $0x3  }
0x36: {  	p1 =	seq.s32 s10, $0x1;
	s10 =	sld [smem:$0x3FA8];
	_ =	sdelay $0x3  }
0x37: {  	[smem:$0x3FA8] =	sst s10  }
0x38: {  	s10 =	sld [smem:$0x3FA9]  }
0x39: {  	_ = 	snop;
	(pc) =	sbr.ind lr, $3  }
0x3a: {  	_ = 	snop  }
0x3b: {  	_ = 	snop  }
0x3c: {  	p2 =	seq.s32 s10, $0x1;
	s10 =	sld [smem:$0x3FA8]  }
0x3d: {  	_ =	shalt  }
0x3e: {  	_ =	shalt  }
0x3f: {  	_ =	shalt  }
0x40: {  	_ =	shalt  }
0x41: {  	_ =	shalt  }
0x42: {  	_ =	shalt  }
0x43: {  	_ =	shalt  }
0x44: {  	_ =	shalt  }
0x45: {  	_ =	shalt  }
0x46: {  	_ =	shalt  }
0x47: {  	_ =	shalt  }
0x48: {  	_ =	shalt  }
0x49: {  	_ =	shalt  }
0x4a: {  	_ =	shalt  }
0x4b: {  	_ =	shalt  }
0x4c: {  	_ =	shalt  }
0x4d: {  	_ =	shalt  }
0x4e: {  	_ =	shalt  }
0x4f: {  	_ =	shalt  }
0x50: {  	_ =	shalt  }
0x51: {  	_ =	shalt  }
0x52: {  	_ =	shalt  }
0x53: {  	_ =	shalt  }
0x54: {  	_ =	shalt  }
0x55: {  	_ =	shalt  }
0x56: {  	_ =	shalt  }
0x57: {  	_ =	shalt  }
0x58: {  	_ =	shalt  }
0x59: {  	_ =	shalt  }
0x5a: {  	_ =	shalt  }
0x5b: {  	_ =	shalt  }
0x5c: {  	_ =	shalt  }
0x5d: {  	_ =	shalt  }
0x5e: {  	_ =	shalt  }
0x5f: {  	_ =	shalt  }
0x60: {  	_ =	shalt  }
0x61: {  	_ =	shalt  }
0x62: {  	_ =	shalt  }
0x63: {  	_ =	shalt  }
0x64: {  	_ =	shalt  }
0x65: {  	_ =	shalt  }
0x66: {  	_ =	shalt  }
0x67: {  	_ =	shalt  }
0x68: {  	_ =	shalt  }
0x69: {  	_ =	shalt  }
0x6a: {  	_ =	shalt  }
0x6b: {  	_ =	shalt  }
0x6c: {  	_ =	shalt  }
0x6d: {  	_ =	shalt  }
0x6e: {  	_ =	shalt  }
0x6f: {  	_ =	shalt  }
0x70: {  	_ =	shalt  }
0x71: {  	_ =	shalt  }
0x72: {  	_ =	shalt  }
0x73: {  	_ =	shalt  }
0x74: {  	_ =	shalt  }
0x75: {  	_ =	shalt  }
0x76: {  	_ =	shalt  }
0x77: {  	_ =	shalt  }
0x78: {  	_ =	shalt  }
0x79: {  	_ =	shalt  }
0x7a: {  	_ =	shalt  }
0x7b: {  	_ =	shalt  }
0x7c: {  	_ =	shalt  }
0x7d: {  	_ =	shalt  }
0x7e: {  	_ =	shalt  }
0x7f: {  	_ =	shalt  }
0x80: {  	_ =	shalt  }
0x81: {  	_ =	shalt  }
0x82: {  	_ =	shalt  }
0x83: {  	_ =	shalt  }
0x84: {  	_ =	shalt  }
0x85: {  	_ =	shalt  }
0x86: {  	_ =	shalt  }
0x87: {  	_ =	shalt  }
.Lfunc_end0:
.L_simem_size_0:
called_computation.2_lowered:
.L_overlay_start_0:
0x88: {  	s2 =	sld [smem:$0x3FD9]  }
0x89: {  	s3 =	sld [smem:$0x3FFE];
	_ =	sdelay $0x1  }
0x8a: {  	s1 =	srdreg.scid  }
0x8b: {  	s0 =	sand.u32 $0x1, s1  }
0x8c: {  	s16 =	sshll.u32 s0, $0xA;
	s2 =	sadd.s32 s3, s2  }
0x8d: {  	s2 =	sadd.s32 s2, s16  }
0x8e: {  	[smem:$0x3FB4] =	sst s2  }
0x8f: {  	_ = 	snop  }
0x90: {  	(tm) =	ssettm $0x1  }
0x91: {  	s17 =	sld [smem:$0x3FFB];
	_ =	sdelay $0x3  }
0x92: {  	_ =	strace s17  }
0x93: {  	s2 =	sld [smem:$0x3FFC];
	_ =	sdelay $0x3  }
0x94: {  	_ =	strace s2  }
0x95: {  	s2 =	sld [smem:$0x3FFD];
	_ =	sdelay $0x3  }
0x96: {  	_ =	strace s2  }
0x97: {  	_ =	strace $0x8FFFFFFF  }
0x98: {  	s18 =	sld [smem:$0x3FDB];
	_ =	sdelay $0x1  }
0x99: {  	s19 =	simm.s32 $_scs_section_size  }
0x9a: {  	s4 =	simm.s32 $_size__tile_overlayer_lowered;
	s5 =	simm.s32 $_tile_overlayer_lowered  }
0x9b: {  	s22 =	simm.s32 $0x1BFF;
	s21 =	sshll.u32 s5, $0x1;
	s2 =	sadd.s32 s19, s18  }
0x9c: {  	s6 =	simm.s32 $0x0;
	s20 =	sshll.u32 s4, $0x1;
	s4 =	sadd.s32 s21, s2  }
0x9d: {  	[timem:s6], [sflag:s22] =	dma.local [hbm:s4], s20  }
0x9e: {  	_ =	swait.ge [sflag:s22], s20  }
0x9f: {  	s3 =	ssub.s32 $0x0, s20;
	[sflag:s22] =	ssyncset.done $0x0  }
0xa0: {  	[sflag:s22] =	ssyncadd.s32 s3;
	_ =	sdelay $0x1  }
0xa1: {  	s23 =	simm.s32 $0x1B8B  }
0xa2: {  	_ =	swait.ge [sflag:s23], $0x1  }
0xa3: {  	[sflag:s23] =	ssyncset.done $0x0  }
0xa4: {  	s25 =	simm.s32 $0x1B8E;
	s24 =	sld [smem:$0x3FFE];
	[sflag:s23] =	ssyncadd.s32 $0xFFFFFFFF  }
0xa5: {  	s26 =	simm.s32 $execute0_lowered;
	[smem:$0x3FD2] =	sst s25  }
0xa6: {  	s4 =	sshll.u32 s26, $0x1;
	_ =	strace $0x8000004C;
	[dreg:$0x1] =	wrdreg $0xFFFFFFFF  }
0xa7: {  	s28 =	simm.s32 $_size_execute0_lowered;
	s2 =	sadd.s32 s2, s4;
	[dreg:$0x0] =	wrdreg $0x0  }
0xa8: {  	s4 =	sshll.u32 s28, $0x1;
	[dreg:$0x2] =	wrdreg s2  }
0xa9: {  	[dreg:$0x3] =	wrdreg s4  }
0xaa: {  	[dreg:$0x4] =	wrdreg $0xC0  }
0xab: {  	_ =	task [dreg:s6], $0x5FFFF  }
0xac: {  	[dreg:$0x1] =	wrdreg $0xFFFFFFFF  }
0xad: {  	[dreg:$0x0] =	wrdreg $0x60  }
0xae: {  	[dreg:$0x2] =	wrdreg s24  }
0xaf: {  	[dreg:$0x3] =	wrdreg $0x4FB00  }
0xb0: {  	[dreg:$0x4] =	wrdreg $0x9  }
0xb1: {  	_ =	task.clear_ibuf [dreg:s6], $0x5FFFF;
	_ =	strace $0x9000004C  }
0xb2: {  	s29 =	simm.s32 $0x9;
	_ =	strace $0x8000004E  }
0xb3: {  	_ =	swait.ge [sflag:s29], $0x1  }
0xb4: {  	[sflag:s29] =	ssyncadd.s32 $0xFFFFFFFF  }
0xb5: {  	_ =	strace $0x9000004E  }
0xb6: {  	_ =	sfence  }
0xb7: {  	s30 =	sld [smem:$0x0];
	_ =	sdelay $0x2  }
0xb8: {  	s31 =	sshll.u32 s1, $0xD;
	s1 =	sshrl.u32 s1, $0x2  }
0xb9: {  	s3 =	sand.u32 $0x4000, s31;
	s1 =	sadd.s32 s1, s30  }
0xba: {  	s0 =	sor.u32 s3, s0;
	s1 =	sshll.u32 s1, $0x11  }
0xbb: {  	s0 =	sor.u32 s1, s0  }
0xbc: {  	s0 =	sadd.s32 $0x8F2B, s0  }
0xbd: {  	[sflag:s0] =	ssyncadd.remote.s32 $0x1  }
0xbe: {  	_ =	sfence.sel $0xFFFF  }
0xbf: {  	[dreg:$0x0] =	wrdreg $0xFFFFFFFF;
	(pc) =	sbr.abs _section_cstart, $3  }
0xc0: {  	[dreg:$0x1] =	wrdreg $0xFFFFFFFF  }
0xc1: {  	_ =	task.clear_ibuf [dreg:s6], $0x2FFFF;
	_ =	strace $0x9FFFFFFF  }
0xc2: {  	(tm) =	ssettm $0x7FFFFFFF  }
0xc3: {  	_ =	shalt  }
tec
execute0_lowered:
.L_overlay_start_1:
0x0: {  	(tag) =	ssettag $0x1  }
0x1: {  	s7 =	rddreg [dreg:$0x0]  }
0x2: {  	s1 =	rddreg [dreg:$0x1]  }
0x3: {  	s0 =	rddreg [dreg:$0x2];
	s2 =	simm.s32 $0x0;
	s3 =	srdreg.scid  }
0x4: {  	s13 =	simm.s32 $0x320;
	s14 =	simm.s32 $0x190;
	s17 =	simm.s32 $0x2  }
0x5: {  	[smem:$0x7FF] =	sst s2;
	s6 =	sand.u32 $0x1, s3;
	s4 =	sadd.s32 $0x56C00, s7  }
0x6: {  	s5 =	sadd.s32 $0x4400, s7;
	s3 =	stileid.u32;
	s8 =	smul.u32 $0x30D40, s6  }
0x7: {  	_ =	strace $0x8000004D;
	s9 =	ssub.s32 $0x2, s6;
	s12 =	smul.u32 $0xC350, s6  }
0x8: {  	s6 =	sadd.s32 $0xA6200, s7;
	s31 =	smul.u32 $0x6400, s3;
	s10 =	sshrl.u32 s9, $0x1  }
0x9: {  	s11 =	smul.u32 $0x320, s3;
	s7 =	sadd.s32 s8, s7;
	s30 =	ssub.s32 s9, s10  }
0xa: {  	s15 =	sadd.s32 $0x186A0, s12;
	s16 =	sadd.s32 $0x30D40, s12;
	s9 =	sshrl.u32 s31, $0x2  }
0xb: {  	v0 =	vmov s12;
	s12 =	simm.s32 $0x3;
	s11 =	sadd.s32 s11, s7;
	s7 =	smax.u32 s30, $0x1  }
0xc: {  	s9 =	sadd.s32 s9, s1;
	v1 =	vmov s15;
	s15 =	simm.s32 $0x4B0;
	s8 =	sadd.s32 $0x1CB200, s11  }
0xd: {  	v3 =	vimm.f32 $0.0e+00;
	v2 =	vmov s16;
	s16 =	simm.s32 $0x1;
	s10 =	sadd.s32 $0x22CC80, s11;
	s11 =	sadd.s32 $0x28E700, s11  }
.LBB2_1:
0xe: {  	s18 =	simm.s32 $0x0  }
.LBB2_2:
0xf: {  	p0 =	sne.s32 s18, $0x6380  }
.Ltmp0:
0x10: {  	_ = 	snop;
	(pc) =	sbr.rel @p0 .LBB2_2-.Ltmp0, $4  }
0x11: {  	_ = 	snop  }
0x12: {  	s19 =	sshra.s32 s18, $0x2  }
0x13: {  	[tilespmem:s19+$0x36B0] =	vst v3  }
0x14: {  	s18 =	sadd.s32 $0x80, s18;
	[tilespmem:s19+$0x36C0] =	vst v3  }
0x15: {  	s18 =	sadd.s32 $0x0, s3  }
0x16: {  	p0 =	sgt.u32 s18, $0xF9  }
0x17: {  	s18 =	simm.s32 @!p0 $0x36B0;
	s21 =	simm.s32 @!p0 $0x2  }
0x18: {  	[spmem:s9] =	stream.linear.scatter @!p0 [tilespmem:s18], [sflag:$0x2], $0x1900, $0x38;
	[tilespmem:$0x1D650] =	vst v63  }
0x19: {  	s19 =	simm.s32 $0x10;
	_ =	swait.ge @!p0 [sflag:s21], $0x1900  }
0x1a: {  	s20 =	simm.s32 $0x20;
	s18 =	sadd.s32 $0x19000, s9;
	[sflag:s21] =	ssyncset.done @!p0 $0x0  }
.LBB2_4:
0x1b: {  	s22 =	sadd.s32 s19, s3;
	s19 =	smov.u32 s20;
	s20 =	sadd.s32 $0x10, s20  }
0x1c: {  	[sflag:s21] =	ssyncadd.s32 @!p0 $0xFFFFE700;
	p1 =	sne.s32 s20, $0x100  }
.Ltmp1:
0x1d: {  	p0 =	sgt.u32 s22, $0xF9;
	(pc) =	sbr.rel @p1 .LBB2_4-.Ltmp1, $4  }
0x1e: {  	s22 =	simm.s32 @!p0 $0x36B0;
	s21 =	simm.s32 @!p0 $0x2  }
0x1f: {  	[spmem:s18] =	stream.linear.scatter @!p0 [tilespmem:s22], [sflag:$0x2], $0x1900, $0x38;
	[tilespmem:$0x1D650] =	vst v63  }
0x20: {  	_ =	swait.ge @!p0 [sflag:s21], $0x1900  }
0x21: {  	s18 =	sadd.s32 $0x19000, s18;
	[sflag:s21] =	ssyncset.done @!p0 $0x0  }
0x22: {  	s19 =	sadd.s32 s19, s3  }
0x23: {  	p1 =	sgt.u32 s19, $0xF9  }
0x24: {  	[sflag:s21] =	ssyncadd.s32 @!p0 $0xFFFFE700;
	s19 =	simm.s32 @!p1 $0x36B0;
	s20 =	simm.s32 @!p1 $0x2  }
0x25: {  	[spmem:s18] =	stream.linear.scatter @!p1 [tilespmem:s19], [sflag:$0x2], $0x1900, $0x38;
	[tilespmem:$0x1D650] =	vst v63  }
0x26: {  	_ =	swait.ge @!p1 [sflag:s20], $0x1900  }
0x27: {  	[sflag:s20] =	ssyncset.done @!p1 $0x0  }
0x28: {  	[sflag:s20] =	ssyncadd.s32 @!p1 $0xFFFFE700  }
0x29: {  	s18 =	simm.s32 $0x0;
	s19 =	simm.s32 $0x0;
	[bflag:$0x0] =	sbarrier.arrive $0xFFFF  }
.LBB2_6:
0x2a: {  	s20 =	sshll.u32 s19, $0x4  }
0x2b: {  	s20 =	sor.u32 s3, s20  }
0x2c: {  	s20 =	smul.u32 $0x32, s20;
	_ =	sdelay $0x1  }
0x2d: {  	s21 =	sadd.s32 s4, s20  }
0x2e: {  	[tilespmem:s18], [sflag:$0x3] =	stream.linear.gather [hbm4b:s21+s18], $0x190, $0x38;
	[tilespmem:$0x1D650] =	vst v63  }
0x2f: {  	_ =	swait.ge [sflag:s12], $0x190  }
0x30: {  	[sflag:s12] =	ssyncset.done $0x0  }
0x31: {  	s20 =	sadd.s32 s5, s20;
	[sflag:s12] =	ssyncadd.s32 $0xFFFFFE70  }
0x32: {  	[tilespmem:s13], [sflag:$0x3] =	stream.linear.gather [hbm4b:s20+s18], $0x190, $0x38;
	[tilespmem:$0x1D650] =	vst v63  }
0x33: {  	_ =	swait.ge [sflag:s12], $0x190  }
0x34: {  	[sflag:s12] =	ssyncset.done $0x0  }
0x35: {  	s20 =	simm.s32 $0x0;
	[sflag:s12] =	ssyncadd.s32 $0xFFFFFE70  }
0x36: {  	s21 =	simm.s32 $0x40;
	v4 =	vld [tilespmem:s20+$0x0]  }
.LBB2_7:
0x37: {  	p0 =	sne.s32 s21, $0x600  }
.Ltmp2:
0x38: {  	_ = 	snop;
	(pc) =	sbr.rel @p0 .LBB2_7-.Ltmp2, $3  }
0x39: {  	_ =	sdelay $0x1  }
0x3a: {  	s22 =	sshra.s32 s21, $0x2;
	s21 =	sadd.s32 $0x40, s21;
	v5 =	vadd.s32 v0, v4  }
0x3b: {  	v4 =	vld [tilespmem:s22+$0x0];
	[tilespmem:s20+$0x190] =	vst v5;
	s20 =	smov.u32 s22  }
0x3c: {  	_ =	sdelay $0x3  }
0x3d: {  	v4 =	vadd.s32 v0, v4  }
0x3e: {  	[tilespmem:s20+$0x190] =	vst v4  }
0x3f: {  	[tilespmem:s15], [sflag:$0x1] =	stream.indirect.gather [hbm4b:s6+s14], $0x20, s14, s14, $0xb8;
	[tilespmem:$0x1D650] =	vst v63  }
0x40: {  	s19 =	sadd.s32 $0x1, s19;
	_ =	swait.ge [sflag:s16], $0x3200  }
0x41: {  	p0 =	sne.s32 s19, $0x7D;
	[sflag:s16] =	ssyncset.done $0x0  }
.Ltmp3:
0x42: {  	[sflag:s16] =	ssyncadd.s32 $0xFFFFCE00;
	(pc) =	sbr.rel @p0 .LBB2_6-.Ltmp3, $4  }
0x43: {  	[spmem:s1] =	stream.indirect.scatter.add.f32 [tilespmem:s15], [sflag:$0x2], $0x20, s13, s14, $0xb8;
	[tilespmem:$0x1D650] =	vst v63  }
0x44: {  	_ =	swait.ge [sflag:s17], $0x3200  }
0x45: {  	[sflag:s17] =	ssyncset.done $0x0  }
0x46: {  	[sflag:s17] =	ssyncadd.s32 $0xFFFFCE00  }
0x47: {  	s18 =	sadd.s32 $0x0, s3  }
0x48: {  	[bflag:$0x0] =	sbarrier.arrive $0xFFFF;
	p0 =	sgt.u32 s18, $0xF9  }
0x49: {  	s19 =	simm.s32 @!p0 $0x36B0;
	s21 =	simm.s32 @!p0 $0x3;
	p0 =	por p0, p0  }
0x4a: {  	[tilespmem:s19], [sflag:$0x3] =	stream.linear.gather @!p0 [spmem:s9], $0x1900, $0x38;
	[tilespmem:$0x1D650] =	vst v63  }
0x4b: {  	_ =	swait.ge @!p0 [sflag:s21], $0x1900  }
0x4c: {  	s20 =	simm.s32 $0x20;
	s31 =	sadd.s32 $0x10, s3;
	[sflag:s21] =	ssyncset.done @!p0 $0x0  }
0x4d: {  	s22 =	simm.s32 @!p0 $0x2;
	[sflag:s21] =	ssyncadd.s32 @!p0 $0xFFFFE700;
	s21 =	simm.s32 @!p0 $0x0  }
0x4e: {  	[hbm4b:s8+s21] =	stream.linear.scatter @!p0 [tilespmem:s19], [sflag:$0x2], $0x1900, $0x38;
	[tilespmem:$0x1D650] =	vst v63  }
0x4f: {  	s18 =	simm.s32 $0x0;
	p1 =	sgt.u32 s31, $0xF9;
	_ =	swait.ge @!p0 [sflag:s22], $0x1900  }
0x50: {  	s19 =	sadd.s32 $0x3200, s8;
	s21 =	sadd.s32 $0x19000, s9;
	[sflag:s22] =	ssyncset.done @!p0 $0x0  }
.LBB2_10:
0x51: {  	s23 =	simm.s32 @!p1 $0x36B0;
	s24 =	simm.s32 @!p1 $0x3;
	[sflag:s22] =	ssyncadd.s32 @!p0 $0xFFFFE700  }
0x52: {  	s25 =	smov.u32 s20;
	p0 =	por p1, p1;
	s20 =	sadd.s32 $0x10, s20  }
0x53: {  	[tilespmem:s23], [sflag:$0x3] =	stream.linear.gather @!p0 [spmem:s21], $0x1900, $0x38;
	[tilespmem:$0x1D650] =	vst v63  }
0x54: {  	p2 =	sne.s32 s20, $0x100;
	_ =	swait.ge @!p0 [sflag:s24], $0x1900  }
.Ltmp4:
0x55: {  	[sflag:s24] =	ssyncset.done @!p0 $0x0;
	(pc) =	sbr.rel @p2 .LBB2_10-.Ltmp4, $4  }
0x56: {  	s22 =	simm.s32 @!p0 $0x2;
	[sflag:s24] =	ssyncadd.s32 @!p0 $0xFFFFE700;
	s24 =	simm.s32 @!p0 $0x0  }
0x57: {  	[hbm4b:s19+s24] =	stream.linear.scatter @!p0 [tilespmem:s23], [sflag:$0x2], $0x1900, $0x38;
	[tilespmem:$0x1D650] =	vst v63  }
0x58: {  	s23 =	sadd.s32 s25, s3;
	s19 =	sadd.s32 $0x3200, s19;
	_ =	swait.ge @!p0 [sflag:s22], $0x1900  }
0x59: {  	s21 =	sadd.s32 $0x19000, s21;
	p1 =	sgt.u32 s23, $0xF9;
	[sflag:s22] =	ssyncset.done @!p0 $0x0  }
0x5a: {  	s20 =	simm.s32 @!p1 $0x36B0  }
0x5b: {  	s23 =	simm.s32 @!p1 $0x3;
	[sflag:s22] =	ssyncadd.s32 @!p0 $0xFFFFE700;
	p0 =	por p1, p1  }
0x5c: {  	[tilespmem:s20], [sflag:$0x3] =	stream.linear.gather @!p0 [spmem:s21], $0x1900, $0x38;
	[tilespmem:$0x1D650] =	vst v63  }
0x5d: {  	_ =	swait.ge @!p0 [sflag:s23], $0x1900  }
0x5e: {  	[sflag:s23] =	ssyncset.done @!p0 $0x0  }
0x5f: {  	s21 =	simm.s32 @!p0 $0x0;
	s22 =	simm.s32 @!p0 $0x2;
	[sflag:s23] =	ssyncadd.s32 @!p0 $0xFFFFE700  }
0x60: {  	[hbm4b:s19+s21] =	stream.linear.scatter @!p0 [tilespmem:s20], [sflag:$0x2], $0x1900, $0x38;
	[tilespmem:$0x1D650] =	vst v63  }
0x61: {  	_ =	swait.ge @!p0 [sflag:s22], $0x1900  }
0x62: {  	[sflag:s22] =	ssyncset.done @!p0 $0x0  }
0x63: {  	[sflag:s22] =	ssyncadd.s32 @!p0 $0xFFFFE700  }
.LBB2_12:
0x64: {  	p0 =	sne.s32 s18, $0x6380  }
.Ltmp5:
0x65: {  	_ = 	snop;
	(pc) =	sbr.rel @p0 .LBB2_12-.Ltmp5, $4  }
0x66: {  	_ = 	snop  }
0x67: {  	s19 =	sshra.s32 s18, $0x2  }
0x68: {  	[tilespmem:s19+$0x36B0] =	vst v3  }
0x69: {  	s18 =	sadd.s32 $0x80, s18;
	[tilespmem:s19+$0x36C0] =	vst v3  }
0x6a: {  	s18 =	sadd.s32 $0x0, s3  }
0x6b: {  	p0 =	sgt.u32 s18, $0xF9  }
0x6c: {  	s18 =	simm.s32 @!p0 $0x36B0;
	s21 =	simm.s32 @!p0 $0x2  }
0x6d: {  	[spmem:s9] =	stream.linear.scatter @!p0 [tilespmem:s18], [sflag:$0x2], $0x1900, $0x38;
	[tilespmem:$0x1D650] =	vst v63  }
0x6e: {  	s19 =	simm.s32 $0x10;
	_ =	swait.ge @!p0 [sflag:s21], $0x1900  }
0x6f: {  	s20 =	simm.s32 $0x20;
	s18 =	sadd.s32 $0x19000, s9;
	[sflag:s21] =	ssyncset.done @!p0 $0x0  }
.LBB2_14:
0x70: {  	s22 =	sadd.s32 s19, s3;
	s19 =	smov.u32 s20;
	s20 =	sadd.s32 $0x10, s20  }
0x71: {  	[sflag:s21] =	ssyncadd.s32 @!p0 $0xFFFFE700;
	p1 =	sne.s32 s20, $0x100  }
.Ltmp6:
0x72: {  	p0 =	sgt.u32 s22, $0xF9;
	(pc) =	sbr.rel @p1 .LBB2_14-.Ltmp6, $4  }
0x73: {  	s22 =	simm.s32 @!p0 $0x36B0;
	s21 =	simm.s32 @!p0 $0x2  }
0x74: {  	[spmem:s18] =	stream.linear.scatter @!p0 [tilespmem:s22], [sflag:$0x2], $0x1900, $0x38;
	[tilespmem:$0x1D650] =	vst v63  }
0x75: {  	_ =	swait.ge @!p0 [sflag:s21], $0x1900  }
0x76: {  	s18 =	sadd.s32 $0x19000, s18;
	[sflag:s21] =	ssyncset.done @!p0 $0x0  }
0x77: {  	s19 =	sadd.s32 s19, s3  }
0x78: {  	p1 =	sgt.u32 s19, $0xF9  }
0x79: {  	[sflag:s21] =	ssyncadd.s32 @!p0 $0xFFFFE700;
	s19 =	simm.s32 @!p1 $0x36B0;
	s20 =	simm.s32 @!p1 $0x2  }
0x7a: {  	[spmem:s18] =	stream.linear.scatter @!p1 [tilespmem:s19], [sflag:$0x2], $0x1900, $0x38;
	[tilespmem:$0x1D650] =	vst v63  }
0x7b: {  	_ =	swait.ge @!p1 [sflag:s20], $0x1900  }
0x7c: {  	[sflag:s20] =	ssyncset.done @!p1 $0x0  }
0x7d: {  	[sflag:s20] =	ssyncadd.s32 @!p1 $0xFFFFE700  }
0x7e: {  	s18 =	simm.s32 $0x0;
	s19 =	simm.s32 $0x0;
	[bflag:$0x0] =	sbarrier.arrive $0xFFFF  }
.LBB2_16:
0x7f: {  	s20 =	sshll.u32 s19, $0x4  }
0x80: {  	s20 =	sor.u32 s3, s20  }
0x81: {  	s20 =	smul.u32 $0x190, s20;
	_ =	sdelay $0x1  }
0x82: {  	s20 =	sshrl.u32 s20, $0x3  }
0x83: {  	s20 =	sadd.s32 $0x186A0, s20  }
0x84: {  	s21 =	sadd.s32 s4, s20  }
0x85: {  	[tilespmem:s18], [sflag:$0x3] =	stream.linear.gather [hbm4b:s21+s18], $0x190, $0x38;
	[tilespmem:$0x1D650] =	vst v63  }
0x86: {  	_ =	swait.ge [sflag:s12], $0x190  }
0x87: {  	[sflag:s12] =	ssyncset.done $0x0  }
0x88: {  	s20 =	sadd.s32 s5, s20;
	[sflag:s12] =	ssyncadd.s32 $0xFFFFFE70  }
0x89: {  	[tilespmem:s13], [sflag:$0x3] =	stream.linear.gather [hbm4b:s20+s18], $0x190, $0x38;
	[tilespmem:$0x1D650] =	vst v63  }
0x8a: {  	_ =	swait.ge [sflag:s12], $0x190  }
0x8b: {  	[sflag:s12] =	ssyncset.done $0x0  }
0x8c: {  	s20 =	simm.s32 $0x0;
	[sflag:s12] =	ssyncadd.s32 $0xFFFFFE70  }
0x8d: {  	s21 =	simm.s32 $0x40;
	v4 =	vld [tilespmem:s20+$0x0]  }
.LBB2_17:
0x8e: {  	p0 =	sne.s32 s21, $0x600  }
.Ltmp7:
0x8f: {  	_ = 	snop;
	(pc) =	sbr.rel @p0 .LBB2_17-.Ltmp7, $3  }
0x90: {  	_ =	sdelay $0x1  }
0x91: {  	s22 =	sshra.s32 s21, $0x2;
	s21 =	sadd.s32 $0x40, s21;
	v5 =	vadd.s32 v1, v4  }
0x92: {  	v4 =	vld [tilespmem:s22+$0x0];
	[tilespmem:s20+$0x190] =	vst v5;
	s20 =	smov.u32 s22  }
0x93: {  	_ =	sdelay $0x3  }
0x94: {  	v4 =	vadd.s32 v1, v4  }
0x95: {  	[tilespmem:s20+$0x190] =	vst v4  }
0x96: {  	[tilespmem:s15], [sflag:$0x1] =	stream.indirect.gather [hbm4b:s6+s14], $0x20, s14, s14, $0xb8;
	[tilespmem:$0x1D650] =	vst v63  }
0x97: {  	s19 =	sadd.s32 $0x1, s19;
	_ =	swait.ge [sflag:s16], $0x3200  }
0x98: {  	p0 =	sne.s32 s19, $0x7D;
	[sflag:s16] =	ssyncset.done $0x0  }
.Ltmp8:
0x99: {  	[sflag:s16] =	ssyncadd.s32 $0xFFFFCE00;
	(pc) =	sbr.rel @p0 .LBB2_16-.Ltmp8, $4  }
0x9a: {  	[spmem:s1] =	stream.indirect.scatter.add.f32 [tilespmem:s15], [sflag:$0x2], $0x20, s13, s14, $0xb8;
	[tilespmem:$0x1D650] =	vst v63  }
0x9b: {  	_ =	swait.ge [sflag:s17], $0x3200  }
0x9c: {  	[sflag:s17] =	ssyncset.done $0x0  }
0x9d: {  	[sflag:s17] =	ssyncadd.s32 $0xFFFFCE00  }
0x9e: {  	s18 =	sadd.s32 $0x0, s3  }
0x9f: {  	[bflag:$0x0] =	sbarrier.arrive $0xFFFF;
	p0 =	sgt.u32 s18, $0xF9  }
0xa0: {  	s19 =	simm.s32 @!p0 $0x36B0;
	s21 =	simm.s32 @!p0 $0x3;
	p0 =	por p0, p0  }
0xa1: {  	[tilespmem:s19], [sflag:$0x3] =	stream.linear.gather @!p0 [spmem:s9], $0x1900, $0x38;
	[tilespmem:$0x1D650] =	vst v63  }
0xa2: {  	_ =	swait.ge @!p0 [sflag:s21], $0x1900  }
0xa3: {  	s20 =	simm.s32 $0x20;
	s31 =	sadd.s32 $0x10, s3;
	[sflag:s21] =	ssyncset.done @!p0 $0x0  }
0xa4: {  	s22 =	simm.s32 @!p0 $0x2;
	[sflag:s21] =	ssyncadd.s32 @!p0 $0xFFFFE700;
	s21 =	simm.s32 @!p0 $0x0  }
0xa5: {  	[hbm4b:s10+s21] =	stream.linear.scatter @!p0 [tilespmem:s19], [sflag:$0x2], $0x1900, $0x38;
	[tilespmem:$0x1D650] =	vst v63  }
0xa6: {  	s18 =	simm.s32 $0x0;
	p1 =	sgt.u32 s31, $0xF9;
	_ =	swait.ge @!p0 [sflag:s22], $0x1900  }
0xa7: {  	s19 =	sadd.s32 $0x3200, s10;
	s21 =	sadd.s32 $0x19000, s9;
	[sflag:s22] =	ssyncset.done @!p0 $0x0  }
.LBB2_20:
0xa8: {  	s23 =	simm.s32 @!p1 $0x36B0;
	s24 =	simm.s32 @!p1 $0x3;
	[sflag:s22] =	ssyncadd.s32 @!p0 $0xFFFFE700  }
0xa9: {  	s25 =	smov.u32 s20;
	p0 =	por p1, p1;
	s20 =	sadd.s32 $0x10, s20  }
0xaa: {  	[tilespmem:s23], [sflag:$0x3] =	stream.linear.gather @!p0 [spmem:s21], $0x1900, $0x38;
	[tilespmem:$0x1D650] =	vst v63  }
0xab: {  	p2 =	sne.s32 s20, $0x100;
	_ =	swait.ge @!p0 [sflag:s24], $0x1900  }
.Ltmp9:
0xac: {  	[sflag:s24] =	ssyncset.done @!p0 $0x0;
	(pc) =	sbr.rel @p2 .LBB2_20-.Ltmp9, $4  }
0xad: {  	s22 =	simm.s32 @!p0 $0x2;
	[sflag:s24] =	ssyncadd.s32 @!p0 $0xFFFFE700;
	s24 =	simm.s32 @!p0 $0x0  }
0xae: {  	[hbm4b:s19+s24] =	stream.linear.scatter @!p0 [tilespmem:s23], [sflag:$0x2], $0x1900, $0x38;
	[tilespmem:$0x1D650] =	vst v63  }
0xaf: {  	s23 =	sadd.s32 s25, s3;
	s19 =	sadd.s32 $0x3200, s19;
	_ =	swait.ge @!p0 [sflag:s22], $0x1900  }
0xb0: {  	s21 =	sadd.s32 $0x19000, s21;
	p1 =	sgt.u32 s23, $0xF9;
	[sflag:s22] =	ssyncset.done @!p0 $0x0  }
0xb1: {  	s20 =	simm.s32 @!p1 $0x36B0  }
0xb2: {  	s23 =	simm.s32 @!p1 $0x3;
	[sflag:s22] =	ssyncadd.s32 @!p0 $0xFFFFE700;
	p0 =	por p1, p1  }
0xb3: {  	[tilespmem:s20], [sflag:$0x3] =	stream.linear.gather @!p0 [spmem:s21], $0x1900, $0x38;
	[tilespmem:$0x1D650] =	vst v63  }
0xb4: {  	_ =	swait.ge @!p0 [sflag:s23], $0x1900  }
0xb5: {  	[sflag:s23] =	ssyncset.done @!p0 $0x0  }
0xb6: {  	s21 =	simm.s32 @!p0 $0x0;
	s22 =	simm.s32 @!p0 $0x2;
	[sflag:s23] =	ssyncadd.s32 @!p0 $0xFFFFE700  }
0xb7: {  	[hbm4b:s19+s21] =	stream.linear.scatter @!p0 [tilespmem:s20], [sflag:$0x2], $0x1900, $0x38;
	[tilespmem:$0x1D650] =	vst v63  }
0xb8: {  	_ =	swait.ge @!p0 [sflag:s22], $0x1900  }
0xb9: {  	[sflag:s22] =	ssyncset.done @!p0 $0x0  }
0xba: {  	[sflag:s22] =	ssyncadd.s32 @!p0 $0xFFFFE700  }
.LBB2_22:
0xbb: {  	p0 =	sne.s32 s18, $0x6380  }
.Ltmp10:
0xbc: {  	_ = 	snop;
	(pc) =	sbr.rel @p0 .LBB2_22-.Ltmp10, $4  }
0xbd: {  	_ = 	snop  }
0xbe: {  	s19 =	sshra.s32 s18, $0x2  }
0xbf: {  	[tilespmem:s19+$0x36B0] =	vst v3  }
0xc0: {  	s18 =	sadd.s32 $0x80, s18;
	[tilespmem:s19+$0x36C0] =	vst v3  }
0xc1: {  	s18 =	sadd.s32 $0x0, s3  }
0xc2: {  	p0 =	sgt.u32 s18, $0xF9  }
0xc3: {  	s18 =	simm.s32 @!p0 $0x36B0;
	s21 =	simm.s32 @!p0 $0x2  }
0xc4: {  	[spmem:s9] =	stream.linear.scatter @!p0 [tilespmem:s18], [sflag:$0x2], $0x1900, $0x38;
	[tilespmem:$0x1D650] =	vst v63  }
0xc5: {  	s19 =	simm.s32 $0x10;
	_ =	swait.ge @!p0 [sflag:s21], $0x1900  }
0xc6: {  	s20 =	simm.s32 $0x20;
	s18 =	sadd.s32 $0x19000, s9;
	[sflag:s21] =	ssyncset.done @!p0 $0x0  }
.LBB2_24:
0xc7: {  	s22 =	sadd.s32 s19, s3;
	s19 =	smov.u32 s20;
	s20 =	sadd.s32 $0x10, s20  }
0xc8: {  	[sflag:s21] =	ssyncadd.s32 @!p0 $0xFFFFE700;
	p1 =	sne.s32 s20, $0x100  }
.Ltmp11:
0xc9: {  	p0 =	sgt.u32 s22, $0xF9;
	(pc) =	sbr.rel @p1 .LBB2_24-.Ltmp11, $4  }
0xca: {  	s22 =	simm.s32 @!p0 $0x36B0;
	s21 =	simm.s32 @!p0 $0x2  }
0xcb: {  	[spmem:s18] =	stream.linear.scatter @!p0 [tilespmem:s22], [sflag:$0x2], $0x1900, $0x38;
	[tilespmem:$0x1D650] =	vst v63  }
0xcc: {  	_ =	swait.ge @!p0 [sflag:s21], $0x1900  }
0xcd: {  	s18 =	sadd.s32 $0x19000, s18;
	[sflag:s21] =	ssyncset.done @!p0 $0x0  }
0xce: {  	s19 =	sadd.s32 s19, s3  }
0xcf: {  	p1 =	sgt.u32 s19, $0xF9  }
0xd0: {  	[sflag:s21] =	ssyncadd.s32 @!p0 $0xFFFFE700;
	s19 =	simm.s32 @!p1 $0x36B0;
	s20 =	simm.s32 @!p1 $0x2  }
0xd1: {  	[spmem:s18] =	stream.linear.scatter @!p1 [tilespmem:s19], [sflag:$0x2], $0x1900, $0x38;
	[tilespmem:$0x1D650] =	vst v63  }
0xd2: {  	_ =	swait.ge @!p1 [sflag:s20], $0x1900  }
0xd3: {  	[sflag:s20] =	ssyncset.done @!p1 $0x0  }
0xd4: {  	[sflag:s20] =	ssyncadd.s32 @!p1 $0xFFFFE700  }
0xd5: {  	s18 =	simm.s32 $0x0;
	s19 =	simm.s32 $0x0;
	[bflag:$0x0] =	sbarrier.arrive $0xFFFF  }
.LBB2_26:
0xd6: {  	s20 =	sshll.u32 s19, $0x4  }
0xd7: {  	s20 =	sor.u32 s3, s20  }
0xd8: {  	s20 =	smul.u32 $0x190, s20;
	_ =	sdelay $0x1  }
0xd9: {  	s20 =	sshrl.u32 s20, $0x3  }
0xda: {  	s20 =	sadd.s32 $0x30D40, s20  }
0xdb: {  	s21 =	sadd.s32 s4, s20  }
0xdc: {  	[tilespmem:s18], [sflag:$0x3] =	stream.linear.gather [hbm4b:s21+s18], $0x190, $0x38;
	[tilespmem:$0x1D650] =	vst v63  }
0xdd: {  	_ =	swait.ge [sflag:s12], $0x190  }
0xde: {  	[sflag:s12] =	ssyncset.done $0x0  }
0xdf: {  	s20 =	sadd.s32 s5, s20;
	[sflag:s12] =	ssyncadd.s32 $0xFFFFFE70  }
0xe0: {  	[tilespmem:s13], [sflag:$0x3] =	stream.linear.gather [hbm4b:s20+s18], $0x190, $0x38;
	[tilespmem:$0x1D650] =	vst v63  }
0xe1: {  	_ =	swait.ge [sflag:s12], $0x190  }
0xe2: {  	[sflag:s12] =	ssyncset.done $0x0  }
0xe3: {  	s20 =	simm.s32 $0x0;
	[sflag:s12] =	ssyncadd.s32 $0xFFFFFE70  }
0xe4: {  	s21 =	simm.s32 $0x40;
	v4 =	vld [tilespmem:s20+$0x0]  }
.LBB2_27:
0xe5: {  	p0 =	sne.s32 s21, $0x600  }
.Ltmp12:
0xe6: {  	_ = 	snop;
	(pc) =	sbr.rel @p0 .LBB2_27-.Ltmp12, $3  }
0xe7: {  	_ =	sdelay $0x1  }
0xe8: {  	s22 =	sshra.s32 s21, $0x2;
	s21 =	sadd.s32 $0x40, s21;
	v5 =	vadd.s32 v2, v4  }
0xe9: {  	v4 =	vld [tilespmem:s22+$0x0];
	[tilespmem:s20+$0x190] =	vst v5;
	s20 =	smov.u32 s22  }
0xea: {  	_ =	sdelay $0x3  }
0xeb: {  	v4 =	vadd.s32 v2, v4  }
0xec: {  	[tilespmem:s20+$0x190] =	vst v4  }
0xed: {  	[tilespmem:s15], [sflag:$0x1] =	stream.indirect.gather [hbm4b:s6+s14], $0x20, s14, s14, $0xb8;
	[tilespmem:$0x1D650] =	vst v63  }
0xee: {  	s19 =	sadd.s32 $0x1, s19;
	_ =	swait.ge [sflag:s16], $0x3200  }
0xef: {  	p0 =	sne.s32 s19, $0x7D;
	[sflag:s16] =	ssyncset.done $0x0  }
.Ltmp13:
0xf0: {  	[sflag:s16] =	ssyncadd.s32 $0xFFFFCE00;
	(pc) =	sbr.rel @p0 .LBB2_26-.Ltmp13, $4  }
0xf1: {  	[spmem:s1] =	stream.indirect.scatter.add.f32 [tilespmem:s15], [sflag:$0x2], $0x20, s13, s14, $0xb8;
	[tilespmem:$0x1D650] =	vst v63  }
0xf2: {  	_ =	swait.ge [sflag:s17], $0x3200  }
0xf3: {  	[sflag:s17] =	ssyncset.done $0x0  }
0xf4: {  	[sflag:s17] =	ssyncadd.s32 $0xFFFFCE00  }
0xf5: {  	s18 =	sadd.s32 $0x0, s3  }
0xf6: {  	[bflag:$0x0] =	sbarrier.arrive $0xFFFF;
	p0 =	sgt.u32 s18, $0xF9  }
0xf7: {  	s18 =	simm.s32 @!p0 $0x36B0;
	s20 =	simm.s32 @!p0 $0x3;
	p0 =	por p0, p0  }
0xf8: {  	[tilespmem:s18], [sflag:$0x3] =	stream.linear.gather @!p0 [spmem:s9], $0x1900, $0x38;
	[tilespmem:$0x1D650] =	vst v63  }
0xf9: {  	_ =	swait.ge @!p0 [sflag:s20], $0x1900  }
0xfa: {  	s31 =	sadd.s32 $0x10, s3;
	[sflag:s20] =	ssyncset.done @!p0 $0x0  }
0xfb: {  	s21 =	simm.s32 @!p0 $0x2;
	[sflag:s20] =	ssyncadd.s32 @!p0 $0xFFFFE700;
	s20 =	simm.s32 @!p0 $0x0  }
0xfc: {  	[hbm4b:s11+s20] =	stream.linear.scatter @!p0 [tilespmem:s18], [sflag:$0x2], $0x1900, $0x38;
	[tilespmem:$0x1D650] =	vst v63  }
0xfd: {  	s19 =	simm.s32 $0x20;
	p1 =	sgt.u32 s31, $0xF9;
	_ =	swait.ge @!p0 [sflag:s21], $0x1900  }
0xfe: {  	s18 =	sadd.s32 $0x3200, s11;
	s20 =	sadd.s32 $0x19000, s9;
	[sflag:s21] =	ssyncset.done @!p0 $0x0  }
.LBB2_30:
0xff: {  	s22 =	simm.s32 @!p1 $0x36B0;
	s23 =	simm.s32 @!p1 $0x3;
	[sflag:s21] =	ssyncadd.s32 @!p0 $0xFFFFE700  }
0x100: {  	s24 =	smov.u32 s19;
	p0 =	por p1, p1;
	s19 =	sadd.s32 $0x10, s19  }
0x101: {  	[tilespmem:s22], [sflag:$0x3] =	stream.linear.gather @!p0 [spmem:s20], $0x1900, $0x38;
	[tilespmem:$0x1D650] =	vst v63  }
0x102: {  	p2 =	sne.s32 s19, $0x100;
	_ =	swait.ge @!p0 [sflag:s23], $0x1900  }
.Ltmp14:
0x103: {  	[sflag:s23] =	ssyncset.done @!p0 $0x0;
	(pc) =	sbr.rel @p2 .LBB2_30-.Ltmp14, $4  }
0x104: {  	s21 =	simm.s32 @!p0 $0x2;
	[sflag:s23] =	ssyncadd.s32 @!p0 $0xFFFFE700;
	s23 =	simm.s32 @!p0 $0x0  }
0x105: {  	[hbm4b:s18+s23] =	stream.linear.scatter @!p0 [tilespmem:s22], [sflag:$0x2], $0x1900, $0x38;
	[tilespmem:$0x1D650] =	vst v63  }
0x106: {  	s22 =	sadd.s32 s24, s3;
	s18 =	sadd.s32 $0x3200, s18;
	_ =	swait.ge @!p0 [sflag:s21], $0x1900  }
0x107: {  	s20 =	sadd.s32 $0x19000, s20;
	p1 =	sgt.u32 s22, $0xF9;
	[sflag:s21] =	ssyncset.done @!p0 $0x0  }
0x108: {  	s19 =	simm.s32 @!p1 $0x36B0  }
0x109: {  	s22 =	simm.s32 @!p1 $0x3;
	[sflag:s21] =	ssyncadd.s32 @!p0 $0xFFFFE700;
	p0 =	por p1, p1  }
0x10a: {  	[tilespmem:s19], [sflag:$0x3] =	stream.linear.gather @!p0 [spmem:s20], $0x1900, $0x38;
	[tilespmem:$0x1D650] =	vst v63  }
0x10b: {  	_ =	swait.ge @!p0 [sflag:s22], $0x1900  }
0x10c: {  	[sflag:s22] =	ssyncset.done @!p0 $0x0  }
0x10d: {  	s20 =	simm.s32 @!p0 $0x0;
	s21 =	simm.s32 @!p0 $0x2;
	[sflag:s22] =	ssyncadd.s32 @!p0 $0xFFFFE700  }
0x10e: {  	[hbm4b:s18+s20] =	stream.linear.scatter @!p0 [tilespmem:s19], [sflag:$0x2], $0x1900, $0x38;
	[tilespmem:$0x1D650] =	vst v63  }
0x10f: {  	_ =	swait.ge @!p0 [sflag:s21], $0x1900  }
0x110: {  	s2 =	sadd.s32 $0x1, s2;
	[sflag:s21] =	ssyncset.done @!p0 $0x0  }
0x111: {  	[sflag:s21] =	ssyncadd.s32 @!p0 $0xFFFFE700;
	p0 =	sne.s32 s2, s7  }
.Ltmp15:
0x112: {  	_ = 	snop;
	(pc) =	sbr.rel @p0 .LBB2_1-.Ltmp15, $2  }
0x113: {  	_ =	sdelay $0x1  }
0x114: {  	[bflag:$0x0] =	sbarrier.arrive $0xFFFF;
	_ =	sdelay $0x1  }
0x115: {  	_ =	sfence.sel $0x180000  }
0x116: {  	[bflag:$0x0] =	sbarrier.arrive $0xFFFF  }
0x117: {  	p0 =	sne.s32 s3, $0x0;
	_ =	strace $0x9000004D  }
0x118: {  	s0 =	sadd.s32 @!p0 $0x100000, s0;
	[bflag:$0x2] =	sbarrier.arrive $0xFFFF  }
0x119: {  	[sflag:s0] =	ssyncadd.tile.s32 @!p0 $0x1;
	_ =	shalt  }
.Lfunc_end2:
_tile_overlayer_lowered:
.L_overlay_start_2:
0x11a: {  	(tag) =	ssettag $0x2  }
0x11b: {  	s0 =	rddreg [dreg:$0x0];
	s2 =	stileid.u32  }
0x11c: {  	s1 =	rddreg [dreg:$0x1];
	p0 =	sne.s32 s2, $0x0  }
0x11d: {  	s3 =	rddreg [dreg:$0x2];
	[bflag:$0x3] =	sbarrier.arrive $0xFFFF;
	s2 =	simm.s32 @!p0 $0x1C02  }
0x11e: {  	[timem:s3], [sflag:s2] =	dma.local @!p0 [hbm:s0], s1  }
0x11f: {  	s0 =	simm.s32 @!p0 $0x2  }
0x120: {  	_ =	swait.ge @!p0 [sflag:s0], s1  }
0x121: {  	s1 =	ssub.s32 @!p0 $0x0, s1;
	[sflag:s0] =	ssyncset.done @!p0 $0x0  }
0x122: {  	[sflag:s0] =	ssyncadd.s32 @!p0 s1  }
0x123: {  	[bflag:$0x3] =	sbarrier.arrive $0xFFFF  }
0x124: {  	_ =	shalt  }

// kernel: kernel.18.cloned.1.call-start
scs
__scs_entry_jumppad:
0x0: {  	(pc) =	sbr.rel $0x88, $3  }
0x1: {  	(tag) =	ssettag $0x0;
	lr =	simm.s32 $0x1  }
0x2: {  	[smem:$0x3F8D] =	sst lr;
	_ =	strace $0xD0000000  }
0x3: {  	_ = 	snop  }
0x4: {  	_ = 	snop  }
0x5: {  	_ = 	snop  }
0x6: {  	_ = 	snop  }
0x7: {  	_ = 	snop  }
__scs_overlays_trampoline_lowered:
0x8: {  	[smem:$0x3F9C] =	sst s0  }
0x9: {  	[smem:$0x3F9D] =	sst s1  }
0xa: {  	[smem:$0x3F9E] =	sst s2  }
0xb: {  	[smem:$0x3F9F] =	sst s3  }
0xc: {  	[smem:$0x3FA0] =	sst s4  }
0xd: {  	[smem:$0x3FA1] =	sst s5  }
0xe: {  	[smem:$0x3FA2] =	sst s6  }
0xf: {  	[smem:$0x3FA3] =	sst s7  }
0x10: {  	[smem:$0x3FA4] =	sst s8  }
0x11: {  	[smem:$0x3FA5] =	sst s9;
	s0 =	simm.s32 @!p0 $0x0  }
0x12: {  	s1 =	sld [smem:$0x3F8B];
	s0 =	simm.s32 @p0 $0x1  }
0x13: {  	[smem:$0x3FA6] =	sst s0;
	s0 =	simm.s32 @!p1 $0x0  }
0x14: {  	s2 =	sld [smem:$0x3F8A];
	s0 =	simm.s32 @p1 $0x1  }
0x15: {  	[smem:$0x3FA7] =	sst s0;
	s0 =	simm.s32 @!p2 $0x0  }
0x16: {  	s3 =	sld [smem:$0x3FDB];
	s0 =	simm.s32 @p2 $0x1  }
0x17: {  	s4 =	simm.s32 $0x1BF5;
	[smem:$0x3FA9] =	sst s0  }
0x18: {  	s0 =	sld [smem:$0x3F8C];
	_ =	swait.ge [sflag:s4], $0x0  }
0x19: {  	s7 =	sld [smem:$0x3F8D]  }
0x1a: {  	s8 =	sadd.s32 $0xFFFFE003, lr  }
0x1b: {  	s9 =	sadd.s32 $0xFFFFFEF7, lr;
	s5 =	simm.s32 $0xFFFFFFFF;
	p2 =	slt.u32 s8, $0xFFFFF086  }
0x1c: {  	p1 =	slt.u32 s9, $0xF7A;
	s5 =	simm.s32 @!p2 $0x0  }
0x1d: {  	s5 =	simm.s32 @p1 $0x1;
	p0 =	seq.s32 s7, s2  }
0x1e: {  	s7 =	smul.u32 @!p0 $0xF7A, s2;
	p2 =	seq.s32 @!p0 s5, $0x0  }
0x1f: {  	s9 =	smul.u32 $0xF7A, s1;
	s8 =	simm.s32 @!p0 $0x1BF5;
	p2 =	por !p2, p0  }
0x20: {  	[sflag:s8] =	ssyncset.s32 @!p0 $0xFFFFF086;
	s6 =	sadd.s32 @!p0 s3, s7;
	s7 =	simm.s32 @!p0 $0x108  }
0x21: {  	s3 =	sadd.s32 s3, s9;
	s6 =	sadd.s32 @!p0 $0x88, s6;
	s7 =	simm.s32 @p2 $0x1082  }
0x22: {  	[simem:s7], [sflag:s8] =	dma.local @!p0 [hbm:s6], $0xF7A  }
0x23: {  	s9 =	sor.u32 $0xD0000000, s2;
	s6 =	simm.s32 $0x108;
	_ =	swait.ge @!p0 [sflag:s8], $0x0  }
0x24: {  	s3 =	sadd.s32 $0x88, s3;
	s6 =	simm.s32 @!p1 $0x1082;
	[sflag:s4] =	ssyncset.s32 $0xFFFFF086  }
0x25: {  	[simem:s6], [sflag:s4] =	dma.local [hbm:s3], $0xF7A  }
0x26: {  	[smem:$0x3F8D] =	sst s1;
	(tag) =	ssettag s2;
	_ =	strace s9  }
0x27: {  	s1 =	sld [smem:$0x3F9D]  }
0x28: {  	s2 =	sld [smem:$0x3F9E]  }
0x29: {  	s4 =	sld [smem:$0x3FA0]  }
0x2a: {  	p0 =	seq.s32 s5, $0x0;
	s5 =	sld [smem:$0x3FA1]  }
0x2b: {  	s6 =	sld [smem:$0x3FA2]  }
0x2c: {  	s7 =	sld [smem:$0x3FA3]  }
0x2d: {  	s3 =	simm.s32 $0x108;
	s8 =	sld [smem:$0x3FA4]  }
0x2e: {  	s3 =	simm.s32 @!p0 $0x1082;
	s9 =	sld [smem:$0x3FA5]  }
0x2f: {  	lr =	sadd.s32 s0, s3;
	s0 =	sld [smem:$0x3F9C]  }
0x30: {  	s3 =	sld [smem:$0x3F9F]  }
0x31: {  	[smem:$0x3FA8] =	sst s10  }
0x32: {  	s10 =	sld [smem:$0x3FA6];
	_ =	sdelay $0x3  }
0x33: {  	p0 =	seq.s32 s10, $0x1;
	s10 =	sld [smem:$0x3FA8];
	_ =	sdelay $0x3  }
0x34: {  	[smem:$0x3FA8] =	sst s10  }
0x35: {  	s10 =	sld [smem:$0x3FA7];
	_ =	sdelay $0x3  }
0x36: {  	p1 =	seq.s32 s10, $0x1;
	s10 =	sld [smem:$0x3FA8];
	_ =	sdelay $0x3  }
0x37: {  	[smem:$0x3FA8] =	sst s10  }
0x38: {  	s10 =	sld [smem:$0x3FA9]  }
0x39: {  	_ = 	snop;
	(pc) =	sbr.ind lr, $3  }
0x3a: {  	_ = 	snop  }
0x3b: {  	_ = 	snop  }
0x3c: {  	p2 =	seq.s32 s10, $0x1;
	s10 =	sld [smem:$0x3FA8]  }
0x3d: {  	_ =	shalt  }
0x3e: {  	_ =	shalt  }
0x3f: {  	_ =	shalt  }
0x40: {  	_ =	shalt  }
0x41: {  	_ =	shalt  }
0x42: {  	_ =	shalt  }
0x43: {  	_ =	shalt  }
0x44: {  	_ =	shalt  }
0x45: {  	_ =	shalt  }
0x46: {  	_ =	shalt  }
0x47: {  	_ =	shalt  }
0x48: {  	_ =	shalt  }
0x49: {  	_ =	shalt  }
0x4a: {  	_ =	shalt  }
0x4b: {  	_ =	shalt  }
0x4c: {  	_ =	shalt  }
0x4d: {  	_ =	shalt  }
0x4e: {  	_ =	shalt  }
0x4f: {  	_ =	shalt  }
0x50: {  	_ =	shalt  }
0x51: {  	_ =	shalt  }
0x52: {  	_ =	shalt  }
0x53: {  	_ =	shalt  }
0x54: {  	_ =	shalt  }
0x55: {  	_ =	shalt  }
0x56: {  	_ =	shalt  }
0x57: {  	_ =	shalt  }
0x58: {  	_ =	shalt  }
0x59: {  	_ =	shalt  }
0x5a: {  	_ =	shalt  }
0x5b: {  	_ =	shalt  }
0x5c: {  	_ =	shalt  }
0x5d: {  	_ =	shalt  }
0x5e: {  	_ =	shalt  }
0x5f: {  	_ =	shalt  }
0x60: {  	_ =	shalt  }
0x61: {  	_ =	shalt  }
0x62: {  	_ =	shalt  }
0x63: {  	_ =	shalt  }
0x64: {  	_ =	shalt  }
0x65: {  	_ =	shalt  }
0x66: {  	_ =	shalt  }
0x67: {  	_ =	shalt  }
0x68: {  	_ =	shalt  }
0x69: {  	_ =	shalt  }
0x6a: {  	_ =	shalt  }
0x6b: {  	_ =	shalt  }
0x6c: {  	_ =	shalt  }
0x6d: {  	_ =	shalt  }
0x6e: {  	_ =	shalt  }
0x6f: {  	_ =	shalt  }
0x70: {  	_ =	shalt  }
0x71: {  	_ =	shalt  }
0x72: {  	_ =	shalt  }
0x73: {  	_ =	shalt  }
0x74: {  	_ =	shalt  }
0x75: {  	_ =	shalt  }
0x76: {  	_ =	shalt  }
0x77: {  	_ =	shalt  }
0x78: {  	_ =	shalt  }
0x79: {  	_ =	shalt  }
0x7a: {  	_ =	shalt  }
0x7b: {  	_ =	shalt  }
0x7c: {  	_ =	shalt  }
0x7d: {  	_ =	shalt  }
0x7e: {  	_ =	shalt  }
0x7f: {  	_ =	shalt  }
0x80: {  	_ =	shalt  }
0x81: {  	_ =	shalt  }
0x82: {  	_ =	shalt  }
0x83: {  	_ =	shalt  }
0x84: {  	_ =	shalt  }
0x85: {  	_ =	shalt  }
0x86: {  	_ =	shalt  }
0x87: {  	_ =	shalt  }
.Lfunc_end0:
.L_simem_size_0:
called_computation.3_lowered:
.L_overlay_start_0:
0x88: {  	s2 =	sld [smem:$0x3FD9]  }
0x89: {  	s3 =	sld [smem:$0x3FFE];
	_ =	sdelay $0x1  }
0x8a: {  	s1 =	srdreg.scid  }
0x8b: {  	s0 =	sand.u32 $0x1, s1  }
0x8c: {  	s14 =	sshll.u32 s0, $0xA;
	s2 =	sadd.s32 s3, s2  }
0x8d: {  	s2 =	sadd.s32 s2, s14  }
0x8e: {  	[smem:$0x3FB4] =	sst s2  }
0x8f: {  	_ = 	snop  }
0x90: {  	s2 =	sld [smem:$0x3FD0];
	_ =	sdelay $0x2  }
0x91: {  	s15 =	simm.s32 $0xA;
	s4 =	simm.s32 $0x10  }
0x92: {  	[smem:s4], [sflag:s15] =	dma.local [hbm:s2], $0x1  }
0x93: {  	_ =	swait.eq [sflag:s15], $0x1  }
0x94: {  	[sflag:s15] =	ssyncset.done $0x0  }
0x95: {  	s16 =	sld [smem:$0x10];
	[sflag:s15] =	ssyncadd.s32 $0xFFFFFFFF  }
0x96: {  	s17 =	sld [smem:$0x11];
	(tm) =	ssettm $0x1  }
0x97: {  	s18 =	sld [smem:$0x3FFB];
	_ =	sdelay $0x3  }
0x98: {  	_ =	strace s18  }
0x99: {  	s4 =	sld [smem:$0x3FFC];
	_ =	sdelay $0x3  }
0x9a: {  	_ =	strace s4  }
0x9b: {  	s4 =	sld [smem:$0x3FFD];
	_ =	sdelay $0x3  }
0x9c: {  	_ =	strace s4  }
0x9d: {  	_ =	strace $0x8FFFFFFF  }
0x9e: {  	s19 =	sld [smem:$0x3FDB];
	_ =	sdelay $0x1  }
0x9f: {  	s5 =	simm.s32 $_scs_section_size  }
0xa0: {  	s6 =	simm.s32 $_size__tile_overlayer_lowered;
	s7 =	simm.s32 $_tile_overlayer_lowered  }
0xa1: {  	s22 =	simm.s32 $0x1BFF;
	s21 =	sshll.u32 s7, $0x1;
	s4 =	sadd.s32 s5, s19  }
0xa2: {  	s8 =	simm.s32 $0x0;
	s20 =	sshll.u32 s6, $0x1;
	s6 =	sadd.s32 s21, s4  }
0xa3: {  	[timem:s8], [sflag:s22] =	dma.local [hbm:s6], s20  }
0xa4: {  	_ =	swait.ge [sflag:s22], s20  }
0xa5: {  	s5 =	ssub.s32 $0x0, s20;
	[sflag:s22] =	ssyncset.done $0x0  }
0xa6: {  	[sflag:s22] =	ssyncadd.s32 s5;
	_ =	sdelay $0x1  }
0xa7: {  	s23 =	simm.s32 $0x1B8B  }
0xa8: {  	_ =	swait.ge [sflag:s23], $0x1  }
0xa9: {  	[sflag:s23] =	ssyncset.done $0x0  }
0xaa: {  	s25 =	simm.s32 $0x1B8E;
	s24 =	sld [smem:$0x3FFE];
	[sflag:s23] =	ssyncadd.s32 $0xFFFFFFFF  }
0xab: {  	s26 =	simm.s32 $execute0_lowered;
	[smem:$0x3FD2] =	sst s25  }
0xac: {  	s6 =	sshll.u32 s26, $0x1;
	_ =	strace $0x8000004F;
	[dreg:$0x1] =	wrdreg $0xFFFFFFFF  }
0xad: {  	s28 =	simm.s32 $_size_execute0_lowered;
	s4 =	sadd.s32 s4, s6;
	[dreg:$0x0] =	wrdreg $0x0  }
0xae: {  	s6 =	sshll.u32 s28, $0x1;
	[dreg:$0x2] =	wrdreg s4  }
0xaf: {  	[dreg:$0x3] =	wrdreg s6  }
0xb0: {  	[dreg:$0x4] =	wrdreg $0xC0  }
0xb1: {  	_ =	task [dreg:s8], $0x5FFFF  }
0xb2: {  	[dreg:$0x1] =	wrdreg $0xFFFFFFFF  }
0xb3: {  	[dreg:$0x0] =	wrdreg $0x60  }
0xb4: {  	[dreg:$0x2] =	wrdreg s16  }
0xb5: {  	[dreg:$0x3] =	wrdreg s17  }
0xb6: {  	[dreg:$0x4] =	wrdreg s24  }
0xb7: {  	[dreg:$0x5] =	wrdreg $0x9  }
0xb8: {  	_ =	task.clear_ibuf [dreg:s8], $0x6FFFF;
	_ =	strace $0x9000004F  }
0xb9: {  	s29 =	simm.s32 $0x9;
	_ =	strace $0x80000051  }
0xba: {  	_ =	swait.ge [sflag:s29], $0x1  }
0xbb: {  	[sflag:s29] =	ssyncadd.s32 $0xFFFFFFFF  }
0xbc: {  	_ =	strace $0x90000051  }
0xbd: {  	_ =	sfence  }
0xbe: {  	s30 =	sld [smem:$0x0];
	_ =	sdelay $0x2  }
0xbf: {  	s31 =	sshll.u32 s1, $0xD;
	s1 =	sshrl.u32 s1, $0x2  }
0xc0: {  	s3 =	sand.u32 $0x4000, s31;
	s1 =	sadd.s32 s1, s30  }
0xc1: {  	s0 =	sor.u32 s3, s0;
	s1 =	sshll.u32 s1, $0x11  }
0xc2: {  	s0 =	sor.u32 s1, s0  }
0xc3: {  	s0 =	sadd.s32 $0x8F2B, s0  }
0xc4: {  	[sflag:s0] =	ssyncadd.remote.s32 $0x1  }
0xc5: {  	_ =	sfence.sel $0xFFFF  }
0xc6: {  	[dreg:$0x0] =	wrdreg $0xFFFFFFFF;
	(pc) =	sbr.abs _section_cstart, $3  }
0xc7: {  	[dreg:$0x1] =	wrdreg $0xFFFFFFFF  }
0xc8: {  	_ =	task.clear_ibuf [dreg:s8], $0x2FFFF;
	_ =	strace $0x9FFFFFFF  }
0xc9: {  	(tm) =	ssettm $0x7FFFFFFF  }
tec
execute0_lowered:
.L_overlay_start_1:
0x0: {  	(tag) =	ssettag $0x1  }
0x1: {  	s1 =	rddreg [dreg:$0x0]  }
0x2: {  	s2 =	rddreg [dreg:$0x1]  }
0x3: {  	s11 =	rddreg [dreg:$0x2]  }
0x4: {  	s0 =	rddreg [dreg:$0x3];
	s3 =	simm.s32 $0x0  }
0x5: {  	s7 =	srdreg.scid;
	s16 =	simm.s32 $0x400;
	s17 =	simm.s32 $0xA00  }
0x6: {  	s18 =	simm.s32 $0x1;
	s19 =	simm.s32 $0x600;
	s20 =	simm.s32 $0x4A00  }
0x7: {  	s21 =	simm.s32 $0x800;
	s22 =	simm.s32 $0x8A00;
	s23 =	simm.s32 $0x8C00  }
0x8: {  	s24 =	simm.s32 $0x0;
	[smem:$0x7FF] =	sst s3;
	s4 =	sadd.s32 $0x1CB200, s11  }
0x9: {  	s5 =	sadd.s32 $0xA0000, s11;
	s6 =	sadd.s32 $0x4D800, s11;
	s8 =	sadd.s32 $0x26400, s11  }
0xa: {  	s9 =	sadd.s32 $0x6400, s11;
	s12 =	sand.u32 $0x1, s7;
	s10 =	sadd.s32 $0x4400, s11  }
0xb: {  	s7 =	stileid.u32;
	s11 =	sadd.s32 $0x5400, s11;
	s13 =	ssub.s32 $0x2, s12  }
0xc: {  	s12 =	sshll.u32 s12, $0xE;
	s15 =	sshll.u32 s7, $0xA;
	s14 =	sshrl.u32 s13, $0x1  }
0xd: {  	_ =	strace $0x80000050;
	s12 =	sor.u32 s15, s12;
	s13 =	ssub.s32 s13, s14  }
0xe: {  	s15 =	simm.s32 $0x200;
	s14 =	simm.s32 $0x2;
	s13 =	smax.u32 s13, $0x1  }
.LBB2_1:
0xf: {  	p1 =	por $0x1, $0x1;
	s28 =	simm.s32 $0x0  }
.LBB2_2:
0x10: {  	s26 =	sor.u32 s12, s28  }
0x11: {  	s25 =	sshrl.u32 s26, $0x3  }
0x12: {  	s29 =	simm.s32 $0x0;
	s28 =	sadd.s32 s1, s25  }
0x13: {  	[tilespmem:s29], [sflag:$0x2] =	stream.linear.gather [hbm4b:s28+s29], $0x200, $0x38;
	[tilespmem:$0x8E00] =	vst v63  }
0x14: {  	_ =	swait.ge [sflag:s14], $0x200  }
0x15: {  	[sflag:s14] =	ssyncset.done $0x0  }
0x16: {  	s28 =	sadd.s32 s2, s25;
	[sflag:s14] =	ssyncadd.s32 $0xFFFFFE00  }
0x17: {  	[tilespmem:s15], [sflag:$0x2] =	stream.linear.gather [hbm4b:s28+s29], $0x200, $0x38;
	[tilespmem:$0x8E00] =	vst v63  }
0x18: {  	_ =	swait.ge [sflag:s14], $0x200  }
0x19: {  	[sflag:s14] =	ssyncset.done $0x0  }
0x1a: {  	s28 =	simm.s32 $0x0;
	[sflag:s14] =	ssyncadd.s32 $0xFFFFFE00  }
0x1b: {  	v0 =	vld [tilespmem:s28+$0x0];
	_ =	sdelay $0x1  }
0x1c: {  	v1 =	vld [tilespmem:s28+$0x200];
	_ =	sdelay $0x1  }
0x1d: {  	p0 =	por p1, p1;
	s29 =	simm.s32 $0x40  }
.LBB2_3:
0x1e: {  	s30 =	sshra.s32 s29, $0x2;
	p1 =	sne.s32 s29, $0x7C0;
	s29 =	sadd.s32 $0x40, s29;
	v2 =	vmul.u32 $0xC350, v0;
	v3 =	vmul.u32 $0x186A0, v0  }
.Ltmp0:
0x1f: {  	v0 =	vld [tilespmem:s30+$0x0];
	(pc) =	sbr.rel @p1 .LBB2_3-.Ltmp0, $4  }
0x20: {  	v2 =	vadd.s32 v1, v2;
	v3 =	vadd.s32 v1, v3  }
0x21: {  	v1 =	vld [tilespmem:s30+$0x200];
	[tilespmem:s28+$0x800] =	vst v2;
	v2 =	vadd.s32 $0xC350, v3  }
0x22: {  	[tilespmem:s28+$0x600] =	vst v2  }
0x23: {  	[tilespmem:s28+$0x400] =	vst v3;
	s28 =	smov.u32 s30  }
0x24: {  	v2 =	vmul.u32 $0xC350, v0  }
0x25: {  	v63 =	vmul.u32 $0x186A0, v0  }
0x26: {  	v2 =	vadd.s32 v1, v2  }
0x27: {  	v0 =	vadd.s32 v1, v63;
	[tilespmem:s28+$0x800] =	vst v2  }
0x28: {  	v1 =	vadd.s32 $0xC350, v0;
	[tilespmem:s28+$0x400] =	vst v0  }
0x29: {  	[tilespmem:s28+$0x600] =	vst v1;
	s28 =	simm.s32 $0x200  }
0x2a: {  	[tilespmem:s17], [sflag:$0x1] =	stream.indirect.gather [hbm4b:s4+s28], $0x20, s16, s28, $0xb8;
	[tilespmem:$0x8E00] =	vst v63  }
0x2b: {  	_ =	swait.ge [sflag:s18], $0x4000  }
0x2c: {  	[sflag:s18] =	ssyncset.done $0x0  }
0x2d: {  	[sflag:s18] =	ssyncadd.s32 $0xFFFFC000  }
0x2e: {  	[tilespmem:s20], [sflag:$0x1] =	stream.indirect.gather [hbm4b:s4+s28], $0x20, s19, s28, $0xb8;
	[tilespmem:$0x8E00] =	vst v63  }
0x2f: {  	_ =	swait.ge [sflag:s18], $0x4000  }
0x30: {  	[sflag:s18] =	ssyncset.done $0x0  }
0x31: {  	[sflag:s18] =	ssyncadd.s32 $0xFFFFC000  }
0x32: {  	[tilespmem:s22], [sflag:$0x1] =	stream.indirect.gather [hbm4b:s5+s28], $0x1, s21, s28, $0xb8;
	[tilespmem:$0x8E00] =	vst v63  }
0x33: {  	_ =	swait.ge [sflag:s18], $0x200  }
0x34: {  	[sflag:s18] =	ssyncset.done $0x0  }
0x35: {  	[sflag:s18] =	ssyncadd.s32 $0xFFFFFE00  }
0x36: {  	[tilespmem:s23], [sflag:$0x1] =	stream.indirect.gather [hbm4b:s6+s28], $0x1, s21, s28, $0xb8;
	[tilespmem:$0x8E00] =	vst v63  }
0x37: {  	_ =	swait.ge [sflag:s18], $0x200  }
0x38: {  	s26 =	sshll.u32 s26, $0x2;
	[sflag:s18] =	ssyncset.done $0x0  }
0x39: {  	s29 =	sadd.s32 s8, s26;
	[sflag:s18] =	ssyncadd.s32 $0xFFFFFE00  }
0x3a: {  	[hbm4b:s29+s3] =	stream.linear.scatter [tilespmem:s17], [sflag:$0x2], $0x4000, $0x38;
	[tilespmem:$0x8E00] =	vst v63  }
0x3b: {  	_ =	swait.ge [sflag:s14], $0x4000  }
0x3c: {  	[sflag:s14] =	ssyncset.done $0x0  }
0x3d: {  	s26 =	sadd.s32 s9, s26;
	[sflag:s14] =	ssyncadd.s32 $0xFFFFC000  }
0x3e: {  	[hbm4b:s26+s3] =	stream.linear.scatter [tilespmem:s20], [sflag:$0x2], $0x4000, $0x38;
	[tilespmem:$0x8E00] =	vst v63  }
0x3f: {  	_ =	swait.ge [sflag:s14], $0x4000  }
0x40: {  	[sflag:s14] =	ssyncset.done $0x0  }
0x41: {  	s30 =	sadd.s32 s10, s25;
	[sflag:s14] =	ssyncadd.s32 $0xFFFFC000  }
0x42: {  	[hbm4b:s30+s3] =	stream.linear.scatter [tilespmem:s22], [sflag:$0x2], $0x200, $0x38;
	[tilespmem:$0x8E00] =	vst v63  }
0x43: {  	_ =	swait.ge [sflag:s14], $0x200  }
0x44: {  	[sflag:s14] =	ssyncset.done $0x0  }
.Ltmp1:
0x45: {  	s31 =	sadd.s32 s11, s25;
	[sflag:s14] =	ssyncadd.s32 $0xFFFFFE00;
	(pc) =	sbr.rel @p0 .LBB2_2-.Ltmp1, $4  }
0x46: {  	[hbm4b:s31+s3] =	stream.linear.scatter [tilespmem:s23], [sflag:$0x2], $0x200, $0x38;
	[tilespmem:$0x8E00] =	vst v63  }
0x47: {  	_ =	swait.ge [sflag:s14], $0x200  }
0x48: {  	[sflag:s14] =	ssyncset.done $0x0  }
0x49: {  	p1 =	por $0x0, $0x0;
	[sflag:s14] =	ssyncadd.s32 $0xFFFFFE00  }
0x4a: {  	s24 =	sadd.s32 $0x1, s24  }
0x4b: {  	p0 =	sne.s32 s24, s13  }
.Ltmp2:
0x4c: {  	_ = 	snop;
	(pc) =	sbr.rel @p0 .LBB2_1-.Ltmp2, $1  }
0x4d: {  	_ =	sdelay $0x3  }
0x4e: {  	_ =	sfence.sel $0x180000  }
0x4f: {  	[bflag:$0x0] =	sbarrier.arrive $0xFFFF  }
0x50: {  	p0 =	sne.s32 s7, $0x0;
	_ =	strace $0x90000050  }
0x51: {  	s0 =	sadd.s32 @!p0 $0x100000, s0;
	[bflag:$0x2] =	sbarrier.arrive $0xFFFF  }
0x52: {  	[sflag:s0] =	ssyncadd.tile.s32 @!p0 $0x1;
	_ =	shalt  }
.Lfunc_end2:
_tile_overlayer_lowered:
.L_overlay_start_2:
0x53: {  	(tag) =	ssettag $0x2  }
0x54: {  	s0 =	rddreg [dreg:$0x0];
	s2 =	stileid.u32  }
0x55: {  	s1 =	rddreg [dreg:$0x1];
	p0 =	sne.s32 s2, $0x0  }
0x56: {  	s3 =	rddreg [dreg:$0x2];
	[bflag:$0x3] =	sbarrier.arrive $0xFFFF;
	s2 =	simm.s32 @!p0 $0x1C02  }
0x57: {  	[timem:s3], [sflag:s2] =	dma.local @!p0 [hbm:s0], s1  }
0x58: {  	s0 =	simm.s32 @!p0 $0x2  }
0x59: {  	_ =	swait.ge @!p0 [sflag:s0], s1  }
0x5a: {  	s1 =	ssub.s32 @!p0 $0x0, s1;
	[sflag:s0] =	ssyncset.done @!p0 $0x0  }
0x5b: {  	[sflag:s0] =	ssyncadd.s32 @!p0 s1  }
0x5c: {  	[bflag:$0x3] =	sbarrier.arrive $0xFFFF  }
0x5d: {  	_ =	shalt  }

// kernel: kernel.9.cloned.1.call-start
scs
__scs_entry_jumppad:
0x0: {  	(pc) =	sbr.rel $0x88, $3  }
0x1: {  	(tag) =	ssettag $0x0;
	lr =	simm.s32 $0x1  }
0x2: {  	[smem:$0x3F8D] =	sst lr;
	_ =	strace $0xD0000000  }
0x3: {  	_ = 	snop  }
0x4: {  	_ = 	snop  }
0x5: {  	_ = 	snop  }
0x6: {  	_ = 	snop  }
0x7: {  	_ = 	snop  }
__scs_overlays_trampoline_lowered:
0x8: {  	[smem:$0x3F9C] =	sst s0  }
0x9: {  	[smem:$0x3F9D] =	sst s1  }
0xa: {  	[smem:$0x3F9E] =	sst s2  }
0xb: {  	[smem:$0x3F9F] =	sst s3  }
0xc: {  	[smem:$0x3FA0] =	sst s4  }
0xd: {  	[smem:$0x3FA1] =	sst s5  }
0xe: {  	[smem:$0x3FA2] =	sst s6  }
0xf: {  	[smem:$0x3FA3] =	sst s7  }
0x10: {  	[smem:$0x3FA4] =	sst s8  }
0x11: {  	[smem:$0x3FA5] =	sst s9;
	s0 =	simm.s32 @!p0 $0x0  }
0x12: {  	s1 =	sld [smem:$0x3F8B];
	s0 =	simm.s32 @p0 $0x1  }
0x13: {  	[smem:$0x3FA6] =	sst s0;
	s0 =	simm.s32 @!p1 $0x0  }
0x14: {  	s2 =	sld [smem:$0x3F8A];
	s0 =	simm.s32 @p1 $0x1  }
0x15: {  	[smem:$0x3FA7] =	sst s0;
	s0 =	simm.s32 @!p2 $0x0  }
0x16: {  	s3 =	sld [smem:$0x3FDB];
	s0 =	simm.s32 @p2 $0x1  }
0x17: {  	s4 =	simm.s32 $0x1BF5;
	[smem:$0x3FA9] =	sst s0  }
0x18: {  	s0 =	sld [smem:$0x3F8C];
	_ =	swait.ge [sflag:s4], $0x0  }
0x19: {  	s7 =	sld [smem:$0x3F8D]  }
0x1a: {  	s8 =	sadd.s32 $0xFFFFE003, lr  }
0x1b: {  	s9 =	sadd.s32 $0xFFFFFEF7, lr;
	s5 =	simm.s32 $0xFFFFFFFF;
	p2 =	slt.u32 s8, $0xFFFFF086  }
0x1c: {  	p1 =	slt.u32 s9, $0xF7A;
	s5 =	simm.s32 @!p2 $0x0  }
0x1d: {  	s5 =	simm.s32 @p1 $0x1;
	p0 =	seq.s32 s7, s2  }
0x1e: {  	s7 =	smul.u32 @!p0 $0xF7A, s2;
	p2 =	seq.s32 @!p0 s5, $0x0  }
0x1f: {  	s9 =	smul.u32 $0xF7A, s1;
	s8 =	simm.s32 @!p0 $0x1BF5;
	p2 =	por !p2, p0  }
0x20: {  	[sflag:s8] =	ssyncset.s32 @!p0 $0xFFFFF086;
	s6 =	sadd.s32 @!p0 s3, s7;
	s7 =	simm.s32 @!p0 $0x108  }
0x21: {  	s3 =	sadd.s32 s3, s9;
	s6 =	sadd.s32 @!p0 $0x88, s6;
	s7 =	simm.s32 @p2 $0x1082  }
0x22: {  	[simem:s7], [sflag:s8] =	dma.local @!p0 [hbm:s6], $0xF7A  }
0x23: {  	s9 =	sor.u32 $0xD0000000, s2;
	s6 =	simm.s32 $0x108;
	_ =	swait.ge @!p0 [sflag:s8], $0x0  }
0x24: {  	s3 =	sadd.s32 $0x88, s3;
	s6 =	simm.s32 @!p1 $0x1082;
	[sflag:s4] =	ssyncset.s32 $0xFFFFF086  }
0x25: {  	[simem:s6], [sflag:s4] =	dma.local [hbm:s3], $0xF7A  }
0x26: {  	[smem:$0x3F8D] =	sst s1;
	(tag) =	ssettag s2;
	_ =	strace s9  }
0x27: {  	s1 =	sld [smem:$0x3F9D]  }
0x28: {  	s2 =	sld [smem:$0x3F9E]  }
0x29: {  	s4 =	sld [smem:$0x3FA0]  }
0x2a: {  	p0 =	seq.s32 s5, $0x0;
	s5 =	sld [smem:$0x3FA1]  }
0x2b: {  	s6 =	sld [smem:$0x3FA2]  }
0x2c: {  	s7 =	sld [smem:$0x3FA3]  }
0x2d: {  	s3 =	simm.s32 $0x108;
	s8 =	sld [smem:$0x3FA4]  }
0x2e: {  	s3 =	simm.s32 @!p0 $0x1082;
	s9 =	sld [smem:$0x3FA5]  }
0x2f: {  	lr =	sadd.s32 s0, s3;
	s0 =	sld [smem:$0x3F9C]  }
0x30: {  	s3 =	sld [smem:$0x3F9F]  }
0x31: {  	[smem:$0x3FA8] =	sst s10  }
0x32: {  	s10 =	sld [smem:$0x3FA6];
	_ =	sdelay $0x3  }
0x33: {  	p0 =	seq.s32 s10, $0x1;
	s10 =	sld [smem:$0x3FA8];
	_ =	sdelay $0x3  }
0x34: {  	[smem:$0x3FA8] =	sst s10  }
0x35: {  	s10 =	sld [smem:$0x3FA7];
	_ =	sdelay $0x3  }
0x36: {  	p1 =	seq.s32 s10, $0x1;
	s10 =	sld [smem:$0x3FA8];
	_ =	sdelay $0x3  }
0x37: {  	[smem:$0x3FA8] =	sst s10  }
0x38: {  	s10 =	sld [smem:$0x3FA9]  }
0x39: {  	_ = 	snop;
	(pc) =	sbr.ind lr, $3  }
0x3a: {  	_ = 	snop  }
0x3b: {  	_ = 	snop  }
0x3c: {  	p2 =	seq.s32 s10, $0x1;
	s10 =	sld [smem:$0x3FA8]  }
0x3d: {  	_ =	shalt  }
0x3e: {  	_ =	shalt  }
0x3f: {  	_ =	shalt  }
0x40: {  	_ =	shalt  }
0x41: {  	_ =	shalt  }
0x42: {  	_ =	shalt  }
0x43: {  	_ =	shalt  }
0x44: {  	_ =	shalt  }
0x45: {  	_ =	shalt  }
0x46: {  	_ =	shalt  }
0x47: {  	_ =	shalt  }
0x48: {  	_ =	shalt  }
0x49: {  	_ =	shalt  }
0x4a: {  	_ =	shalt  }
0x4b: {  	_ =	shalt  }
0x4c: {  	_ =	shalt  }
0x4d: {  	_ =	shalt  }
0x4e: {  	_ =	shalt  }
0x4f: {  	_ =	shalt  }
0x50: {  	_ =	shalt  }
0x51: {  	_ =	shalt  }
0x52: {  	_ =	shalt  }
0x53: {  	_ =	shalt  }
0x54: {  	_ =	shalt  }
0x55: {  	_ =	shalt  }
0x56: {  	_ =	shalt  }
0x57: {  	_ =	shalt  }
0x58: {  	_ =	shalt  }
0x59: {  	_ =	shalt  }
0x5a: {  	_ =	shalt  }
0x5b: {  	_ =	shalt  }
0x5c: {  	_ =	shalt  }
0x5d: {  	_ =	shalt  }
0x5e: {  	_ =	shalt  }
0x5f: {  	_ =	shalt  }
0x60: {  	_ =	shalt  }
0x61: {  	_ =	shalt  }
0x62: {  	_ =	shalt  }
0x63: {  	_ =	shalt  }
0x64: {  	_ =	shalt  }
0x65: {  	_ =	shalt  }
0x66: {  	_ =	shalt  }
0x67: {  	_ =	shalt  }
0x68: {  	_ =	shalt  }
0x69: {  	_ =	shalt  }
0x6a: {  	_ =	shalt  }
0x6b: {  	_ =	shalt  }
0x6c: {  	_ =	shalt  }
0x6d: {  	_ =	shalt  }
0x6e: {  	_ =	shalt  }
0x6f: {  	_ =	shalt  }
0x70: {  	_ =	shalt  }
0x71: {  	_ =	shalt  }
0x72: {  	_ =	shalt  }
0x73: {  	_ =	shalt  }
0x74: {  	_ =	shalt  }
0x75: {  	_ =	shalt  }
0x76: {  	_ =	shalt  }
0x77: {  	_ =	shalt  }
0x78: {  	_ =	shalt  }
0x79: {  	_ =	shalt  }
0x7a: {  	_ =	shalt  }
0x7b: {  	_ =	shalt  }
0x7c: {  	_ =	shalt  }
0x7d: {  	_ =	shalt  }
0x7e: {  	_ =	shalt  }
0x7f: {  	_ =	shalt  }
0x80: {  	_ =	shalt  }
0x81: {  	_ =	shalt  }
0x82: {  	_ =	shalt  }
0x83: {  	_ =	shalt  }
0x84: {  	_ =	shalt  }
0x85: {  	_ =	shalt  }
0x86: {  	_ =	shalt  }
0x87: {  	_ =	shalt  }
.Lfunc_end0:
.L_simem_size_0:
called_computation_lowered:
.L_overlay_start_0:
0x88: {  	s2 =	sld [smem:$0x3FD9]  }
0x89: {  	s3 =	sld [smem:$0x3FFE];
	_ =	sdelay $0x1  }
0x8a: {  	s1 =	srdreg.scid  }
0x8b: {  	s0 =	sand.u32 $0x1, s1  }
0x8c: {  	s16 =	sshll.u32 s0, $0xA;
	s2 =	sadd.s32 s3, s2  }
0x8d: {  	s2 =	sadd.s32 s2, s16  }
0x8e: {  	[smem:$0x3FB4] =	sst s2  }
0x8f: {  	_ = 	snop  }
0x90: {  	(tm) =	ssettm $0x1  }
0x91: {  	s17 =	sld [smem:$0x3FFB];
	_ =	sdelay $0x3  }
0x92: {  	_ =	strace s17  }
0x93: {  	s2 =	sld [smem:$0x3FFC];
	_ =	sdelay $0x3  }
0x94: {  	_ =	strace s2  }
0x95: {  	s2 =	sld [smem:$0x3FFD];
	_ =	sdelay $0x3  }
0x96: {  	_ =	strace s2  }
0x97: {  	_ =	strace $0x8FFFFFFF  }
0x98: {  	s18 =	sld [smem:$0x3FDB];
	_ =	sdelay $0x1  }
0x99: {  	s19 =	simm.s32 $_scs_section_size  }
0x9a: {  	s4 =	simm.s32 $_size__tile_overlayer_lowered;
	s5 =	simm.s32 $_tile_overlayer_lowered  }
0x9b: {  	s22 =	simm.s32 $0x1BFF;
	s21 =	sshll.u32 s5, $0x1;
	s2 =	sadd.s32 s19, s18  }
0x9c: {  	s6 =	simm.s32 $0x0;
	s20 =	sshll.u32 s4, $0x1;
	s4 =	sadd.s32 s21, s2  }
0x9d: {  	[timem:s6], [sflag:s22] =	dma.local [hbm:s4], s20  }
0x9e: {  	_ =	swait.ge [sflag:s22], s20  }
0x9f: {  	s3 =	ssub.s32 $0x0, s20;
	[sflag:s22] =	ssyncset.done $0x0  }
0xa0: {  	[sflag:s22] =	ssyncadd.s32 s3;
	_ =	sdelay $0x1  }
0xa1: {  	s23 =	simm.s32 $0x1B8B  }
0xa2: {  	_ =	swait.ge [sflag:s23], $0x1  }
0xa3: {  	[sflag:s23] =	ssyncset.done $0x0  }
0xa4: {  	s25 =	simm.s32 $0x1B8E;
	s24 =	sld [smem:$0x3FFE];
	[sflag:s23] =	ssyncadd.s32 $0xFFFFFFFF  }
0xa5: {  	s26 =	simm.s32 $execute0_lowered;
	[smem:$0x3FD2] =	sst s25  }
0xa6: {  	s4 =	sshll.u32 s26, $0x1;
	_ =	strace $0x80000046;
	[dreg:$0x1] =	wrdreg $0xFFFFFFFF  }
0xa7: {  	s28 =	simm.s32 $_size_execute0_lowered;
	s2 =	sadd.s32 s2, s4;
	[dreg:$0x0] =	wrdreg $0x0  }
0xa8: {  	s4 =	sshll.u32 s28, $0x1;
	[dreg:$0x2] =	wrdreg s2  }
0xa9: {  	[dreg:$0x3] =	wrdreg s4  }
0xaa: {  	[dreg:$0x4] =	wrdreg $0xC0  }
0xab: {  	_ =	task [dreg:s6], $0x5FFFF  }
0xac: {  	[dreg:$0x1] =	wrdreg $0xFFFFFFFF  }
0xad: {  	[dreg:$0x0] =	wrdreg $0x60  }
0xae: {  	[dreg:$0x2] =	wrdreg s24  }
0xaf: {  	[dreg:$0x3] =	wrdreg $0x1C200  }
0xb0: {  	[dreg:$0x4] =	wrdreg $0x28580  }
0xb1: {  	[dreg:$0x5] =	wrdreg $0x34900  }
0xb2: {  	[dreg:$0x6] =	wrdreg $0x9  }
0xb3: {  	_ =	task.clear_ibuf [dreg:s6], $0x7FFFF;
	_ =	strace $0x90000046  }
0xb4: {  	s29 =	simm.s32 $0x9;
	_ =	strace $0x80000048  }
0xb5: {  	_ =	swait.ge [sflag:s29], $0x1  }
0xb6: {  	[sflag:s29] =	ssyncadd.s32 $0xFFFFFFFF  }
0xb7: {  	_ =	strace $0x90000048  }
0xb8: {  	_ =	sfence  }
0xb9: {  	s30 =	sld [smem:$0x0];
	_ =	sdelay $0x2  }
0xba: {  	s31 =	sshll.u32 s1, $0xD;
	s1 =	sshrl.u32 s1, $0x2  }
0xbb: {  	s3 =	sand.u32 $0x4000, s31;
	s1 =	sadd.s32 s1, s30  }
0xbc: {  	s0 =	sor.u32 s3, s0;
	s1 =	sshll.u32 s1, $0x11  }
0xbd: {  	s0 =	sor.u32 s1, s0  }
0xbe: {  	s0 =	sadd.s32 $0x8F2B, s0  }
0xbf: {  	[sflag:s0] =	ssyncadd.remote.s32 $0x1  }
0xc0: {  	_ =	sfence.sel $0xFFFF  }
0xc1: {  	[dreg:$0x0] =	wrdreg $0xFFFFFFFF;
	(pc) =	sbr.abs _section_cstart, $3  }
0xc2: {  	[dreg:$0x1] =	wrdreg $0xFFFFFFFF  }
0xc3: {  	_ =	task.clear_ibuf [dreg:s6], $0x2FFFF;
	_ =	strace $0x9FFFFFFF  }
0xc4: {  	(tm) =	ssettm $0x7FFFFFFF  }
0xc5: {  	_ =	shalt  }
tec
execute0_lowered:
.L_overlay_start_1:
0x0: {  	(tag) =	ssettag $0x1  }
0x1: {  	s0 =	rddreg [dreg:$0x0]  }
0x2: {  	s1 =	rddreg [dreg:$0x1]  }
0x3: {  	s2 =	rddreg [dreg:$0x2]  }
0x4: {  	s3 =	rddreg [dreg:$0x3];
	s4 =	simm.s32 $0x0  }
0x5: {  	s5 =	srdreg.scid;
	s30 =	stileid.u32;
	s31 =	simm.s32 $0x1  }
0x6: {  	[smem:$0x7FF] =	sst s4;
	s5 =	sand.u32 $0x1, s5;
	s23 =	smul.u32 $0x1F40, s30  }
0x7: {  	s6 =	sadd.s32 $0x4400, s0;
	s0 =	sadd.s32 $0x4D800, s0;
	s20 =	smul.u32 $0xC8, s30  }
0x8: {  	s10 =	sor.u32 $0x10, s30;
	_ =	strace $0x80000047;
	s9 =	smul.u32 $0x249F0, s5  }
0x9: {  	s7 =	ssub.s32 $0x2, s5;
	s29 =	sshll.u32 s5, $0x4;
	s11 =	smul.u32 $0x1F40, s10  }
0xa: {  	s28 =	smul.u32 $0x7D0, s10;
	p0 =	sgt.u32 s10, $0x18;
	s8 =	sshrl.u32 s7, $0x1  }
0xb: {  	s29 =	sor.u32 s29, s30;
	s7 =	ssub.s32 s7, s8;
	s12 =	sadd.s32 $0xC350, s9  }
0xc: {  	s14 =	sadd.s32 $0x186A0, s9;
	s8 =	sshrl.u32 s23, $0x2;
	s7 =	smax.u32 s7, $0x1  }
0xd: {  	s21 =	sshrl.u32 s11, $0x2;
	s24 =	sadd.s32 s8, s1;
	[dreg:$0x5] =	wrdreg s7  }
0xe: {  	s25 =	sadd.s32 s21, s1;
	s7 =	smul.u32 $0x7D0, s30;
	[dreg:$0x6] =	wrdreg s24  }
0xf: {  	s16 =	sadd.s32 s28, s12;
	s19 =	sadd.s32 s28, s14;
	[dreg:$0x7] =	wrdreg s25  }
0x10: {  	s26 =	sadd.s32 s9, s7;
	s9 =	sadd.s32 s9, s28;
	s13 =	sadd.s32 s7, s12  }
0x11: {  	s17 =	sadd.s32 s7, s14;
	s11 =	sshrl.u32 s26, $0x3;
	s13 =	sshrl.u32 s13, $0x3  }
0x12: {  	s9 =	sshrl.u32 s9, $0x3;
	s11 =	sadd.s32 s0, s11;
	s15 =	sadd.s32 s0, s13  }
0x13: {  	s9 =	sadd.s32 s0, s9;
	[dreg:$0xa] =	wrdreg s15;
	s15 =	smul.u32 $0x6400, s5  }
0x14: {  	[dreg:$0x9] =	wrdreg s9;
	s9 =	sshrl.u32 s16, $0x3;
	s16 =	smul.u32 $0x640, s30  }
0x15: {  	[dreg:$0x8] =	wrdreg s11;
	s5 =	smul.u32 $0xC80, s5;
	s9 =	sadd.s32 s0, s9  }
0x16: {  	s18 =	sshrl.u32 s17, $0x3;
	s30 =	simm.s32 $0xC80;
	[dreg:$0xb] =	wrdreg s9  }
0x17: {  	s9 =	sadd.s32 s0, s18;
	s16 =	sadd.s32 s16, s15;
	s22 =	sadd.s32 s5, s6  }
0x18: {  	s5 =	simm.s32 $0x2;
	[dreg:$0xc] =	wrdreg s9;
	s9 =	sshrl.u32 s19, $0x3  }
0x19: {  	s23 =	sadd.s32 $0xC3500, s16;
	s15 =	sadd.s32 s20, s22;
	s25 =	sadd.s32 $0x186A00, s16  }
0x1a: {  	s16 =	sadd.s32 s8, s2;
	s19 =	sadd.s32 s21, s2;
	s20 =	sadd.s32 s8, s3  }
0x1b: {  	s21 =	sadd.s32 s21, s3;
	s22 =	sadd.s32 s7, s1;
	s14 =	sadd.s32 s0, s9  }
0x1c: {  	s24 =	sshrl.u32 s23, $0x3;
	s26 =	sshrl.u32 s25, $0x3;
	s23 =	sadd.s32 s7, s2  }
0x1d: {  	s25 =	sadd.s32 s28, s1;
	s21 =	smov.u32 @p0 s20;
	s0 =	simm.s32 $0x1450  }
0x1e: {  	s17 =	sadd.s32 s24, s6;
	s18 =	sadd.s32 s26, s6;
	s24 =	sadd.s32 s7, s3  }
0x1f: {  	v0 =	vimm.f32 $1.000000000e+00;
	v1 =	vimm.f32 $0.0e+00;
	s26 =	sadd.s32 s28, s2;
	s28 =	sadd.s32 s28, s3;
	s6 =	simm.s32 $0x0  }
.LBB2_1:
0x20: {  	s7 =	simm.s32 $0x0  }
.LBB2_2:
0x21: {  	p1 =	sne.s32 s7, $0x18C0  }
.Ltmp0:
0x22: {  	_ = 	snop;
	(pc) =	sbr.rel @p1 .LBB2_2-.Ltmp0, $3  }
0x23: {  	_ =	sdelay $0x1  }
0x24: {  	s8 =	sshra.s32 s7, $0x2  }
0x25: {  	s7 =	sadd.s32 $0x40, s7;
	[tilespmem:s8+$0x640] =	vst v0  }
0x26: {  	s7 =	simm.s32 $0x40;
	s8 =	simm.s32 $0x0  }
.LBB2_4:
0x27: {  	p1 =	sne.s32 s7, $0x1F00;
	[tilespmem:s8+$0xC80] =	vst v1;
	s8 =	smov.u32 s7;
	s7 =	sadd.s32 $0x40, s7  }
.Ltmp1:
0x28: {  	(pc) =	sbr.rel @p1 .LBB2_4-.Ltmp1, $2  }
0x29: {  	_ =	sdelay $0x2  }
0x2a: {  	s8 =	sshra.s32 s8, $0x2  }
0x2b: {  	[tilespmem:s8+$0xC80] =	vst v1;
	s7 =	rddreg [dreg:$0x6]  }
0x2c: {  	[spmem:s7] =	stream.linear.scatter [tilespmem:s30], [sflag:$0x1], $0x7D0, $0x38;
	[tilespmem:$0x40C8] =	vst v63  }
0x2d: {  	_ =	swait.ge [sflag:s31], $0x7D0  }
0x2e: {  	[sflag:s31] =	ssyncset.done $0x0  }
0x2f: {  	s7 =	simm.s32 @!p0 $0xC80;
	s8 =	rddreg [dreg:$0x7];
	[sflag:s31] =	ssyncadd.s32 $0xFFFFF830  }
0x30: {  	[spmem:s8] =	stream.linear.scatter @!p0 [tilespmem:s7], [sflag:$0x1], $0x7D0, $0x38;
	[tilespmem:$0x40C8] =	vst v63  }
0x31: {  	s8 =	simm.s32 @!p0 $0x1  }
0x32: {  	_ =	swait.ge @!p0 [sflag:s8], $0x7D0  }
0x33: {  	[sflag:s8] =	ssyncset.done @!p0 $0x0  }
0x34: {  	[sflag:s8] =	ssyncadd.s32 @!p0 $0xFFFFF830  }
0x35: {  	[spmem:s16] =	stream.linear.scatter @!p0 [tilespmem:s7], [sflag:$0x1], $0x7D0, $0x38;
	[tilespmem:$0x40C8] =	vst v63  }
0x36: {  	_ =	swait.ge @!p0 [sflag:s8], $0x7D0  }
0x37: {  	[sflag:s8] =	ssyncset.done @!p0 $0x0  }
0x38: {  	[sflag:s8] =	ssyncadd.s32 @!p0 $0xFFFFF830  }
0x39: {  	[spmem:s19] =	stream.linear.scatter @!p0 [tilespmem:s7], [sflag:$0x1], $0x7D0, $0x38;
	[tilespmem:$0x40C8] =	vst v63  }
0x3a: {  	_ =	swait.ge @!p0 [sflag:s8], $0x7D0  }
0x3b: {  	s7 =	smov.u32 s20;
	[sflag:s8] =	ssyncset.done @!p0 $0x0  }
0x3c: {  	s7 =	smov.u32 @p0 s16;
	[sflag:s8] =	ssyncadd.s32 @!p0 $0xFFFFF830  }
0x3d: {  	[spmem:s7] =	stream.linear.scatter [tilespmem:s30], [sflag:$0x1], $0x7D0, $0x38;
	[tilespmem:$0x40C8] =	vst v63  }
0x3e: {  	_ =	swait.ge [sflag:s31], $0x7D0  }
0x3f: {  	[sflag:s31] =	ssyncset.done $0x0  }
0x40: {  	[sflag:s31] =	ssyncadd.s32 $0xFFFFF830  }
0x41: {  	[spmem:s21] =	stream.linear.scatter [tilespmem:s30], [sflag:$0x1], $0x7D0, $0x38;
	[tilespmem:$0x40C8] =	vst v63  }
0x42: {  	_ =	swait.ge [sflag:s31], $0x7D0  }
0x43: {  	s13 =	sadd.s32 $0x0, s29;
	[sflag:s31] =	ssyncset.done $0x0  }
0x44: {  	p1 =	sgt.u32 s13, $0x1F3;
	[sflag:s31] =	ssyncadd.s32 $0xFFFFF830  }
0x45: {  	s9 =	simm.s32 @!p1 $0x2;
	s7 =	simm.s32 @!p1 $0x0;
	[bflag:$0x0] =	sbarrier.arrive $0xFFFF  }
0x46: {  	[tilespmem:s7], [sflag:$0x2] =	stream.linear.gather @!p1 [hbm4b:s15+s7], $0x640, $0x38;
	[tilespmem:$0x40C8] =	vst v63  }
0x47: {  	_ =	swait.ge @!p1 [sflag:s9], $0x640  }
0x48: {  	s10 =	simm.s32 @!p1 $0x1;
	[sflag:s9] =	ssyncset.done @!p1 $0x0  }
0x49: {  	p3 =	por p1, p1;
	[sflag:s9] =	ssyncadd.s32 @!p1 $0xFFFFF9C0;
	s9 =	simm.s32 @!p1 $0x640  }
0x4a: {  	[spmem:s1] =	stream.indirect.scatter.add.f32 @!p1 [tilespmem:s9], [sflag:$0x1], $0x1, s7, s9, $0xb8;
	[tilespmem:$0x40C8] =	vst v63  }
0x4b: {  	s8 =	simm.s32 $0x40;
	s7 =	sadd.s32 $0x20, s29;
	_ =	swait.ge @!p1 [sflag:s10], $0x640  }
0x4c: {  	s9 =	sadd.s32 $0x1900, s15;
	p2 =	sgt.u32 s7, $0x1F3;
	[sflag:s10] =	ssyncset.done @!p3 $0x0  }
.LBB2_6:
0x4d: {  	s11 =	simm.s32 @!p2 $0x0;
	s12 =	simm.s32 @!p2 $0x2  }
0x4e: {  	[sflag:s10] =	ssyncadd.s32 @!p3 $0xFFFFF9C0;
	s13 =	smov.u32 s8;
	s8 =	sadd.s32 $0x20, s8  }
0x4f: {  	[tilespmem:s11], [sflag:$0x2] =	stream.linear.gather @!p2 [hbm4b:s9+s11], $0x640, $0x38;
	[tilespmem:$0x40C8] =	vst v63  }
0x50: {  	p4 =	sne.s32 s8, $0x200;
	_ =	swait.ge @!p2 [sflag:s12], $0x640  }
.Ltmp2:
0x51: {  	[sflag:s12] =	ssyncset.done @!p2 $0x0;
	(pc) =	sbr.rel @p4 .LBB2_6-.Ltmp2, $4  }
0x52: {  	s10 =	simm.s32 @!p2 $0x1;
	[sflag:s12] =	ssyncadd.s32 @!p2 $0xFFFFF9C0;
	s12 =	simm.s32 @!p2 $0x640  }
0x53: {  	[spmem:s1] =	stream.indirect.scatter.add.f32 @!p2 [tilespmem:s12], [sflag:$0x1], $0x1, s11, s12, $0xb8;
	[tilespmem:$0x40C8] =	vst v63  }
0x54: {  	p3 =	por p2, p2;
	s11 =	sadd.s32 s13, s29;
	_ =	swait.ge @!p2 [sflag:s10], $0x640  }
0x55: {  	s9 =	sadd.s32 $0x1900, s9;
	p2 =	sgt.u32 s11, $0x1F3;
	[sflag:s10] =	ssyncset.done @!p3 $0x0  }
0x56: {  	s8 =	simm.s32 @!p2 $0x0;
	s11 =	simm.s32 @!p2 $0x2;
	[sflag:s10] =	ssyncadd.s32 @!p3 $0xFFFFF9C0  }
0x57: {  	[tilespmem:s8], [sflag:$0x2] =	stream.linear.gather @!p2 [hbm4b:s9+s8], $0x640, $0x38;
	[tilespmem:$0x40C8] =	vst v63  }
0x58: {  	_ =	swait.ge @!p2 [sflag:s11], $0x640  }
0x59: {  	[sflag:s11] =	ssyncset.done @!p2 $0x0  }
0x5a: {  	s10 =	simm.s32 @!p2 $0x1;
	s9 =	simm.s32 @!p2 $0x640;
	[sflag:s11] =	ssyncadd.s32 @!p2 $0xFFFFF9C0  }
0x5b: {  	[spmem:s1] =	stream.indirect.scatter.add.f32 @!p2 [tilespmem:s9], [sflag:$0x1], $0x1, s8, s9, $0xb8;
	[tilespmem:$0x40C8] =	vst v63  }
0x5c: {  	_ =	swait.ge @!p2 [sflag:s10], $0x640;
	p2 =	por p2, p2  }
0x5d: {  	[sflag:s10] =	ssyncset.done @!p2 $0x0  }
0x5e: {  	s8 =	simm.s32 @!p1 $0x0;
	s9 =	simm.s32 @!p1 $0x2;
	[sflag:s10] =	ssyncadd.s32 @!p2 $0xFFFFF9C0  }
0x5f: {  	[tilespmem:s8], [sflag:$0x2] =	stream.linear.gather @!p1 [hbm4b:s17+s8], $0x640, $0x38;
	[tilespmem:$0x40C8] =	vst v63  }
0x60: {  	_ =	swait.ge @!p1 [sflag:s9], $0x640  }
0x61: {  	[sflag:s9] =	ssyncset.done @!p1 $0x0  }
0x62: {  	s10 =	simm.s32 @!p1 $0x640;
	[sflag:s9] =	ssyncadd.s32 @!p1 $0xFFFFF9C0;
	s9 =	simm.s32 @!p1 $0x1  }
0x63: {  	[spmem:s2] =	stream.indirect.scatter.add.f32 @!p1 [tilespmem:s10], [sflag:$0x1], $0x1, s8, s10, $0xb8;
	[tilespmem:$0x40C8] =	vst v63  }
0x64: {  	p2 =	por p1, p1;
	s8 =	simm.s32 $0x40;
	_ =	swait.ge @!p1 [sflag:s9], $0x640  }
0x65: {  	p1 =	sgt.u32 s7, $0x1F3;
	s7 =	sadd.s32 $0x1900, s17;
	[sflag:s9] =	ssyncset.done @!p2 $0x0  }
.LBB2_8:
0x66: {  	s10 =	simm.s32 @!p1 $0x0;
	s11 =	simm.s32 @!p1 $0x2  }
0x67: {  	[sflag:s9] =	ssyncadd.s32 @!p2 $0xFFFFF9C0;
	s12 =	smov.u32 s8;
	s8 =	sadd.s32 $0x20, s8  }
0x68: {  	[tilespmem:s10], [sflag:$0x2] =	stream.linear.gather @!p1 [hbm4b:s7+s10], $0x640, $0x38;
	[tilespmem:$0x40C8] =	vst v63  }
0x69: {  	p3 =	sne.s32 s8, $0x200;
	_ =	swait.ge @!p1 [sflag:s11], $0x640  }
.Ltmp3:
0x6a: {  	[sflag:s11] =	ssyncset.done @!p1 $0x0;
	(pc) =	sbr.rel @p3 .LBB2_8-.Ltmp3, $4  }
0x6b: {  	s9 =	simm.s32 @!p1 $0x1;
	[sflag:s11] =	ssyncadd.s32 @!p1 $0xFFFFF9C0;
	s11 =	simm.s32 @!p1 $0x640  }
0x6c: {  	[spmem:s2] =	stream.indirect.scatter.add.f32 @!p1 [tilespmem:s11], [sflag:$0x1], $0x1, s10, s11, $0xb8;
	[tilespmem:$0x40C8] =	vst v63  }
0x6d: {  	p2 =	por p1, p1;
	s10 =	sadd.s32 s12, s29;
	_ =	swait.ge @!p1 [sflag:s9], $0x640  }
0x6e: {  	s7 =	sadd.s32 $0x1900, s7;
	p1 =	sgt.u32 s10, $0x1F3;
	[sflag:s9] =	ssyncset.done @!p2 $0x0  }
0x6f: {  	s8 =	simm.s32 @!p1 $0x0;
	s10 =	simm.s32 @!p1 $0x2;
	[sflag:s9] =	ssyncadd.s32 @!p2 $0xFFFFF9C0  }
0x70: {  	[tilespmem:s8], [sflag:$0x2] =	stream.linear.gather @!p1 [hbm4b:s7+s8], $0x640, $0x38;
	[tilespmem:$0x40C8] =	vst v63  }
0x71: {  	_ =	swait.ge @!p1 [sflag:s10], $0x640  }
0x72: {  	[sflag:s10] =	ssyncset.done @!p1 $0x0  }
0x73: {  	s9 =	simm.s32 @!p1 $0x1;
	s7 =	simm.s32 @!p1 $0x640;
	[sflag:s10] =	ssyncadd.s32 @!p1 $0xFFFFF9C0  }
0x74: {  	[spmem:s2] =	stream.indirect.scatter.add.f32 @!p1 [tilespmem:s7], [sflag:$0x1], $0x1, s8, s7, $0xb8;
	[tilespmem:$0x40C8] =	vst v63  }
0x75: {  	s12 =	sadd.s32 $0x0, s29;
	_ =	swait.ge @!p1 [sflag:s9], $0x640;
	p1 =	por p1, p1  }
0x76: {  	p2 =	sgt.u32 s12, $0x1F3;
	[sflag:s9] =	ssyncset.done @!p1 $0x0  }
0x77: {  	s8 =	simm.s32 @!p2 $0x0;
	[sflag:s9] =	ssyncadd.s32 @!p1 $0xFFFFF9C0;
	s9 =	simm.s32 @!p2 $0x2  }
0x78: {  	[tilespmem:s8], [sflag:$0x2] =	stream.linear.gather @!p2 [hbm4b:s18+s8], $0x640, $0x38;
	[tilespmem:$0x40C8] =	vst v63  }
0x79: {  	_ =	swait.ge @!p2 [sflag:s9], $0x640  }
0x7a: {  	s13 =	sadd.s32 $0x20, s29;
	[sflag:s9] =	ssyncset.done @!p2 $0x0  }
0x7b: {  	s10 =	simm.s32 @!p2 $0x640;
	[sflag:s9] =	ssyncadd.s32 @!p2 $0xFFFFF9C0;
	s9 =	simm.s32 @!p2 $0x1  }
0x7c: {  	[spmem:s3] =	stream.indirect.scatter.add.f32 @!p2 [tilespmem:s10], [sflag:$0x1], $0x1, s8, s10, $0xb8;
	[tilespmem:$0x40C8] =	vst v63  }
0x7d: {  	s7 =	simm.s32 $0x40;
	_ =	swait.ge @!p2 [sflag:s9], $0x640;
	p2 =	por p2, p2  }
0x7e: {  	p1 =	sgt.u32 s13, $0x1F3;
	s8 =	sadd.s32 $0x1900, s18;
	[sflag:s9] =	ssyncset.done @!p2 $0x0  }
.LBB2_10:
0x7f: {  	s10 =	simm.s32 @!p1 $0x0;
	s11 =	simm.s32 @!p1 $0x2  }
0x80: {  	[sflag:s9] =	ssyncadd.s32 @!p2 $0xFFFFF9C0;
	s12 =	smov.u32 s7;
	s7 =	sadd.s32 $0x20, s7  }
0x81: {  	[tilespmem:s10], [sflag:$0x2] =	stream.linear.gather @!p1 [hbm4b:s8+s10], $0x640, $0x38;
	[tilespmem:$0x40C8] =	vst v63  }
0x82: {  	p3 =	sne.s32 s7, $0x200;
	_ =	swait.ge @!p1 [sflag:s11], $0x640  }
.Ltmp4:
0x83: {  	[sflag:s11] =	ssyncset.done @!p1 $0x0;
	(pc) =	sbr.rel @p3 .LBB2_10-.Ltmp4, $4  }
0x84: {  	s9 =	simm.s32 @!p1 $0x1;
	[sflag:s11] =	ssyncadd.s32 @!p1 $0xFFFFF9C0;
	s11 =	simm.s32 @!p1 $0x640  }
0x85: {  	[spmem:s3] =	stream.indirect.scatter.add.f32 @!p1 [tilespmem:s11], [sflag:$0x1], $0x1, s10, s11, $0xb8;
	[tilespmem:$0x40C8] =	vst v63  }
0x86: {  	p2 =	por p1, p1;
	s10 =	sadd.s32 s12, s29;
	_ =	swait.ge @!p1 [sflag:s9], $0x640  }
0x87: {  	s8 =	sadd.s32 $0x1900, s8;
	p1 =	sgt.u32 s10, $0x1F3;
	[sflag:s9] =	ssyncset.done @!p2 $0x0  }
0x88: {  	s7 =	simm.s32 @!p1 $0x0;
	s10 =	simm.s32 @!p1 $0x2;
	[sflag:s9] =	ssyncadd.s32 @!p2 $0xFFFFF9C0  }
0x89: {  	[tilespmem:s7], [sflag:$0x2] =	stream.linear.gather @!p1 [hbm4b:s8+s7], $0x640, $0x38;
	[tilespmem:$0x40C8] =	vst v63  }
0x8a: {  	_ =	swait.ge @!p1 [sflag:s10], $0x640  }
0x8b: {  	[sflag:s10] =	ssyncset.done @!p1 $0x0  }
0x8c: {  	s9 =	simm.s32 @!p1 $0x1;
	s8 =	simm.s32 @!p1 $0x640;
	[sflag:s10] =	ssyncadd.s32 @!p1 $0xFFFFF9C0  }
0x8d: {  	[spmem:s3] =	stream.indirect.scatter.add.f32 @!p1 [tilespmem:s8], [sflag:$0x1], $0x1, s7, s8, $0xb8;
	[tilespmem:$0x40C8] =	vst v63  }
0x8e: {  	_ =	swait.ge @!p1 [sflag:s9], $0x640;
	p1 =	por p1, p1  }
0x8f: {  	[sflag:s9] =	ssyncset.done @!p1 $0x0  }
0x90: {  	[sflag:s9] =	ssyncadd.s32 @!p1 $0xFFFFF9C0  }
0x91: {  	[bflag:$0x0] =	sbarrier.arrive $0xFFFF  }
0x92: {  	[tilespmem:s0], [sflag:$0x2] =	stream.linear.gather [spmem:s22], $0x7D0, $0x38;
	[tilespmem:$0x40C8] =	vst v63  }
0x93: {  	_ =	swait.ge [sflag:s5], $0x7D0  }
0x94: {  	[sflag:s5] =	ssyncset.done $0x0  }
0x95: {  	s11 =	rddreg [dreg:$0x8];
	[sflag:s5] =	ssyncadd.s32 $0xFFFFF830  }
0x96: {  	[hbm4b:s11+s4] =	stream.linear.scatter [tilespmem:s0], [sflag:$0x1], $0x7D0, $0x38;
	[tilespmem:$0x40C8] =	vst v63  }
0x97: {  	_ =	swait.ge [sflag:s31], $0x7D0  }
0x98: {  	[sflag:s31] =	ssyncset.done $0x0  }
0x99: {  	s7 =	simm.s32 @!p0 $0x1450;
	s8 =	simm.s32 @!p0 $0x2;
	[sflag:s31] =	ssyncadd.s32 $0xFFFFF830  }
0x9a: {  	[tilespmem:s7], [sflag:$0x2] =	stream.linear.gather @!p0 [spmem:s25], $0x7D0, $0x38;
	[tilespmem:$0x40C8] =	vst v63  }
0x9b: {  	_ =	swait.ge @!p0 [sflag:s8], $0x7D0  }
0x9c: {  	[sflag:s8] =	ssyncset.done @!p0 $0x0  }
0x9d: {  	s9 =	simm.s32 @!p0 $0x0;
	s10 =	rddreg [dreg:$0x9];
	[sflag:s8] =	ssyncadd.s32 @!p0 $0xFFFFF830  }
0x9e: {  	[hbm4b:s10+s9] =	stream.linear.scatter @!p0 [tilespmem:s7], [sflag:$0x1], $0x7D0, $0x38;
	[tilespmem:$0x40C8] =	vst v63  }
0x9f: {  	s10 =	simm.s32 @!p0 $0x1  }
0xa0: {  	_ =	swait.ge @!p0 [sflag:s10], $0x7D0  }
0xa1: {  	[sflag:s10] =	ssyncset.done @!p0 $0x0  }
0xa2: {  	[sflag:s10] =	ssyncadd.s32 @!p0 $0xFFFFF830  }
0xa3: {  	[tilespmem:s0], [sflag:$0x2] =	stream.linear.gather [spmem:s23], $0x7D0, $0x38;
	[tilespmem:$0x40C8] =	vst v63  }
0xa4: {  	_ =	swait.ge [sflag:s5], $0x7D0  }
0xa5: {  	[sflag:s5] =	ssyncset.done $0x0  }
0xa6: {  	s11 =	rddreg [dreg:$0xa];
	[sflag:s5] =	ssyncadd.s32 $0xFFFFF830  }
0xa7: {  	[hbm4b:s11+s4] =	stream.linear.scatter [tilespmem:s0], [sflag:$0x1], $0x7D0, $0x38;
	[tilespmem:$0x40C8] =	vst v63  }
0xa8: {  	_ =	swait.ge [sflag:s31], $0x7D0  }
0xa9: {  	[sflag:s31] =	ssyncset.done $0x0  }
0xaa: {  	[sflag:s31] =	ssyncadd.s32 $0xFFFFF830  }
0xab: {  	[tilespmem:s7], [sflag:$0x2] =	stream.linear.gather @!p0 [spmem:s26], $0x7D0, $0x38;
	[tilespmem:$0x40C8] =	vst v63  }
0xac: {  	_ =	swait.ge @!p0 [sflag:s8], $0x7D0  }
0xad: {  	[sflag:s8] =	ssyncset.done @!p0 $0x0  }
0xae: {  	s11 =	rddreg [dreg:$0xb];
	[sflag:s8] =	ssyncadd.s32 @!p0 $0xFFFFF830  }
0xaf: {  	[hbm4b:s11+s9] =	stream.linear.scatter @!p0 [tilespmem:s7], [sflag:$0x1], $0x7D0, $0x38;
	[tilespmem:$0x40C8] =	vst v63  }
0xb0: {  	_ =	swait.ge @!p0 [sflag:s10], $0x7D0  }
0xb1: {  	[sflag:s10] =	ssyncset.done @!p0 $0x0  }
0xb2: {  	[sflag:s10] =	ssyncadd.s32 @!p0 $0xFFFFF830  }
0xb3: {  	[tilespmem:s0], [sflag:$0x2] =	stream.linear.gather [spmem:s24], $0x7D0, $0x38;
	[tilespmem:$0x40C8] =	vst v63  }
0xb4: {  	_ =	swait.ge [sflag:s5], $0x7D0  }
0xb5: {  	[sflag:s5] =	ssyncset.done $0x0  }
0xb6: {  	s12 =	rddreg [dreg:$0xc];
	[sflag:s5] =	ssyncadd.s32 $0xFFFFF830  }
0xb7: {  	[hbm4b:s12+s4] =	stream.linear.scatter [tilespmem:s0], [sflag:$0x1], $0x7D0, $0x38;
	[tilespmem:$0x40C8] =	vst v63  }
0xb8: {  	_ =	swait.ge [sflag:s31], $0x7D0  }
0xb9: {  	[sflag:s31] =	ssyncset.done $0x0  }
0xba: {  	[sflag:s31] =	ssyncadd.s32 $0xFFFFF830  }
0xbb: {  	[tilespmem:s7], [sflag:$0x2] =	stream.linear.gather @!p0 [spmem:s28], $0x7D0, $0x38;
	[tilespmem:$0x40C8] =	vst v63  }
0xbc: {  	_ =	swait.ge @!p0 [sflag:s8], $0x7D0  }
0xbd: {  	[sflag:s8] =	ssyncset.done @!p0 $0x0  }
0xbe: {  	[sflag:s8] =	ssyncadd.s32 @!p0 $0xFFFFF830  }
0xbf: {  	[hbm4b:s14+s9] =	stream.linear.scatter @!p0 [tilespmem:s7], [sflag:$0x1], $0x7D0, $0x38;
	[tilespmem:$0x40C8] =	vst v63  }
0xc0: {  	_ =	swait.ge @!p0 [sflag:s10], $0x7D0  }
0xc1: {  	s6 =	sadd.s32 $0x1, s6;
	s13 =	rddreg [dreg:$0x5]  }
0xc2: {  	p1 =	sne.s32 s6, s13  }
.Ltmp5:
0xc3: {  	_ = 	snop;
	(pc) =	sbr.rel @p1 .LBB2_1-.Ltmp5, $3  }
0xc4: {  	_ =	sdelay $0x1  }
0xc5: {  	[sflag:s10] =	ssyncset.done @!p0 $0x0  }
0xc6: {  	[sflag:s10] =	ssyncadd.s32 @!p0 $0xFFFFF830  }
0xc7: {  	_ =	sfence.sel $0x180000  }
0xc8: {  	[bflag:$0x0] =	sbarrier.arrive $0xFFFF  }
0xc9: {  	_ =	strace $0x90000047  }
0xca: {  	s0 =	stileid.u32;
	[bflag:$0x2] =	sbarrier.arrive $0xFFFF  }
0xcb: {  	p0 =	sne.s32 s0, $0x0;
	s0 =	rddreg [dreg:$0x4]  }
0xcc: {  	s0 =	sadd.s32 @!p0 $0x100000, s0  }
0xcd: {  	[sflag:s0] =	ssyncadd.tile.s32 @!p0 $0x1;
	_ =	shalt  }
.Lfunc_end2:
_tile_overlayer_lowered:
.L_overlay_start_2:
0xce: {  	(tag) =	ssettag $0x2  }
0xcf: {  	s0 =	rddreg [dreg:$0x0];
	s2 =	stileid.u32  }
0xd0: {  	s1 =	rddreg [dreg:$0x1];
	p0 =	sne.s32 s2, $0x0  }
0xd1: {  	s3 =	rddreg [dreg:$0x2];
	[bflag:$0x3] =	sbarrier.arrive $0xFFFF;
	s2 =	simm.s32 @!p0 $0x1C01  }
0xd2: {  	[timem:s3], [sflag:s2] =	dma.local @!p0 [hbm:s0], s1  }
0xd3: {  	s0 =	simm.s32 @!p0 $0x1  }
0xd4: {  	_ =	swait.ge @!p0 [sflag:s0], s1  }
0xd5: {  	s1 =	ssub.s32 @!p0 $0x0, s1;
	[sflag:s0] =	ssyncset.done @!p0 $0x0  }
0xd6: {  	[sflag:s0] =	ssyncadd.s32 @!p0 s1  }
0xd7: {  	[bflag:$0x3] =	sbarrier.arrive $0xFFFF  }
0xd8: {  	_ =	shalt  }

</sc_bundles>
